<compile_context>
chip_gen: v7x
topology: tpu7x:2x2x1
jax: 0.10.2.dev20260603
libtpu: 0.0.44.dev20260713+nightly
codegen_flags: <defaults>
</compile_context>

<pallas_src>
import functools

import jax
import jax.numpy as jnp
from jax import lax
from jax.experimental import pallas as pl
from jax.experimental.pallas import tpu as pltpu
from jax.experimental.pallas import tpu_sc as plsc

N = 10000
E = 320000
D = 128
K = 2048

NC = 2
NS = 16
NW = NC * NS
EW = E // NW
SC_B = 80
SC_BG = 200


def _row_split_copy(s, mk_src, mk_dst):

    @pl.when(s < 2)
    def _():
        off = pl.multiple_of(s * 632, 8)
        pltpu.sync_copy(mk_src(off, 632), mk_dst(off, 632))

    @pl.when(s >= 2)
    def _():
        off = pl.multiple_of(1264 + (s - 2) * 624, 8)
        pltpu.sync_copy(mk_src(off, 624), mk_dst(off, 624))

_sc_mesh = functools.partial(
    plsc.VectorSubcoreMesh, core_axis_name="c", subcore_axis_name="s")


def _edge_mlp_body(ea, wr1, br1, wr2, br2, out):
    h = jnp.maximum(ea[...] @ wr1[...] + br1[...], 0.0)
    out[...] = h @ wr2[...] + br2[...]


def _edge_mlp(ea, Wr1, br1, Wr2, br2):
    blk = 4000
    grid = E // blk
    return pl.pallas_call(
        _edge_mlp_body,
        grid=(grid,),
        in_specs=[
            pl.BlockSpec((blk, D), lambda i: (i, 0)),
            pl.BlockSpec((D, D), lambda i: (0, 0)),
            pl.BlockSpec((1, D), lambda i: (0, 0)),
            pl.BlockSpec((D, D), lambda i: (0, 0)),
            pl.BlockSpec((1, D), lambda i: (0, 0)),
        ],
        out_specs=pl.BlockSpec((blk, D), lambda i: (i, 0)),
        out_shape=jax.ShapeDtypeStruct((E, D), jnp.float32),
    )(ea, Wr1, br1.reshape(1, D), Wr2, br2.reshape(1, D))


def _shr_body(ea_h, ear_h, hid_h, tid_h, z128_h, z1_h,
              s_out, deg_out,
              hidx0, tidx0, re0, rr0, hidx1, tidx1, re1, rr1, ones_v,
              s_acc, deg_acc, ls0, ls1):
    c = lax.axis_index("c")
    s = lax.axis_index("s")
    wid = s * NC + c
    _row_split_copy(s, lambda o, n: z128_h.at[pl.ds(o, n)],
                    lambda o, n: s_acc.at[pl.ds(o, n)])

    @pl.when(s == 0)
    def _():
        pltpu.sync_copy(z1_h, deg_acc)

    for j in range(SC_B // 16):
        ones_v[pl.ds(j * 16, 16)] = jnp.ones((16,), jnp.float32)
    plsc.subcore_barrier()

    base0 = wid * EW
    NB = EW // SC_B
    bufs = ((hidx0, tidx0, re0, rr0, ls0), (hidx1, tidx1, re1, rr1, ls1))

    def start_loads(j, p):
        hx, tx, re, rr, sem = bufs[p]
        base = base0 + j * SC_B
        pltpu.async_copy(hid_h.at[pl.ds(base, SC_B)], hx, sem)
        pltpu.async_copy(tid_h.at[pl.ds(base, SC_B)], tx, sem)
        pltpu.async_copy(ea_h.at[pl.ds(base, SC_B)], re, sem)
        pltpu.async_copy(ear_h.at[pl.ds(base, SC_B)], rr, sem)

    def wait_loads(p):
        hx, tx, re, rr, sem = bufs[p]
        pltpu.make_async_copy(hid_h.at[pl.ds(0, SC_B)], hx, sem).wait()
        pltpu.make_async_copy(tid_h.at[pl.ds(0, SC_B)], tx, sem).wait()
        pltpu.make_async_copy(ea_h.at[pl.ds(0, SC_B)], re, sem).wait()
        pltpu.make_async_copy(ear_h.at[pl.ds(0, SC_B)], rr, sem).wait()

    def scatters(p):
        hx, tx, re, rr, sem = bufs[p]
        pltpu.sync_copy(re, s_acc.at[tx], add=True)
        pltpu.sync_copy(ones_v, deg_acc.at[tx], add=True)
        pltpu.sync_copy(rr, s_acc.at[hx], add=True)
        pltpu.sync_copy(ones_v, deg_acc.at[hx], add=True)

    start_loads(0, 0)
    start_loads(1, 1)

    def pair(j, carry):
        i0 = 2 * j
        wait_loads(0)
        scatters(0)
        start_loads(i0 + 2, 0)
        wait_loads(1)
        scatters(1)

        @pl.when(i0 + 3 < NB)
        def _():
            start_loads(i0 + 3, 1)

        return carry

    lax.fori_loop(0, (NB - 1) // 2, pair, 0)
    wait_loads(0)
    scatters(0)
    plsc.subcore_barrier()
    _row_split_copy(s, lambda o, n: s_acc.at[pl.ds(o, n)],
                    lambda o, n: s_out.at[c, pl.ds(o, n)])

    @pl.when(s == 0)
    def _():
        pltpu.sync_copy(deg_acc, deg_out.at[c])


def _shr_scatter(ea, ear, h_id, t_id, z128, z1):
    f = pl.kernel(
        _shr_body,
        out_type=[jax.ShapeDtypeStruct((NC, N, D), jnp.float32),
                  jax.ShapeDtypeStruct((NC, N), jnp.float32)],
        mesh=_sc_mesh(),
        cost_estimate=pl.CostEstimate(flops=1_000_000, bytes_accessed=660_000_000, transcendentals=0),
        scratch_types=[
            pltpu.VMEM((SC_B,), jnp.int32),
            pltpu.VMEM((SC_B,), jnp.int32),
            pltpu.VMEM((SC_B, D), jnp.float32),
            pltpu.VMEM((SC_B, D), jnp.float32),
            pltpu.VMEM((SC_B,), jnp.int32),
            pltpu.VMEM((SC_B,), jnp.int32),
            pltpu.VMEM((SC_B, D), jnp.float32),
            pltpu.VMEM((SC_B, D), jnp.float32),
            pltpu.VMEM((SC_B,), jnp.float32),
            pltpu.VMEM_SHARED((N, D), jnp.float32),
            pltpu.VMEM_SHARED((N,), jnp.float32),
            pltpu.SemaphoreType.DMA,
            pltpu.SemaphoreType.DMA,
        ],
    )
    return f(ea, ear, h_id, t_id, z128, z1)


def _agg_body(x_h, hid_h, tid_h, out,
              hidx0, tidx0, ra0, rb0, hidx1, tidx1, ra1, rb1,
              acc, ls0, ls1, gs0, gs1):
    c = lax.axis_index("c")
    s = lax.axis_index("s")
    wid = s * NC + c
    def zrow(r, carry):
        for j in range(D // 16):
            ra0[r, pl.ds(j * 16, 16)] = jnp.zeros((16,), jnp.float32)
        return carry

    lax.fori_loop(0, SC_B, zrow, 0)

    @pl.when(s < 2)
    def _():
        off = pl.multiple_of(s * 632, 8)
        for k in range(7):
            pltpu.sync_copy(ra0, acc.at[pl.ds(off + k * SC_B, SC_B)])
        pltpu.sync_copy(ra0.at[pl.ds(0, 72)],
                        acc.at[pl.ds(off + 7 * SC_B, 72)])

    @pl.when(s >= 2)
    def _():
        off = pl.multiple_of(1264 + (s - 2) * 624, 8)
        for k in range(7):
            pltpu.sync_copy(ra0, acc.at[pl.ds(off + k * SC_B, SC_B)])
        pltpu.sync_copy(ra0.at[pl.ds(0, 64)],
                        acc.at[pl.ds(off + 7 * SC_B, 64)])

    plsc.subcore_barrier()

    base0 = wid * EW
    NB = EW // SC_B
    bufs = ((hidx0, tidx0, ra0, rb0, ls0, gs0),
            (hidx1, tidx1, ra1, rb1, ls1, gs1))

    def start_idx(j, p):
        hx, tx, ra, rb, ls, gs = bufs[p]
        base = base0 + j * SC_B
        pltpu.async_copy(hid_h.at[pl.ds(base, SC_B)], hx, ls)
        pltpu.async_copy(tid_h.at[pl.ds(base, SC_B)], tx, ls)

    def wait_idx(p):
        hx, tx, ra, rb, ls, gs = bufs[p]
        pltpu.make_async_copy(hid_h.at[pl.ds(0, SC_B)], hx, ls).wait()
        pltpu.make_async_copy(tid_h.at[pl.ds(0, SC_B)], tx, ls).wait()

    def start_gathers(p):
        hx, tx, ra, rb, ls, gs = bufs[p]
        pltpu.async_copy(x_h.at[hx], ra, gs)
        pltpu.async_copy(x_h.at[tx], rb, gs)

    def finish(p):
        hx, tx, ra, rb, ls, gs = bufs[p]
        pltpu.make_async_copy(x_h.at[hx], ra, gs).wait()
        pltpu.make_async_copy(x_h.at[tx], rb, gs).wait()
        pltpu.sync_copy(ra, acc.at[tx], add=True)
        pltpu.sync_copy(rb, acc.at[hx], add=True)

    start_idx(0, 0)
    wait_idx(0)
    start_gathers(0)
    start_idx(1, 1)

    def pair(j, carry):
        i0 = 2 * j
        wait_idx(1)
        start_gathers(1)
        finish(0)
        start_idx(i0 + 2, 0)
        wait_idx(0)
        start_gathers(0)
        finish(1)

        @pl.when(i0 + 3 < NB)
        def _():
            start_idx(i0 + 3, 1)

        return carry

    lax.fori_loop(0, (NB - 1) // 2, pair, 0)
    finish(0)
    plsc.subcore_barrier()
    _row_split_copy(s, lambda o, n: acc.at[pl.ds(o, n)],
                    lambda o, n: out.at[c, pl.ds(o, n)])


def _agg_scatter(x, h_id, t_id):
    f = pl.kernel(
        _agg_body,
        out_type=jax.ShapeDtypeStruct((NC, N, D), jnp.float32),
        mesh=_sc_mesh(),
        cost_estimate=pl.CostEstimate(flops=1_000_000, bytes_accessed=660_000_000, transcendentals=0),
        scratch_types=[
            pltpu.VMEM((SC_B,), jnp.int32),
            pltpu.VMEM((SC_B,), jnp.int32),
            pltpu.VMEM((SC_B, D), jnp.float32),
            pltpu.VMEM((SC_B, D), jnp.float32),
            pltpu.VMEM((SC_B,), jnp.int32),
            pltpu.VMEM((SC_B,), jnp.int32),
            pltpu.VMEM((SC_B, D), jnp.float32),
            pltpu.VMEM((SC_B, D), jnp.float32),
            pltpu.VMEM_SHARED((N, D), jnp.float32),
            pltpu.SemaphoreType.DMA,
            pltpu.SemaphoreType.DMA,
            pltpu.SemaphoreType.DMA,
            pltpu.SemaphoreType.DMA,
        ],
    )
    return f(x, h_id, t_id)


def _gath_body(a_h, b_h, hid_h, tid_h, g1_out, g2_out,
               hidx0, tidx0, ra0, rb0, hidx1, tidx1, ra1, rb1,
               ls0, ls1, gs0, gs1, ws0, ws1):
    c = lax.axis_index("c")
    s = lax.axis_index("s")
    wid = s * NC + c
    base0 = wid * EW
    NB = EW // SC_BG
    bufs = ((hidx0, tidx0, ra0, rb0, ls0, gs0, ws0),
            (hidx1, tidx1, ra1, rb1, ls1, gs1, ws1))

    def start_idx(j, p):
        hx, tx, ra, rb, ls, gs, ws = bufs[p]
        base = base0 + j * SC_BG
        pltpu.async_copy(hid_h.at[pl.ds(base, SC_BG)], hx, ls)
        pltpu.async_copy(tid_h.at[pl.ds(base, SC_BG)], tx, ls)

    def wait_idx(p):
        hx, tx, ra, rb, ls, gs, ws = bufs[p]
        pltpu.make_async_copy(hid_h.at[pl.ds(0, SC_BG)], hx, ls).wait()
        pltpu.make_async_copy(tid_h.at[pl.ds(0, SC_BG)], tx, ls).wait()

    def start_gathers(p):
        hx, tx, ra, rb, ls, gs, ws = bufs[p]
        pltpu.async_copy(a_h.at[hx], ra, gs)
        pltpu.async_copy(b_h.at[tx], rb, gs)

    def wait_writes(p):
        hx, tx, ra, rb, ls, gs, ws = bufs[p]
        pltpu.make_async_copy(ra, g1_out.at[pl.ds(0, SC_BG)], ws).wait()
        pltpu.make_async_copy(rb, g2_out.at[pl.ds(0, SC_BG)], ws).wait()

    def finish(i, p):
        hx, tx, ra, rb, ls, gs, ws = bufs[p]
        base = base0 + i * SC_BG
        pltpu.make_async_copy(a_h.at[hx], ra, gs).wait()
        pltpu.make_async_copy(b_h.at[tx], rb, gs).wait()
        pltpu.async_copy(ra, g1_out.at[pl.ds(base, SC_BG)], ws)
        pltpu.async_copy(rb, g2_out.at[pl.ds(base, SC_BG)], ws)

    start_idx(0, 0)
    wait_idx(0)
    start_gathers(0)
    start_idx(1, 1)

    def pair(j, carry):
        i0 = 2 * j
        wait_idx(1)

        @pl.when(j >= 1)
        def _():
            wait_writes(1)

        start_gathers(1)
        finish(i0, 0)

        @pl.when(i0 + 2 < NB)
        def _():
            start_idx(i0 + 2, 0)
            wait_idx(0)
            wait_writes(0)
            start_gathers(0)

        finish(i0 + 1, 1)

        @pl.when(i0 + 3 < NB)
        def _():
            start_idx(i0 + 3, 1)

        return carry

    lax.fori_loop(0, NB // 2, pair, 0)
    if NB % 2 == 1:
        finish(NB - 1, 0)
        wait_writes(1)
        wait_writes(0)
    else:
        wait_writes(0)
        wait_writes(1)


def _edge_gathers(A, Bm, h_id, t_id):
    f = pl.kernel(
        _gath_body,
        out_type=[jax.ShapeDtypeStruct((E, D), jnp.float32),
                  jax.ShapeDtypeStruct((E, D), jnp.float32)],
        mesh=_sc_mesh(),
        cost_estimate=pl.CostEstimate(flops=1_000_000, bytes_accessed=660_000_000, transcendentals=0),
        scratch_types=[
            pltpu.VMEM((SC_BG,), jnp.int32),
            pltpu.VMEM((SC_BG,), jnp.int32),
            pltpu.VMEM((SC_BG, D), jnp.float32),
            pltpu.VMEM((SC_BG, D), jnp.float32),
            pltpu.VMEM((SC_BG,), jnp.int32),
            pltpu.VMEM((SC_BG,), jnp.int32),
            pltpu.VMEM((SC_BG, D), jnp.float32),
            pltpu.VMEM((SC_BG, D), jnp.float32),
            pltpu.SemaphoreType.DMA,
            pltpu.SemaphoreType.DMA,
            pltpu.SemaphoreType.DMA,
            pltpu.SemaphoreType.DMA,
            pltpu.SemaphoreType.DMA,
            pltpu.SemaphoreType.DMA,
        ],
    )
    return f(A, Bm, h_id, t_id)


def _layer_body(x, s0, s1, a0, a1, d0, d1, ws, bs, wn, bn, out):
    deg = jnp.maximum(d0[...] + d1[...], 1.0)
    agg = (a0[...] + a1[...] + s0[...] + s1[...]) / deg
    out[...] = jnp.maximum(
        x[...] @ ws[...] + bs[...] + agg @ wn[...] + bn[...], 0.0)


def _layer(x, S0, S1, A0, A1, d0, d1, Ws, bs, Wn, bn):
    blk = 2000
    grid = N // blk
    row = lambda i: (i, 0)
    full = lambda i: (0, 0)
    return pl.pallas_call(
        _layer_body,
        grid=(grid,),
        in_specs=[pl.BlockSpec((blk, D), row)] * 5
        + [pl.BlockSpec((blk, 1), row)] * 2
        + [pl.BlockSpec((D, D), full), pl.BlockSpec((1, D), full)] * 2,
        out_specs=pl.BlockSpec((blk, D), row),
        out_shape=jax.ShapeDtypeStruct((N, D), jnp.float32),
    )(x, S0, S1, A0, A1, d0, d1, Ws, bs.reshape(1, D), Wn, bn.reshape(1, D))


def _layer2_body(x, s0, s1, a0, a1, d0, d1, ws, bs, wn, bn,
                 wa1, wa2, wb1, wb2, a_out, b_out):
    deg = jnp.maximum(d0[...] + d1[...], 1.0)
    agg = (a0[...] + a1[...] + s0[...] + s1[...]) / deg
    x2 = jnp.maximum(
        x[...] @ ws[...] + bs[...] + agg @ wn[...] + bn[...], 0.0)
    a_out[...] = x[...] @ wa1[...] + x2 @ wa2[...]
    b_out[...] = x[...] @ wb1[...] + x2 @ wb2[...]


def _layer2(x, S0, S1, A0, A1, d0, d1, Ws, bs, Wn, bn, Wa1, Wa2, Wb1, Wb2):
    blk = 2000
    grid = N // blk
    row = lambda i: (i, 0)
    full = lambda i: (0, 0)
    return pl.pallas_call(
        _layer2_body,
        grid=(grid,),
        in_specs=[pl.BlockSpec((blk, D), row)] * 5
        + [pl.BlockSpec((blk, 1), row)] * 2
        + [pl.BlockSpec((D, D), full), pl.BlockSpec((1, D), full)] * 2
        + [pl.BlockSpec((D, D), full)] * 4,
        out_specs=[pl.BlockSpec((blk, D), row)] * 2,
        out_shape=[jax.ShapeDtypeStruct((N, D), jnp.float32),
                   jax.ShapeDtypeStruct((N, D), jnp.float32)],
    )(x, S0, S1, A0, A1, d0, d1, Ws, bs.reshape(1, D), Wn, bn.reshape(1, D),
      Wa1, Wa2, Wb1, Wb2)


SBLK = 4000
_GR = E // SBLK


def _score_body(ea, g1, g2, q, wq, bp1, we, w2t, bp2, out):
    qc = q[...] @ wq[...] + bp1[...]
    hidden = jnp.maximum(qc + g1[...] + g2[...] + ea[...] @ we[...], 0.0)
    row = lax.dot_general(w2t[...], hidden, (((1,), (1,)), ((), ())),
                          preferred_element_type=jnp.float32)
    out[...] = (row + bp2[...])[None]


def _score(ea, G1, G2, q, Wq, bp1, We, Wp2, bp2):
    row = lambda i: (i, 0)
    full = lambda i: (0, 0)
    return pl.pallas_call(
        _score_body,
        grid=(_GR,),
        in_specs=[pl.BlockSpec((SBLK, D), row)] * 3
        + [pl.BlockSpec((1, D), full), pl.BlockSpec((D, D), full),
           pl.BlockSpec((1, D), full), pl.BlockSpec((D, D), full),
           pl.BlockSpec((1, D), full), pl.BlockSpec((1, 1), full)],
        out_specs=pl.BlockSpec((1, 1, SBLK), lambda i: (i, 0, 0)),
        out_shape=jax.ShapeDtypeStruct((_GR, 1, SBLK), jnp.float32),
    )(ea, G1, G2, q, Wq, bp1.reshape(1, D), We, Wp2.reshape(1, D),
      bp2.reshape(1, 1))




def _avg_floor(a, b):
    return (a >> 1) + (b >> 1) + (a & b & 1)


def _topk_body(l_ref, g_ref, out):
    y = l_ref[...] + g_ref[...]
    bits = lax.bitcast_convert_type(y, jnp.int32)
    imin = jnp.int32(-2147483648)
    key = jnp.where(bits >= 0, bits, imin - bits)

    kk = jnp.int32(K)

    def bs1(i, c):
        lo, hi = c
        mid = _avg_floor(lo, hi) + ((lo ^ hi) & 1)
        cnt = jnp.sum((key >= mid).astype(jnp.int32))
        ok = cnt >= kk
        return (jnp.where(ok, mid, lo), jnp.where(ok, hi, mid - 1))

    lo, hi = lax.fori_loop(0, 33, bs1, (jnp.min(key), jnp.max(key)))
    t = lo

    cnt_gt = jnp.sum((key > t).astype(jnp.int32))
    need = kk - cnt_gt
    tie = key == t
    r = lax.broadcasted_iota(jnp.int32, (_GR, SBLK), 0)
    col = lax.broadcasted_iota(jnp.int32, (_GR, SBLK), 1)
    pos = r * SBLK + col

    def bs2(i, c):
        lo2, hi2 = c
        mid = (lo2 + hi2) >> 1
        cnt = jnp.sum((tie & (pos < mid)).astype(jnp.int32))
        ok = cnt >= need
        return (jnp.where(ok, lo2, mid + 1), jnp.where(ok, mid, hi2))

    lo2, hi2 = lax.fori_loop(0, 20, bs2, (jnp.int32(0), jnp.int32(E)))
    sel = (key > t) | (tie & (pos < hi2))
    out[...] = sel.astype(jnp.float32)


def _topk_mask(l2d, g2d):
    return pl.pallas_call(
        _topk_body,
        out_shape=jax.ShapeDtypeStruct((_GR, SBLK), jnp.float32),
    )(l2d, g2d)


def kernel(entity_embd, edge_index, edge_attr, q_embd,
           Ws0, bs0, Wn0, bn0, Ws1, bs1, Wn1, bn1,
           Wr1, br1, Wr2, br2, Wp1, bp1, Wp2, bp2):
    h_id = edge_index[0]
    t_id = edge_index[1]
    z128 = jnp.zeros((N, D), jnp.float32)
    z1 = jnp.zeros((N,), jnp.float32)

    agg0 = _agg_scatter(entity_embd, h_id, t_id)
    ear = _edge_mlp(edge_attr, Wr1, br1, Wr2, br2)
    S_parts, deg_parts = _shr_scatter(edge_attr, ear, h_id, t_id, z128, z1)
    S0, S1 = S_parts[0], S_parts[1]
    d0 = deg_parts[0].reshape(N, 1)
    d1 = deg_parts[1].reshape(N, 1)
    x1 = _layer(entity_embd, S0, S1, agg0[0], agg0[1], d0, d1,
                Ws0, bs0, Wn0, bn0)
    agg1 = _agg_scatter(x1, h_id, t_id)
    A, Bm = _layer2(x1, S0, S1, agg1[0], agg1[1], d0, d1,
                    Ws1, bs1, Wn1, bn1,
                    Wp1[128:256], Wp1[256:384], Wp1[512:640], Wp1[640:768])

    G1, G2 = _edge_gathers(A, Bm, h_id, t_id)
    logits3 = _score(edge_attr, G1, G2, q_embd, Wp1[0:128], bp1,
                     Wp1[384:512], Wp2, bp2)

    gkey = jax.random.key(42)
    u = jax.random.uniform(gkey, (_GR, SBLK), minval=1e-10, maxval=1.0 - 1e-10)
    g = -jnp.log(-jnp.log(u))
    mask2d = _topk_mask(logits3.reshape(_GR, SBLK), g)
    return logits3.reshape(E, 1), mask2d.reshape(E, 1)

# --- scband reference (transcript-rebuilt; emitter-appended) ---
"""Pipeline reference for scband-fine-grained-retriever-5609227289000 (READ-ONLY COPY).

The authoritative reference and input builder live on the scoring server;
editing this copy changes nothing except your own understanding.
"""

import jax, jax.numpy as jnp
import numpy as np

N = 10000
E = 320000
D = 128
NUM_LAYERS = 2
K = 2048


def setup_inputs(seed: int = 0) -> dict:
    key = jax.random.key(seed)
    ks = jax.random.split(key, 24)
    s = 0.05
    inp = {}
    inp["entity_embd"] = jax.random.normal(ks[0], (N, D), dtype=jnp.float32)
    inp["edge_index"] = jax.random.randint(ks[1], (2, E), 0, N, dtype=jnp.int32)
    inp["edge_attr"] = jax.random.normal(ks[2], (E, D), dtype=jnp.float32)
    inp["q_embd"] = jax.random.normal(ks[3], (1, D), dtype=jnp.float32)
    # SAGE backbone params (2 layers, mean aggr)
    inp["Ws0"] = jax.random.normal(ks[4], (D, D), dtype=jnp.float32) * s
    inp["bs0"] = jnp.zeros((D,), dtype=jnp.float32)
    inp["Wn0"] = jax.random.normal(ks[5], (D, D), dtype=jnp.float32) * s
    inp["bn0"] = jnp.zeros((D,), dtype=jnp.float32)
    inp["Ws1"] = jax.random.normal(ks[6], (D, D), dtype=jnp.float32) * s
    inp["bs1"] = jnp.zeros((D,), dtype=jnp.float32)
    inp["Wn1"] = jax.random.normal(ks[7], (D, D), dtype=jnp.float32) * s
    inp["bn1"] = jnp.zeros((D,), dtype=jnp.float32)
    # proj_reverse: Linear(D,D) -> ReLU -> Linear(D,D)
    inp["Wr1"] = jax.random.normal(ks[8], (D, D), dtype=jnp.float32) * s
    inp["br1"] = jnp.zeros((D,), dtype=jnp.float32)
    inp["Wr2"] = jax.random.normal(ks[9], (D, D), dtype=jnp.float32) * s
    inp["br2"] = jnp.zeros((D,), dtype=jnp.float32)
    # pred: Linear(2*D + 2*out_size, D) -> ReLU -> Linear(D, 1); out_size = NUM_LAYERS*D
    pred_in = 2 * D + 2 * NUM_LAYERS * D
    inp["Wp1"] = jax.random.normal(ks[10], (pred_in, D), dtype=jnp.float32) * s
    inp["bp1"] = jnp.zeros((D,), dtype=jnp.float32)
    inp["Wp2"] = jax.random.normal(ks[11], (D, 1), dtype=jnp.float32) * s
    inp["bp2"] = jnp.zeros((1,), dtype=jnp.float32)
    return inp


def _gumbel_topk(logits, k):
    gkey = jax.random.key(42)
    u = jax.random.uniform(gkey, logits.shape, minval=1e-10, maxval=1.0 - 1e-10)
    gumbels = -jnp.log(-jnp.log(u))
    y = logits + gumbels
    y_soft = jax.nn.softmax(y, axis=0)
    idx = jax.lax.top_k(y_soft[:, 0], k)[1]
    y_hard = jnp.zeros_like(y_soft).at[idx, 0].set(1.0)
    return y_hard - jax.lax.stop_gradient(y_soft) + y_soft


def _forward(entity_embd, edge_index, edge_attr, q_embd,
             Ws0, bs0, Wn0, bn0, Ws1, bs1, Wn1, bn1,
             Wr1, br1, Wr2, br2, Wp1, bp1, Wp2, bp2):
    h_id = edge_index[0]
    t_id = edge_index[1]
    edge_index_reverse = edge_index[::-1]
    ei = jnp.concatenate([edge_index, edge_index_reverse], axis=1)
    edge_attr_reverse = jax.nn.relu(edge_attr @ Wr1 + br1) @ Wr2 + br2
    h_r = jnp.concatenate([edge_attr, edge_attr_reverse], axis=0)
    src = ei[0]
    dst = ei[1]
    deg = jax.ops.segment_sum(jnp.ones((ei.shape[1],), jnp.float32), dst, num_segments=N)
    deg = jnp.clip(deg, 1.0)[:, None]
    x = entity_embd
    outs = []
    for (Ws, bs, Wn, bn) in ((Ws0, bs0, Wn0, bn0), (Ws1, bs1, Wn1, bn1)):
        msg = x[src] + h_r
        agg = jax.ops.segment_sum(msg, dst, num_segments=N) / deg
        x = jax.nn.relu(x @ Ws + bs + agg @ Wn + bn)
        outs.append(x)
    h_e = jnp.concatenate(outs, axis=1)
    q = jnp.broadcast_to(q_embd, (E, D))
    h_triple = jnp.concatenate([q, h_e[h_id], edge_attr, h_e[t_id]], axis=1)
    attn_logits = jax.nn.relu(h_triple @ Wp1 + bp1) @ Wp2 + bp2
    mask = _gumbel_topk(attn_logits, K)
    return attn_logits, mask


def reference(entity_embd, edge_index, edge_attr, q_embd,
              Ws0, bs0, Wn0, bn0, Ws1, bs1, Wn1, bn1,
              Wr1, br1, Wr2, br2, Wp1, bp1, Wp2, bp2):
    return _forward(entity_embd, edge_index, edge_attr, q_embd,
                    Ws0, bs0, Wn0, bn0, Ws1, bs1, Wn1, bn1,
                    Wr1, br1, Wr2, br2, Wp1, bp1, Wp2, bp2)

if __name__ == "__main__":
    import jax
    _d = setup_inputs()
    print(jax.jit(kernel)(*tuple(_d.values())))

</pallas_src>

<mosaic_0001>
#map = affine_map<(d0, d1) -> (0, 0)>
#map1 = affine_map<(d0, d1) -> (0)>
module attributes {stable_mosaic.version = 14 : i64} {
  func.func @_gath_body(%arg0: i32, %arg1: i32, %arg2: memref<10000x128xf32, #tpu.memory_space<hbm>>, %arg3: memref<10000x128xf32, #tpu.memory_space<hbm>>, %arg4: memref<320000xi32, #tpu.memory_space<hbm>>, %arg5: memref<320000xi32, #tpu.memory_space<hbm>>, %arg6: memref<320000x128xf32, #tpu.memory_space<hbm>>, %arg7: memref<320000x128xf32, #tpu.memory_space<hbm>>, %arg8: memref<200xi32, #tpu.memory_space<vmem>>, %arg9: memref<200xi32, #tpu.memory_space<vmem>>, %arg10: memref<200x128xf32, #tpu.memory_space<vmem>>, %arg11: memref<200x128xf32, #tpu.memory_space<vmem>>, %arg12: memref<200xi32, #tpu.memory_space<vmem>>, %arg13: memref<200xi32, #tpu.memory_space<vmem>>, %arg14: memref<200x128xf32, #tpu.memory_space<vmem>>, %arg15: memref<200x128xf32, #tpu.memory_space<vmem>>, %arg16: memref<!tpu.dma_semaphore, #tpu.memory_space<semaphore_mem>>, %arg17: memref<!tpu.dma_semaphore, #tpu.memory_space<semaphore_mem>>, %arg18: memref<!tpu.dma_semaphore, #tpu.memory_space<semaphore_mem>>, %arg19: memref<!tpu.dma_semaphore, #tpu.memory_space<semaphore_mem>>, %arg20: memref<!tpu.dma_semaphore, #tpu.memory_space<semaphore_mem>>, %arg21: memref<!tpu.dma_semaphore, #tpu.memory_space<semaphore_mem>>) attributes {dimension_semantics = [#tpu.dimension_semantics<core_parallel>, #tpu.dimension_semantics<subcore_parallel>], iteration_bounds = array<i64: 2, 16>, scalar_prefetch = 0 : i64, scratch_operands = 14 : i64, tpu.core_type = #tpu.core_type<sc_vector_subcore>, window_params = [{transform_indices = #map}, {transform_indices = #map}, {transform_indices = #map1}, {transform_indices = #map1}, {transform_indices = #map}, {transform_indices = #map}]} {
    %mul3A = arith.constant 2 : i32
    %mul3A_0 = arith.muli %arg1, %mul3A : i32
    %add3A = arith.addi %mul3A_0, %arg0 : i32
    %mul3A_1 = arith.constant 10000 : i32
    %mul3A_2 = arith.muli %add3A, %mul3A_1 : i32
    %add3A_3 = arith.constant 0 : i32
    %add3A_4 = arith.addi %mul3A_2, %add3A_3 : i32
    %dma_start3A = tpu.memref_slice %arg4[%add3A_4] : memref<320000xi32, #tpu.memory_space<hbm>> -> memref<200xi32, #tpu.memory_space<hbm>>
    %dma_start3A_5 = tpu.memref_slice %arg4[%add3A_4] : memref<320000xi32, #tpu.memory_space<hbm>> -> memref<200xi32, #tpu.memory_space<hbm>>
    tpu.enqueue_dma source(%dma_start3A_5 : memref<200xi32, #tpu.memory_space<hbm>>) target(%arg8 : memref<200xi32, #tpu.memory_space<vmem>>) target_semaphore(%arg16 : memref<!tpu.dma_semaphore, #tpu.memory_space<semaphore_mem>>)
    %dma_start3A_6 = tpu.memref_slice %arg5[%add3A_4] : memref<320000xi32, #tpu.memory_space<hbm>> -> memref<200xi32, #tpu.memory_space<hbm>>
    %dma_start3A_7 = tpu.memref_slice %arg5[%add3A_4] : memref<320000xi32, #tpu.memory_space<hbm>> -> memref<200xi32, #tpu.memory_space<hbm>>
    tpu.enqueue_dma source(%dma_start3A_7 : memref<200xi32, #tpu.memory_space<hbm>>) target(%arg9 : memref<200xi32, #tpu.memory_space<vmem>>) target_semaphore(%arg16 : memref<!tpu.dma_semaphore, #tpu.memory_space<semaphore_mem>>)
    %dma_wait3A = arith.constant 0 : i32
    %dma_wait3A_8 = tpu.memref_slice %arg4[%dma_wait3A] : memref<320000xi32, #tpu.memory_space<hbm>> -> memref<200xi32, #tpu.memory_space<hbm>>
    %dma_wait3A_9 = arith.constant 0 : i32
    %dma_wait3A_10 = tpu.memref_slice %arg4[%dma_wait3A_9] : memref<320000xi32, #tpu.memory_space<hbm>> -> memref<200xi32, #tpu.memory_space<hbm>>
    tpu.wait_dma2 semaphore(%arg16 : memref<!tpu.dma_semaphore, #tpu.memory_space<semaphore_mem>>) src(%dma_wait3A_10 : memref<200xi32, #tpu.memory_space<hbm>>) dst(%arg8 : memref<200xi32, #tpu.memory_space<vmem>>)
    %dma_wait3A_11 = arith.constant 0 : i32
    %dma_wait3A_12 = tpu.memref_slice %arg5[%dma_wait3A_11] : memref<320000xi32, #tpu.memory_space<hbm>> -> memref<200xi32, #tpu.memory_space<hbm>>
    %dma_wait3A_13 = arith.constant 0 : i32
    %dma_wait3A_14 = tpu.memref_slice %arg5[%dma_wait3A_13] : memref<320000xi32, #tpu.memory_space<hbm>> -> memref<200xi32, #tpu.memory_space<hbm>>
    tpu.wait_dma2 semaphore(%arg16 : memref<!tpu.dma_semaphore, #tpu.memory_space<semaphore_mem>>) src(%dma_wait3A_14 : memref<200xi32, #tpu.memory_space<hbm>>) dst(%arg9 : memref<200xi32, #tpu.memory_space<vmem>>)
    %dma_start3A_15 = arith.constant 0 : i32
    %dma_start3A_16 = arith.constant 0 : i32
    %dma_start3A_17 = tpu.memref_slice %arg2[%dma_start3A_15, %dma_start3A_16] : memref<10000x128xf32, #tpu.memory_space<hbm>> -> memref<10000x128xf32, #tpu.memory_space<hbm>>
    tpu.enqueue_indirect_dma source(%dma_start3A_17 : memref<10000x128xf32, #tpu.memory_space<hbm>>) target(%arg10 : memref<200x128xf32, #tpu.memory_space<vmem>>) offsets(%arg8 : memref<200xi32, #tpu.memory_space<vmem>>) semaphore(%arg18 : memref<!tpu.dma_semaphore, #tpu.memory_space<semaphore_mem>>)
    %dma_start3A_18 = arith.constant 0 : i32
    %dma_start3A_19 = arith.constant 0 : i32
    %dma_start3A_20 = tpu.memref_slice %arg3[%dma_start3A_18, %dma_start3A_19] : memref<10000x128xf32, #tpu.memory_space<hbm>> -> memref<10000x128xf32, #tpu.memory_space<hbm>>
    tpu.enqueue_indirect_dma source(%dma_start3A_20 : memref<10000x128xf32, #tpu.memory_space<hbm>>) target(%arg11 : memref<200x128xf32, #tpu.memory_space<vmem>>) offsets(%arg9 : memref<200xi32, #tpu.memory_space<vmem>>) semaphore(%arg18 : memref<!tpu.dma_semaphore, #tpu.memory_space<semaphore_mem>>)
    %add3A_21 = arith.constant 200 : i32
    %add3A_22 = arith.addi %mul3A_2, %add3A_21 : i32
    %dma_start3A_23 = tpu.memref_slice %arg4[%add3A_22] : memref<320000xi32, #tpu.memory_space<hbm>> -> memref<200xi32, #tpu.memory_space<hbm>>
    %dma_start3A_24 = tpu.memref_slice %arg4[%add3A_22] : memref<320000xi32, #tpu.memory_space<hbm>> -> memref<200xi32, #tpu.memory_space<hbm>>
    tpu.enqueue_dma source(%dma_start3A_24 : memref<200xi32, #tpu.memory_space<hbm>>) target(%arg12 : memref<200xi32, #tpu.memory_space<vmem>>) target_semaphore(%arg17 : memref<!tpu.dma_semaphore, #tpu.memory_space<semaphore_mem>>)
    %dma_start3A_25 = tpu.memref_slice %arg5[%add3A_22] : memref<320000xi32, #tpu.memory_space<hbm>> -> memref<200xi32, #tpu.memory_space<hbm>>
    %dma_start3A_26 = tpu.memref_slice %arg5[%add3A_22] : memref<320000xi32, #tpu.memory_space<hbm>> -> memref<200xi32, #tpu.memory_space<hbm>>
    tpu.enqueue_dma source(%dma_start3A_26 : memref<200xi32, #tpu.memory_space<hbm>>) target(%arg13 : memref<200xi32, #tpu.memory_space<vmem>>) target_semaphore(%arg17 : memref<!tpu.dma_semaphore, #tpu.memory_space<semaphore_mem>>)
    %scan3A = arith.constant 0 : i32
    %scan3A_27 = arith.constant 0 : i32
    %scan3A_28 = arith.constant 25 : i32
    %scan3A_29 = arith.addi %scan3A_27, %scan3A_28 : i32
    %scan3A_30 = arith.constant 1 : i32
    scf.for %scan3A_56 = %scan3A_27 to %scan3A_29 step %scan3A_30  : i32 {
      %mul3A_57 = arith.constant 2 : i32
      %mul3A_58 = arith.muli %mul3A_57, %scan3A_56 : i32
      %dma_wait3A_59 = arith.constant 0 : i32
      %dma_wait3A_60 = tpu.memref_slice %arg4[%dma_wait3A_59] : memref<320000xi32, #tpu.memory_space<hbm>> -> memref<200xi32, #tpu.memory_space<hbm>>
      %dma_wait3A_61 = arith.constant 0 : i32
      %dma_wait3A_62 = tpu.memref_slice %arg4[%dma_wait3A_61] : memref<320000xi32, #tpu.memory_space<hbm>> -> memref<200xi32, #tpu.memory_space<hbm>>
      tpu.wait_dma2 semaphore(%arg17 : memref<!tpu.dma_semaphore, #tpu.memory_space<semaphore_mem>>) src(%dma_wait3A_62 : memref<200xi32, #tpu.memory_space<hbm>>) dst(%arg12 : memref<200xi32, #tpu.memory_space<vmem>>)
      %dma_wait3A_63 = arith.constant 0 : i32
      %dma_wait3A_64 = tpu.memref_slice %arg5[%dma_wait3A_63] : memref<320000xi32, #tpu.memory_space<hbm>> -> memref<200xi32, #tpu.memory_space<hbm>>
      %dma_wait3A_65 = arith.constant 0 : i32
      %dma_wait3A_66 = tpu.memref_slice %arg5[%dma_wait3A_65] : memref<320000xi32, #tpu.memory_space<hbm>> -> memref<200xi32, #tpu.memory_space<hbm>>
      tpu.wait_dma2 semaphore(%arg17 : memref<!tpu.dma_semaphore, #tpu.memory_space<semaphore_mem>>) src(%dma_wait3A_66 : memref<200xi32, #tpu.memory_space<hbm>>) dst(%arg13 : memref<200xi32, #tpu.memory_space<vmem>>)
      %ge3A = arith.constant 1 : i32
      %ge3A_67 = arith.cmpi sge, %scan3A_56, %ge3A : i32
      %convert_element_type3A = arith.extui %ge3A_67 : i1 to i32
      %cond3A = arith.constant 0 : i32
      %cond3A_68 = arith.cmpi ne, %convert_element_type3A, %cond3A : i32
      scf.if %cond3A_68 {
        %dma_wait3A_124 = arith.constant 0 : i32
        %dma_wait3A_125 = arith.constant 0 : i32
        %dma_wait3A_126 = tpu.memref_slice %arg6[%dma_wait3A_124, %dma_wait3A_125] : memref<320000x128xf32, #tpu.memory_space<hbm>> -> memref<200x128xf32, #tpu.memory_space<hbm>>
        %dma_wait3A_127 = arith.constant 0 : i32
        %dma_wait3A_128 = arith.constant 0 : i32
        %dma_wait3A_129 = tpu.memref_slice %arg6[%dma_wait3A_127, %dma_wait3A_128] : memref<320000x128xf32, #tpu.memory_space<hbm>> -> memref<200x128xf32, #tpu.memory_space<hbm>>
        tpu.wait_dma2 semaphore(%arg21 : memref<!tpu.dma_semaphore, #tpu.memory_space<semaphore_mem>>) src(%arg14 : memref<200x128xf32, #tpu.memory_space<vmem>>) dst(%dma_wait3A_129 : memref<200x128xf32, #tpu.memory_space<hbm>>)
        %dma_wait3A_130 = arith.constant 0 : i32
        %dma_wait3A_131 = arith.constant 0 : i32
        %dma_wait3A_132 = tpu.memref_slice %arg7[%dma_wait3A_130, %dma_wait3A_131] : memref<320000x128xf32, #tpu.memory_space<hbm>> -> memref<200x128xf32, #tpu.memory_space<hbm>>
        %dma_wait3A_133 = arith.constant 0 : i32
        %dma_wait3A_134 = arith.constant 0 : i32
        %dma_wait3A_135 = tpu.memref_slice %arg7[%dma_wait3A_133, %dma_wait3A_134] : memref<320000x128xf32, #tpu.memory_space<hbm>> -> memref<200x128xf32, #tpu.memory_space<hbm>>
        tpu.wait_dma2 semaphore(%arg21 : memref<!tpu.dma_semaphore, #tpu.memory_space<semaphore_mem>>) src(%arg15 : memref<200x128xf32, #tpu.memory_space<vmem>>) dst(%dma_wait3A_135 : memref<200x128xf32, #tpu.memory_space<hbm>>)
      } else {
      }
      %dma_start3A_69 = arith.constant 0 : i32
      %dma_start3A_70 = arith.constant 0 : i32
      %dma_start3A_71 = tpu.memref_slice %arg2[%dma_start3A_69, %dma_start3A_70] : memref<10000x128xf32, #tpu.memory_space<hbm>> -> memref<10000x128xf32, #tpu.memory_space<hbm>>
      tpu.enqueue_indirect_dma source(%dma_start3A_71 : memref<10000x128xf32, #tpu.memory_space<hbm>>) target(%arg14 : memref<200x128xf32, #tpu.memory_space<vmem>>) offsets(%arg12 : memref<200xi32, #tpu.memory_space<vmem>>) semaphore(%arg19 : memref<!tpu.dma_semaphore, #tpu.memory_space<semaphore_mem>>)
      %dma_start3A_72 = arith.constant 0 : i32
      %dma_start3A_73 = arith.constant 0 : i32
      %dma_start3A_74 = tpu.memref_slice %arg3[%dma_start3A_72, %dma_start3A_73] : memref<10000x128xf32, #tpu.memory_space<hbm>> -> memref<10000x128xf32, #tpu.memory_space<hbm>>
      tpu.enqueue_indirect_dma source(%dma_start3A_74 : memref<10000x128xf32, #tpu.memory_space<hbm>>) target(%arg15 : memref<200x128xf32, #tpu.memory_space<vmem>>) offsets(%arg13 : memref<200xi32, #tpu.memory_space<vmem>>) semaphore(%arg19 : memref<!tpu.dma_semaphore, #tpu.memory_space<semaphore_mem>>)
      %mul3A_75 = arith.constant 200 : i32
      %mul3A_76 = arith.muli %mul3A_58, %mul3A_75 : i32
      %add3A_77 = arith.addi %mul3A_2, %mul3A_76 : i32
      %dma_wait3A_78 = arith.constant 0 : i32
      %dma_wait3A_79 = arith.constant 0 : i32
      %dma_wait3A_80 = tpu.memref_slice %arg2[%dma_wait3A_78, %dma_wait3A_79] : memref<10000x128xf32, #tpu.memory_space<hbm>> -> memref<10000x128xf32, #tpu.memory_space<hbm>>
      tpu.wait_indirect_dma semaphore(%arg18 : memref<!tpu.dma_semaphore, #tpu.memory_space<semaphore_mem>>) src(%dma_wait3A_80 : memref<10000x128xf32, #tpu.memory_space<hbm>>) dst(%arg10 : memref<200x128xf32, #tpu.memory_space<vmem>>)
      %dma_wait3A_81 = arith.constant 0 : i32
      %dma_wait3A_82 = arith.constant 0 : i32
      %dma_wait3A_83 = tpu.memref_slice %arg3[%dma_wait3A_81, %dma_wait3A_82] : memref<10000x128xf32, #tpu.memory_space<hbm>> -> memref<10000x128xf32, #tpu.memory_space<hbm>>
      tpu.wait_indirect_dma semaphore(%arg18 : memref<!tpu.dma_semaphore, #tpu.memory_space<semaphore_mem>>) src(%dma_wait3A_83 : memref<10000x128xf32, #tpu.memory_space<hbm>>) dst(%arg11 : memref<200x128xf32, #tpu.memory_space<vmem>>)
      %dma_start3A_84 = arith.constant 0 : i32
      %dma_start3A_85 = tpu.memref_slice %arg6[%add3A_77, %dma_start3A_84] : memref<320000x128xf32, #tpu.memory_space<hbm>> -> memref<200x128xf32, #tpu.memory_space<hbm>>
      %dma_start3A_86 = arith.constant 0 : i32
      %dma_start3A_87 = tpu.memref_slice %arg6[%add3A_77, %dma_start3A_86] : memref<320000x128xf32, #tpu.memory_space<hbm>> -> memref<200x128xf32, #tpu.memory_space<hbm>>
      tpu.enqueue_dma source(%arg10 : memref<200x128xf32, #tpu.memory_space<vmem>>) target(%dma_start3A_87 : memref<200x128xf32, #tpu.memory_space<hbm>>) target_semaphore(%arg20 : memref<!tpu.dma_semaphore, #tpu.memory_space<semaphore_mem>>)
      %dma_start3A_88 = arith.constant 0 : i32
      %dma_start3A_89 = tpu.memref_slice %arg7[%add3A_77, %dma_start3A_88] : memref<320000x128xf32, #tpu.memory_space<hbm>> -> memref<200x128xf32, #tpu.memory_space<hbm>>
      %dma_start3A_90 = arith.constant 0 : i32
      %dma_start3A_91 = tpu.memref_slice %arg7[%add3A_77, %dma_start3A_90] : memref<320000x128xf32, #tpu.memory_space<hbm>> -> memref<200x128xf32, #tpu.memory_space<hbm>>
      tpu.enqueue_dma source(%arg11 : memref<200x128xf32, #tpu.memory_space<vmem>>) target(%dma_start3A_91 : memref<200x128xf32, #tpu.memory_space<hbm>>) target_semaphore(%arg20 : memref<!tpu.dma_semaphore, #tpu.memory_space<semaphore_mem>>)
      %add3A_92 = arith.constant 2 : i32
      %add3A_93 = arith.addi %mul3A_58, %add3A_92 : i32
      %lt3A = arith.constant 50 : i32
      %lt3A_94 = arith.cmpi slt, %add3A_93, %lt3A : i32
      %convert_element_type3A_95 = arith.extui %lt3A_94 : i1 to i32
      %cond3A_96 = arith.constant 0 : i32
      %cond3A_97 = arith.cmpi ne, %convert_element_type3A_95, %cond3A_96 : i32
      scf.if %cond3A_97 {
        %add3A_124 = arith.constant 2 : i32
        %add3A_125 = arith.addi %mul3A_58, %add3A_124 : i32
        %mul3A_126 = arith.constant 200 : i32
        %mul3A_127 = arith.muli %add3A_125, %mul3A_126 : i32
        %add3A_128 = arith.addi %mul3A_2, %mul3A_127 : i32
        %dma_start3A_129 = tpu.memref_slice %arg4[%add3A_128] : memref<320000xi32, #tpu.memory_space<hbm>> -> memref<200xi32, #tpu.memory_space<hbm>>
        %dma_start3A_130 = tpu.memref_slice %arg4[%add3A_128] : memref<320000xi32, #tpu.memory_space<hbm>> -> memref<200xi32, #tpu.memory_space<hbm>>
        tpu.enqueue_dma source(%dma_start3A_130 : memref<200xi32, #tpu.memory_space<hbm>>) target(%arg8 : memref<200xi32, #tpu.memory_space<vmem>>) target_semaphore(%arg16 : memref<!tpu.dma_semaphore, #tpu.memory_space<semaphore_mem>>)
        %dma_start3A_131 = tpu.memref_slice %arg5[%add3A_128] : memref<320000xi32, #tpu.memory_space<hbm>> -> memref<200xi32, #tpu.memory_space<hbm>>
        %dma_start3A_132 = tpu.memref_slice %arg5[%add3A_128] : memref<320000xi32, #tpu.memory_space<hbm>> -> memref<200xi32, #tpu.memory_space<hbm>>
        tpu.enqueue_dma source(%dma_start3A_132 : memref<200xi32, #tpu.memory_space<hbm>>) target(%arg9 : memref<200xi32, #tpu.memory_space<vmem>>) target_semaphore(%arg16 : memref<!tpu.dma_semaphore, #tpu.memory_space<semaphore_mem>>)
        %dma_wait3A_133 = arith.constant 0 : i32
        %dma_wait3A_134 = tpu.memref_slice %arg4[%dma_wait3A_133] : memref<320000xi32, #tpu.memory_space<hbm>> -> memref<200xi32, #tpu.memory_space<hbm>>
        %dma_wait3A_135 = arith.constant 0 : i32
        %dma_wait3A_136 = tpu.memref_slice %arg4[%dma_wait3A_135] : memref<320000xi32, #tpu.memory_space<hbm>> -> memref<200xi32, #tpu.memory_space<hbm>>
        tpu.wait_dma2 semaphore(%arg16 : memref<!tpu.dma_semaphore, #tpu.memory_space<semaphore_mem>>) src(%dma_wait3A_136 : memref<200xi32, #tpu.memory_space<hbm>>) dst(%arg8 : memref<200xi32, #tpu.memory_space<vmem>>)
        %dma_wait3A_137 = arith.constant 0 : i32
        %dma_wait3A_138 = tpu.memref_slice %arg5[%dma_wait3A_137] : memref<320000xi32, #tpu.memory_space<hbm>> -> memref<200xi32, #tpu.memory_space<hbm>>
        %dma_wait3A_139 = arith.constant 0 : i32
        %dma_wait3A_140 = tpu.memref_slice %arg5[%dma_wait3A_139] : memref<320000xi32, #tpu.memory_space<hbm>> -> memref<200xi32, #tpu.memory_space<hbm>>
        tpu.wait_dma2 semaphore(%arg16 : memref<!tpu.dma_semaphore, #tpu.memory_space<semaphore_mem>>) src(%dma_wait3A_140 : memref<200xi32, #tpu.memory_space<hbm>>) dst(%arg9 : memref<200xi32, #tpu.memory_space<vmem>>)
        %dma_wait3A_141 = arith.constant 0 : i32
        %dma_wait3A_142 = arith.constant 0 : i32
        %dma_wait3A_143 = tpu.memref_slice %arg6[%dma_wait3A_141, %dma_wait3A_142] : memref<320000x128xf32, #tpu.memory_space<hbm>> -> memref<200x128xf32, #tpu.memory_space<hbm>>
        %dma_wait3A_144 = arith.constant 0 : i32
        %dma_wait3A_145 = arith.constant 0 : i32
        %dma_wait3A_146 = tpu.memref_slice %arg6[%dma_wait3A_144, %dma_wait3A_145] : memref<320000x128xf32, #tpu.memory_space<hbm>> -> memref<200x128xf32, #tpu.memory_space<hbm>>
        tpu.wait_dma2 semaphore(%arg20 : memref<!tpu.dma_semaphore, #tpu.memory_space<semaphore_mem>>) src(%arg10 : memref<200x128xf32, #tpu.memory_space<vmem>>) dst(%dma_wait3A_146 : memref<200x128xf32, #tpu.memory_space<hbm>>)
        %dma_wait3A_147 = arith.constant 0 : i32
        %dma_wait3A_148 = arith.constant 0 : i32
        %dma_wait3A_149 = tpu.memref_slice %arg7[%dma_wait3A_147, %dma_wait3A_148] : memref<320000x128xf32, #tpu.memory_space<hbm>> -> memref<200x128xf32, #tpu.memory_space<hbm>>
        %dma_wait3A_150 = arith.constant 0 : i32
        %dma_wait3A_151 = arith.constant 0 : i32
        %dma_wait3A_152 = tpu.memref_slice %arg7[%dma_wait3A_150, %dma_wait3A_151] : memref<320000x128xf32, #tpu.memory_space<hbm>> -> memref<200x128xf32, #tpu.memory_space<hbm>>
        tpu.wait_dma2 semaphore(%arg20 : memref<!tpu.dma_semaphore, #tpu.memory_space<semaphore_mem>>) src(%arg11 : memref<200x128xf32, #tpu.memory_space<vmem>>) dst(%dma_wait3A_152 : memref<200x128xf32, #tpu.memory_space<hbm>>)
        %dma_start3A_153 = arith.constant 0 : i32
        %dma_start3A_154 = arith.constant 0 : i32
        %dma_start3A_155 = tpu.memref_slice %arg2[%dma_start3A_153, %dma_start3A_154] : memref<10000x128xf32, #tpu.memory_space<hbm>> -> memref<10000x128xf32, #tpu.memory_space<hbm>>
        tpu.enqueue_indirect_dma source(%dma_start3A_155 : memref<10000x128xf32, #tpu.memory_space<hbm>>) target(%arg10 : memref<200x128xf32, #tpu.memory_space<vmem>>) offsets(%arg8 : memref<200xi32, #tpu.memory_space<vmem>>) semaphore(%arg18 : memref<!tpu.dma_semaphore, #tpu.memory_space<semaphore_mem>>)
        %dma_start3A_156 = arith.constant 0 : i32
        %dma_start3A_157 = arith.constant 0 : i32
        %dma_start3A_158 = tpu.memref_slice %arg3[%dma_start3A_156, %dma_start3A_157] : memref<10000x128xf32, #tpu.memory_space<hbm>> -> memref<10000x128xf32, #tpu.memory_space<hbm>>
        tpu.enqueue_indirect_dma source(%dma_start3A_158 : memref<10000x128xf32, #tpu.memory_space<hbm>>) target(%arg11 : memref<200x128xf32, #tpu.memory_space<vmem>>) offsets(%arg9 : memref<200xi32, #tpu.memory_space<vmem>>) semaphore(%arg18 : memref<!tpu.dma_semaphore, #tpu.memory_space<semaphore_mem>>)
      } else {
      }
      %add3A_98 = arith.constant 1 : i32
      %add3A_99 = arith.addi %mul3A_58, %add3A_98 : i32
      %mul3A_100 = arith.constant 200 : i32
      %mul3A_101 = arith.muli %add3A_99, %mul3A_100 : i32
      %add3A_102 = arith.addi %mul3A_2, %mul3A_101 : i32
      %dma_wait3A_103 = arith.constant 0 : i32
      %dma_wait3A_104 = arith.constant 0 : i32
      %dma_wait3A_105 = tpu.memref_slice %arg2[%dma_wait3A_103, %dma_wait3A_104] : memref<10000x128xf32, #tpu.memory_space<hbm>> -> memref<10000x128xf32, #tpu.memory_space<hbm>>
      tpu.wait_indirect_dma semaphore(%arg19 : memref<!tpu.dma_semaphore, #tpu.memory_space<semaphore_mem>>) src(%dma_wait3A_105 : memref<10000x128xf32, #tpu.memory_space<hbm>>) dst(%arg14 : memref<200x128xf32, #tpu.memory_space<vmem>>)
      %dma_wait3A_106 = arith.constant 0 : i32
      %dma_wait3A_107 = arith.constant 0 : i32
      %dma_wait3A_108 = tpu.memref_slice %arg3[%dma_wait3A_106, %dma_wait3A_107] : memref<10000x128xf32, #tpu.memory_space<hbm>> -> memref<10000x128xf32, #tpu.memory_space<hbm>>
      tpu.wait_indirect_dma semaphore(%arg19 : memref<!tpu.dma_semaphore, #tpu.memory_space<semaphore_mem>>) src(%dma_wait3A_108 : memref<10000x128xf32, #tpu.memory_space<hbm>>) dst(%arg15 : memref<200x128xf32, #tpu.memory_space<vmem>>)
      %dma_start3A_109 = arith.constant 0 : i32
      %dma_start3A_110 = tpu.memref_slice %arg6[%add3A_102, %dma_start3A_109] : memref<320000x128xf32, #tpu.memory_space<hbm>> -> memref<200x128xf32, #tpu.memory_space<hbm>>
      %dma_start3A_111 = arith.constant 0 : i32
      %dma_start3A_112 = tpu.memref_slice %arg6[%add3A_102, %dma_start3A_111] : memref<320000x128xf32, #tpu.memory_space<hbm>> -> memref<200x128xf32, #tpu.memory_space<hbm>>
      tpu.enqueue_dma source(%arg14 : memref<200x128xf32, #tpu.memory_space<vmem>>) target(%dma_start3A_112 : memref<200x128xf32, #tpu.memory_space<hbm>>) target_semaphore(%arg21 : memref<!tpu.dma_semaphore, #tpu.memory_space<semaphore_mem>>)
      %dma_start3A_113 = arith.constant 0 : i32
      %dma_start3A_114 = tpu.memref_slice %arg7[%add3A_102, %dma_start3A_113] : memref<320000x128xf32, #tpu.memory_space<hbm>> -> memref<200x128xf32, #tpu.memory_space<hbm>>
      %dma_start3A_115 = arith.constant 0 : i32
      %dma_start3A_116 = tpu.memref_slice %arg7[%add3A_102, %dma_start3A_115] : memref<320000x128xf32, #tpu.memory_space<hbm>> -> memref<200x128xf32, #tpu.memory_space<hbm>>
      tpu.enqueue_dma source(%arg15 : memref<200x128xf32, #tpu.memory_space<vmem>>) target(%dma_start3A_116 : memref<200x128xf32, #tpu.memory_space<hbm>>) target_semaphore(%arg21 : memref<!tpu.dma_semaphore, #tpu.memory_space<semaphore_mem>>)
      %add3A_117 = arith.constant 3 : i32
      %add3A_118 = arith.addi %mul3A_58, %add3A_117 : i32
      %lt3A_119 = arith.constant 50 : i32
      %lt3A_120 = arith.cmpi slt, %add3A_118, %lt3A_119 : i32
      %convert_element_type3A_121 = arith.extui %lt3A_120 : i1 to i32
      %cond3A_122 = arith.constant 0 : i32
      %cond3A_123 = arith.cmpi ne, %convert_element_type3A_121, %cond3A_122 : i32
      scf.if %cond3A_123 {
        %add3A_124 = arith.constant 3 : i32
        %add3A_125 = arith.addi %mul3A_58, %add3A_124 : i32
        %mul3A_126 = arith.constant 200 : i32
        %mul3A_127 = arith.muli %add3A_125, %mul3A_126 : i32
        %add3A_128 = arith.addi %mul3A_2, %mul3A_127 : i32
        %dma_start3A_129 = tpu.memref_slice %arg4[%add3A_128] : memref<320000xi32, #tpu.memory_space<hbm>> -> memref<200xi32, #tpu.memory_space<hbm>>
        %dma_start3A_130 = tpu.memref_slice %arg4[%add3A_128] : memref<320000xi32, #tpu.memory_space<hbm>> -> memref<200xi32, #tpu.memory_space<hbm>>
        tpu.enqueue_dma source(%dma_start3A_130 : memref<200xi32, #tpu.memory_space<hbm>>) target(%arg12 : memref<200xi32, #tpu.memory_space<vmem>>) target_semaphore(%arg17 : memref<!tpu.dma_semaphore, #tpu.memory_space<semaphore_mem>>)
        %dma_start3A_131 = tpu.memref_slice %arg5[%add3A_128] : memref<320000xi32, #tpu.memory_space<hbm>> -> memref<200xi32, #tpu.memory_space<hbm>>
        %dma_start3A_132 = tpu.memref_slice %arg5[%add3A_128] : memref<320000xi32, #tpu.memory_space<hbm>> -> memref<200xi32, #tpu.memory_space<hbm>>
        tpu.enqueue_dma source(%dma_start3A_132 : memref<200xi32, #tpu.memory_space<hbm>>) target(%arg13 : memref<200xi32, #tpu.memory_space<vmem>>) target_semaphore(%arg17 : memref<!tpu.dma_semaphore, #tpu.memory_space<semaphore_mem>>)
      } else {
      }
    }
    %scan3A_31 = arith.constant 25 : i32
    %dma_wait3A_32 = arith.constant 0 : i32
    %dma_wait3A_33 = arith.constant 0 : i32
    %dma_wait3A_34 = tpu.memref_slice %arg6[%dma_wait3A_32, %dma_wait3A_33] : memref<320000x128xf32, #tpu.memory_space<hbm>> -> memref<200x128xf32, #tpu.memory_space<hbm>>
    %dma_wait3A_35 = arith.constant 0 : i32
    %dma_wait3A_36 = arith.constant 0 : i32
    %dma_wait3A_37 = tpu.memref_slice %arg6[%dma_wait3A_35, %dma_wait3A_36] : memref<320000x128xf32, #tpu.memory_space<hbm>> -> memref<200x128xf32, #tpu.memory_space<hbm>>
    tpu.wait_dma2 semaphore(%arg20 : memref<!tpu.dma_semaphore, #tpu.memory_space<semaphore_mem>>) src(%arg10 : memref<200x128xf32, #tpu.memory_space<vmem>>) dst(%dma_wait3A_37 : memref<200x128xf32, #tpu.memory_space<hbm>>)
    %dma_wait3A_38 = arith.constant 0 : i32
    %dma_wait3A_39 = arith.constant 0 : i32
    %dma_wait3A_40 = tpu.memref_slice %arg7[%dma_wait3A_38, %dma_wait3A_39] : memref<320000x128xf32, #tpu.memory_space<hbm>> -> memref<200x128xf32, #tpu.memory_space<hbm>>
    %dma_wait3A_41 = arith.constant 0 : i32
    %dma_wait3A_42 = arith.constant 0 : i32
    %dma_wait3A_43 = tpu.memref_slice %arg7[%dma_wait3A_41, %dma_wait3A_42] : memref<320000x128xf32, #tpu.memory_space<hbm>> -> memref<200x128xf32, #tpu.memory_space<hbm>>
    tpu.wait_dma2 semaphore(%arg20 : memref<!tpu.dma_semaphore, #tpu.memory_space<semaphore_mem>>) src(%arg11 : memref<200x128xf32, #tpu.memory_space<vmem>>) dst(%dma_wait3A_43 : memref<200x128xf32, #tpu.memory_space<hbm>>)
    %dma_wait3A_44 = arith.constant 0 : i32
    %dma_wait3A_45 = arith.constant 0 : i32
    %dma_wait3A_46 = tpu.memref_slice %arg6[%dma_wait3A_44, %dma_wait3A_45] : memref<320000x128xf32, #tpu.memory_space<hbm>> -> memref<200x128xf32, #tpu.memory_space<hbm>>
    %dma_wait3A_47 = arith.constant 0 : i32
    %dma_wait3A_48 = arith.constant 0 : i32
    %dma_wait3A_49 = tpu.memref_slice %arg6[%dma_wait3A_47, %dma_wait3A_48] : memref<320000x128xf32, #tpu.memory_space<hbm>> -> memref<200x128xf32, #tpu.memory_space<hbm>>
    tpu.wait_dma2 semaphore(%arg21 : memref<!tpu.dma_semaphore, #tpu.memory_space<semaphore_mem>>) src(%arg14 : memref<200x128xf32, #tpu.memory_space<vmem>>) dst(%dma_wait3A_49 : memref<200x128xf32, #tpu.memory_space<hbm>>)
    %dma_wait3A_50 = arith.constant 0 : i32
    %dma_wait3A_51 = arith.constant 0 : i32
    %dma_wait3A_52 = tpu.memref_slice %arg7[%dma_wait3A_50, %dma_wait3A_51] : memref<320000x128xf32, #tpu.memory_space<hbm>> -> memref<200x128xf32, #tpu.memory_space<hbm>>
    %dma_wait3A_53 = arith.constant 0 : i32
    %dma_wait3A_54 = arith.constant 0 : i32
    %dma_wait3A_55 = tpu.memref_slice %arg7[%dma_wait3A_53, %dma_wait3A_54] : memref<320000x128xf32, #tpu.memory_space<hbm>> -> memref<200x128xf32, #tpu.memory_space<hbm>>
    tpu.wait_dma2 semaphore(%arg21 : memref<!tpu.dma_semaphore, #tpu.memory_space<semaphore_mem>>) src(%arg15 : memref<200x128xf32, #tpu.memory_space<vmem>>) dst(%dma_wait3A_55 : memref<200x128xf32, #tpu.memory_space<hbm>>)
    return
  }
}

#map = affine_map<(d0, d1) -> (0, 0)>
#map1 = affine_map<(d0, d1) -> (0)>
#map2 = affine_map<(d0, d1) -> (0, 0, 0)>
module attributes {stable_mosaic.version = 14 : i64} {
  func.func @_agg_body(%arg0: i32, %arg1: i32, %arg2: memref<10000x128xf32, #tpu.memory_space<hbm>>, %arg3: memref<320000xi32, #tpu.memory_space<hbm>>, %arg4: memref<320000xi32, #tpu.memory_space<hbm>>, %arg5: memref<2x10000x128xf32, #tpu.memory_space<hbm>>, %arg6: memref<80xi32, #tpu.memory_space<vmem>>, %arg7: memref<80xi32, #tpu.memory_space<vmem>>, %arg8: memref<80x128xf32, #tpu.memory_space<vmem>>, %arg9: memref<80x128xf32, #tpu.memory_space<vmem>>, %arg10: memref<80xi32, #tpu.memory_space<vmem>>, %arg11: memref<80xi32, #tpu.memory_space<vmem>>, %arg12: memref<80x128xf32, #tpu.memory_space<vmem>>, %arg13: memref<80x128xf32, #tpu.memory_space<vmem>>, %arg14: memref<10000x128xf32, #tpu.memory_space<vmem_shared>>, %arg15: memref<!tpu.dma_semaphore, #tpu.memory_space<semaphore_mem>>, %arg16: memref<!tpu.dma_semaphore, #tpu.memory_space<semaphore_mem>>, %arg17: memref<!tpu.dma_semaphore, #tpu.memory_space<semaphore_mem>>, %arg18: memref<!tpu.dma_semaphore, #tpu.memory_space<semaphore_mem>>) attributes {dimension_semantics = [#tpu.dimension_semantics<core_parallel>, #tpu.dimension_semantics<subcore_parallel>], iteration_bounds = array<i64: 2, 16>, scalar_prefetch = 0 : i64, scratch_operands = 13 : i64, tpu.core_type = #tpu.core_type<sc_vector_subcore>, window_params = [{transform_indices = #map}, {transform_indices = #map1}, {transform_indices = #map1}, {transform_indices = #map2}]} {
    %mul3A = arith.constant 2 : i32
    %mul3A_0 = arith.muli %arg1, %mul3A : i32
    %add3A = arith.addi %mul3A_0, %arg0 : i32
    %scan3A = arith.constant 0 : i32
    %scan3A_1 = arith.constant 0 : i32
    %scan3A_2 = arith.constant 80 : i32
    %scan3A_3 = arith.addi %scan3A_1, %scan3A_2 : i32
    %scan3A_4 = arith.constant 1 : i32
    scf.for %scan3A_61 = %scan3A_1 to %scan3A_3 step %scan3A_4  : i32 {
      %broadcast_in_dim3A = arith.constant 0.000000e+00 : f32
      %broadcast_in_dim3A_62 = vector.broadcast %broadcast_in_dim3A : f32 to vector<16xf32>
      %swap3A = arith.index_cast %scan3A_61 : i32 to index
      %swap3A_63 = arith.constant 0 : index
      %swap3A_64 = tpu.vector_load %arg8[%swap3A, %swap3A_63] {strides = array<i32>} : memref<80x128xf32, #tpu.memory_space<vmem>>, vector<1x16xf32>,
      %swap3A_65 = vector.shape_cast %swap3A_64 : vector<1x16xf32> to vector<16xf32>
      %swap3A_66 = vector.shape_cast %broadcast_in_dim3A_62 : vector<16xf32> to vector<1x16xf32>
      tpu.vector_store %arg8[%swap3A, %swap3A_63], %swap3A_66 {strides = array<i32>} : memref<80x128xf32, #tpu.memory_space<vmem>>, vector<1x16xf32>,
      %broadcast_in_dim3A_67 = arith.constant 0.000000e+00 : f32
      %broadcast_in_dim3A_68 = vector.broadcast %broadcast_in_dim3A_67 : f32 to vector<16xf32>
      %swap3A_69 = arith.index_cast %scan3A_61 : i32 to index
      %swap3A_70 = arith.constant 16 : index
      %swap3A_71 = tpu.vector_load %arg8[%swap3A_69, %swap3A_70] {strides = array<i32>} : memref<80x128xf32, #tpu.memory_space<vmem>>, vector<1x16xf32>,
      %swap3A_72 = vector.shape_cast %swap3A_71 : vector<1x16xf32> to vector<16xf32>
      %swap3A_73 = vector.shape_cast %broadcast_in_dim3A_68 : vector<16xf32> to vector<1x16xf32>
      tpu.vector_store %arg8[%swap3A_69, %swap3A_70], %swap3A_73 {strides = array<i32>} : memref<80x128xf32, #tpu.memory_space<vmem>>, vector<1x16xf32>,
      %broadcast_in_dim3A_74 = arith.constant 0.000000e+00 : f32
      %broadcast_in_dim3A_75 = vector.broadcast %broadcast_in_dim3A_74 : f32 to vector<16xf32>
      %swap3A_76 = arith.index_cast %scan3A_61 : i32 to index
      %swap3A_77 = arith.constant 32 : index
      %swap3A_78 = tpu.vector_load %arg8[%swap3A_76, %swap3A_77] {strides = array<i32>} : memref<80x128xf32, #tpu.memory_space<vmem>>, vector<1x16xf32>,
      %swap3A_79 = vector.shape_cast %swap3A_78 : vector<1x16xf32> to vector<16xf32>
      %swap3A_80 = vector.shape_cast %broadcast_in_dim3A_75 : vector<16xf32> to vector<1x16xf32>
      tpu.vector_store %arg8[%swap3A_76, %swap3A_77], %swap3A_80 {strides = array<i32>} : memref<80x128xf32, #tpu.memory_space<vmem>>, vector<1x16xf32>,
      %broadcast_in_dim3A_81 = arith.constant 0.000000e+00 : f32
      %broadcast_in_dim3A_82 = vector.broadcast %broadcast_in_dim3A_81 : f32 to vector<16xf32>
      %swap3A_83 = arith.index_cast %scan3A_61 : i32 to index
      %swap3A_84 = arith.constant 48 : index
      %swap3A_85 = tpu.vector_load %arg8[%swap3A_83, %swap3A_84] {strides = array<i32>} : memref<80x128xf32, #tpu.memory_space<vmem>>, vector<1x16xf32>,
      %swap3A_86 = vector.shape_cast %swap3A_85 : vector<1x16xf32> to vector<16xf32>
      %swap3A_87 = vector.shape_cast %broadcast_in_dim3A_82 : vector<16xf32> to vector<1x16xf32>
      tpu.vector_store %arg8[%swap3A_83, %swap3A_84], %swap3A_87 {strides = array<i32>} : memref<80x128xf32, #tpu.memory_space<vmem>>, vector<1x16xf32>,
      %broadcast_in_dim3A_88 = arith.constant 0.000000e+00 : f32
      %broadcast_in_dim3A_89 = vector.broadcast %broadcast_in_dim3A_88 : f32 to vector<16xf32>
      %swap3A_90 = arith.index_cast %scan3A_61 : i32 to index
      %swap3A_91 = arith.constant 64 : index
      %swap3A_92 = tpu.vector_load %arg8[%swap3A_90, %swap3A_91] {strides = array<i32>} : memref<80x128xf32, #tpu.memory_space<vmem>>, vector<1x16xf32>,
      %swap3A_93 = vector.shape_cast %swap3A_92 : vector<1x16xf32> to vector<16xf32>
      %swap3A_94 = vector.shape_cast %broadcast_in_dim3A_89 : vector<16xf32> to vector<1x16xf32>
      tpu.vector_store %arg8[%swap3A_90, %swap3A_91], %swap3A_94 {strides = array<i32>} : memref<80x128xf32, #tpu.memory_space<vmem>>, vector<1x16xf32>,
      %broadcast_in_dim3A_95 = arith.constant 0.000000e+00 : f32
      %broadcast_in_dim3A_96 = vector.broadcast %broadcast_in_dim3A_95 : f32 to vector<16xf32>
      %swap3A_97 = arith.index_cast %scan3A_61 : i32 to index
      %swap3A_98 = arith.constant 80 : index
      %swap3A_99 = tpu.vector_load %arg8[%swap3A_97, %swap3A_98] {strides = array<i32>} : memref<80x128xf32, #tpu.memory_space<vmem>>, vector<1x16xf32>,
      %swap3A_100 = vector.shape_cast %swap3A_99 : vector<1x16xf32> to vector<16xf32>
      %swap3A_101 = vector.shape_cast %broadcast_in_dim3A_96 : vector<16xf32> to vector<1x16xf32>
      tpu.vector_store %arg8[%swap3A_97, %swap3A_98], %swap3A_101 {strides = array<i32>} : memref<80x128xf32, #tpu.memory_space<vmem>>, vector<1x16xf32>,
      %broadcast_in_dim3A_102 = arith.constant 0.000000e+00 : f32
      %broadcast_in_dim3A_103 = vector.broadcast %broadcast_in_dim3A_102 : f32 to vector<16xf32>
      %swap3A_104 = arith.index_cast %scan3A_61 : i32 to index
      %swap3A_105 = arith.constant 96 : index
      %swap3A_106 = tpu.vector_load %arg8[%swap3A_104, %swap3A_105] {strides = array<i32>} : memref<80x128xf32, #tpu.memory_space<vmem>>, vector<1x16xf32>,
      %swap3A_107 = vector.shape_cast %swap3A_106 : vector<1x16xf32> to vector<16xf32>
      %swap3A_108 = vector.shape_cast %broadcast_in_dim3A_103 : vector<16xf32> to vector<1x16xf32>
      tpu.vector_store %arg8[%swap3A_104, %swap3A_105], %swap3A_108 {strides = array<i32>} : memref<80x128xf32, #tpu.memory_space<vmem>>, vector<1x16xf32>,
      %broadcast_in_dim3A_109 = arith.constant 0.000000e+00 : f32
      %broadcast_in_dim3A_110 = vector.broadcast %broadcast_in_dim3A_109 : f32 to vector<16xf32>
      %swap3A_111 = arith.index_cast %scan3A_61 : i32 to index
      %swap3A_112 = arith.constant 112 : index
      %swap3A_113 = tpu.vector_load %arg8[%swap3A_111, %swap3A_112] {strides = array<i32>} : memref<80x128xf32, #tpu.memory_space<vmem>>, vector<1x16xf32>,
      %swap3A_114 = vector.shape_cast %swap3A_113 : vector<1x16xf32> to vector<16xf32>
      %swap3A_115 = vector.shape_cast %broadcast_in_dim3A_110 : vector<16xf32> to vector<1x16xf32>
      tpu.vector_store %arg8[%swap3A_111, %swap3A_112], %swap3A_115 {strides = array<i32>} : memref<80x128xf32, #tpu.memory_space<vmem>>, vector<1x16xf32>,
    }
    %scan3A_5 = arith.constant 80 : i32
    %lt3A = arith.constant 2 : i32
    %lt3A_6 = arith.cmpi slt, %arg1, %lt3A : i32
    %convert_element_type3A = arith.extui %lt3A_6 : i1 to i32
    %cond3A = arith.constant 0 : i32
    %cond3A_7 = arith.cmpi ne, %convert_element_type3A, %cond3A : i32
    scf.if %cond3A_7 {
      %mul3A_61 = arith.constant 632 : i32
      %mul3A_62 = arith.muli %arg1, %mul3A_61 : i32
      %multiple_of3A = tpu.assume_multiple %mul3A_62, 8 : i32
      %add3A_63 = arith.constant 0 : i32
      %add3A_64 = arith.addi %multiple_of3A, %add3A_63 : i32
      "tpu.region"() ({
        %run_scoped3A = tpu.sem_alloc : memref<!tpu.dma_semaphore, #tpu.memory_space<semaphore_mem>>
        %dma_start3A_79 = arith.constant 0 : i32
        %dma_start3A_80 = tpu.memref_slice %arg14[%add3A_64, %dma_start3A_79] : memref<10000x128xf32, #tpu.memory_space<vmem_shared>> -> memref<80x128xf32, #tpu.memory_space<vmem_shared>>
        %dma_start3A_81 = arith.constant 0 : i32
        %dma_start3A_82 = tpu.memref_slice %arg14[%add3A_64, %dma_start3A_81] : memref<10000x128xf32, #tpu.memory_space<vmem_shared>> -> memref<80x128xf32, #tpu.memory_space<vmem_shared>>
        tpu.enqueue_dma source(%arg8 : memref<80x128xf32, #tpu.memory_space<vmem>>) target(%dma_start3A_82 : memref<80x128xf32, #tpu.memory_space<vmem_shared>>) target_semaphore(%run_scoped3A : memref<!tpu.dma_semaphore, #tpu.memory_space<semaphore_mem>>)
        %dma_wait3A_83 = arith.constant 0 : i32
        %dma_wait3A_84 = tpu.memref_slice %arg14[%add3A_64, %dma_wait3A_83] : memref<10000x128xf32, #tpu.memory_space<vmem_shared>> -> memref<80x128xf32, #tpu.memory_space<vmem_shared>>
        %dma_wait3A_85 = arith.constant 0 : i32
        %dma_wait3A_86 = tpu.memref_slice %arg14[%add3A_64, %dma_wait3A_85] : memref<10000x128xf32, #tpu.memory_space<vmem_shared>> -> memref<80x128xf32, #tpu.memory_space<vmem_shared>>
        tpu.wait_dma2 semaphore(%run_scoped3A : memref<!tpu.dma_semaphore, #tpu.memory_space<semaphore_mem>>) src(%arg8 : memref<80x128xf32, #tpu.memory_space<vmem>>) dst(%dma_wait3A_86 : memref<80x128xf32, #tpu.memory_space<vmem_shared>>)
        tpu.yield
      }) : () -> ()
      %add3A_65 = arith.constant 80 : i32
      %add3A_66 = arith.addi %multiple_of3A, %add3A_65 : i32
      "tpu.region"() ({
        %run_scoped3A = tpu.sem_alloc : memref<!tpu.dma_semaphore, #tpu.memory_space<semaphore_mem>>
        %dma_start3A_79 = arith.constant 0 : i32
        %dma_start3A_80 = tpu.memref_slice %arg14[%add3A_66, %dma_start3A_79] : memref<10000x128xf32, #tpu.memory_space<vmem_shared>> -> memref<80x128xf32, #tpu.memory_space<vmem_shared>>
        %dma_start3A_81 = arith.constant 0 : i32
        %dma_start3A_82 = tpu.memref_slice %arg14[%add3A_66, %dma_start3A_81] : memref<10000x128xf32, #tpu.memory_space<vmem_shared>> -> memref<80x128xf32, #tpu.memory_space<vmem_shared>>
        tpu.enqueue_dma source(%arg8 : memref<80x128xf32, #tpu.memory_space<vmem>>) target(%dma_start3A_82 : memref<80x128xf32, #tpu.memory_space<vmem_shared>>) target_semaphore(%run_scoped3A : memref<!tpu.dma_semaphore, #tpu.memory_space<semaphore_mem>>)
        %dma_wait3A_83 = arith.constant 0 : i32
        %dma_wait3A_84 = tpu.memref_slice %arg14[%add3A_66, %dma_wait3A_83] : memref<10000x128xf32, #tpu.memory_space<vmem_shared>> -> memref<80x128xf32, #tpu.memory_space<vmem_shared>>
        %dma_wait3A_85 = arith.constant 0 : i32
        %dma_wait3A_86 = tpu.memref_slice %arg14[%add3A_66, %dma_wait3A_85] : memref<10000x128xf32, #tpu.memory_space<vmem_shared>> -> memref<80x128xf32, #tpu.memory_space<vmem_shared>>
        tpu.wait_dma2 semaphore(%run_scoped3A : memref<!tpu.dma_semaphore, #tpu.memory_space<semaphore_mem>>) src(%arg8 : memref<80x128xf32, #tpu.memory_space<vmem>>) dst(%dma_wait3A_86 : memref<80x128xf32, #tpu.memory_space<vmem_shared>>)
        tpu.yield
      }) : () -> ()
      %add3A_67 = arith.constant 160 : i32
      %add3A_68 = arith.addi %multiple_of3A, %add3A_67 : i32
      "tpu.region"() ({
        %run_scoped3A = tpu.sem_alloc : memref<!tpu.dma_semaphore, #tpu.memory_space<semaphore_mem>>
        %dma_start3A_79 = arith.constant 0 : i32
        %dma_start3A_80 = tpu.memref_slice %arg14[%add3A_68, %dma_start3A_79] : memref<10000x128xf32, #tpu.memory_space<vmem_shared>> -> memref<80x128xf32, #tpu.memory_space<vmem_shared>>
        %dma_start3A_81 = arith.constant 0 : i32
        %dma_start3A_82 = tpu.memref_slice %arg14[%add3A_68, %dma_start3A_81] : memref<10000x128xf32, #tpu.memory_space<vmem_shared>> -> memref<80x128xf32, #tpu.memory_space<vmem_shared>>
        tpu.enqueue_dma source(%arg8 : memref<80x128xf32, #tpu.memory_space<vmem>>) target(%dma_start3A_82 : memref<80x128xf32, #tpu.memory_space<vmem_shared>>) target_semaphore(%run_scoped3A : memref<!tpu.dma_semaphore, #tpu.memory_space<semaphore_mem>>)
        %dma_wait3A_83 = arith.constant 0 : i32
        %dma_wait3A_84 = tpu.memref_slice %arg14[%add3A_68, %dma_wait3A_83] : memref<10000x128xf32, #tpu.memory_space<vmem_shared>> -> memref<80x128xf32, #tpu.memory_space<vmem_shared>>
        %dma_wait3A_85 = arith.constant 0 : i32
        %dma_wait3A_86 = tpu.memref_slice %arg14[%add3A_68, %dma_wait3A_85] : memref<10000x128xf32, #tpu.memory_space<vmem_shared>> -> memref<80x128xf32, #tpu.memory_space<vmem_shared>>
        tpu.wait_dma2 semaphore(%run_scoped3A : memref<!tpu.dma_semaphore, #tpu.memory_space<semaphore_mem>>) src(%arg8 : memref<80x128xf32, #tpu.memory_space<vmem>>) dst(%dma_wait3A_86 : memref<80x128xf32, #tpu.memory_space<vmem_shared>>)
        tpu.yield
      }) : () -> ()
      %add3A_69 = arith.constant 240 : i32
      %add3A_70 = arith.addi %multiple_of3A, %add3A_69 : i32
      "tpu.region"() ({
        %run_scoped3A = tpu.sem_alloc : memref<!tpu.dma_semaphore, #tpu.memory_space<semaphore_mem>>
        %dma_start3A_79 = arith.constant 0 : i32
        %dma_start3A_80 = tpu.memref_slice %arg14[%add3A_70, %dma_start3A_79] : memref<10000x128xf32, #tpu.memory_space<vmem_shared>> -> memref<80x128xf32, #tpu.memory_space<vmem_shared>>
        %dma_start3A_81 = arith.constant 0 : i32
        %dma_start3A_82 = tpu.memref_slice %arg14[%add3A_70, %dma_start3A_81] : memref<10000x128xf32, #tpu.memory_space<vmem_shared>> -> memref<80x128xf32, #tpu.memory_space<vmem_shared>>
        tpu.enqueue_dma source(%arg8 : memref<80x128xf32, #tpu.memory_space<vmem>>) target(%dma_start3A_82 : memref<80x128xf32, #tpu.memory_space<vmem_shared>>) target_semaphore(%run_scoped3A : memref<!tpu.dma_semaphore, #tpu.memory_space<semaphore_mem>>)
        %dma_wait3A_83 = arith.constant 0 : i32
        %dma_wait3A_84 = tpu.memref_slice %arg14[%add3A_70, %dma_wait3A_83] : memref<10000x128xf32, #tpu.memory_space<vmem_shared>> -> memref<80x128xf32, #tpu.memory_space<vmem_shared>>
        %dma_wait3A_85 = arith.constant 0 : i32
        %dma_wait3A_86 = tpu.memref_slice %arg14[%add3A_70, %dma_wait3A_85] : memref<10000x128xf32, #tpu.memory_space<vmem_shared>> -> memref<80x128xf32, #tpu.memory_space<vmem_shared>>
        tpu.wait_dma2 semaphore(%run_scoped3A : memref<!tpu.dma_semaphore, #tpu.memory_space<semaphore_mem>>) src(%arg8 : memref<80x128xf32, #tpu.memory_space<vmem>>) dst(%dma_wait3A_86 : memref<80x128xf32, #tpu.memory_space<vmem_shared>>)
        tpu.yield
      }) : () -> ()
      %add3A_71 = arith.constant 320 : i32
      %add3A_72 = arith.addi %multiple_of3A, %add3A_71 : i32
      "tpu.region"() ({
        %run_scoped3A = tpu.sem_alloc : memref<!tpu.dma_semaphore, #tpu.memory_space<semaphore_mem>>
        %dma_start3A_79 = arith.constant 0 : i32
        %dma_start3A_80 = tpu.memref_slice %arg14[%add3A_72, %dma_start3A_79] : memref<10000x128xf32, #tpu.memory_space<vmem_shared>> -> memref<80x128xf32, #tpu.memory_space<vmem_shared>>
        %dma_start3A_81 = arith.constant 0 : i32
        %dma_start3A_82 = tpu.memref_slice %arg14[%add3A_72, %dma_start3A_81] : memref<10000x128xf32, #tpu.memory_space<vmem_shared>> -> memref<80x128xf32, #tpu.memory_space<vmem_shared>>
        tpu.enqueue_dma source(%arg8 : memref<80x128xf32, #tpu.memory_space<vmem>>) target(%dma_start3A_82 : memref<80x128xf32, #tpu.memory_space<vmem_shared>>) target_semaphore(%run_scoped3A : memref<!tpu.dma_semaphore, #tpu.memory_space<semaphore_mem>>)
        %dma_wait3A_83 = arith.constant 0 : i32
        %dma_wait3A_84 = tpu.memref_slice %arg14[%add3A_72, %dma_wait3A_83] : memref<10000x128xf32, #tpu.memory_space<vmem_shared>> -> memref<80x128xf32, #tpu.memory_space<vmem_shared>>
        %dma_wait3A_85 = arith.constant 0 : i32
        %dma_wait3A_86 = tpu.memref_slice %arg14[%add3A_72, %dma_wait3A_85] : memref<10000x128xf32, #tpu.memory_space<vmem_shared>> -> memref<80x128xf32, #tpu.memory_space<vmem_shared>>
        tpu.wait_dma2 semaphore(%run_scoped3A : memref<!tpu.dma_semaphore, #tpu.memory_space<semaphore_mem>>) src(%arg8 : memref<80x128xf32, #tpu.memory_space<vmem>>) dst(%dma_wait3A_86 : memref<80x128xf32, #tpu.memory_space<vmem_shared>>)
        tpu.yield
      }) : () -> ()
      %add3A_73 = arith.constant 400 : i32
      %add3A_74 = arith.addi %multiple_of3A, %add3A_73 : i32
      "tpu.region"() ({
        %run_scoped3A = tpu.sem_alloc : memref<!tpu.dma_semaphore, #tpu.memory_space<semaphore_mem>>
        %dma_start3A_79 = arith.constant 0 : i32
        %dma_start3A_80 = tpu.memref_slice %arg14[%add3A_74, %dma_start3A_79] : memref<10000x128xf32, #tpu.memory_space<vmem_shared>> -> memref<80x128xf32, #tpu.memory_space<vmem_shared>>
        %dma_start3A_81 = arith.constant 0 : i32
        %dma_start3A_82 = tpu.memref_slice %arg14[%add3A_74, %dma_start3A_81] : memref<10000x128xf32, #tpu.memory_space<vmem_shared>> -> memref<80x128xf32, #tpu.memory_space<vmem_shared>>
        tpu.enqueue_dma source(%arg8 : memref<80x128xf32, #tpu.memory_space<vmem>>) target(%dma_start3A_82 : memref<80x128xf32, #tpu.memory_space<vmem_shared>>) target_semaphore(%run_scoped3A : memref<!tpu.dma_semaphore, #tpu.memory_space<semaphore_mem>>)
        %dma_wait3A_83 = arith.constant 0 : i32
        %dma_wait3A_84 = tpu.memref_slice %arg14[%add3A_74, %dma_wait3A_83] : memref<10000x128xf32, #tpu.memory_space<vmem_shared>> -> memref<80x128xf32, #tpu.memory_space<vmem_shared>>
        %dma_wait3A_85 = arith.constant 0 : i32
        %dma_wait3A_86 = tpu.memref_slice %arg14[%add3A_74, %dma_wait3A_85] : memref<10000x128xf32, #tpu.memory_space<vmem_shared>> -> memref<80x128xf32, #tpu.memory_space<vmem_shared>>
        tpu.wait_dma2 semaphore(%run_scoped3A : memref<!tpu.dma_semaphore, #tpu.memory_space<semaphore_mem>>) src(%arg8 : memref<80x128xf32, #tpu.memory_space<vmem>>) dst(%dma_wait3A_86 : memref<80x128xf32, #tpu.memory_space<vmem_shared>>)
        tpu.yield
      }) : () -> ()
      %add3A_75 = arith.constant 480 : i32
      %add3A_76 = arith.addi %multiple_of3A, %add3A_75 : i32
      "tpu.region"() ({
        %run_scoped3A = tpu.sem_alloc : memref<!tpu.dma_semaphore, #tpu.memory_space<semaphore_mem>>
        %dma_start3A_79 = arith.constant 0 : i32
        %dma_start3A_80 = tpu.memref_slice %arg14[%add3A_76, %dma_start3A_79] : memref<10000x128xf32, #tpu.memory_space<vmem_shared>> -> memref<80x128xf32, #tpu.memory_space<vmem_shared>>
        %dma_start3A_81 = arith.constant 0 : i32
        %dma_start3A_82 = tpu.memref_slice %arg14[%add3A_76, %dma_start3A_81] : memref<10000x128xf32, #tpu.memory_space<vmem_shared>> -> memref<80x128xf32, #tpu.memory_space<vmem_shared>>
        tpu.enqueue_dma source(%arg8 : memref<80x128xf32, #tpu.memory_space<vmem>>) target(%dma_start3A_82 : memref<80x128xf32, #tpu.memory_space<vmem_shared>>) target_semaphore(%run_scoped3A : memref<!tpu.dma_semaphore, #tpu.memory_space<semaphore_mem>>)
        %dma_wait3A_83 = arith.constant 0 : i32
        %dma_wait3A_84 = tpu.memref_slice %arg14[%add3A_76, %dma_wait3A_83] : memref<10000x128xf32, #tpu.memory_space<vmem_shared>> -> memref<80x128xf32, #tpu.memory_space<vmem_shared>>
        %dma_wait3A_85 = arith.constant 0 : i32
        %dma_wait3A_86 = tpu.memref_slice %arg14[%add3A_76, %dma_wait3A_85] : memref<10000x128xf32, #tpu.memory_space<vmem_shared>> -> memref<80x128xf32, #tpu.memory_space<vmem_shared>>
        tpu.wait_dma2 semaphore(%run_scoped3A : memref<!tpu.dma_semaphore, #tpu.memory_space<semaphore_mem>>) src(%arg8 : memref<80x128xf32, #tpu.memory_space<vmem>>) dst(%dma_wait3A_86 : memref<80x128xf32, #tpu.memory_space<vmem_shared>>)
        tpu.yield
      }) : () -> ()
      %add3A_77 = arith.constant 560 : i32
      %add3A_78 = arith.addi %multiple_of3A, %add3A_77 : i32
      "tpu.region"() ({
        %run_scoped3A = tpu.sem_alloc : memref<!tpu.dma_semaphore, #tpu.memory_space<semaphore_mem>>
        %dma_start3A_79 = arith.constant 0 : i32
        %dma_start3A_80 = arith.constant 0 : i32
        %dma_start3A_81 = tpu.memref_slice %arg8[%dma_start3A_79, %dma_start3A_80] : memref<80x128xf32, #tpu.memory_space<vmem>> -> memref<72x128xf32, #tpu.memory_space<vmem>>
        %dma_start3A_82 = arith.constant 0 : i32
        %dma_start3A_83 = tpu.memref_slice %arg14[%add3A_78, %dma_start3A_82] : memref<10000x128xf32, #tpu.memory_space<vmem_shared>> -> memref<72x128xf32, #tpu.memory_space<vmem_shared>>
        %dma_start3A_84 = arith.constant 0 : i32
        %dma_start3A_85 = tpu.memref_slice %arg14[%add3A_78, %dma_start3A_84] : memref<10000x128xf32, #tpu.memory_space<vmem_shared>> -> memref<72x128xf32, #tpu.memory_space<vmem_shared>>
        %dma_start3A_86 = arith.constant 0 : i32
        %dma_start3A_87 = arith.constant 0 : i32
        %dma_start3A_88 = tpu.memref_slice %arg8[%dma_start3A_86, %dma_start3A_87] : memref<80x128xf32, #tpu.memory_space<vmem>> -> memref<72x128xf32, #tpu.memory_space<vmem>>
        tpu.enqueue_dma source(%dma_start3A_88 : memref<72x128xf32, #tpu.memory_space<vmem>>) target(%dma_start3A_85 : memref<72x128xf32, #tpu.memory_space<vmem_shared>>) target_semaphore(%run_scoped3A : memref<!tpu.dma_semaphore, #tpu.memory_space<semaphore_mem>>)
        %dma_wait3A_89 = arith.constant 0 : i32
        %dma_wait3A_90 = arith.constant 0 : i32
        %dma_wait3A_91 = tpu.memref_slice %arg8[%dma_wait3A_89, %dma_wait3A_90] : memref<80x128xf32, #tpu.memory_space<vmem>> -> memref<72x128xf32, #tpu.memory_space<vmem>>
        %dma_wait3A_92 = arith.constant 0 : i32
        %dma_wait3A_93 = tpu.memref_slice %arg14[%add3A_78, %dma_wait3A_92] : memref<10000x128xf32, #tpu.memory_space<vmem_shared>> -> memref<72x128xf32, #tpu.memory_space<vmem_shared>>
        %dma_wait3A_94 = arith.constant 0 : i32
        %dma_wait3A_95 = tpu.memref_slice %arg14[%add3A_78, %dma_wait3A_94] : memref<10000x128xf32, #tpu.memory_space<vmem_shared>> -> memref<72x128xf32, #tpu.memory_space<vmem_shared>>
        %dma_wait3A_96 = arith.constant 0 : i32
        %dma_wait3A_97 = arith.constant 0 : i32
        %dma_wait3A_98 = tpu.memref_slice %arg8[%dma_wait3A_96, %dma_wait3A_97] : memref<80x128xf32, #tpu.memory_space<vmem>> -> memref<72x128xf32, #tpu.memory_space<vmem>>
        tpu.wait_dma2 semaphore(%run_scoped3A : memref<!tpu.dma_semaphore, #tpu.memory_space<semaphore_mem>>) src(%dma_wait3A_98 : memref<72x128xf32, #tpu.memory_space<vmem>>) dst(%dma_wait3A_95 : memref<72x128xf32, #tpu.memory_space<vmem_shared>>)
        tpu.yield
      }) : () -> ()
    } else {
    }
    %ge3A = arith.constant 2 : i32
    %ge3A_8 = arith.cmpi sge, %arg1, %ge3A : i32
    %convert_element_type3A_9 = arith.extui %ge3A_8 : i1 to i32
    %cond3A_10 = arith.constant 0 : i32
    %cond3A_11 = arith.cmpi ne, %convert_element_type3A_9, %cond3A_10 : i32
    scf.if %cond3A_11 {
      %sub3A = arith.constant 2 : i32
      %sub3A_61 = arith.subi %arg1, %sub3A : i32
      %mul3A_62 = arith.constant 624 : i32
      %mul3A_63 = arith.muli %sub3A_61, %mul3A_62 : i32
      %add3A_64 = arith.constant 1264 : i32
      %add3A_65 = arith.addi %add3A_64, %mul3A_63 : i32
      %multiple_of3A = tpu.assume_multiple %add3A_65, 8 : i32
      %add3A_66 = arith.constant 0 : i32
      %add3A_67 = arith.addi %multiple_of3A, %add3A_66 : i32
      "tpu.region"() ({
        %run_scoped3A = tpu.sem_alloc : memref<!tpu.dma_semaphore, #tpu.memory_space<semaphore_mem>>
        %dma_start3A_82 = arith.constant 0 : i32
        %dma_start3A_83 = tpu.memref_slice %arg14[%add3A_67, %dma_start3A_82] : memref<10000x128xf32, #tpu.memory_space<vmem_shared>> -> memref<80x128xf32, #tpu.memory_space<vmem_shared>>
        %dma_start3A_84 = arith.constant 0 : i32
        %dma_start3A_85 = tpu.memref_slice %arg14[%add3A_67, %dma_start3A_84] : memref<10000x128xf32, #tpu.memory_space<vmem_shared>> -> memref<80x128xf32, #tpu.memory_space<vmem_shared>>
        tpu.enqueue_dma source(%arg8 : memref<80x128xf32, #tpu.memory_space<vmem>>) target(%dma_start3A_85 : memref<80x128xf32, #tpu.memory_space<vmem_shared>>) target_semaphore(%run_scoped3A : memref<!tpu.dma_semaphore, #tpu.memory_space<semaphore_mem>>)
        %dma_wait3A_86 = arith.constant 0 : i32
        %dma_wait3A_87 = tpu.memref_slice %arg14[%add3A_67, %dma_wait3A_86] : memref<10000x128xf32, #tpu.memory_space<vmem_shared>> -> memref<80x128xf32, #tpu.memory_space<vmem_shared>>
        %dma_wait3A_88 = arith.constant 0 : i32
        %dma_wait3A_89 = tpu.memref_slice %arg14[%add3A_67, %dma_wait3A_88] : memref<10000x128xf32, #tpu.memory_space<vmem_shared>> -> memref<80x128xf32, #tpu.memory_space<vmem_shared>>
        tpu.wait_dma2 semaphore(%run_scoped3A : memref<!tpu.dma_semaphore, #tpu.memory_space<semaphore_mem>>) src(%arg8 : memref<80x128xf32, #tpu.memory_space<vmem>>) dst(%dma_wait3A_89 : memref<80x128xf32, #tpu.memory_space<vmem_shared>>)
        tpu.yield
      }) : () -> ()
      %add3A_68 = arith.constant 80 : i32
      %add3A_69 = arith.addi %multiple_of3A, %add3A_68 : i32
      "tpu.region"() ({
        %run_scoped3A = tpu.sem_alloc : memref<!tpu.dma_semaphore, #tpu.memory_space<semaphore_mem>>
        %dma_start3A_82 = arith.constant 0 : i32
        %dma_start3A_83 = tpu.memref_slice %arg14[%add3A_69, %dma_start3A_82] : memref<10000x128xf32, #tpu.memory_space<vmem_shared>> -> memref<80x128xf32, #tpu.memory_space<vmem_shared>>
        %dma_start3A_84 = arith.constant 0 : i32
        %dma_start3A_85 = tpu.memref_slice %arg14[%add3A_69, %dma_start3A_84] : memref<10000x128xf32, #tpu.memory_space<vmem_shared>> -> memref<80x128xf32, #tpu.memory_space<vmem_shared>>
        tpu.enqueue_dma source(%arg8 : memref<80x128xf32, #tpu.memory_space<vmem>>) target(%dma_start3A_85 : memref<80x128xf32, #tpu.memory_space<vmem_shared>>) target_semaphore(%run_scoped3A : memref<!tpu.dma_semaphore, #tpu.memory_space<semaphore_mem>>)
        %dma_wait3A_86 = arith.constant 0 : i32
        %dma_wait3A_87 = tpu.memref_slice %arg14[%add3A_69, %dma_wait3A_86] : memref<10000x128xf32, #tpu.memory_space<vmem_shared>> -> memref<80x128xf32, #tpu.memory_space<vmem_shared>>
        %dma_wait3A_88 = arith.constant 0 : i32
        %dma_wait3A_89 = tpu.memref_slice %arg14[%add3A_69, %dma_wait3A_88] : memref<10000x128xf32, #tpu.memory_space<vmem_shared>> -> memref<80x128xf32, #tpu.memory_space<vmem_shared>>
        tpu.wait_dma2 semaphore(%run_scoped3A : memref<!tpu.dma_semaphore, #tpu.memory_space<semaphore_mem>>) src(%arg8 : memref<80x128xf32, #tpu.memory_space<vmem>>) dst(%dma_wait3A_89 : memref<80x128xf32, #tpu.memory_space<vmem_shared>>)
        tpu.yield
      }) : () -> ()
      %add3A_70 = arith.constant 160 : i32
      %add3A_71 = arith.addi %multiple_of3A, %add3A_70 : i32
      "tpu.region"() ({
        %run_scoped3A = tpu.sem_alloc : memref<!tpu.dma_semaphore, #tpu.memory_space<semaphore_mem>>
        %dma_start3A_82 = arith.constant 0 : i32
        %dma_start3A_83 = tpu.memref_slice %arg14[%add3A_71, %dma_start3A_82] : memref<10000x128xf32, #tpu.memory_space<vmem_shared>> -> memref<80x128xf32, #tpu.memory_space<vmem_shared>>
        %dma_start3A_84 = arith.constant 0 : i32
        %dma_start3A_85 = tpu.memref_slice %arg14[%add3A_71, %dma_start3A_84] : memref<10000x128xf32, #tpu.memory_space<vmem_shared>> -> memref<80x128xf32, #tpu.memory_space<vmem_shared>>
        tpu.enqueue_dma source(%arg8 : memref<80x128xf32, #tpu.memory_space<vmem>>) target(%dma_start3A_85 : memref<80x128xf32, #tpu.memory_space<vmem_shared>>) target_semaphore(%run_scoped3A : memref<!tpu.dma_semaphore, #tpu.memory_space<semaphore_mem>>)
        %dma_wait3A_86 = arith.constant 0 : i32
        %dma_wait3A_87 = tpu.memref_slice %arg14[%add3A_71, %dma_wait3A_86] : memref<10000x128xf32, #tpu.memory_space<vmem_shared>> -> memref<80x128xf32, #tpu.memory_space<vmem_shared>>
        %dma_wait3A_88 = arith.constant 0 : i32
        %dma_wait3A_89 = tpu.memref_slice %arg14[%add3A_71, %dma_wait3A_88] : memref<10000x128xf32, #tpu.memory_space<vmem_shared>> -> memref<80x128xf32, #tpu.memory_space<vmem_shared>>
        tpu.wait_dma2 semaphore(%run_scoped3A : memref<!tpu.dma_semaphore, #tpu.memory_space<semaphore_mem>>) src(%arg8 : memref<80x128xf32, #tpu.memory_space<vmem>>) dst(%dma_wait3A_89 : memref<80x128xf32, #tpu.memory_space<vmem_shared>>)
        tpu.yield
      }) : () -> ()
      %add3A_72 = arith.constant 240 : i32
      %add3A_73 = arith.addi %multiple_of3A, %add3A_72 : i32
      "tpu.region"() ({
        %run_scoped3A = tpu.sem_alloc : memref<!tpu.dma_semaphore, #tpu.memory_space<semaphore_mem>>
        %dma_start3A_82 = arith.constant 0 : i32
        %dma_start3A_83 = tpu.memref_slice %arg14[%add3A_73, %dma_start3A_82] : memref<10000x128xf32, #tpu.memory_space<vmem_shared>> -> memref<80x128xf32, #tpu.memory_space<vmem_shared>>
        %dma_start3A_84 = arith.constant 0 : i32
        %dma_start3A_85 = tpu.memref_slice %arg14[%add3A_73, %dma_start3A_84] : memref<10000x128xf32, #tpu.memory_space<vmem_shared>> -> memref<80x128xf32, #tpu.memory_space<vmem_shared>>
        tpu.enqueue_dma source(%arg8 : memref<80x128xf32, #tpu.memory_space<vmem>>) target(%dma_start3A_85 : memref<80x128xf32, #tpu.memory_space<vmem_shared>>) target_semaphore(%run_scoped3A : memref<!tpu.dma_semaphore, #tpu.memory_space<semaphore_mem>>)
        %dma_wait3A_86 = arith.constant 0 : i32
        %dma_wait3A_87 = tpu.memref_slice %arg14[%add3A_73, %dma_wait3A_86] : memref<10000x128xf32, #tpu.memory_space<vmem_shared>> -> memref<80x128xf32, #tpu.memory_space<vmem_shared>>
        %dma_wait3A_88 = arith.constant 0 : i32
        %dma_wait3A_89 = tpu.memref_slice %arg14[%add3A_73, %dma_wait3A_88] : memref<10000x128xf32, #tpu.memory_space<vmem_shared>> -> memref<80x128xf32, #tpu.memory_space<vmem_shared>>
        tpu.wait_dma2 semaphore(%run_scoped3A : memref<!tpu.dma_semaphore, #tpu.memory_space<semaphore_mem>>) src(%arg8 : memref<80x128xf32, #tpu.memory_space<vmem>>) dst(%dma_wait3A_89 : memref<80x128xf32, #tpu.memory_space<vmem_shared>>)
        tpu.yield
      }) : () -> ()
      %add3A_74 = arith.constant 320 : i32
      %add3A_75 = arith.addi %multiple_of3A, %add3A_74 : i32
      "tpu.region"() ({
        %run_scoped3A = tpu.sem_alloc : memref<!tpu.dma_semaphore, #tpu.memory_space<semaphore_mem>>
        %dma_start3A_82 = arith.constant 0 : i32
        %dma_start3A_83 = tpu.memref_slice %arg14[%add3A_75, %dma_start3A_82] : memref<10000x128xf32, #tpu.memory_space<vmem_shared>> -> memref<80x128xf32, #tpu.memory_space<vmem_shared>>
        %dma_start3A_84 = arith.constant 0 : i32
        %dma_start3A_85 = tpu.memref_slice %arg14[%add3A_75, %dma_start3A_84] : memref<10000x128xf32, #tpu.memory_space<vmem_shared>> -> memref<80x128xf32, #tpu.memory_space<vmem_shared>>
        tpu.enqueue_dma source(%arg8 : memref<80x128xf32, #tpu.memory_space<vmem>>) target(%dma_start3A_85 : memref<80x128xf32, #tpu.memory_space<vmem_shared>>) target_semaphore(%run_scoped3A : memref<!tpu.dma_semaphore, #tpu.memory_space<semaphore_mem>>)
        %dma_wait3A_86 = arith.constant 0 : i32
        %dma_wait3A_87 = tpu.memref_slice %arg14[%add3A_75, %dma_wait3A_86] : memref<10000x128xf32, #tpu.memory_space<vmem_shared>> -> memref<80x128xf32, #tpu.memory_space<vmem_shared>>
        %dma_wait3A_88 = arith.constant 0 : i32
        %dma_wait3A_89 = tpu.memref_slice %arg14[%add3A_75, %dma_wait3A_88] : memref<10000x128xf32, #tpu.memory_space<vmem_shared>> -> memref<80x128xf32, #tpu.memory_space<vmem_shared>>
        tpu.wait_dma2 semaphore(%run_scoped3A : memref<!tpu.dma_semaphore, #tpu.memory_space<semaphore_mem>>) src(%arg8 : memref<80x128xf32, #tpu.memory_space<vmem>>) dst(%dma_wait3A_89 : memref<80x128xf32, #tpu.memory_space<vmem_shared>>)
        tpu.yield
      }) : () -> ()
      %add3A_76 = arith.constant 400 : i32
      %add3A_77 = arith.addi %multiple_of3A, %add3A_76 : i32
      "tpu.region"() ({
        %run_scoped3A = tpu.sem_alloc : memref<!tpu.dma_semaphore, #tpu.memory_space<semaphore_mem>>
        %dma_start3A_82 = arith.constant 0 : i32
        %dma_start3A_83 = tpu.memref_slice %arg14[%add3A_77, %dma_start3A_82] : memref<10000x128xf32, #tpu.memory_space<vmem_shared>> -> memref<80x128xf32, #tpu.memory_space<vmem_shared>>
        %dma_start3A_84 = arith.constant 0 : i32
        %dma_start3A_85 = tpu.memref_slice %arg14[%add3A_77, %dma_start3A_84] : memref<10000x128xf32, #tpu.memory_space<vmem_shared>> -> memref<80x128xf32, #tpu.memory_space<vmem_shared>>
        tpu.enqueue_dma source(%arg8 : memref<80x128xf32, #tpu.memory_space<vmem>>) target(%dma_start3A_85 : memref<80x128xf32, #tpu.memory_space<vmem_shared>>) target_semaphore(%run_scoped3A : memref<!tpu.dma_semaphore, #tpu.memory_space<semaphore_mem>>)
        %dma_wait3A_86 = arith.constant 0 : i32
        %dma_wait3A_87 = tpu.memref_slice %arg14[%add3A_77, %dma_wait3A_86] : memref<10000x128xf32, #tpu.memory_space<vmem_shared>> -> memref<80x128xf32, #tpu.memory_space<vmem_shared>>
        %dma_wait3A_88 = arith.constant 0 : i32
        %dma_wait3A_89 = tpu.memref_slice %arg14[%add3A_77, %dma_wait3A_88] : memref<10000x128xf32, #tpu.memory_space<vmem_shared>> -> memref<80x128xf32, #tpu.memory_space<vmem_shared>>
        tpu.wait_dma2 semaphore(%run_scoped3A : memref<!tpu.dma_semaphore, #tpu.memory_space<semaphore_mem>>) src(%arg8 : memref<80x128xf32, #tpu.memory_space<vmem>>) dst(%dma_wait3A_89 : memref<80x128xf32, #tpu.memory_space<vmem_shared>>)
        tpu.yield
      }) : () -> ()
      %add3A_78 = arith.constant 480 : i32
      %add3A_79 = arith.addi %multiple_of3A, %add3A_78 : i32
      "tpu.region"() ({
        %run_scoped3A = tpu.sem_alloc : memref<!tpu.dma_semaphore, #tpu.memory_space<semaphore_mem>>
        %dma_start3A_82 = arith.constant 0 : i32
        %dma_start3A_83 = tpu.memref_slice %arg14[%add3A_79, %dma_start3A_82] : memref<10000x128xf32, #tpu.memory_space<vmem_shared>> -> memref<80x128xf32, #tpu.memory_space<vmem_shared>>
        %dma_start3A_84 = arith.constant 0 : i32
        %dma_start3A_85 = tpu.memref_slice %arg14[%add3A_79, %dma_start3A_84] : memref<10000x128xf32, #tpu.memory_space<vmem_shared>> -> memref<80x128xf32, #tpu.memory_space<vmem_shared>>
        tpu.enqueue_dma source(%arg8 : memref<80x128xf32, #tpu.memory_space<vmem>>) target(%dma_start3A_85 : memref<80x128xf32, #tpu.memory_space<vmem_shared>>) target_semaphore(%run_scoped3A : memref<!tpu.dma_semaphore, #tpu.memory_space<semaphore_mem>>)
        %dma_wait3A_86 = arith.constant 0 : i32
        %dma_wait3A_87 = tpu.memref_slice %arg14[%add3A_79, %dma_wait3A_86] : memref<10000x128xf32, #tpu.memory_space<vmem_shared>> -> memref<80x128xf32, #tpu.memory_space<vmem_shared>>
        %dma_wait3A_88 = arith.constant 0 : i32
        %dma_wait3A_89 = tpu.memref_slice %arg14[%add3A_79, %dma_wait3A_88] : memref<10000x128xf32, #tpu.memory_space<vmem_shared>> -> memref<80x128xf32, #tpu.memory_space<vmem_shared>>
        tpu.wait_dma2 semaphore(%run_scoped3A : memref<!tpu.dma_semaphore, #tpu.memory_space<semaphore_mem>>) src(%arg8 : memref<80x128xf32, #tpu.memory_space<vmem>>) dst(%dma_wait3A_89 : memref<80x128xf32, #tpu.memory_space<vmem_shared>>)
        tpu.yield
      }) : () -> ()
      %add3A_80 = arith.constant 560 : i32
      %add3A_81 = arith.addi %multiple_of3A, %add3A_80 : i32
      "tpu.region"() ({
        %run_scoped3A = tpu.sem_alloc : memref<!tpu.dma_semaphore, #tpu.memory_space<semaphore_mem>>
        %dma_start3A_82 = arith.constant 0 : i32
        %dma_start3A_83 = arith.constant 0 : i32
        %dma_start3A_84 = tpu.memref_slice %arg8[%dma_start3A_82, %dma_start3A_83] : memref<80x128xf32, #tpu.memory_space<vmem>> -> memref<64x128xf32, #tpu.memory_space<vmem>>
        %dma_start3A_85 = arith.constant 0 : i32
        %dma_start3A_86 = tpu.memref_slice %arg14[%add3A_81, %dma_start3A_85] : memref<10000x128xf32, #tpu.memory_space<vmem_shared>> -> memref<64x128xf32, #tpu.memory_space<vmem_shared>>
        %dma_start3A_87 = arith.constant 0 : i32
        %dma_start3A_88 = tpu.memref_slice %arg14[%add3A_81, %dma_start3A_87] : memref<10000x128xf32, #tpu.memory_space<vmem_shared>> -> memref<64x128xf32, #tpu.memory_space<vmem_shared>>
        %dma_start3A_89 = arith.constant 0 : i32
        %dma_start3A_90 = arith.constant 0 : i32
        %dma_start3A_91 = tpu.memref_slice %arg8[%dma_start3A_89, %dma_start3A_90] : memref<80x128xf32, #tpu.memory_space<vmem>> -> memref<64x128xf32, #tpu.memory_space<vmem>>
        tpu.enqueue_dma source(%dma_start3A_91 : memref<64x128xf32, #tpu.memory_space<vmem>>) target(%dma_start3A_88 : memref<64x128xf32, #tpu.memory_space<vmem_shared>>) target_semaphore(%run_scoped3A : memref<!tpu.dma_semaphore, #tpu.memory_space<semaphore_mem>>)
        %dma_wait3A_92 = arith.constant 0 : i32
        %dma_wait3A_93 = arith.constant 0 : i32
        %dma_wait3A_94 = tpu.memref_slice %arg8[%dma_wait3A_92, %dma_wait3A_93] : memref<80x128xf32, #tpu.memory_space<vmem>> -> memref<64x128xf32, #tpu.memory_space<vmem>>
        %dma_wait3A_95 = arith.constant 0 : i32
        %dma_wait3A_96 = tpu.memref_slice %arg14[%add3A_81, %dma_wait3A_95] : memref<10000x128xf32, #tpu.memory_space<vmem_shared>> -> memref<64x128xf32, #tpu.memory_space<vmem_shared>>
        %dma_wait3A_97 = arith.constant 0 : i32
        %dma_wait3A_98 = tpu.memref_slice %arg14[%add3A_81, %dma_wait3A_97] : memref<10000x128xf32, #tpu.memory_space<vmem_shared>> -> memref<64x128xf32, #tpu.memory_space<vmem_shared>>
        %dma_wait3A_99 = arith.constant 0 : i32
        %dma_wait3A_100 = arith.constant 0 : i32
        %dma_wait3A_101 = tpu.memref_slice %arg8[%dma_wait3A_99, %dma_wait3A_100] : memref<80x128xf32, #tpu.memory_space<vmem>> -> memref<64x128xf32, #tpu.memory_space<vmem>>
        tpu.wait_dma2 semaphore(%run_scoped3A : memref<!tpu.dma_semaphore, #tpu.memory_space<semaphore_mem>>) src(%dma_wait3A_101 : memref<64x128xf32, #tpu.memory_space<vmem>>) dst(%dma_wait3A_98 : memref<64x128xf32, #tpu.memory_space<vmem_shared>>)
        tpu.yield
      }) : () -> ()
    } else {
    }
    %barrier3A = arith.constant 0 : index
    tpu.barrier barrier_id(%barrier3A)
    %mul3A_12 = arith.constant 10000 : i32
    %mul3A_13 = arith.muli %add3A, %mul3A_12 : i32
    %add3A_14 = arith.constant 0 : i32
    %add3A_15 = arith.addi %mul3A_13, %add3A_14 : i32
    %dma_start3A = tpu.memref_slice %arg3[%add3A_15] : memref<320000xi32, #tpu.memory_space<hbm>> -> memref<80xi32, #tpu.memory_space<hbm>>
    %dma_start3A_16 = tpu.memref_slice %arg3[%add3A_15] : memref<320000xi32, #tpu.memory_space<hbm>> -> memref<80xi32, #tpu.memory_space<hbm>>
    tpu.enqueue_dma source(%dma_start3A_16 : memref<80xi32, #tpu.memory_space<hbm>>) target(%arg6 : memref<80xi32, #tpu.memory_space<vmem>>) target_semaphore(%arg15 : memref<!tpu.dma_semaphore, #tpu.memory_space<semaphore_mem>>)
    %dma_start3A_17 = tpu.memref_slice %arg4[%add3A_15] : memref<320000xi32, #tpu.memory_space<hbm>> -> memref<80xi32, #tpu.memory_space<hbm>>
    %dma_start3A_18 = tpu.memref_slice %arg4[%add3A_15] : memref<320000xi32, #tpu.memory_space<hbm>> -> memref<80xi32, #tpu.memory_space<hbm>>
    tpu.enqueue_dma source(%dma_start3A_18 : memref<80xi32, #tpu.memory_space<hbm>>) target(%arg7 : memref<80xi32, #tpu.memory_space<vmem>>) target_semaphore(%arg15 : memref<!tpu.dma_semaphore, #tpu.memory_space<semaphore_mem>>)
    %dma_wait3A = arith.constant 0 : i32
    %dma_wait3A_19 = tpu.memref_slice %arg3[%dma_wait3A] : memref<320000xi32, #tpu.memory_space<hbm>> -> memref<80xi32, #tpu.memory_space<hbm>>
    %dma_wait3A_20 = arith.constant 0 : i32
    %dma_wait3A_21 = tpu.memref_slice %arg3[%dma_wait3A_20] : memref<320000xi32, #tpu.memory_space<hbm>> -> memref<80xi32, #tpu.memory_space<hbm>>
    tpu.wait_dma2 semaphore(%arg15 : memref<!tpu.dma_semaphore, #tpu.memory_space<semaphore_mem>>) src(%dma_wait3A_21 : memref<80xi32, #tpu.memory_space<hbm>>) dst(%arg6 : memref<80xi32, #tpu.memory_space<vmem>>)
    %dma_wait3A_22 = arith.constant 0 : i32
    %dma_wait3A_23 = tpu.memref_slice %arg4[%dma_wait3A_22] : memref<320000xi32, #tpu.memory_space<hbm>> -> memref<80xi32, #tpu.memory_space<hbm>>
    %dma_wait3A_24 = arith.constant 0 : i32
    %dma_wait3A_25 = tpu.memref_slice %arg4[%dma_wait3A_24] : memref<320000xi32, #tpu.memory_space<hbm>> -> memref<80xi32, #tpu.memory_space<hbm>>
    tpu.wait_dma2 semaphore(%arg15 : memref<!tpu.dma_semaphore, #tpu.memory_space<semaphore_mem>>) src(%dma_wait3A_25 : memref<80xi32, #tpu.memory_space<hbm>>) dst(%arg7 : memref<80xi32, #tpu.memory_space<vmem>>)
    %dma_start3A_26 = arith.constant 0 : i32
    %dma_start3A_27 = arith.constant 0 : i32
    %dma_start3A_28 = tpu.memref_slice %arg2[%dma_start3A_26, %dma_start3A_27] : memref<10000x128xf32, #tpu.memory_space<hbm>> -> memref<10000x128xf32, #tpu.memory_space<hbm>>
    tpu.enqueue_indirect_dma source(%dma_start3A_28 : memref<10000x128xf32, #tpu.memory_space<hbm>>) target(%arg8 : memref<80x128xf32, #tpu.memory_space<vmem>>) offsets(%arg6 : memref<80xi32, #tpu.memory_space<vmem>>) semaphore(%arg17 : memref<!tpu.dma_semaphore, #tpu.memory_space<semaphore_mem>>)
    %dma_start3A_29 = arith.constant 0 : i32
    %dma_start3A_30 = arith.constant 0 : i32
    %dma_start3A_31 = tpu.memref_slice %arg2[%dma_start3A_29, %dma_start3A_30] : memref<10000x128xf32, #tpu.memory_space<hbm>> -> memref<10000x128xf32, #tpu.memory_space<hbm>>
    tpu.enqueue_indirect_dma source(%dma_start3A_31 : memref<10000x128xf32, #tpu.memory_space<hbm>>) target(%arg9 : memref<80x128xf32, #tpu.memory_space<vmem>>) offsets(%arg7 : memref<80xi32, #tpu.memory_space<vmem>>) semaphore(%arg17 : memref<!tpu.dma_semaphore, #tpu.memory_space<semaphore_mem>>)
    %add3A_32 = arith.constant 80 : i32
    %add3A_33 = arith.addi %mul3A_13, %add3A_32 : i32
    %dma_start3A_34 = tpu.memref_slice %arg3[%add3A_33] : memref<320000xi32, #tpu.memory_space<hbm>> -> memref<80xi32, #tpu.memory_space<hbm>>
    %dma_start3A_35 = tpu.memref_slice %arg3[%add3A_33] : memref<320000xi32, #tpu.memory_space<hbm>> -> memref<80xi32, #tpu.memory_space<hbm>>
    tpu.enqueue_dma source(%dma_start3A_35 : memref<80xi32, #tpu.memory_space<hbm>>) target(%arg10 : memref<80xi32, #tpu.memory_space<vmem>>) target_semaphore(%arg16 : memref<!tpu.dma_semaphore, #tpu.memory_space<semaphore_mem>>)
    %dma_start3A_36 = tpu.memref_slice %arg4[%add3A_33] : memref<320000xi32, #tpu.memory_space<hbm>> -> memref<80xi32, #tpu.memory_space<hbm>>
    %dma_start3A_37 = tpu.memref_slice %arg4[%add3A_33] : memref<320000xi32, #tpu.memory_space<hbm>> -> memref<80xi32, #tpu.memory_space<hbm>>
    tpu.enqueue_dma source(%dma_start3A_37 : memref<80xi32, #tpu.memory_space<hbm>>) target(%arg11 : memref<80xi32, #tpu.memory_space<vmem>>) target_semaphore(%arg16 : memref<!tpu.dma_semaphore, #tpu.memory_space<semaphore_mem>>)
    %scan3A_38 = arith.constant 0 : i32
    %scan3A_39 = arith.constant 0 : i32
    %scan3A_40 = arith.constant 62 : i32
    %scan3A_41 = arith.addi %scan3A_39, %scan3A_40 : i32
    %scan3A_42 = arith.constant 1 : i32
    scf.for %scan3A_61 = %scan3A_39 to %scan3A_41 step %scan3A_42  : i32 {
      %mul3A_62 = arith.constant 2 : i32
      %mul3A_63 = arith.muli %mul3A_62, %scan3A_61 : i32
      %dma_wait3A_64 = arith.constant 0 : i32
      %dma_wait3A_65 = tpu.memref_slice %arg3[%dma_wait3A_64] : memref<320000xi32, #tpu.memory_space<hbm>> -> memref<80xi32, #tpu.memory_space<hbm>>
      %dma_wait3A_66 = arith.constant 0 : i32
      %dma_wait3A_67 = tpu.memref_slice %arg3[%dma_wait3A_66] : memref<320000xi32, #tpu.memory_space<hbm>> -> memref<80xi32, #tpu.memory_space<hbm>>
      tpu.wait_dma2 semaphore(%arg16 : memref<!tpu.dma_semaphore, #tpu.memory_space<semaphore_mem>>) src(%dma_wait3A_67 : memref<80xi32, #tpu.memory_space<hbm>>) dst(%arg10 : memref<80xi32, #tpu.memory_space<vmem>>)
      %dma_wait3A_68 = arith.constant 0 : i32
      %dma_wait3A_69 = tpu.memref_slice %arg4[%dma_wait3A_68] : memref<320000xi32, #tpu.memory_space<hbm>> -> memref<80xi32, #tpu.memory_space<hbm>>
      %dma_wait3A_70 = arith.constant 0 : i32
      %dma_wait3A_71 = tpu.memref_slice %arg4[%dma_wait3A_70] : memref<320000xi32, #tpu.memory_space<hbm>> -> memref<80xi32, #tpu.memory_space<hbm>>
      tpu.wait_dma2 semaphore(%arg16 : memref<!tpu.dma_semaphore, #tpu.memory_space<semaphore_mem>>) src(%dma_wait3A_71 : memref<80xi32, #tpu.memory_space<hbm>>) dst(%arg11 : memref<80xi32, #tpu.memory_space<vmem>>)
      %dma_start3A_72 = arith.constant 0 : i32
      %dma_start3A_73 = arith.constant 0 : i32
      %dma_start3A_74 = tpu.memref_slice %arg2[%dma_start3A_72, %dma_start3A_73] : memref<10000x128xf32, #tpu.memory_space<hbm>> -> memref<10000x128xf32, #tpu.memory_space<hbm>>
      tpu.enqueue_indirect_dma source(%dma_start3A_74 : memref<10000x128xf32, #tpu.memory_space<hbm>>) target(%arg12 : memref<80x128xf32, #tpu.memory_space<vmem>>) offsets(%arg10 : memref<80xi32, #tpu.memory_space<vmem>>) semaphore(%arg18 : memref<!tpu.dma_semaphore, #tpu.memory_space<semaphore_mem>>)
      %dma_start3A_75 = arith.constant 0 : i32
      %dma_start3A_76 = arith.constant 0 : i32
      %dma_start3A_77 = tpu.memref_slice %arg2[%dma_start3A_75, %dma_start3A_76] : memref<10000x128xf32, #tpu.memory_space<hbm>> -> memref<10000x128xf32, #tpu.memory_space<hbm>>
      tpu.enqueue_indirect_dma source(%dma_start3A_77 : memref<10000x128xf32, #tpu.memory_space<hbm>>) target(%arg13 : memref<80x128xf32, #tpu.memory_space<vmem>>) offsets(%arg11 : memref<80xi32, #tpu.memory_space<vmem>>) semaphore(%arg18 : memref<!tpu.dma_semaphore, #tpu.memory_space<semaphore_mem>>)
      %dma_wait3A_78 = arith.constant 0 : i32
      %dma_wait3A_79 = arith.constant 0 : i32
      %dma_wait3A_80 = tpu.memref_slice %arg2[%dma_wait3A_78, %dma_wait3A_79] : memref<10000x128xf32, #tpu.memory_space<hbm>> -> memref<10000x128xf32, #tpu.memory_space<hbm>>
      tpu.wait_indirect_dma semaphore(%arg17 : memref<!tpu.dma_semaphore, #tpu.memory_space<semaphore_mem>>) src(%dma_wait3A_80 : memref<10000x128xf32, #tpu.memory_space<hbm>>) dst(%arg8 : memref<80x128xf32, #tpu.memory_space<vmem>>)
      %dma_wait3A_81 = arith.constant 0 : i32
      %dma_wait3A_82 = arith.constant 0 : i32
      %dma_wait3A_83 = tpu.memref_slice %arg2[%dma_wait3A_81, %dma_wait3A_82] : memref<10000x128xf32, #tpu.memory_space<hbm>> -> memref<10000x128xf32, #tpu.memory_space<hbm>>
      tpu.wait_indirect_dma semaphore(%arg17 : memref<!tpu.dma_semaphore, #tpu.memory_space<semaphore_mem>>) src(%dma_wait3A_83 : memref<10000x128xf32, #tpu.memory_space<hbm>>) dst(%arg9 : memref<80x128xf32, #tpu.memory_space<vmem>>)
      "tpu.region"() ({
        %run_scoped3A = tpu.sem_alloc : memref<!tpu.dma_semaphore, #tpu.memory_space<semaphore_mem>>
        %dma_start3A_120 = arith.constant 0 : i32
        %dma_start3A_121 = arith.constant 0 : i32
        %dma_start3A_122 = tpu.memref_slice %arg14[%dma_start3A_120, %dma_start3A_121] : memref<10000x128xf32, #tpu.memory_space<vmem_shared>> -> memref<10000x128xf32, #tpu.memory_space<vmem_shared>>
        tpu.enqueue_indirect_dma source(%arg8 : memref<80x128xf32, #tpu.memory_space<vmem>>) target(%dma_start3A_122 : memref<10000x128xf32, #tpu.memory_space<vmem_shared>>) offsets(%arg7 : memref<80xi32, #tpu.memory_space<vmem>>) semaphore(%run_scoped3A : memref<!tpu.dma_semaphore, #tpu.memory_space<semaphore_mem>>) {add = true}
        %dma_wait3A_123 = arith.constant 0 : i32
        %dma_wait3A_124 = arith.constant 0 : i32
        %dma_wait3A_125 = tpu.memref_slice %arg14[%dma_wait3A_123, %dma_wait3A_124] : memref<10000x128xf32, #tpu.memory_space<vmem_shared>> -> memref<10000x128xf32, #tpu.memory_space<vmem_shared>>
        tpu.wait_indirect_dma semaphore(%run_scoped3A : memref<!tpu.dma_semaphore, #tpu.memory_space<semaphore_mem>>) src(%arg8 : memref<80x128xf32, #tpu.memory_space<vmem>>) dst(%dma_wait3A_125 : memref<10000x128xf32, #tpu.memory_space<vmem_shared>>)
        tpu.yield
      }) : () -> ()
      "tpu.region"() ({
        %run_scoped3A = tpu.sem_alloc : memref<!tpu.dma_semaphore, #tpu.memory_space<semaphore_mem>>
        %dma_start3A_120 = arith.constant 0 : i32
        %dma_start3A_121 = arith.constant 0 : i32
        %dma_start3A_122 = tpu.memref_slice %arg14[%dma_start3A_120, %dma_start3A_121] : memref<10000x128xf32, #tpu.memory_space<vmem_shared>> -> memref<10000x128xf32, #tpu.memory_space<vmem_shared>>
        tpu.enqueue_indirect_dma source(%arg9 : memref<80x128xf32, #tpu.memory_space<vmem>>) target(%dma_start3A_122 : memref<10000x128xf32, #tpu.memory_space<vmem_shared>>) offsets(%arg6 : memref<80xi32, #tpu.memory_space<vmem>>) semaphore(%run_scoped3A : memref<!tpu.dma_semaphore, #tpu.memory_space<semaphore_mem>>) {add = true}
        %dma_wait3A_123 = arith.constant 0 : i32
        %dma_wait3A_124 = arith.constant 0 : i32
        %dma_wait3A_125 = tpu.memref_slice %arg14[%dma_wait3A_123, %dma_wait3A_124] : memref<10000x128xf32, #tpu.memory_space<vmem_shared>> -> memref<10000x128xf32, #tpu.memory_space<vmem_shared>>
        tpu.wait_indirect_dma semaphore(%run_scoped3A : memref<!tpu.dma_semaphore, #tpu.memory_space<semaphore_mem>>) src(%arg9 : memref<80x128xf32, #tpu.memory_space<vmem>>) dst(%dma_wait3A_125 : memref<10000x128xf32, #tpu.memory_space<vmem_shared>>)
        tpu.yield
      }) : () -> ()
      %add3A_84 = arith.constant 2 : i32
      %add3A_85 = arith.addi %mul3A_63, %add3A_84 : i32
      %mul3A_86 = arith.constant 80 : i32
      %mul3A_87 = arith.muli %add3A_85, %mul3A_86 : i32
      %add3A_88 = arith.addi %mul3A_13, %mul3A_87 : i32
      %dma_start3A_89 = tpu.memref_slice %arg3[%add3A_88] : memref<320000xi32, #tpu.memory_space<hbm>> -> memref<80xi32, #tpu.memory_space<hbm>>
      %dma_start3A_90 = tpu.memref_slice %arg3[%add3A_88] : memref<320000xi32, #tpu.memory_space<hbm>> -> memref<80xi32, #tpu.memory_space<hbm>>
      tpu.enqueue_dma source(%dma_start3A_90 : memref<80xi32, #tpu.memory_space<hbm>>) target(%arg6 : memref<80xi32, #tpu.memory_space<vmem>>) target_semaphore(%arg15 : memref<!tpu.dma_semaphore, #tpu.memory_space<semaphore_mem>>)
      %dma_start3A_91 = tpu.memref_slice %arg4[%add3A_88] : memref<320000xi32, #tpu.memory_space<hbm>> -> memref<80xi32, #tpu.memory_space<hbm>>
      %dma_start3A_92 = tpu.memref_slice %arg4[%add3A_88] : memref<320000xi32, #tpu.memory_space<hbm>> -> memref<80xi32, #tpu.memory_space<hbm>>
      tpu.enqueue_dma source(%dma_start3A_92 : memref<80xi32, #tpu.memory_space<hbm>>) target(%arg7 : memref<80xi32, #tpu.memory_space<vmem>>) target_semaphore(%arg15 : memref<!tpu.dma_semaphore, #tpu.memory_space<semaphore_mem>>)
      %dma_wait3A_93 = arith.constant 0 : i32
      %dma_wait3A_94 = tpu.memref_slice %arg3[%dma_wait3A_93] : memref<320000xi32, #tpu.memory_space<hbm>> -> memref<80xi32, #tpu.memory_space<hbm>>
      %dma_wait3A_95 = arith.constant 0 : i32
      %dma_wait3A_96 = tpu.memref_slice %arg3[%dma_wait3A_95] : memref<320000xi32, #tpu.memory_space<hbm>> -> memref<80xi32, #tpu.memory_space<hbm>>
      tpu.wait_dma2 semaphore(%arg15 : memref<!tpu.dma_semaphore, #tpu.memory_space<semaphore_mem>>) src(%dma_wait3A_96 : memref<80xi32, #tpu.memory_space<hbm>>) dst(%arg6 : memref<80xi32, #tpu.memory_space<vmem>>)
      %dma_wait3A_97 = arith.constant 0 : i32
      %dma_wait3A_98 = tpu.memref_slice %arg4[%dma_wait3A_97] : memref<320000xi32, #tpu.memory_space<hbm>> -> memref<80xi32, #tpu.memory_space<hbm>>
      %dma_wait3A_99 = arith.constant 0 : i32
      %dma_wait3A_100 = tpu.memref_slice %arg4[%dma_wait3A_99] : memref<320000xi32, #tpu.memory_space<hbm>> -> memref<80xi32, #tpu.memory_space<hbm>>
      tpu.wait_dma2 semaphore(%arg15 : memref<!tpu.dma_semaphore, #tpu.memory_space<semaphore_mem>>) src(%dma_wait3A_100 : memref<80xi32, #tpu.memory_space<hbm>>) dst(%arg7 : memref<80xi32, #tpu.memory_space<vmem>>)
      %dma_start3A_101 = arith.constant 0 : i32
      %dma_start3A_102 = arith.constant 0 : i32
      %dma_start3A_103 = tpu.memref_slice %arg2[%dma_start3A_101, %dma_start3A_102] : memref<10000x128xf32, #tpu.memory_space<hbm>> -> memref<10000x128xf32, #tpu.memory_space<hbm>>
      tpu.enqueue_indirect_dma source(%dma_start3A_103 : memref<10000x128xf32, #tpu.memory_space<hbm>>) target(%arg8 : memref<80x128xf32, #tpu.memory_space<vmem>>) offsets(%arg6 : memref<80xi32, #tpu.memory_space<vmem>>) semaphore(%arg17 : memref<!tpu.dma_semaphore, #tpu.memory_space<semaphore_mem>>)
      %dma_start3A_104 = arith.constant 0 : i32
      %dma_start3A_105 = arith.constant 0 : i32
      %dma_start3A_106 = tpu.memref_slice %arg2[%dma_start3A_104, %dma_start3A_105] : memref<10000x128xf32, #tpu.memory_space<hbm>> -> memref<10000x128xf32, #tpu.memory_space<hbm>>
      tpu.enqueue_indirect_dma source(%dma_start3A_106 : memref<10000x128xf32, #tpu.memory_space<hbm>>) target(%arg9 : memref<80x128xf32, #tpu.memory_space<vmem>>) offsets(%arg7 : memref<80xi32, #tpu.memory_space<vmem>>) semaphore(%arg17 : memref<!tpu.dma_semaphore, #tpu.memory_space<semaphore_mem>>)
      %dma_wait3A_107 = arith.constant 0 : i32
      %dma_wait3A_108 = arith.constant 0 : i32
      %dma_wait3A_109 = tpu.memref_slice %arg2[%dma_wait3A_107, %dma_wait3A_108] : memref<10000x128xf32, #tpu.memory_space<hbm>> -> memref<10000x128xf32, #tpu.memory_space<hbm>>
      tpu.wait_indirect_dma semaphore(%arg18 : memref<!tpu.dma_semaphore, #tpu.memory_space<semaphore_mem>>) src(%dma_wait3A_109 : memref<10000x128xf32, #tpu.memory_space<hbm>>) dst(%arg12 : memref<80x128xf32, #tpu.memory_space<vmem>>)
      %dma_wait3A_110 = arith.constant 0 : i32
      %dma_wait3A_111 = arith.constant 0 : i32
      %dma_wait3A_112 = tpu.memref_slice %arg2[%dma_wait3A_110, %dma_wait3A_111] : memref<10000x128xf32, #tpu.memory_space<hbm>> -> memref<10000x128xf32, #tpu.memory_space<hbm>>
      tpu.wait_indirect_dma semaphore(%arg18 : memref<!tpu.dma_semaphore, #tpu.memory_space<semaphore_mem>>) src(%dma_wait3A_112 : memref<10000x128xf32, #tpu.memory_space<hbm>>) dst(%arg13 : memref<80x128xf32, #tpu.memory_space<vmem>>)
      "tpu.region"() ({
        %run_scoped3A = tpu.sem_alloc : memref<!tpu.dma_semaphore, #tpu.memory_space<semaphore_mem>>
        %dma_start3A_120 = arith.constant 0 : i32
        %dma_start3A_121 = arith.constant 0 : i32
        %dma_start3A_122 = tpu.memref_slice %arg14[%dma_start3A_120, %dma_start3A_121] : memref<10000x128xf32, #tpu.memory_space<vmem_shared>> -> memref<10000x128xf32, #tpu.memory_space<vmem_shared>>
        tpu.enqueue_indirect_dma source(%arg12 : memref<80x128xf32, #tpu.memory_space<vmem>>) target(%dma_start3A_122 : memref<10000x128xf32, #tpu.memory_space<vmem_shared>>) offsets(%arg11 : memref<80xi32, #tpu.memory_space<vmem>>) semaphore(%run_scoped3A : memref<!tpu.dma_semaphore, #tpu.memory_space<semaphore_mem>>) {add = true}
        %dma_wait3A_123 = arith.constant 0 : i32
        %dma_wait3A_124 = arith.constant 0 : i32
        %dma_wait3A_125 = tpu.memref_slice %arg14[%dma_wait3A_123, %dma_wait3A_124] : memref<10000x128xf32, #tpu.memory_space<vmem_shared>> -> memref<10000x128xf32, #tpu.memory_space<vmem_shared>>
        tpu.wait_indirect_dma semaphore(%run_scoped3A : memref<!tpu.dma_semaphore, #tpu.memory_space<semaphore_mem>>) src(%arg12 : memref<80x128xf32, #tpu.memory_space<vmem>>) dst(%dma_wait3A_125 : memref<10000x128xf32, #tpu.memory_space<vmem_shared>>)
        tpu.yield
      }) : () -> ()
      "tpu.region"() ({
        %run_scoped3A = tpu.sem_alloc : memref<!tpu.dma_semaphore, #tpu.memory_space<semaphore_mem>>
        %dma_start3A_120 = arith.constant 0 : i32
        %dma_start3A_121 = arith.constant 0 : i32
        %dma_start3A_122 = tpu.memref_slice %arg14[%dma_start3A_120, %dma_start3A_121] : memref<10000x128xf32, #tpu.memory_space<vmem_shared>> -> memref<10000x128xf32, #tpu.memory_space<vmem_shared>>
        tpu.enqueue_indirect_dma source(%arg13 : memref<80x128xf32, #tpu.memory_space<vmem>>) target(%dma_start3A_122 : memref<10000x128xf32, #tpu.memory_space<vmem_shared>>) offsets(%arg10 : memref<80xi32, #tpu.memory_space<vmem>>) semaphore(%run_scoped3A : memref<!tpu.dma_semaphore, #tpu.memory_space<semaphore_mem>>) {add = true}
        %dma_wait3A_123 = arith.constant 0 : i32
        %dma_wait3A_124 = arith.constant 0 : i32
        %dma_wait3A_125 = tpu.memref_slice %arg14[%dma_wait3A_123, %dma_wait3A_124] : memref<10000x128xf32, #tpu.memory_space<vmem_shared>> -> memref<10000x128xf32, #tpu.memory_space<vmem_shared>>
        tpu.wait_indirect_dma semaphore(%run_scoped3A : memref<!tpu.dma_semaphore, #tpu.memory_space<semaphore_mem>>) src(%arg13 : memref<80x128xf32, #tpu.memory_space<vmem>>) dst(%dma_wait3A_125 : memref<10000x128xf32, #tpu.memory_space<vmem_shared>>)
        tpu.yield
      }) : () -> ()
      %add3A_113 = arith.constant 3 : i32
      %add3A_114 = arith.addi %mul3A_63, %add3A_113 : i32
      %lt3A_115 = arith.constant 125 : i32
      %lt3A_116 = arith.cmpi slt, %add3A_114, %lt3A_115 : i32
      %convert_element_type3A_117 = arith.extui %lt3A_116 : i1 to i32
      %cond3A_118 = arith.constant 0 : i32
      %cond3A_119 = arith.cmpi ne, %convert_element_type3A_117, %cond3A_118 : i32
      scf.if %cond3A_119 {
        %add3A_120 = arith.constant 3 : i32
        %add3A_121 = arith.addi %mul3A_63, %add3A_120 : i32
        %mul3A_122 = arith.constant 80 : i32
        %mul3A_123 = arith.muli %add3A_121, %mul3A_122 : i32
        %add3A_124 = arith.addi %mul3A_13, %mul3A_123 : i32
        %dma_start3A_125 = tpu.memref_slice %arg3[%add3A_124] : memref<320000xi32, #tpu.memory_space<hbm>> -> memref<80xi32, #tpu.memory_space<hbm>>
        %dma_start3A_126 = tpu.memref_slice %arg3[%add3A_124] : memref<320000xi32, #tpu.memory_space<hbm>> -> memref<80xi32, #tpu.memory_space<hbm>>
        tpu.enqueue_dma source(%dma_start3A_126 : memref<80xi32, #tpu.memory_space<hbm>>) target(%arg10 : memref<80xi32, #tpu.memory_space<vmem>>) target_semaphore(%arg16 : memref<!tpu.dma_semaphore, #tpu.memory_space<semaphore_mem>>)
        %dma_start3A_127 = tpu.memref_slice %arg4[%add3A_124] : memref<320000xi32, #tpu.memory_space<hbm>> -> memref<80xi32, #tpu.memory_space<hbm>>
        %dma_start3A_128 = tpu.memref_slice %arg4[%add3A_124] : memref<320000xi32, #tpu.memory_space<hbm>> -> memref<80xi32, #tpu.memory_space<hbm>>
        tpu.enqueue_dma source(%dma_start3A_128 : memref<80xi32, #tpu.memory_space<hbm>>) target(%arg11 : memref<80xi32, #tpu.memory_space<vmem>>) target_semaphore(%arg16 : memref<!tpu.dma_semaphore, #tpu.memory_space<semaphore_mem>>)
      } else {
      }
    }
    %scan3A_43 = arith.constant 62 : i32
    %dma_wait3A_44 = arith.constant 0 : i32
    %dma_wait3A_45 = arith.constant 0 : i32
    %dma_wait3A_46 = tpu.memref_slice %arg2[%dma_wait3A_44, %dma_wait3A_45] : memref<10000x128xf32, #tpu.memory_space<hbm>> -> memref<10000x128xf32, #tpu.memory_space<hbm>>
    tpu.wait_indirect_dma semaphore(%arg17 : memref<!tpu.dma_semaphore, #tpu.memory_space<semaphore_mem>>) src(%dma_wait3A_46 : memref<10000x128xf32, #tpu.memory_space<hbm>>) dst(%arg8 : memref<80x128xf32, #tpu.memory_space<vmem>>)
    %dma_wait3A_47 = arith.constant 0 : i32
    %dma_wait3A_48 = arith.constant 0 : i32
    %dma_wait3A_49 = tpu.memref_slice %arg2[%dma_wait3A_47, %dma_wait3A_48] : memref<10000x128xf32, #tpu.memory_space<hbm>> -> memref<10000x128xf32, #tpu.memory_space<hbm>>
    tpu.wait_indirect_dma semaphore(%arg17 : memref<!tpu.dma_semaphore, #tpu.memory_space<semaphore_mem>>) src(%dma_wait3A_49 : memref<10000x128xf32, #tpu.memory_space<hbm>>) dst(%arg9 : memref<80x128xf32, #tpu.memory_space<vmem>>)
    "tpu.region"() ({
      %run_scoped3A = tpu.sem_alloc : memref<!tpu.dma_semaphore, #tpu.memory_space<semaphore_mem>>
      %dma_start3A_61 = arith.constant 0 : i32
      %dma_start3A_62 = arith.constant 0 : i32
      %dma_start3A_63 = tpu.memref_slice %arg14[%dma_start3A_61, %dma_start3A_62] : memref<10000x128xf32, #tpu.memory_space<vmem_shared>> -> memref<10000x128xf32, #tpu.memory_space<vmem_shared>>
      tpu.enqueue_indirect_dma source(%arg8 : memref<80x128xf32, #tpu.memory_space<vmem>>) target(%dma_start3A_63 : memref<10000x128xf32, #tpu.memory_space<vmem_shared>>) offsets(%arg7 : memref<80xi32, #tpu.memory_space<vmem>>) semaphore(%run_scoped3A : memref<!tpu.dma_semaphore, #tpu.memory_space<semaphore_mem>>) {add = true}
      %dma_wait3A_64 = arith.constant 0 : i32
      %dma_wait3A_65 = arith.constant 0 : i32
      %dma_wait3A_66 = tpu.memref_slice %arg14[%dma_wait3A_64, %dma_wait3A_65] : memref<10000x128xf32, #tpu.memory_space<vmem_shared>> -> memref<10000x128xf32, #tpu.memory_space<vmem_shared>>
      tpu.wait_indirect_dma semaphore(%run_scoped3A : memref<!tpu.dma_semaphore, #tpu.memory_space<semaphore_mem>>) src(%arg8 : memref<80x128xf32, #tpu.memory_space<vmem>>) dst(%dma_wait3A_66 : memref<10000x128xf32, #tpu.memory_space<vmem_shared>>)
      tpu.yield
    }) : () -> ()
    "tpu.region"() ({
      %run_scoped3A = tpu.sem_alloc : memref<!tpu.dma_semaphore, #tpu.memory_space<semaphore_mem>>
      %dma_start3A_61 = arith.constant 0 : i32
      %dma_start3A_62 = arith.constant 0 : i32
      %dma_start3A_63 = tpu.memref_slice %arg14[%dma_start3A_61, %dma_start3A_62] : memref<10000x128xf32, #tpu.memory_space<vmem_shared>> -> memref<10000x128xf32, #tpu.memory_space<vmem_shared>>
      tpu.enqueue_indirect_dma source(%arg9 : memref<80x128xf32, #tpu.memory_space<vmem>>) target(%dma_start3A_63 : memref<10000x128xf32, #tpu.memory_space<vmem_shared>>) offsets(%arg6 : memref<80xi32, #tpu.memory_space<vmem>>) semaphore(%run_scoped3A : memref<!tpu.dma_semaphore, #tpu.memory_space<semaphore_mem>>) {add = true}
      %dma_wait3A_64 = arith.constant 0 : i32
      %dma_wait3A_65 = arith.constant 0 : i32
      %dma_wait3A_66 = tpu.memref_slice %arg14[%dma_wait3A_64, %dma_wait3A_65] : memref<10000x128xf32, #tpu.memory_space<vmem_shared>> -> memref<10000x128xf32, #tpu.memory_space<vmem_shared>>
      tpu.wait_indirect_dma semaphore(%run_scoped3A : memref<!tpu.dma_semaphore, #tpu.memory_space<semaphore_mem>>) src(%arg9 : memref<80x128xf32, #tpu.memory_space<vmem>>) dst(%dma_wait3A_66 : memref<10000x128xf32, #tpu.memory_space<vmem_shared>>)
      tpu.yield
    }) : () -> ()
    %barrier3A_50 = arith.constant 0 : index
    tpu.barrier barrier_id(%barrier3A_50)
    %lt3A_51 = arith.constant 2 : i32
    %lt3A_52 = arith.cmpi slt, %arg1, %lt3A_51 : i32
    %convert_element_type3A_53 = arith.extui %lt3A_52 : i1 to i32
    %cond3A_54 = arith.constant 0 : i32
    %cond3A_55 = arith.cmpi ne, %convert_element_type3A_53, %cond3A_54 : i32
    scf.if %cond3A_55 {
      %mul3A_61 = arith.constant 632 : i32
      %mul3A_62 = arith.muli %arg1, %mul3A_61 : i32
      %multiple_of3A = tpu.assume_multiple %mul3A_62, 8 : i32
      "tpu.region"() ({
        %run_scoped3A = tpu.sem_alloc : memref<!tpu.dma_semaphore, #tpu.memory_space<semaphore_mem>>
        %dma_start3A_63 = arith.constant 0 : i32
        %dma_start3A_64 = tpu.memref_slice %arg5[%arg0, %multiple_of3A, %dma_start3A_63] : memref<2x10000x128xf32, #tpu.memory_space<hbm>> -> memref<1x632x128xf32, #tpu.memory_space<hbm>>
        %dma_start3A_65 = tpu.memref_squeeze %dma_start3A_64 : memref<1x632x128xf32, #tpu.memory_space<hbm>> -> memref<632x128xf32, #tpu.memory_space<hbm>>
        %dma_start3A_66 = arith.constant 0 : i32
        %dma_start3A_67 = tpu.memref_slice %arg14[%multiple_of3A, %dma_start3A_66] : memref<10000x128xf32, #tpu.memory_space<vmem_shared>> -> memref<632x128xf32, #tpu.memory_space<vmem_shared>>
        tpu.enqueue_dma source(%dma_start3A_67 : memref<632x128xf32, #tpu.memory_space<vmem_shared>>) target(%dma_start3A_65 : memref<632x128xf32, #tpu.memory_space<hbm>>) target_semaphore(%run_scoped3A : memref<!tpu.dma_semaphore, #tpu.memory_space<semaphore_mem>>)
        %dma_wait3A_68 = arith.constant 0 : i32
        %dma_wait3A_69 = tpu.memref_slice %arg5[%arg0, %multiple_of3A, %dma_wait3A_68] : memref<2x10000x128xf32, #tpu.memory_space<hbm>> -> memref<1x632x128xf32, #tpu.memory_space<hbm>>
        %dma_wait3A_70 = tpu.memref_squeeze %dma_wait3A_69 : memref<1x632x128xf32, #tpu.memory_space<hbm>> -> memref<632x128xf32, #tpu.memory_space<hbm>>
        %dma_wait3A_71 = arith.constant 0 : i32
        %dma_wait3A_72 = tpu.memref_slice %arg14[%multiple_of3A, %dma_wait3A_71] : memref<10000x128xf32, #tpu.memory_space<vmem_shared>> -> memref<632x128xf32, #tpu.memory_space<vmem_shared>>
        tpu.wait_dma2 semaphore(%run_scoped3A : memref<!tpu.dma_semaphore, #tpu.memory_space<semaphore_mem>>) src(%dma_wait3A_72 : memref<632x128xf32, #tpu.memory_space<vmem_shared>>) dst(%dma_wait3A_70 : memref<632x128xf32, #tpu.memory_space<hbm>>)
        tpu.yield
      }) : () -> ()
    } else {
    }
    %ge3A_56 = arith.constant 2 : i32
    %ge3A_57 = arith.cmpi sge, %arg1, %ge3A_56 : i32
    %convert_element_type3A_58 = arith.extui %ge3A_57 : i1 to i32
    %cond3A_59 = arith.constant 0 : i32
    %cond3A_60 = arith.cmpi ne, %convert_element_type3A_58, %cond3A_59 : i32
    scf.if %cond3A_60 {
      %sub3A = arith.constant 2 : i32
      %sub3A_61 = arith.subi %arg1, %sub3A : i32
      %mul3A_62 = arith.constant 624 : i32
      %mul3A_63 = arith.muli %sub3A_61, %mul3A_62 : i32
      %add3A_64 = arith.constant 1264 : i32
      %add3A_65 = arith.addi %add3A_64, %mul3A_63 : i32
      %multiple_of3A = tpu.assume_multiple %add3A_65, 8 : i32
      "tpu.region"() ({
        %run_scoped3A = tpu.sem_alloc : memref<!tpu.dma_semaphore, #tpu.memory_space<semaphore_mem>>
        %dma_start3A_66 = arith.constant 0 : i32
        %dma_start3A_67 = tpu.memref_slice %arg5[%arg0, %multiple_of3A, %dma_start3A_66] : memref<2x10000x128xf32, #tpu.memory_space<hbm>> -> memref<1x624x128xf32, #tpu.memory_space<hbm>>
        %dma_start3A_68 = tpu.memref_squeeze %dma_start3A_67 : memref<1x624x128xf32, #tpu.memory_space<hbm>> -> memref<624x128xf32, #tpu.memory_space<hbm>>
        %dma_start3A_69 = arith.constant 0 : i32
        %dma_start3A_70 = tpu.memref_slice %arg14[%multiple_of3A, %dma_start3A_69] : memref<10000x128xf32, #tpu.memory_space<vmem_shared>> -> memref<624x128xf32, #tpu.memory_space<vmem_shared>>
        tpu.enqueue_dma source(%dma_start3A_70 : memref<624x128xf32, #tpu.memory_space<vmem_shared>>) target(%dma_start3A_68 : memref<624x128xf32, #tpu.memory_space<hbm>>) target_semaphore(%run_scoped3A : memref<!tpu.dma_semaphore, #tpu.memory_space<semaphore_mem>>)
        %dma_wait3A_71 = arith.constant 0 : i32
        %dma_wait3A_72 = tpu.memref_slice %arg5[%arg0, %multiple_of3A, %dma_wait3A_71] : memref<2x10000x128xf32, #tpu.memory_space<hbm>> -> memref<1x624x128xf32, #tpu.memory_space<hbm>>
        %dma_wait3A_73 = tpu.memref_squeeze %dma_wait3A_72 : memref<1x624x128xf32, #tpu.memory_space<hbm>> -> memref<624x128xf32, #tpu.memory_space<hbm>>
        %dma_wait3A_74 = arith.constant 0 : i32
        %dma_wait3A_75 = tpu.memref_slice %arg14[%multiple_of3A, %dma_wait3A_74] : memref<10000x128xf32, #tpu.memory_space<vmem_shared>> -> memref<624x128xf32, #tpu.memory_space<vmem_shared>>
        tpu.wait_dma2 semaphore(%run_scoped3A : memref<!tpu.dma_semaphore, #tpu.memory_space<semaphore_mem>>) src(%dma_wait3A_75 : memref<624x128xf32, #tpu.memory_space<vmem_shared>>) dst(%dma_wait3A_73 : memref<624x128xf32, #tpu.memory_space<hbm>>)
        tpu.yield
      }) : () -> ()
    } else {
    }
    return
  }
}

#map = affine_map<(d0, d1) -> (0, 0)>
#map1 = affine_map<(d0, d1) -> (0)>
#map2 = affine_map<(d0, d1) -> (0, 0, 0)>
module attributes {stable_mosaic.version = 14 : i64} {
  func.func @_agg_body(%arg0: i32, %arg1: i32, %arg2: memref<10000x128xf32, #tpu.memory_space<hbm>>, %arg3: memref<320000xi32, #tpu.memory_space<hbm>>, %arg4: memref<320000xi32, #tpu.memory_space<hbm>>, %arg5: memref<2x10000x128xf32, #tpu.memory_space<hbm>>, %arg6: memref<80xi32, #tpu.memory_space<vmem>>, %arg7: memref<80xi32, #tpu.memory_space<vmem>>, %arg8: memref<80x128xf32, #tpu.memory_space<vmem>>, %arg9: memref<80x128xf32, #tpu.memory_space<vmem>>, %arg10: memref<80xi32, #tpu.memory_space<vmem>>, %arg11: memref<80xi32, #tpu.memory_space<vmem>>, %arg12: memref<80x128xf32, #tpu.memory_space<vmem>>, %arg13: memref<80x128xf32, #tpu.memory_space<vmem>>, %arg14: memref<10000x128xf32, #tpu.memory_space<vmem_shared>>, %arg15: memref<!tpu.dma_semaphore, #tpu.memory_space<semaphore_mem>>, %arg16: memref<!tpu.dma_semaphore, #tpu.memory_space<semaphore_mem>>, %arg17: memref<!tpu.dma_semaphore, #tpu.memory_space<semaphore_mem>>, %arg18: memref<!tpu.dma_semaphore, #tpu.memory_space<semaphore_mem>>) attributes {dimension_semantics = [#tpu.dimension_semantics<core_parallel>, #tpu.dimension_semantics<subcore_parallel>], iteration_bounds = array<i64: 2, 16>, scalar_prefetch = 0 : i64, scratch_operands = 13 : i64, tpu.core_type = #tpu.core_type<sc_vector_subcore>, window_params = [{transform_indices = #map}, {transform_indices = #map1}, {transform_indices = #map1}, {transform_indices = #map2}]} {
    %mul3A = arith.constant 2 : i32
    %mul3A_0 = arith.muli %arg1, %mul3A : i32
    %add3A = arith.addi %mul3A_0, %arg0 : i32
    %scan3A = arith.constant 0 : i32
    %scan3A_1 = arith.constant 0 : i32
    %scan3A_2 = arith.constant 80 : i32
    %scan3A_3 = arith.addi %scan3A_1, %scan3A_2 : i32
    %scan3A_4 = arith.constant 1 : i32
    scf.for %scan3A_61 = %scan3A_1 to %scan3A_3 step %scan3A_4  : i32 {
      %broadcast_in_dim3A = arith.constant 0.000000e+00 : f32
      %broadcast_in_dim3A_62 = vector.broadcast %broadcast_in_dim3A : f32 to vector<16xf32>
      %swap3A = arith.index_cast %scan3A_61 : i32 to index
      %swap3A_63 = arith.constant 0 : index
      %swap3A_64 = tpu.vector_load %arg8[%swap3A, %swap3A_63] {strides = array<i32>} : memref<80x128xf32, #tpu.memory_space<vmem>>, vector<1x16xf32>,
      %swap3A_65 = vector.shape_cast %swap3A_64 : vector<1x16xf32> to vector<16xf32>
      %swap3A_66 = vector.shape_cast %broadcast_in_dim3A_62 : vector<16xf32> to vector<1x16xf32>
      tpu.vector_store %arg8[%swap3A, %swap3A_63], %swap3A_66 {strides = array<i32>} : memref<80x128xf32, #tpu.memory_space<vmem>>, vector<1x16xf32>,
      %broadcast_in_dim3A_67 = arith.constant 0.000000e+00 : f32
      %broadcast_in_dim3A_68 = vector.broadcast %broadcast_in_dim3A_67 : f32 to vector<16xf32>
      %swap3A_69 = arith.index_cast %scan3A_61 : i32 to index
      %swap3A_70 = arith.constant 16 : index
      %swap3A_71 = tpu.vector_load %arg8[%swap3A_69, %swap3A_70] {strides = array<i32>} : memref<80x128xf32, #tpu.memory_space<vmem>>, vector<1x16xf32>,
      %swap3A_72 = vector.shape_cast %swap3A_71 : vector<1x16xf32> to vector<16xf32>
      %swap3A_73 = vector.shape_cast %broadcast_in_dim3A_68 : vector<16xf32> to vector<1x16xf32>
      tpu.vector_store %arg8[%swap3A_69, %swap3A_70], %swap3A_73 {strides = array<i32>} : memref<80x128xf32, #tpu.memory_space<vmem>>, vector<1x16xf32>,
      %broadcast_in_dim3A_74 = arith.constant 0.000000e+00 : f32
      %broadcast_in_dim3A_75 = vector.broadcast %broadcast_in_dim3A_74 : f32 to vector<16xf32>
      %swap3A_76 = arith.index_cast %scan3A_61 : i32 to index
      %swap3A_77 = arith.constant 32 : index
      %swap3A_78 = tpu.vector_load %arg8[%swap3A_76, %swap3A_77] {strides = array<i32>} : memref<80x128xf32, #tpu.memory_space<vmem>>, vector<1x16xf32>,
      %swap3A_79 = vector.shape_cast %swap3A_78 : vector<1x16xf32> to vector<16xf32>
      %swap3A_80 = vector.shape_cast %broadcast_in_dim3A_75 : vector<16xf32> to vector<1x16xf32>
      tpu.vector_store %arg8[%swap3A_76, %swap3A_77], %swap3A_80 {strides = array<i32>} : memref<80x128xf32, #tpu.memory_space<vmem>>, vector<1x16xf32>,
      %broadcast_in_dim3A_81 = arith.constant 0.000000e+00 : f32
      %broadcast_in_dim3A_82 = vector.broadcast %broadcast_in_dim3A_81 : f32 to vector<16xf32>
      %swap3A_83 = arith.index_cast %scan3A_61 : i32 to index
      %swap3A_84 = arith.constant 48 : index
      %swap3A_85 = tpu.vector_load %arg8[%swap3A_83, %swap3A_84] {strides = array<i32>} : memref<80x128xf32, #tpu.memory_space<vmem>>, vector<1x16xf32>,
      %swap3A_86 = vector.shape_cast %swap3A_85 : vector<1x16xf32> to vector<16xf32>
      %swap3A_87 = vector.shape_cast %broadcast_in_dim3A_82 : vector<16xf32> to vector<1x16xf32>
      tpu.vector_store %arg8[%swap3A_83, %swap3A_84], %swap3A_87 {strides = array<i32>} : memref<80x128xf32, #tpu.memory_space<vmem>>, vector<1x16xf32>,
      %broadcast_in_dim3A_88 = arith.constant 0.000000e+00 : f32
      %broadcast_in_dim3A_89 = vector.broadcast %broadcast_in_dim3A_88 : f32 to vector<16xf32>
      %swap3A_90 = arith.index_cast %scan3A_61 : i32 to index
      %swap3A_91 = arith.constant 64 : index
      %swap3A_92 = tpu.vector_load %arg8[%swap3A_90, %swap3A_91] {strides = array<i32>} : memref<80x128xf32, #tpu.memory_space<vmem>>, vector<1x16xf32>,
      %swap3A_93 = vector.shape_cast %swap3A_92 : vector<1x16xf32> to vector<16xf32>
      %swap3A_94 = vector.shape_cast %broadcast_in_dim3A_89 : vector<16xf32> to vector<1x16xf32>
      tpu.vector_store %arg8[%swap3A_90, %swap3A_91], %swap3A_94 {strides = array<i32>} : memref<80x128xf32, #tpu.memory_space<vmem>>, vector<1x16xf32>,
      %broadcast_in_dim3A_95 = arith.constant 0.000000e+00 : f32
      %broadcast_in_dim3A_96 = vector.broadcast %broadcast_in_dim3A_95 : f32 to vector<16xf32>
      %swap3A_97 = arith.index_cast %scan3A_61 : i32 to index
      %swap3A_98 = arith.constant 80 : index
      %swap3A_99 = tpu.vector_load %arg8[%swap3A_97, %swap3A_98] {strides = array<i32>} : memref<80x128xf32, #tpu.memory_space<vmem>>, vector<1x16xf32>,
      %swap3A_100 = vector.shape_cast %swap3A_99 : vector<1x16xf32> to vector<16xf32>
      %swap3A_101 = vector.shape_cast %broadcast_in_dim3A_96 : vector<16xf32> to vector<1x16xf32>
      tpu.vector_store %arg8[%swap3A_97, %swap3A_98], %swap3A_101 {strides = array<i32>} : memref<80x128xf32, #tpu.memory_space<vmem>>, vector<1x16xf32>,
      %broadcast_in_dim3A_102 = arith.constant 0.000000e+00 : f32
      %broadcast_in_dim3A_103 = vector.broadcast %broadcast_in_dim3A_102 : f32 to vector<16xf32>
      %swap3A_104 = arith.index_cast %scan3A_61 : i32 to index
      %swap3A_105 = arith.constant 96 : index
      %swap3A_106 = tpu.vector_load %arg8[%swap3A_104, %swap3A_105] {strides = array<i32>} : memref<80x128xf32, #tpu.memory_space<vmem>>, vector<1x16xf32>,
      %swap3A_107 = vector.shape_cast %swap3A_106 : vector<1x16xf32> to vector<16xf32>
      %swap3A_108 = vector.shape_cast %broadcast_in_dim3A_103 : vector<16xf32> to vector<1x16xf32>
      tpu.vector_store %arg8[%swap3A_104, %swap3A_105], %swap3A_108 {strides = array<i32>} : memref<80x128xf32, #tpu.memory_space<vmem>>, vector<1x16xf32>,
      %broadcast_in_dim3A_109 = arith.constant 0.000000e+00 : f32
      %broadcast_in_dim3A_110 = vector.broadcast %broadcast_in_dim3A_109 : f32 to vector<16xf32>
      %swap3A_111 = arith.index_cast %scan3A_61 : i32 to index
      %swap3A_112 = arith.constant 112 : index
      %swap3A_113 = tpu.vector_load %arg8[%swap3A_111, %swap3A_112] {strides = array<i32>} : memref<80x128xf32, #tpu.memory_space<vmem>>, vector<1x16xf32>,
      %swap3A_114 = vector.shape_cast %swap3A_113 : vector<1x16xf32> to vector<16xf32>
      %swap3A_115 = vector.shape_cast %broadcast_in_dim3A_110 : vector<16xf32> to vector<1x16xf32>
      tpu.vector_store %arg8[%swap3A_111, %swap3A_112], %swap3A_115 {strides = array<i32>} : memref<80x128xf32, #tpu.memory_space<vmem>>, vector<1x16xf32>,
    }
    %scan3A_5 = arith.constant 80 : i32
    %lt3A = arith.constant 2 : i32
    %lt3A_6 = arith.cmpi slt, %arg1, %lt3A : i32
    %convert_element_type3A = arith.extui %lt3A_6 : i1 to i32
    %cond3A = arith.constant 0 : i32
    %cond3A_7 = arith.cmpi ne, %convert_element_type3A, %cond3A : i32
    scf.if %cond3A_7 {
      %mul3A_61 = arith.constant 632 : i32
      %mul3A_62 = arith.muli %arg1, %mul3A_61 : i32
      %multiple_of3A = tpu.assume_multiple %mul3A_62, 8 : i32
      %add3A_63 = arith.constant 0 : i32
      %add3A_64 = arith.addi %multiple_of3A, %add3A_63 : i32
      "tpu.region"() ({
        %run_scoped3A = tpu.sem_alloc : memref<!tpu.dma_semaphore, #tpu.memory_space<semaphore_mem>>
        %dma_start3A_79 = arith.constant 0 : i32
        %dma_start3A_80 = tpu.memref_slice %arg14[%add3A_64, %dma_start3A_79] : memref<10000x128xf32, #tpu.memory_space<vmem_shared>> -> memref<80x128xf32, #tpu.memory_space<vmem_shared>>
        %dma_start3A_81 = arith.constant 0 : i32
        %dma_start3A_82 = tpu.memref_slice %arg14[%add3A_64, %dma_start3A_81] : memref<10000x128xf32, #tpu.memory_space<vmem_shared>> -> memref<80x128xf32, #tpu.memory_space<vmem_shared>>
        tpu.enqueue_dma source(%arg8 : memref<80x128xf32, #tpu.memory_space<vmem>>) target(%dma_start3A_82 : memref<80x128xf32, #tpu.memory_space<vmem_shared>>) target_semaphore(%run_scoped3A : memref<!tpu.dma_semaphore, #tpu.memory_space<semaphore_mem>>)
        %dma_wait3A_83 = arith.constant 0 : i32
        %dma_wait3A_84 = tpu.memref_slice %arg14[%add3A_64, %dma_wait3A_83] : memref<10000x128xf32, #tpu.memory_space<vmem_shared>> -> memref<80x128xf32, #tpu.memory_space<vmem_shared>>
        %dma_wait3A_85 = arith.constant 0 : i32
        %dma_wait3A_86 = tpu.memref_slice %arg14[%add3A_64, %dma_wait3A_85] : memref<10000x128xf32, #tpu.memory_space<vmem_shared>> -> memref<80x128xf32, #tpu.memory_space<vmem_shared>>
        tpu.wait_dma2 semaphore(%run_scoped3A : memref<!tpu.dma_semaphore, #tpu.memory_space<semaphore_mem>>) src(%arg8 : memref<80x128xf32, #tpu.memory_space<vmem>>) dst(%dma_wait3A_86 : memref<80x128xf32, #tpu.memory_space<vmem_shared>>)
        tpu.yield
      }) : () -> ()
      %add3A_65 = arith.constant 80 : i32
      %add3A_66 = arith.addi %multiple_of3A, %add3A_65 : i32
      "tpu.region"() ({
        %run_scoped3A = tpu.sem_alloc : memref<!tpu.dma_semaphore, #tpu.memory_space<semaphore_mem>>
        %dma_start3A_79 = arith.constant 0 : i32
        %dma_start3A_80 = tpu.memref_slice %arg14[%add3A_66, %dma_start3A_79] : memref<10000x128xf32, #tpu.memory_space<vmem_shared>> -> memref<80x128xf32, #tpu.memory_space<vmem_shared>>
        %dma_start3A_81 = arith.constant 0 : i32
        %dma_start3A_82 = tpu.memref_slice %arg14[%add3A_66, %dma_start3A_81] : memref<10000x128xf32, #tpu.memory_space<vmem_shared>> -> memref<80x128xf32, #tpu.memory_space<vmem_shared>>
        tpu.enqueue_dma source(%arg8 : memref<80x128xf32, #tpu.memory_space<vmem>>) target(%dma_start3A_82 : memref<80x128xf32, #tpu.memory_space<vmem_shared>>) target_semaphore(%run_scoped3A : memref<!tpu.dma_semaphore, #tpu.memory_space<semaphore_mem>>)
        %dma_wait3A_83 = arith.constant 0 : i32
        %dma_wait3A_84 = tpu.memref_slice %arg14[%add3A_66, %dma_wait3A_83] : memref<10000x128xf32, #tpu.memory_space<vmem_shared>> -> memref<80x128xf32, #tpu.memory_space<vmem_shared>>
        %dma_wait3A_85 = arith.constant 0 : i32
        %dma_wait3A_86 = tpu.memref_slice %arg14[%add3A_66, %dma_wait3A_85] : memref<10000x128xf32, #tpu.memory_space<vmem_shared>> -> memref<80x128xf32, #tpu.memory_space<vmem_shared>>
        tpu.wait_dma2 semaphore(%run_scoped3A : memref<!tpu.dma_semaphore, #tpu.memory_space<semaphore_mem>>) src(%arg8 : memref<80x128xf32, #tpu.memory_space<vmem>>) dst(%dma_wait3A_86 : memref<80x128xf32, #tpu.memory_space<vmem_shared>>)
        tpu.yield
      }) : () -> ()
      %add3A_67 = arith.constant 160 : i32
      %add3A_68 = arith.addi %multiple_of3A, %add3A_67 : i32
      "tpu.region"() ({
        %run_scoped3A = tpu.sem_alloc : memref<!tpu.dma_semaphore, #tpu.memory_space<semaphore_mem>>
        %dma_start3A_79 = arith.constant 0 : i32
        %dma_start3A_80 = tpu.memref_slice %arg14[%add3A_68, %dma_start3A_79] : memref<10000x128xf32, #tpu.memory_space<vmem_shared>> -> memref<80x128xf32, #tpu.memory_space<vmem_shared>>
        %dma_start3A_81 = arith.constant 0 : i32
        %dma_start3A_82 = tpu.memref_slice %arg14[%add3A_68, %dma_start3A_81] : memref<10000x128xf32, #tpu.memory_space<vmem_shared>> -> memref<80x128xf32, #tpu.memory_space<vmem_shared>>
        tpu.enqueue_dma source(%arg8 : memref<80x128xf32, #tpu.memory_space<vmem>>) target(%dma_start3A_82 : memref<80x128xf32, #tpu.memory_space<vmem_shared>>) target_semaphore(%run_scoped3A : memref<!tpu.dma_semaphore, #tpu.memory_space<semaphore_mem>>)
        %dma_wait3A_83 = arith.constant 0 : i32
        %dma_wait3A_84 = tpu.memref_slice %arg14[%add3A_68, %dma_wait3A_83] : memref<10000x128xf32, #tpu.memory_space<vmem_shared>> -> memref<80x128xf32, #tpu.memory_space<vmem_shared>>
        %dma_wait3A_85 = arith.constant 0 : i32
        %dma_wait3A_86 = tpu.memref_slice %arg14[%add3A_68, %dma_wait3A_85] : memref<10000x128xf32, #tpu.memory_space<vmem_shared>> -> memref<80x128xf32, #tpu.memory_space<vmem_shared>>
        tpu.wait_dma2 semaphore(%run_scoped3A : memref<!tpu.dma_semaphore, #tpu.memory_space<semaphore_mem>>) src(%arg8 : memref<80x128xf32, #tpu.memory_space<vmem>>) dst(%dma_wait3A_86 : memref<80x128xf32, #tpu.memory_space<vmem_shared>>)
        tpu.yield
      }) : () -> ()
      %add3A_69 = arith.constant 240 : i32
      %add3A_70 = arith.addi %multiple_of3A, %add3A_69 : i32
      "tpu.region"() ({
        %run_scoped3A = tpu.sem_alloc : memref<!tpu.dma_semaphore, #tpu.memory_space<semaphore_mem>>
        %dma_start3A_79 = arith.constant 0 : i32
        %dma_start3A_80 = tpu.memref_slice %arg14[%add3A_70, %dma_start3A_79] : memref<10000x128xf32, #tpu.memory_space<vmem_shared>> -> memref<80x128xf32, #tpu.memory_space<vmem_shared>>
        %dma_start3A_81 = arith.constant 0 : i32
        %dma_start3A_82 = tpu.memref_slice %arg14[%add3A_70, %dma_start3A_81] : memref<10000x128xf32, #tpu.memory_space<vmem_shared>> -> memref<80x128xf32, #tpu.memory_space<vmem_shared>>
        tpu.enqueue_dma source(%arg8 : memref<80x128xf32, #tpu.memory_space<vmem>>) target(%dma_start3A_82 : memref<80x128xf32, #tpu.memory_space<vmem_shared>>) target_semaphore(%run_scoped3A : memref<!tpu.dma_semaphore, #tpu.memory_space<semaphore_mem>>)
        %dma_wait3A_83 = arith.constant 0 : i32
        %dma_wait3A_84 = tpu.memref_slice %arg14[%add3A_70, %dma_wait3A_83] : memref<10000x128xf32, #tpu.memory_space<vmem_shared>> -> memref<80x128xf32, #tpu.memory_space<vmem_shared>>
        %dma_wait3A_85 = arith.constant 0 : i32
        %dma_wait3A_86 = tpu.memref_slice %arg14[%add3A_70, %dma_wait3A_85] : memref<10000x128xf32, #tpu.memory_space<vmem_shared>> -> memref<80x128xf32, #tpu.memory_space<vmem_shared>>
        tpu.wait_dma2 semaphore(%run_scoped3A : memref<!tpu.dma_semaphore, #tpu.memory_space<semaphore_mem>>) src(%arg8 : memref<80x128xf32, #tpu.memory_space<vmem>>) dst(%dma_wait3A_86 : memref<80x128xf32, #tpu.memory_space<vmem_shared>>)
        tpu.yield
      }) : () -> ()
      %add3A_71 = arith.constant 320 : i32
      %add3A_72 = arith.addi %multiple_of3A, %add3A_71 : i32
      "tpu.region"() ({
        %run_scoped3A = tpu.sem_alloc : memref<!tpu.dma_semaphore, #tpu.memory_space<semaphore_mem>>
        %dma_start3A_79 = arith.constant 0 : i32
        %dma_start3A_80 = tpu.memref_slice %arg14[%add3A_72, %dma_start3A_79] : memref<10000x128xf32, #tpu.memory_space<vmem_shared>> -> memref<80x128xf32, #tpu.memory_space<vmem_shared>>
        %dma_start3A_81 = arith.constant 0 : i32
        %dma_start3A_82 = tpu.memref_slice %arg14[%add3A_72, %dma_start3A_81] : memref<10000x128xf32, #tpu.memory_space<vmem_shared>> -> memref<80x128xf32, #tpu.memory_space<vmem_shared>>
        tpu.enqueue_dma source(%arg8 : memref<80x128xf32, #tpu.memory_space<vmem>>) target(%dma_start3A_82 : memref<80x128xf32, #tpu.memory_space<vmem_shared>>) target_semaphore(%run_scoped3A : memref<!tpu.dma_semaphore, #tpu.memory_space<semaphore_mem>>)
        %dma_wait3A_83 = arith.constant 0 : i32
        %dma_wait3A_84 = tpu.memref_slice %arg14[%add3A_72, %dma_wait3A_83] : memref<10000x128xf32, #tpu.memory_space<vmem_shared>> -> memref<80x128xf32, #tpu.memory_space<vmem_shared>>
        %dma_wait3A_85 = arith.constant 0 : i32
        %dma_wait3A_86 = tpu.memref_slice %arg14[%add3A_72, %dma_wait3A_85] : memref<10000x128xf32, #tpu.memory_space<vmem_shared>> -> memref<80x128xf32, #tpu.memory_space<vmem_shared>>
        tpu.wait_dma2 semaphore(%run_scoped3A : memref<!tpu.dma_semaphore, #tpu.memory_space<semaphore_mem>>) src(%arg8 : memref<80x128xf32, #tpu.memory_space<vmem>>) dst(%dma_wait3A_86 : memref<80x128xf32, #tpu.memory_space<vmem_shared>>)
        tpu.yield
      }) : () -> ()
      %add3A_73 = arith.constant 400 : i32
      %add3A_74 = arith.addi %multiple_of3A, %add3A_73 : i32
      "tpu.region"() ({
        %run_scoped3A = tpu.sem_alloc : memref<!tpu.dma_semaphore, #tpu.memory_space<semaphore_mem>>
        %dma_start3A_79 = arith.constant 0 : i32
        %dma_start3A_80 = tpu.memref_slice %arg14[%add3A_74, %dma_start3A_79] : memref<10000x128xf32, #tpu.memory_space<vmem_shared>> -> memref<80x128xf32, #tpu.memory_space<vmem_shared>>
        %dma_start3A_81 = arith.constant 0 : i32
        %dma_start3A_82 = tpu.memref_slice %arg14[%add3A_74, %dma_start3A_81] : memref<10000x128xf32, #tpu.memory_space<vmem_shared>> -> memref<80x128xf32, #tpu.memory_space<vmem_shared>>
        tpu.enqueue_dma source(%arg8 : memref<80x128xf32, #tpu.memory_space<vmem>>) target(%dma_start3A_82 : memref<80x128xf32, #tpu.memory_space<vmem_shared>>) target_semaphore(%run_scoped3A : memref<!tpu.dma_semaphore, #tpu.memory_space<semaphore_mem>>)
        %dma_wait3A_83 = arith.constant 0 : i32
        %dma_wait3A_84 = tpu.memref_slice %arg14[%add3A_74, %dma_wait3A_83] : memref<10000x128xf32, #tpu.memory_space<vmem_shared>> -> memref<80x128xf32, #tpu.memory_space<vmem_shared>>
        %dma_wait3A_85 = arith.constant 0 : i32
        %dma_wait3A_86 = tpu.memref_slice %arg14[%add3A_74, %dma_wait3A_85] : memref<10000x128xf32, #tpu.memory_space<vmem_shared>> -> memref<80x128xf32, #tpu.memory_space<vmem_shared>>
        tpu.wait_dma2 semaphore(%run_scoped3A : memref<!tpu.dma_semaphore, #tpu.memory_space<semaphore_mem>>) src(%arg8 : memref<80x128xf32, #tpu.memory_space<vmem>>) dst(%dma_wait3A_86 : memref<80x128xf32, #tpu.memory_space<vmem_shared>>)
        tpu.yield
      }) : () -> ()
      %add3A_75 = arith.constant 480 : i32
      %add3A_76 = arith.addi %multiple_of3A, %add3A_75 : i32
      "tpu.region"() ({
        %run_scoped3A = tpu.sem_alloc : memref<!tpu.dma_semaphore, #tpu.memory_space<semaphore_mem>>
        %dma_start3A_79 = arith.constant 0 : i32
        %dma_start3A_80 = tpu.memref_slice %arg14[%add3A_76, %dma_start3A_79] : memref<10000x128xf32, #tpu.memory_space<vmem_shared>> -> memref<80x128xf32, #tpu.memory_space<vmem_shared>>
        %dma_start3A_81 = arith.constant 0 : i32
        %dma_start3A_82 = tpu.memref_slice %arg14[%add3A_76, %dma_start3A_81] : memref<10000x128xf32, #tpu.memory_space<vmem_shared>> -> memref<80x128xf32, #tpu.memory_space<vmem_shared>>
        tpu.enqueue_dma source(%arg8 : memref<80x128xf32, #tpu.memory_space<vmem>>) target(%dma_start3A_82 : memref<80x128xf32, #tpu.memory_space<vmem_shared>>) target_semaphore(%run_scoped3A : memref<!tpu.dma_semaphore, #tpu.memory_space<semaphore_mem>>)
        %dma_wait3A_83 = arith.constant 0 : i32
        %dma_wait3A_84 = tpu.memref_slice %arg14[%add3A_76, %dma_wait3A_83] : memref<10000x128xf32, #tpu.memory_space<vmem_shared>> -> memref<80x128xf32, #tpu.memory_space<vmem_shared>>
        %dma_wait3A_85 = arith.constant 0 : i32
        %dma_wait3A_86 = tpu.memref_slice %arg14[%add3A_76, %dma_wait3A_85] : memref<10000x128xf32, #tpu.memory_space<vmem_shared>> -> memref<80x128xf32, #tpu.memory_space<vmem_shared>>
        tpu.wait_dma2 semaphore(%run_scoped3A : memref<!tpu.dma_semaphore, #tpu.memory_space<semaphore_mem>>) src(%arg8 : memref<80x128xf32, #tpu.memory_space<vmem>>) dst(%dma_wait3A_86 : memref<80x128xf32, #tpu.memory_space<vmem_shared>>)
        tpu.yield
      }) : () -> ()
      %add3A_77 = arith.constant 560 : i32
      %add3A_78 = arith.addi %multiple_of3A, %add3A_77 : i32
      "tpu.region"() ({
        %run_scoped3A = tpu.sem_alloc : memref<!tpu.dma_semaphore, #tpu.memory_space<semaphore_mem>>
        %dma_start3A_79 = arith.constant 0 : i32
        %dma_start3A_80 = arith.constant 0 : i32
        %dma_start3A_81 = tpu.memref_slice %arg8[%dma_start3A_79, %dma_start3A_80] : memref<80x128xf32, #tpu.memory_space<vmem>> -> memref<72x128xf32, #tpu.memory_space<vmem>>
        %dma_start3A_82 = arith.constant 0 : i32
        %dma_start3A_83 = tpu.memref_slice %arg14[%add3A_78, %dma_start3A_82] : memref<10000x128xf32, #tpu.memory_space<vmem_shared>> -> memref<72x128xf32, #tpu.memory_space<vmem_shared>>
        %dma_start3A_84 = arith.constant 0 : i32
        %dma_start3A_85 = tpu.memref_slice %arg14[%add3A_78, %dma_start3A_84] : memref<10000x128xf32, #tpu.memory_space<vmem_shared>> -> memref<72x128xf32, #tpu.memory_space<vmem_shared>>
        %dma_start3A_86 = arith.constant 0 : i32
        %dma_start3A_87 = arith.constant 0 : i32
        %dma_start3A_88 = tpu.memref_slice %arg8[%dma_start3A_86, %dma_start3A_87] : memref<80x128xf32, #tpu.memory_space<vmem>> -> memref<72x128xf32, #tpu.memory_space<vmem>>
        tpu.enqueue_dma source(%dma_start3A_88 : memref<72x128xf32, #tpu.memory_space<vmem>>) target(%dma_start3A_85 : memref<72x128xf32, #tpu.memory_space<vmem_shared>>) target_semaphore(%run_scoped3A : memref<!tpu.dma_semaphore, #tpu.memory_space<semaphore_mem>>)
        %dma_wait3A_89 = arith.constant 0 : i32
        %dma_wait3A_90 = arith.constant 0 : i32
        %dma_wait3A_91 = tpu.memref_slice %arg8[%dma_wait3A_89, %dma_wait3A_90] : memref<80x128xf32, #tpu.memory_space<vmem>> -> memref<72x128xf32, #tpu.memory_space<vmem>>
        %dma_wait3A_92 = arith.constant 0 : i32
        %dma_wait3A_93 = tpu.memref_slice %arg14[%add3A_78, %dma_wait3A_92] : memref<10000x128xf32, #tpu.memory_space<vmem_shared>> -> memref<72x128xf32, #tpu.memory_space<vmem_shared>>
        %dma_wait3A_94 = arith.constant 0 : i32
        %dma_wait3A_95 = tpu.memref_slice %arg14[%add3A_78, %dma_wait3A_94] : memref<10000x128xf32, #tpu.memory_space<vmem_shared>> -> memref<72x128xf32, #tpu.memory_space<vmem_shared>>
        %dma_wait3A_96 = arith.constant 0 : i32
        %dma_wait3A_97 = arith.constant 0 : i32
        %dma_wait3A_98 = tpu.memref_slice %arg8[%dma_wait3A_96, %dma_wait3A_97] : memref<80x128xf32, #tpu.memory_space<vmem>> -> memref<72x128xf32, #tpu.memory_space<vmem>>
        tpu.wait_dma2 semaphore(%run_scoped3A : memref<!tpu.dma_semaphore, #tpu.memory_space<semaphore_mem>>) src(%dma_wait3A_98 : memref<72x128xf32, #tpu.memory_space<vmem>>) dst(%dma_wait3A_95 : memref<72x128xf32, #tpu.memory_space<vmem_shared>>)
        tpu.yield
      }) : () -> ()
    } else {
    }
    %ge3A = arith.constant 2 : i32
    %ge3A_8 = arith.cmpi sge, %arg1, %ge3A : i32
    %convert_element_type3A_9 = arith.extui %ge3A_8 : i1 to i32
    %cond3A_10 = arith.constant 0 : i32
    %cond3A_11 = arith.cmpi ne, %convert_element_type3A_9, %cond3A_10 : i32
    scf.if %cond3A_11 {
      %sub3A = arith.constant 2 : i32
      %sub3A_61 = arith.subi %arg1, %sub3A : i32
      %mul3A_62 = arith.constant 624 : i32
      %mul3A_63 = arith.muli %sub3A_61, %mul3A_62 : i32
      %add3A_64 = arith.constant 1264 : i32
      %add3A_65 = arith.addi %add3A_64, %mul3A_63 : i32
      %multiple_of3A = tpu.assume_multiple %add3A_65, 8 : i32
      %add3A_66 = arith.constant 0 : i32
      %add3A_67 = arith.addi %multiple_of3A, %add3A_66 : i32
      "tpu.region"() ({
        %run_scoped3A = tpu.sem_alloc : memref<!tpu.dma_semaphore, #tpu.memory_space<semaphore_mem>>
        %dma_start3A_82 = arith.constant 0 : i32
        %dma_start3A_83 = tpu.memref_slice %arg14[%add3A_67, %dma_start3A_82] : memref<10000x128xf32, #tpu.memory_space<vmem_shared>> -> memref<80x128xf32, #tpu.memory_space<vmem_shared>>
        %dma_start3A_84 = arith.constant 0 : i32
        %dma_start3A_85 = tpu.memref_slice %arg14[%add3A_67, %dma_start3A_84] : memref<10000x128xf32, #tpu.memory_space<vmem_shared>> -> memref<80x128xf32, #tpu.memory_space<vmem_shared>>
        tpu.enqueue_dma source(%arg8 : memref<80x128xf32, #tpu.memory_space<vmem>>) target(%dma_start3A_85 : memref<80x128xf32, #tpu.memory_space<vmem_shared>>) target_semaphore(%run_scoped3A : memref<!tpu.dma_semaphore, #tpu.memory_space<semaphore_mem>>)
        %dma_wait3A_86 = arith.constant 0 : i32
        %dma_wait3A_87 = tpu.memref_slice %arg14[%add3A_67, %dma_wait3A_86] : memref<10000x128xf32, #tpu.memory_space<vmem_shared>> -> memref<80x128xf32, #tpu.memory_space<vmem_shared>>
        %dma_wait3A_88 = arith.constant 0 : i32
        %dma_wait3A_89 = tpu.memref_slice %arg14[%add3A_67, %dma_wait3A_88] : memref<10000x128xf32, #tpu.memory_space<vmem_shared>> -> memref<80x128xf32, #tpu.memory_space<vmem_shared>>
        tpu.wait_dma2 semaphore(%run_scoped3A : memref<!tpu.dma_semaphore, #tpu.memory_space<semaphore_mem>>) src(%arg8 : memref<80x128xf32, #tpu.memory_space<vmem>>) dst(%dma_wait3A_89 : memref<80x128xf32, #tpu.memory_space<vmem_shared>>)
        tpu.yield
      }) : () -> ()
      %add3A_68 = arith.constant 80 : i32
      %add3A_69 = arith.addi %multiple_of3A, %add3A_68 : i32
      "tpu.region"() ({
        %run_scoped3A = tpu.sem_alloc : memref<!tpu.dma_semaphore, #tpu.memory_space<semaphore_mem>>
        %dma_start3A_82 = arith.constant 0 : i32
        %dma_start3A_83 = tpu.memref_slice %arg14[%add3A_69, %dma_start3A_82] : memref<10000x128xf32, #tpu.memory_space<vmem_shared>> -> memref<80x128xf32, #tpu.memory_space<vmem_shared>>
        %dma_start3A_84 = arith.constant 0 : i32
        %dma_start3A_85 = tpu.memref_slice %arg14[%add3A_69, %dma_start3A_84] : memref<10000x128xf32, #tpu.memory_space<vmem_shared>> -> memref<80x128xf32, #tpu.memory_space<vmem_shared>>
        tpu.enqueue_dma source(%arg8 : memref<80x128xf32, #tpu.memory_space<vmem>>) target(%dma_start3A_85 : memref<80x128xf32, #tpu.memory_space<vmem_shared>>) target_semaphore(%run_scoped3A : memref<!tpu.dma_semaphore, #tpu.memory_space<semaphore_mem>>)
        %dma_wait3A_86 = arith.constant 0 : i32
        %dma_wait3A_87 = tpu.memref_slice %arg14[%add3A_69, %dma_wait3A_86] : memref<10000x128xf32, #tpu.memory_space<vmem_shared>> -> memref<80x128xf32, #tpu.memory_space<vmem_shared>>
        %dma_wait3A_88 = arith.constant 0 : i32
        %dma_wait3A_89 = tpu.memref_slice %arg14[%add3A_69, %dma_wait3A_88] : memref<10000x128xf32, #tpu.memory_space<vmem_shared>> -> memref<80x128xf32, #tpu.memory_space<vmem_shared>>
        tpu.wait_dma2 semaphore(%run_scoped3A : memref<!tpu.dma_semaphore, #tpu.memory_space<semaphore_mem>>) src(%arg8 : memref<80x128xf32, #tpu.memory_space<vmem>>) dst(%dma_wait3A_89 : memref<80x128xf32, #tpu.memory_space<vmem_shared>>)
        tpu.yield
      }) : () -> ()
      %add3A_70 = arith.constant 160 : i32
      %add3A_71 = arith.addi %multiple_of3A, %add3A_70 : i32
      "tpu.region"() ({
        %run_scoped3A = tpu.sem_alloc : memref<!tpu.dma_semaphore, #tpu.memory_space<semaphore_mem>>
        %dma_start3A_82 = arith.constant 0 : i32
        %dma_start3A_83 = tpu.memref_slice %arg14[%add3A_71, %dma_start3A_82] : memref<10000x128xf32, #tpu.memory_space<vmem_shared>> -> memref<80x128xf32, #tpu.memory_space<vmem_shared>>
        %dma_start3A_84 = arith.constant 0 : i32
        %dma_start3A_85 = tpu.memref_slice %arg14[%add3A_71, %dma_start3A_84] : memref<10000x128xf32, #tpu.memory_space<vmem_shared>> -> memref<80x128xf32, #tpu.memory_space<vmem_shared>>
        tpu.enqueue_dma source(%arg8 : memref<80x128xf32, #tpu.memory_space<vmem>>) target(%dma_start3A_85 : memref<80x128xf32, #tpu.memory_space<vmem_shared>>) target_semaphore(%run_scoped3A : memref<!tpu.dma_semaphore, #tpu.memory_space<semaphore_mem>>)
        %dma_wait3A_86 = arith.constant 0 : i32
        %dma_wait3A_87 = tpu.memref_slice %arg14[%add3A_71, %dma_wait3A_86] : memref<10000x128xf32, #tpu.memory_space<vmem_shared>> -> memref<80x128xf32, #tpu.memory_space<vmem_shared>>
        %dma_wait3A_88 = arith.constant 0 : i32
        %dma_wait3A_89 = tpu.memref_slice %arg14[%add3A_71, %dma_wait3A_88] : memref<10000x128xf32, #tpu.memory_space<vmem_shared>> -> memref<80x128xf32, #tpu.memory_space<vmem_shared>>
        tpu.wait_dma2 semaphore(%run_scoped3A : memref<!tpu.dma_semaphore, #tpu.memory_space<semaphore_mem>>) src(%arg8 : memref<80x128xf32, #tpu.memory_space<vmem>>) dst(%dma_wait3A_89 : memref<80x128xf32, #tpu.memory_space<vmem_shared>>)
        tpu.yield
      }) : () -> ()
      %add3A_72 = arith.constant 240 : i32
      %add3A_73 = arith.addi %multiple_of3A, %add3A_72 : i32
      "tpu.region"() ({
        %run_scoped3A = tpu.sem_alloc : memref<!tpu.dma_semaphore, #tpu.memory_space<semaphore_mem>>
        %dma_start3A_82 = arith.constant 0 : i32
        %dma_start3A_83 = tpu.memref_slice %arg14[%add3A_73, %dma_start3A_82] : memref<10000x128xf32, #tpu.memory_space<vmem_shared>> -> memref<80x128xf32, #tpu.memory_space<vmem_shared>>
        %dma_start3A_84 = arith.constant 0 : i32
        %dma_start3A_85 = tpu.memref_slice %arg14[%add3A_73, %dma_start3A_84] : memref<10000x128xf32, #tpu.memory_space<vmem_shared>> -> memref<80x128xf32, #tpu.memory_space<vmem_shared>>
        tpu.enqueue_dma source(%arg8 : memref<80x128xf32, #tpu.memory_space<vmem>>) target(%dma_start3A_85 : memref<80x128xf32, #tpu.memory_space<vmem_shared>>) target_semaphore(%run_scoped3A : memref<!tpu.dma_semaphore, #tpu.memory_space<semaphore_mem>>)
        %dma_wait3A_86 = arith.constant 0 : i32
        %dma_wait3A_87 = tpu.memref_slice %arg14[%add3A_73, %dma_wait3A_86] : memref<10000x128xf32, #tpu.memory_space<vmem_shared>> -> memref<80x128xf32, #tpu.memory_space<vmem_shared>>
        %dma_wait3A_88 = arith.constant 0 : i32
        %dma_wait3A_89 = tpu.memref_slice %arg14[%add3A_73, %dma_wait3A_88] : memref<10000x128xf32, #tpu.memory_space<vmem_shared>> -> memref<80x128xf32, #tpu.memory_space<vmem_shared>>
        tpu.wait_dma2 semaphore(%run_scoped3A : memref<!tpu.dma_semaphore, #tpu.memory_space<semaphore_mem>>) src(%arg8 : memref<80x128xf32, #tpu.memory_space<vmem>>) dst(%dma_wait3A_89 : memref<80x128xf32, #tpu.memory_space<vmem_shared>>)
        tpu.yield
      }) : () -> ()
      %add3A_74 = arith.constant 320 : i32
      %add3A_75 = arith.addi %multiple_of3A, %add3A_74 : i32
      "tpu.region"() ({
        %run_scoped3A = tpu.sem_alloc : memref<!tpu.dma_semaphore, #tpu.memory_space<semaphore_mem>>
        %dma_start3A_82 = arith.constant 0 : i32
        %dma_start3A_83 = tpu.memref_slice %arg14[%add3A_75, %dma_start3A_82] : memref<10000x128xf32, #tpu.memory_space<vmem_shared>> -> memref<80x128xf32, #tpu.memory_space<vmem_shared>>
        %dma_start3A_84 = arith.constant 0 : i32
        %dma_start3A_85 = tpu.memref_slice %arg14[%add3A_75, %dma_start3A_84] : memref<10000x128xf32, #tpu.memory_space<vmem_shared>> -> memref<80x128xf32, #tpu.memory_space<vmem_shared>>
        tpu.enqueue_dma source(%arg8 : memref<80x128xf32, #tpu.memory_space<vmem>>) target(%dma_start3A_85 : memref<80x128xf32, #tpu.memory_space<vmem_shared>>) target_semaphore(%run_scoped3A : memref<!tpu.dma_semaphore, #tpu.memory_space<semaphore_mem>>)
        %dma_wait3A_86 = arith.constant 0 : i32
        %dma_wait3A_87 = tpu.memref_slice %arg14[%add3A_75, %dma_wait3A_86] : memref<10000x128xf32, #tpu.memory_space<vmem_shared>> -> memref<80x128xf32, #tpu.memory_space<vmem_shared>>
        %dma_wait3A_88 = arith.constant 0 : i32
        %dma_wait3A_89 = tpu.memref_slice %arg14[%add3A_75, %dma_wait3A_88] : memref<10000x128xf32, #tpu.memory_space<vmem_shared>> -> memref<80x128xf32, #tpu.memory_space<vmem_shared>>
        tpu.wait_dma2 semaphore(%run_scoped3A : memref<!tpu.dma_semaphore, #tpu.memory_space<semaphore_mem>>) src(%arg8 : memref<80x128xf32, #tpu.memory_space<vmem>>) dst(%dma_wait3A_89 : memref<80x128xf32, #tpu.memory_space<vmem_shared>>)
        tpu.yield
      }) : () -> ()
      %add3A_76 = arith.constant 400 : i32
      %add3A_77 = arith.addi %multiple_of3A, %add3A_76 : i32
      "tpu.region"() ({
        %run_scoped3A = tpu.sem_alloc : memref<!tpu.dma_semaphore, #tpu.memory_space<semaphore_mem>>
        %dma_start3A_82 = arith.constant 0 : i32
        %dma_start3A_83 = tpu.memref_slice %arg14[%add3A_77, %dma_start3A_82] : memref<10000x128xf32, #tpu.memory_space<vmem_shared>> -> memref<80x128xf32, #tpu.memory_space<vmem_shared>>
        %dma_start3A_84 = arith.constant 0 : i32
        %dma_start3A_85 = tpu.memref_slice %arg14[%add3A_77, %dma_start3A_84] : memref<10000x128xf32, #tpu.memory_space<vmem_shared>> -> memref<80x128xf32, #tpu.memory_space<vmem_shared>>
        tpu.enqueue_dma source(%arg8 : memref<80x128xf32, #tpu.memory_space<vmem>>) target(%dma_start3A_85 : memref<80x128xf32, #tpu.memory_space<vmem_shared>>) target_semaphore(%run_scoped3A : memref<!tpu.dma_semaphore, #tpu.memory_space<semaphore_mem>>)
        %dma_wait3A_86 = arith.constant 0 : i32
        %dma_wait3A_87 = tpu.memref_slice %arg14[%add3A_77, %dma_wait3A_86] : memref<10000x128xf32, #tpu.memory_space<vmem_shared>> -> memref<80x128xf32, #tpu.memory_space<vmem_shared>>
        %dma_wait3A_88 = arith.constant 0 : i32
        %dma_wait3A_89 = tpu.memref_slice %arg14[%add3A_77, %dma_wait3A_88] : memref<10000x128xf32, #tpu.memory_space<vmem_shared>> -> memref<80x128xf32, #tpu.memory_space<vmem_shared>>
        tpu.wait_dma2 semaphore(%run_scoped3A : memref<!tpu.dma_semaphore, #tpu.memory_space<semaphore_mem>>) src(%arg8 : memref<80x128xf32, #tpu.memory_space<vmem>>) dst(%dma_wait3A_89 : memref<80x128xf32, #tpu.memory_space<vmem_shared>>)
        tpu.yield
      }) : () -> ()
      %add3A_78 = arith.constant 480 : i32
      %add3A_79 = arith.addi %multiple_of3A, %add3A_78 : i32
      "tpu.region"() ({
        %run_scoped3A = tpu.sem_alloc : memref<!tpu.dma_semaphore, #tpu.memory_space<semaphore_mem>>
        %dma_start3A_82 = arith.constant 0 : i32
        %dma_start3A_83 = tpu.memref_slice %arg14[%add3A_79, %dma_start3A_82] : memref<10000x128xf32, #tpu.memory_space<vmem_shared>> -> memref<80x128xf32, #tpu.memory_space<vmem_shared>>
        %dma_start3A_84 = arith.constant 0 : i32
        %dma_start3A_85 = tpu.memref_slice %arg14[%add3A_79, %dma_start3A_84] : memref<10000x128xf32, #tpu.memory_space<vmem_shared>> -> memref<80x128xf32, #tpu.memory_space<vmem_shared>>
        tpu.enqueue_dma source(%arg8 : memref<80x128xf32, #tpu.memory_space<vmem>>) target(%dma_start3A_85 : memref<80x128xf32, #tpu.memory_space<vmem_shared>>) target_semaphore(%run_scoped3A : memref<!tpu.dma_semaphore, #tpu.memory_space<semaphore_mem>>)
        %dma_wait3A_86 = arith.constant 0 : i32
        %dma_wait3A_87 = tpu.memref_slice %arg14[%add3A_79, %dma_wait3A_86] : memref<10000x128xf32, #tpu.memory_space<vmem_shared>> -> memref<80x128xf32, #tpu.memory_space<vmem_shared>>
        %dma_wait3A_88 = arith.constant 0 : i32
        %dma_wait3A_89 = tpu.memref_slice %arg14[%add3A_79, %dma_wait3A_88] : memref<10000x128xf32, #tpu.memory_space<vmem_shared>> -> memref<80x128xf32, #tpu.memory_space<vmem_shared>>
        tpu.wait_dma2 semaphore(%run_scoped3A : memref<!tpu.dma_semaphore, #tpu.memory_space<semaphore_mem>>) src(%arg8 : memref<80x128xf32, #tpu.memory_space<vmem>>) dst(%dma_wait3A_89 : memref<80x128xf32, #tpu.memory_space<vmem_shared>>)
        tpu.yield
      }) : () -> ()
      %add3A_80 = arith.constant 560 : i32
      %add3A_81 = arith.addi %multiple_of3A, %add3A_80 : i32
      "tpu.region"() ({
        %run_scoped3A = tpu.sem_alloc : memref<!tpu.dma_semaphore, #tpu.memory_space<semaphore_mem>>
        %dma_start3A_82 = arith.constant 0 : i32
        %dma_start3A_83 = arith.constant 0 : i32
        %dma_start3A_84 = tpu.memref_slice %arg8[%dma_start3A_82, %dma_start3A_83] : memref<80x128xf32, #tpu.memory_space<vmem>> -> memref<64x128xf32, #tpu.memory_space<vmem>>
        %dma_start3A_85 = arith.constant 0 : i32
        %dma_start3A_86 = tpu.memref_slice %arg14[%add3A_81, %dma_start3A_85] : memref<10000x128xf32, #tpu.memory_space<vmem_shared>> -> memref<64x128xf32, #tpu.memory_space<vmem_shared>>
        %dma_start3A_87 = arith.constant 0 : i32
        %dma_start3A_88 = tpu.memref_slice %arg14[%add3A_81, %dma_start3A_87] : memref<10000x128xf32, #tpu.memory_space<vmem_shared>> -> memref<64x128xf32, #tpu.memory_space<vmem_shared>>
        %dma_start3A_89 = arith.constant 0 : i32
        %dma_start3A_90 = arith.constant 0 : i32
        %dma_start3A_91 = tpu.memref_slice %arg8[%dma_start3A_89, %dma_start3A_90] : memref<80x128xf32, #tpu.memory_space<vmem>> -> memref<64x128xf32, #tpu.memory_space<vmem>>
        tpu.enqueue_dma source(%dma_start3A_91 : memref<64x128xf32, #tpu.memory_space<vmem>>) target(%dma_start3A_88 : memref<64x128xf32, #tpu.memory_space<vmem_shared>>) target_semaphore(%run_scoped3A : memref<!tpu.dma_semaphore, #tpu.memory_space<semaphore_mem>>)
        %dma_wait3A_92 = arith.constant 0 : i32
        %dma_wait3A_93 = arith.constant 0 : i32
        %dma_wait3A_94 = tpu.memref_slice %arg8[%dma_wait3A_92, %dma_wait3A_93] : memref<80x128xf32, #tpu.memory_space<vmem>> -> memref<64x128xf32, #tpu.memory_space<vmem>>
        %dma_wait3A_95 = arith.constant 0 : i32
        %dma_wait3A_96 = tpu.memref_slice %arg14[%add3A_81, %dma_wait3A_95] : memref<10000x128xf32, #tpu.memory_space<vmem_shared>> -> memref<64x128xf32, #tpu.memory_space<vmem_shared>>
        %dma_wait3A_97 = arith.constant 0 : i32
        %dma_wait3A_98 = tpu.memref_slice %arg14[%add3A_81, %dma_wait3A_97] : memref<10000x128xf32, #tpu.memory_space<vmem_shared>> -> memref<64x128xf32, #tpu.memory_space<vmem_shared>>
        %dma_wait3A_99 = arith.constant 0 : i32
        %dma_wait3A_100 = arith.constant 0 : i32
        %dma_wait3A_101 = tpu.memref_slice %arg8[%dma_wait3A_99, %dma_wait3A_100] : memref<80x128xf32, #tpu.memory_space<vmem>> -> memref<64x128xf32, #tpu.memory_space<vmem>>
        tpu.wait_dma2 semaphore(%run_scoped3A : memref<!tpu.dma_semaphore, #tpu.memory_space<semaphore_mem>>) src(%dma_wait3A_101 : memref<64x128xf32, #tpu.memory_space<vmem>>) dst(%dma_wait3A_98 : memref<64x128xf32, #tpu.memory_space<vmem_shared>>)
        tpu.yield
      }) : () -> ()
    } else {
    }
    %barrier3A = arith.constant 0 : index
    tpu.barrier barrier_id(%barrier3A)
    %mul3A_12 = arith.constant 10000 : i32
    %mul3A_13 = arith.muli %add3A, %mul3A_12 : i32
    %add3A_14 = arith.constant 0 : i32
    %add3A_15 = arith.addi %mul3A_13, %add3A_14 : i32
    %dma_start3A = tpu.memref_slice %arg3[%add3A_15] : memref<320000xi32, #tpu.memory_space<hbm>> -> memref<80xi32, #tpu.memory_space<hbm>>
    %dma_start3A_16 = tpu.memref_slice %arg3[%add3A_15] : memref<320000xi32, #tpu.memory_space<hbm>> -> memref<80xi32, #tpu.memory_space<hbm>>
    tpu.enqueue_dma source(%dma_start3A_16 : memref<80xi32, #tpu.memory_space<hbm>>) target(%arg6 : memref<80xi32, #tpu.memory_space<vmem>>) target_semaphore(%arg15 : memref<!tpu.dma_semaphore, #tpu.memory_space<semaphore_mem>>)
    %dma_start3A_17 = tpu.memref_slice %arg4[%add3A_15] : memref<320000xi32, #tpu.memory_space<hbm>> -> memref<80xi32, #tpu.memory_space<hbm>>
    %dma_start3A_18 = tpu.memref_slice %arg4[%add3A_15] : memref<320000xi32, #tpu.memory_space<hbm>> -> memref<80xi32, #tpu.memory_space<hbm>>
    tpu.enqueue_dma source(%dma_start3A_18 : memref<80xi32, #tpu.memory_space<hbm>>) target(%arg7 : memref<80xi32, #tpu.memory_space<vmem>>) target_semaphore(%arg15 : memref<!tpu.dma_semaphore, #tpu.memory_space<semaphore_mem>>)
    %dma_wait3A = arith.constant 0 : i32
    %dma_wait3A_19 = tpu.memref_slice %arg3[%dma_wait3A] : memref<320000xi32, #tpu.memory_space<hbm>> -> memref<80xi32, #tpu.memory_space<hbm>>
    %dma_wait3A_20 = arith.constant 0 : i32
    %dma_wait3A_21 = tpu.memref_slice %arg3[%dma_wait3A_20] : memref<320000xi32, #tpu.memory_space<hbm>> -> memref<80xi32, #tpu.memory_space<hbm>>
    tpu.wait_dma2 semaphore(%arg15 : memref<!tpu.dma_semaphore, #tpu.memory_space<semaphore_mem>>) src(%dma_wait3A_21 : memref<80xi32, #tpu.memory_space<hbm>>) dst(%arg6 : memref<80xi32, #tpu.memory_space<vmem>>)
    %dma_wait3A_22 = arith.constant 0 : i32
    %dma_wait3A_23 = tpu.memref_slice %arg4[%dma_wait3A_22] : memref<320000xi32, #tpu.memory_space<hbm>> -> memref<80xi32, #tpu.memory_space<hbm>>
    %dma_wait3A_24 = arith.constant 0 : i32
    %dma_wait3A_25 = tpu.memref_slice %arg4[%dma_wait3A_24] : memref<320000xi32, #tpu.memory_space<hbm>> -> memref<80xi32, #tpu.memory_space<hbm>>
    tpu.wait_dma2 semaphore(%arg15 : memref<!tpu.dma_semaphore, #tpu.memory_space<semaphore_mem>>) src(%dma_wait3A_25 : memref<80xi32, #tpu.memory_space<hbm>>) dst(%arg7 : memref<80xi32, #tpu.memory_space<vmem>>)
    %dma_start3A_26 = arith.constant 0 : i32
    %dma_start3A_27 = arith.constant 0 : i32
    %dma_start3A_28 = tpu.memref_slice %arg2[%dma_start3A_26, %dma_start3A_27] : memref<10000x128xf32, #tpu.memory_space<hbm>> -> memref<10000x128xf32, #tpu.memory_space<hbm>>
    tpu.enqueue_indirect_dma source(%dma_start3A_28 : memref<10000x128xf32, #tpu.memory_space<hbm>>) target(%arg8 : memref<80x128xf32, #tpu.memory_space<vmem>>) offsets(%arg6 : memref<80xi32, #tpu.memory_space<vmem>>) semaphore(%arg17 : memref<!tpu.dma_semaphore, #tpu.memory_space<semaphore_mem>>)
    %dma_start3A_29 = arith.constant 0 : i32
    %dma_start3A_30 = arith.constant 0 : i32
    %dma_start3A_31 = tpu.memref_slice %arg2[%dma_start3A_29, %dma_start3A_30] : memref<10000x128xf32, #tpu.memory_space<hbm>> -> memref<10000x128xf32, #tpu.memory_space<hbm>>
    tpu.enqueue_indirect_dma source(%dma_start3A_31 : memref<10000x128xf32, #tpu.memory_space<hbm>>) target(%arg9 : memref<80x128xf32, #tpu.memory_space<vmem>>) offsets(%arg7 : memref<80xi32, #tpu.memory_space<vmem>>) semaphore(%arg17 : memref<!tpu.dma_semaphore, #tpu.memory_space<semaphore_mem>>)
    %add3A_32 = arith.constant 80 : i32
    %add3A_33 = arith.addi %mul3A_13, %add3A_32 : i32
    %dma_start3A_34 = tpu.memref_slice %arg3[%add3A_33] : memref<320000xi32, #tpu.memory_space<hbm>> -> memref<80xi32, #tpu.memory_space<hbm>>
    %dma_start3A_35 = tpu.memref_slice %arg3[%add3A_33] : memref<320000xi32, #tpu.memory_space<hbm>> -> memref<80xi32, #tpu.memory_space<hbm>>
    tpu.enqueue_dma source(%dma_start3A_35 : memref<80xi32, #tpu.memory_space<hbm>>) target(%arg10 : memref<80xi32, #tpu.memory_space<vmem>>) target_semaphore(%arg16 : memref<!tpu.dma_semaphore, #tpu.memory_space<semaphore_mem>>)
    %dma_start3A_36 = tpu.memref_slice %arg4[%add3A_33] : memref<320000xi32, #tpu.memory_space<hbm>> -> memref<80xi32, #tpu.memory_space<hbm>>
    %dma_start3A_37 = tpu.memref_slice %arg4[%add3A_33] : memref<320000xi32, #tpu.memory_space<hbm>> -> memref<80xi32, #tpu.memory_space<hbm>>
    tpu.enqueue_dma source(%dma_start3A_37 : memref<80xi32, #tpu.memory_space<hbm>>) target(%arg11 : memref<80xi32, #tpu.memory_space<vmem>>) target_semaphore(%arg16 : memref<!tpu.dma_semaphore, #tpu.memory_space<semaphore_mem>>)
    %scan3A_38 = arith.constant 0 : i32
    %scan3A_39 = arith.constant 0 : i32
    %scan3A_40 = arith.constant 62 : i32
    %scan3A_41 = arith.addi %scan3A_39, %scan3A_40 : i32
    %scan3A_42 = arith.constant 1 : i32
    scf.for %scan3A_61 = %scan3A_39 to %scan3A_41 step %scan3A_42  : i32 {
      %mul3A_62 = arith.constant 2 : i32
      %mul3A_63 = arith.muli %mul3A_62, %scan3A_61 : i32
      %dma_wait3A_64 = arith.constant 0 : i32
      %dma_wait3A_65 = tpu.memref_slice %arg3[%dma_wait3A_64] : memref<320000xi32, #tpu.memory_space<hbm>> -> memref<80xi32, #tpu.memory_space<hbm>>
      %dma_wait3A_66 = arith.constant 0 : i32
      %dma_wait3A_67 = tpu.memref_slice %arg3[%dma_wait3A_66] : memref<320000xi32, #tpu.memory_space<hbm>> -> memref<80xi32, #tpu.memory_space<hbm>>
      tpu.wait_dma2 semaphore(%arg16 : memref<!tpu.dma_semaphore, #tpu.memory_space<semaphore_mem>>) src(%dma_wait3A_67 : memref<80xi32, #tpu.memory_space<hbm>>) dst(%arg10 : memref<80xi32, #tpu.memory_space<vmem>>)
      %dma_wait3A_68 = arith.constant 0 : i32
      %dma_wait3A_69 = tpu.memref_slice %arg4[%dma_wait3A_68] : memref<320000xi32, #tpu.memory_space<hbm>> -> memref<80xi32, #tpu.memory_space<hbm>>
      %dma_wait3A_70 = arith.constant 0 : i32
      %dma_wait3A_71 = tpu.memref_slice %arg4[%dma_wait3A_70] : memref<320000xi32, #tpu.memory_space<hbm>> -> memref<80xi32, #tpu.memory_space<hbm>>
      tpu.wait_dma2 semaphore(%arg16 : memref<!tpu.dma_semaphore, #tpu.memory_space<semaphore_mem>>) src(%dma_wait3A_71 : memref<80xi32, #tpu.memory_space<hbm>>) dst(%arg11 : memref<80xi32, #tpu.memory_space<vmem>>)
      %dma_start3A_72 = arith.constant 0 : i32
      %dma_start3A_73 = arith.constant 0 : i32
      %dma_start3A_74 = tpu.memref_slice %arg2[%dma_start3A_72, %dma_start3A_73] : memref<10000x128xf32, #tpu.memory_space<hbm>> -> memref<10000x128xf32, #tpu.memory_space<hbm>>
      tpu.enqueue_indirect_dma source(%dma_start3A_74 : memref<10000x128xf32, #tpu.memory_space<hbm>>) target(%arg12 : memref<80x128xf32, #tpu.memory_space<vmem>>) offsets(%arg10 : memref<80xi32, #tpu.memory_space<vmem>>) semaphore(%arg18 : memref<!tpu.dma_semaphore, #tpu.memory_space<semaphore_mem>>)
      %dma_start3A_75 = arith.constant 0 : i32
      %dma_start3A_76 = arith.constant 0 : i32
      %dma_start3A_77 = tpu.memref_slice %arg2[%dma_start3A_75, %dma_start3A_76] : memref<10000x128xf32, #tpu.memory_space<hbm>> -> memref<10000x128xf32, #tpu.memory_space<hbm>>
      tpu.enqueue_indirect_dma source(%dma_start3A_77 : memref<10000x128xf32, #tpu.memory_space<hbm>>) target(%arg13 : memref<80x128xf32, #tpu.memory_space<vmem>>) offsets(%arg11 : memref<80xi32, #tpu.memory_space<vmem>>) semaphore(%arg18 : memref<!tpu.dma_semaphore, #tpu.memory_space<semaphore_mem>>)
      %dma_wait3A_78 = arith.constant 0 : i32
      %dma_wait3A_79 = arith.constant 0 : i32
      %dma_wait3A_80 = tpu.memref_slice %arg2[%dma_wait3A_78, %dma_wait3A_79] : memref<10000x128xf32, #tpu.memory_space<hbm>> -> memref<10000x128xf32, #tpu.memory_space<hbm>>
      tpu.wait_indirect_dma semaphore(%arg17 : memref<!tpu.dma_semaphore, #tpu.memory_space<semaphore_mem>>) src(%dma_wait3A_80 : memref<10000x128xf32, #tpu.memory_space<hbm>>) dst(%arg8 : memref<80x128xf32, #tpu.memory_space<vmem>>)
      %dma_wait3A_81 = arith.constant 0 : i32
      %dma_wait3A_82 = arith.constant 0 : i32
      %dma_wait3A_83 = tpu.memref_slice %arg2[%dma_wait3A_81, %dma_wait3A_82] : memref<10000x128xf32, #tpu.memory_space<hbm>> -> memref<10000x128xf32, #tpu.memory_space<hbm>>
      tpu.wait_indirect_dma semaphore(%arg17 : memref<!tpu.dma_semaphore, #tpu.memory_space<semaphore_mem>>) src(%dma_wait3A_83 : memref<10000x128xf32, #tpu.memory_space<hbm>>) dst(%arg9 : memref<80x128xf32, #tpu.memory_space<vmem>>)
      "tpu.region"() ({
        %run_scoped3A = tpu.sem_alloc : memref<!tpu.dma_semaphore, #tpu.memory_space<semaphore_mem>>
        %dma_start3A_120 = arith.constant 0 : i32
        %dma_start3A_121 = arith.constant 0 : i32
        %dma_start3A_122 = tpu.memref_slice %arg14[%dma_start3A_120, %dma_start3A_121] : memref<10000x128xf32, #tpu.memory_space<vmem_shared>> -> memref<10000x128xf32, #tpu.memory_space<vmem_shared>>
        tpu.enqueue_indirect_dma source(%arg8 : memref<80x128xf32, #tpu.memory_space<vmem>>) target(%dma_start3A_122 : memref<10000x128xf32, #tpu.memory_space<vmem_shared>>) offsets(%arg7 : memref<80xi32, #tpu.memory_space<vmem>>) semaphore(%run_scoped3A : memref<!tpu.dma_semaphore, #tpu.memory_space<semaphore_mem>>) {add = true}
        %dma_wait3A_123 = arith.constant 0 : i32
        %dma_wait3A_124 = arith.constant 0 : i32
        %dma_wait3A_125 = tpu.memref_slice %arg14[%dma_wait3A_123, %dma_wait3A_124] : memref<10000x128xf32, #tpu.memory_space<vmem_shared>> -> memref<10000x128xf32, #tpu.memory_space<vmem_shared>>
        tpu.wait_indirect_dma semaphore(%run_scoped3A : memref<!tpu.dma_semaphore, #tpu.memory_space<semaphore_mem>>) src(%arg8 : memref<80x128xf32, #tpu.memory_space<vmem>>) dst(%dma_wait3A_125 : memref<10000x128xf32, #tpu.memory_space<vmem_shared>>)
        tpu.yield
      }) : () -> ()
      "tpu.region"() ({
        %run_scoped3A = tpu.sem_alloc : memref<!tpu.dma_semaphore, #tpu.memory_space<semaphore_mem>>
        %dma_start3A_120 = arith.constant 0 : i32
        %dma_start3A_121 = arith.constant 0 : i32
        %dma_start3A_122 = tpu.memref_slice %arg14[%dma_start3A_120, %dma_start3A_121] : memref<10000x128xf32, #tpu.memory_space<vmem_shared>> -> memref<10000x128xf32, #tpu.memory_space<vmem_shared>>
        tpu.enqueue_indirect_dma source(%arg9 : memref<80x128xf32, #tpu.memory_space<vmem>>) target(%dma_start3A_122 : memref<10000x128xf32, #tpu.memory_space<vmem_shared>>) offsets(%arg6 : memref<80xi32, #tpu.memory_space<vmem>>) semaphore(%run_scoped3A : memref<!tpu.dma_semaphore, #tpu.memory_space<semaphore_mem>>) {add = true}
        %dma_wait3A_123 = arith.constant 0 : i32
        %dma_wait3A_124 = arith.constant 0 : i32
        %dma_wait3A_125 = tpu.memref_slice %arg14[%dma_wait3A_123, %dma_wait3A_124] : memref<10000x128xf32, #tpu.memory_space<vmem_shared>> -> memref<10000x128xf32, #tpu.memory_space<vmem_shared>>
        tpu.wait_indirect_dma semaphore(%run_scoped3A : memref<!tpu.dma_semaphore, #tpu.memory_space<semaphore_mem>>) src(%arg9 : memref<80x128xf32, #tpu.memory_space<vmem>>) dst(%dma_wait3A_125 : memref<10000x128xf32, #tpu.memory_space<vmem_shared>>)
        tpu.yield
      }) : () -> ()
      %add3A_84 = arith.constant 2 : i32
      %add3A_85 = arith.addi %mul3A_63, %add3A_84 : i32
      %mul3A_86 = arith.constant 80 : i32
      %mul3A_87 = arith.muli %add3A_85, %mul3A_86 : i32
      %add3A_88 = arith.addi %mul3A_13, %mul3A_87 : i32
      %dma_start3A_89 = tpu.memref_slice %arg3[%add3A_88] : memref<320000xi32, #tpu.memory_space<hbm>> -> memref<80xi32, #tpu.memory_space<hbm>>
      %dma_start3A_90 = tpu.memref_slice %arg3[%add3A_88] : memref<320000xi32, #tpu.memory_space<hbm>> -> memref<80xi32, #tpu.memory_space<hbm>>
      tpu.enqueue_dma source(%dma_start3A_90 : memref<80xi32, #tpu.memory_space<hbm>>) target(%arg6 : memref<80xi32, #tpu.memory_space<vmem>>) target_semaphore(%arg15 : memref<!tpu.dma_semaphore, #tpu.memory_space<semaphore_mem>>)
      %dma_start3A_91 = tpu.memref_slice %arg4[%add3A_88] : memref<320000xi32, #tpu.memory_space<hbm>> -> memref<80xi32, #tpu.memory_space<hbm>>
      %dma_start3A_92 = tpu.memref_slice %arg4[%add3A_88] : memref<320000xi32, #tpu.memory_space<hbm>> -> memref<80xi32, #tpu.memory_space<hbm>>
      tpu.enqueue_dma source(%dma_start3A_92 : memref<80xi32, #tpu.memory_space<hbm>>) target(%arg7 : memref<80xi32, #tpu.memory_space<vmem>>) target_semaphore(%arg15 : memref<!tpu.dma_semaphore, #tpu.memory_space<semaphore_mem>>)
      %dma_wait3A_93 = arith.constant 0 : i32
      %dma_wait3A_94 = tpu.memref_slice %arg3[%dma_wait3A_93] : memref<320000xi32, #tpu.memory_space<hbm>> -> memref<80xi32, #tpu.memory_space<hbm>>
      %dma_wait3A_95 = arith.constant 0 : i32
      %dma_wait3A_96 = tpu.memref_slice %arg3[%dma_wait3A_95] : memref<320000xi32, #tpu.memory_space<hbm>> -> memref<80xi32, #tpu.memory_space<hbm>>
      tpu.wait_dma2 semaphore(%arg15 : memref<!tpu.dma_semaphore, #tpu.memory_space<semaphore_mem>>) src(%dma_wait3A_96 : memref<80xi32, #tpu.memory_space<hbm>>) dst(%arg6 : memref<80xi32, #tpu.memory_space<vmem>>)
      %dma_wait3A_97 = arith.constant 0 : i32
      %dma_wait3A_98 = tpu.memref_slice %arg4[%dma_wait3A_97] : memref<320000xi32, #tpu.memory_space<hbm>> -> memref<80xi32, #tpu.memory_space<hbm>>
      %dma_wait3A_99 = arith.constant 0 : i32
      %dma_wait3A_100 = tpu.memref_slice %arg4[%dma_wait3A_99] : memref<320000xi32, #tpu.memory_space<hbm>> -> memref<80xi32, #tpu.memory_space<hbm>>
      tpu.wait_dma2 semaphore(%arg15 : memref<!tpu.dma_semaphore, #tpu.memory_space<semaphore_mem>>) src(%dma_wait3A_100 : memref<80xi32, #tpu.memory_space<hbm>>) dst(%arg7 : memref<80xi32, #tpu.memory_space<vmem>>)
      %dma_start3A_101 = arith.constant 0 : i32
      %dma_start3A_102 = arith.constant 0 : i32
      %dma_start3A_103 = tpu.memref_slice %arg2[%dma_start3A_101, %dma_start3A_102] : memref<10000x128xf32, #tpu.memory_space<hbm>> -> memref<10000x128xf32, #tpu.memory_space<hbm>>
      tpu.enqueue_indirect_dma source(%dma_start3A_103 : memref<10000x128xf32, #tpu.memory_space<hbm>>) target(%arg8 : memref<80x128xf32, #tpu.memory_space<vmem>>) offsets(%arg6 : memref<80xi32, #tpu.memory_space<vmem>>) semaphore(%arg17 : memref<!tpu.dma_semaphore, #tpu.memory_space<semaphore_mem>>)
      %dma_start3A_104 = arith.constant 0 : i32
      %dma_start3A_105 = arith.constant 0 : i32
      %dma_start3A_106 = tpu.memref_slice %arg2[%dma_start3A_104, %dma_start3A_105] : memref<10000x128xf32, #tpu.memory_space<hbm>> -> memref<10000x128xf32, #tpu.memory_space<hbm>>
      tpu.enqueue_indirect_dma source(%dma_start3A_106 : memref<10000x128xf32, #tpu.memory_space<hbm>>) target(%arg9 : memref<80x128xf32, #tpu.memory_space<vmem>>) offsets(%arg7 : memref<80xi32, #tpu.memory_space<vmem>>) semaphore(%arg17 : memref<!tpu.dma_semaphore, #tpu.memory_space<semaphore_mem>>)
      %dma_wait3A_107 = arith.constant 0 : i32
      %dma_wait3A_108 = arith.constant 0 : i32
      %dma_wait3A_109 = tpu.memref_slice %arg2[%dma_wait3A_107, %dma_wait3A_108] : memref<10000x128xf32, #tpu.memory_space<hbm>> -> memref<10000x128xf32, #tpu.memory_space<hbm>>
      tpu.wait_indirect_dma semaphore(%arg18 : memref<!tpu.dma_semaphore, #tpu.memory_space<semaphore_mem>>) src(%dma_wait3A_109 : memref<10000x128xf32, #tpu.memory_space<hbm>>) dst(%arg12 : memref<80x128xf32, #tpu.memory_space<vmem>>)
      %dma_wait3A_110 = arith.constant 0 : i32
      %dma_wait3A_111 = arith.constant 0 : i32
      %dma_wait3A_112 = tpu.memref_slice %arg2[%dma_wait3A_110, %dma_wait3A_111] : memref<10000x128xf32, #tpu.memory_space<hbm>> -> memref<10000x128xf32, #tpu.memory_space<hbm>>
      tpu.wait_indirect_dma semaphore(%arg18 : memref<!tpu.dma_semaphore, #tpu.memory_space<semaphore_mem>>) src(%dma_wait3A_112 : memref<10000x128xf32, #tpu.memory_space<hbm>>) dst(%arg13 : memref<80x128xf32, #tpu.memory_space<vmem>>)
      "tpu.region"() ({
        %run_scoped3A = tpu.sem_alloc : memref<!tpu.dma_semaphore, #tpu.memory_space<semaphore_mem>>
        %dma_start3A_120 = arith.constant 0 : i32
        %dma_start3A_121 = arith.constant 0 : i32
        %dma_start3A_122 = tpu.memref_slice %arg14[%dma_start3A_120, %dma_start3A_121] : memref<10000x128xf32, #tpu.memory_space<vmem_shared>> -> memref<10000x128xf32, #tpu.memory_space<vmem_shared>>
        tpu.enqueue_indirect_dma source(%arg12 : memref<80x128xf32, #tpu.memory_space<vmem>>) target(%dma_start3A_122 : memref<10000x128xf32, #tpu.memory_space<vmem_shared>>) offsets(%arg11 : memref<80xi32, #tpu.memory_space<vmem>>) semaphore(%run_scoped3A : memref<!tpu.dma_semaphore, #tpu.memory_space<semaphore_mem>>) {add = true}
        %dma_wait3A_123 = arith.constant 0 : i32
        %dma_wait3A_124 = arith.constant 0 : i32
        %dma_wait3A_125 = tpu.memref_slice %arg14[%dma_wait3A_123, %dma_wait3A_124] : memref<10000x128xf32, #tpu.memory_space<vmem_shared>> -> memref<10000x128xf32, #tpu.memory_space<vmem_shared>>
        tpu.wait_indirect_dma semaphore(%run_scoped3A : memref<!tpu.dma_semaphore, #tpu.memory_space<semaphore_mem>>) src(%arg12 : memref<80x128xf32, #tpu.memory_space<vmem>>) dst(%dma_wait3A_125 : memref<10000x128xf32, #tpu.memory_space<vmem_shared>>)
        tpu.yield
      }) : () -> ()
      "tpu.region"() ({
        %run_scoped3A = tpu.sem_alloc : memref<!tpu.dma_semaphore, #tpu.memory_space<semaphore_mem>>
        %dma_start3A_120 = arith.constant 0 : i32
        %dma_start3A_121 = arith.constant 0 : i32
        %dma_start3A_122 = tpu.memref_slice %arg14[%dma_start3A_120, %dma_start3A_121] : memref<10000x128xf32, #tpu.memory_space<vmem_shared>> -> memref<10000x128xf32, #tpu.memory_space<vmem_shared>>
        tpu.enqueue_indirect_dma source(%arg13 : memref<80x128xf32, #tpu.memory_space<vmem>>) target(%dma_start3A_122 : memref<10000x128xf32, #tpu.memory_space<vmem_shared>>) offsets(%arg10 : memref<80xi32, #tpu.memory_space<vmem>>) semaphore(%run_scoped3A : memref<!tpu.dma_semaphore, #tpu.memory_space<semaphore_mem>>) {add = true}
        %dma_wait3A_123 = arith.constant 0 : i32
        %dma_wait3A_124 = arith.constant 0 : i32
        %dma_wait3A_125 = tpu.memref_slice %arg14[%dma_wait3A_123, %dma_wait3A_124] : memref<10000x128xf32, #tpu.memory_space<vmem_shared>> -> memref<10000x128xf32, #tpu.memory_space<vmem_shared>>
        tpu.wait_indirect_dma semaphore(%run_scoped3A : memref<!tpu.dma_semaphore, #tpu.memory_space<semaphore_mem>>) src(%arg13 : memref<80x128xf32, #tpu.memory_space<vmem>>) dst(%dma_wait3A_125 : memref<10000x128xf32, #tpu.memory_space<vmem_shared>>)
        tpu.yield
      }) : () -> ()
      %add3A_113 = arith.constant 3 : i32
      %add3A_114 = arith.addi %mul3A_63, %add3A_113 : i32
      %lt3A_115 = arith.constant 125 : i32
      %lt3A_116 = arith.cmpi slt, %add3A_114, %lt3A_115 : i32
      %convert_element_type3A_117 = arith.extui %lt3A_116 : i1 to i32
      %cond3A_118 = arith.constant 0 : i32
      %cond3A_119 = arith.cmpi ne, %convert_element_type3A_117, %cond3A_118 : i32
      scf.if %cond3A_119 {
        %add3A_120 = arith.constant 3 : i32
        %add3A_121 = arith.addi %mul3A_63, %add3A_120 : i32
        %mul3A_122 = arith.constant 80 : i32
        %mul3A_123 = arith.muli %add3A_121, %mul3A_122 : i32
        %add3A_124 = arith.addi %mul3A_13, %mul3A_123 : i32
        %dma_start3A_125 = tpu.memref_slice %arg3[%add3A_124] : memref<320000xi32, #tpu.memory_space<hbm>> -> memref<80xi32, #tpu.memory_space<hbm>>
        %dma_start3A_126 = tpu.memref_slice %arg3[%add3A_124] : memref<320000xi32, #tpu.memory_space<hbm>> -> memref<80xi32, #tpu.memory_space<hbm>>
        tpu.enqueue_dma source(%dma_start3A_126 : memref<80xi32, #tpu.memory_space<hbm>>) target(%arg10 : memref<80xi32, #tpu.memory_space<vmem>>) target_semaphore(%arg16 : memref<!tpu.dma_semaphore, #tpu.memory_space<semaphore_mem>>)
        %dma_start3A_127 = tpu.memref_slice %arg4[%add3A_124] : memref<320000xi32, #tpu.memory_space<hbm>> -> memref<80xi32, #tpu.memory_space<hbm>>
        %dma_start3A_128 = tpu.memref_slice %arg4[%add3A_124] : memref<320000xi32, #tpu.memory_space<hbm>> -> memref<80xi32, #tpu.memory_space<hbm>>
        tpu.enqueue_dma source(%dma_start3A_128 : memref<80xi32, #tpu.memory_space<hbm>>) target(%arg11 : memref<80xi32, #tpu.memory_space<vmem>>) target_semaphore(%arg16 : memref<!tpu.dma_semaphore, #tpu.memory_space<semaphore_mem>>)
      } else {
      }
    }
    %scan3A_43 = arith.constant 62 : i32
    %dma_wait3A_44 = arith.constant 0 : i32
    %dma_wait3A_45 = arith.constant 0 : i32
    %dma_wait3A_46 = tpu.memref_slice %arg2[%dma_wait3A_44, %dma_wait3A_45] : memref<10000x128xf32, #tpu.memory_space<hbm>> -> memref<10000x128xf32, #tpu.memory_space<hbm>>
    tpu.wait_indirect_dma semaphore(%arg17 : memref<!tpu.dma_semaphore, #tpu.memory_space<semaphore_mem>>) src(%dma_wait3A_46 : memref<10000x128xf32, #tpu.memory_space<hbm>>) dst(%arg8 : memref<80x128xf32, #tpu.memory_space<vmem>>)
    %dma_wait3A_47 = arith.constant 0 : i32
    %dma_wait3A_48 = arith.constant 0 : i32
    %dma_wait3A_49 = tpu.memref_slice %arg2[%dma_wait3A_47, %dma_wait3A_48] : memref<10000x128xf32, #tpu.memory_space<hbm>> -> memref<10000x128xf32, #tpu.memory_space<hbm>>
    tpu.wait_indirect_dma semaphore(%arg17 : memref<!tpu.dma_semaphore, #tpu.memory_space<semaphore_mem>>) src(%dma_wait3A_49 : memref<10000x128xf32, #tpu.memory_space<hbm>>) dst(%arg9 : memref<80x128xf32, #tpu.memory_space<vmem>>)
    "tpu.region"() ({
      %run_scoped3A = tpu.sem_alloc : memref<!tpu.dma_semaphore, #tpu.memory_space<semaphore_mem>>
      %dma_start3A_61 = arith.constant 0 : i32
      %dma_start3A_62 = arith.constant 0 : i32
      %dma_start3A_63 = tpu.memref_slice %arg14[%dma_start3A_61, %dma_start3A_62] : memref<10000x128xf32, #tpu.memory_space<vmem_shared>> -> memref<10000x128xf32, #tpu.memory_space<vmem_shared>>
      tpu.enqueue_indirect_dma source(%arg8 : memref<80x128xf32, #tpu.memory_space<vmem>>) target(%dma_start3A_63 : memref<10000x128xf32, #tpu.memory_space<vmem_shared>>) offsets(%arg7 : memref<80xi32, #tpu.memory_space<vmem>>) semaphore(%run_scoped3A : memref<!tpu.dma_semaphore, #tpu.memory_space<semaphore_mem>>) {add = true}
      %dma_wait3A_64 = arith.constant 0 : i32
      %dma_wait3A_65 = arith.constant 0 : i32
      %dma_wait3A_66 = tpu.memref_slice %arg14[%dma_wait3A_64, %dma_wait3A_65] : memref<10000x128xf32, #tpu.memory_space<vmem_shared>> -> memref<10000x128xf32, #tpu.memory_space<vmem_shared>>
      tpu.wait_indirect_dma semaphore(%run_scoped3A : memref<!tpu.dma_semaphore, #tpu.memory_space<semaphore_mem>>) src(%arg8 : memref<80x128xf32, #tpu.memory_space<vmem>>) dst(%dma_wait3A_66 : memref<10000x128xf32, #tpu.memory_space<vmem_shared>>)
      tpu.yield
    }) : () -> ()
    "tpu.region"() ({
      %run_scoped3A = tpu.sem_alloc : memref<!tpu.dma_semaphore, #tpu.memory_space<semaphore_mem>>
      %dma_start3A_61 = arith.constant 0 : i32
      %dma_start3A_62 = arith.constant 0 : i32
      %dma_start3A_63 = tpu.memref_slice %arg14[%dma_start3A_61, %dma_start3A_62] : memref<10000x128xf32, #tpu.memory_space<vmem_shared>> -> memref<10000x128xf32, #tpu.memory_space<vmem_shared>>
      tpu.enqueue_indirect_dma source(%arg9 : memref<80x128xf32, #tpu.memory_space<vmem>>) target(%dma_start3A_63 : memref<10000x128xf32, #tpu.memory_space<vmem_shared>>) offsets(%arg6 : memref<80xi32, #tpu.memory_space<vmem>>) semaphore(%run_scoped3A : memref<!tpu.dma_semaphore, #tpu.memory_space<semaphore_mem>>) {add = true}
      %dma_wait3A_64 = arith.constant 0 : i32
      %dma_wait3A_65 = arith.constant 0 : i32
      %dma_wait3A_66 = tpu.memref_slice %arg14[%dma_wait3A_64, %dma_wait3A_65] : memref<10000x128xf32, #tpu.memory_space<vmem_shared>> -> memref<10000x128xf32, #tpu.memory_space<vmem_shared>>
      tpu.wait_indirect_dma semaphore(%run_scoped3A : memref<!tpu.dma_semaphore, #tpu.memory_space<semaphore_mem>>) src(%arg9 : memref<80x128xf32, #tpu.memory_space<vmem>>) dst(%dma_wait3A_66 : memref<10000x128xf32, #tpu.memory_space<vmem_shared>>)
      tpu.yield
    }) : () -> ()
    %barrier3A_50 = arith.constant 0 : index
    tpu.barrier barrier_id(%barrier3A_50)
    %lt3A_51 = arith.constant 2 : i32
    %lt3A_52 = arith.cmpi slt, %arg1, %lt3A_51 : i32
    %convert_element_type3A_53 = arith.extui %lt3A_52 : i1 to i32
    %cond3A_54 = arith.constant 0 : i32
    %cond3A_55 = arith.cmpi ne, %convert_element_type3A_53, %cond3A_54 : i32
    scf.if %cond3A_55 {
      %mul3A_61 = arith.constant 632 : i32
      %mul3A_62 = arith.muli %arg1, %mul3A_61 : i32
      %multiple_of3A = tpu.assume_multiple %mul3A_62, 8 : i32
      "tpu.region"() ({
        %run_scoped3A = tpu.sem_alloc : memref<!tpu.dma_semaphore, #tpu.memory_space<semaphore_mem>>
        %dma_start3A_63 = arith.constant 0 : i32
        %dma_start3A_64 = tpu.memref_slice %arg5[%arg0, %multiple_of3A, %dma_start3A_63] : memref<2x10000x128xf32, #tpu.memory_space<hbm>> -> memref<1x632x128xf32, #tpu.memory_space<hbm>>
        %dma_start3A_65 = tpu.memref_squeeze %dma_start3A_64 : memref<1x632x128xf32, #tpu.memory_space<hbm>> -> memref<632x128xf32, #tpu.memory_space<hbm>>
        %dma_start3A_66 = arith.constant 0 : i32
        %dma_start3A_67 = tpu.memref_slice %arg14[%multiple_of3A, %dma_start3A_66] : memref<10000x128xf32, #tpu.memory_space<vmem_shared>> -> memref<632x128xf32, #tpu.memory_space<vmem_shared>>
        tpu.enqueue_dma source(%dma_start3A_67 : memref<632x128xf32, #tpu.memory_space<vmem_shared>>) target(%dma_start3A_65 : memref<632x128xf32, #tpu.memory_space<hbm>>) target_semaphore(%run_scoped3A : memref<!tpu.dma_semaphore, #tpu.memory_space<semaphore_mem>>)
        %dma_wait3A_68 = arith.constant 0 : i32
        %dma_wait3A_69 = tpu.memref_slice %arg5[%arg0, %multiple_of3A, %dma_wait3A_68] : memref<2x10000x128xf32, #tpu.memory_space<hbm>> -> memref<1x632x128xf32, #tpu.memory_space<hbm>>
        %dma_wait3A_70 = tpu.memref_squeeze %dma_wait3A_69 : memref<1x632x128xf32, #tpu.memory_space<hbm>> -> memref<632x128xf32, #tpu.memory_space<hbm>>
        %dma_wait3A_71 = arith.constant 0 : i32
        %dma_wait3A_72 = tpu.memref_slice %arg14[%multiple_of3A, %dma_wait3A_71] : memref<10000x128xf32, #tpu.memory_space<vmem_shared>> -> memref<632x128xf32, #tpu.memory_space<vmem_shared>>
        tpu.wait_dma2 semaphore(%run_scoped3A : memref<!tpu.dma_semaphore, #tpu.memory_space<semaphore_mem>>) src(%dma_wait3A_72 : memref<632x128xf32, #tpu.memory_space<vmem_shared>>) dst(%dma_wait3A_70 : memref<632x128xf32, #tpu.memory_space<hbm>>)
        tpu.yield
      }) : () -> ()
    } else {
    }
    %ge3A_56 = arith.constant 2 : i32
    %ge3A_57 = arith.cmpi sge, %arg1, %ge3A_56 : i32
    %convert_element_type3A_58 = arith.extui %ge3A_57 : i1 to i32
    %cond3A_59 = arith.constant 0 : i32
    %cond3A_60 = arith.cmpi ne, %convert_element_type3A_58, %cond3A_59 : i32
    scf.if %cond3A_60 {
      %sub3A = arith.constant 2 : i32
      %sub3A_61 = arith.subi %arg1, %sub3A : i32
      %mul3A_62 = arith.constant 624 : i32
      %mul3A_63 = arith.muli %sub3A_61, %mul3A_62 : i32
      %add3A_64 = arith.constant 1264 : i32
      %add3A_65 = arith.addi %add3A_64, %mul3A_63 : i32
      %multiple_of3A = tpu.assume_multiple %add3A_65, 8 : i32
      "tpu.region"() ({
        %run_scoped3A = tpu.sem_alloc : memref<!tpu.dma_semaphore, #tpu.memory_space<semaphore_mem>>
        %dma_start3A_66 = arith.constant 0 : i32
        %dma_start3A_67 = tpu.memref_slice %arg5[%arg0, %multiple_of3A, %dma_start3A_66] : memref<2x10000x128xf32, #tpu.memory_space<hbm>> -> memref<1x624x128xf32, #tpu.memory_space<hbm>>
        %dma_start3A_68 = tpu.memref_squeeze %dma_start3A_67 : memref<1x624x128xf32, #tpu.memory_space<hbm>> -> memref<624x128xf32, #tpu.memory_space<hbm>>
        %dma_start3A_69 = arith.constant 0 : i32
        %dma_start3A_70 = tpu.memref_slice %arg14[%multiple_of3A, %dma_start3A_69] : memref<10000x128xf32, #tpu.memory_space<vmem_shared>> -> memref<624x128xf32, #tpu.memory_space<vmem_shared>>
        tpu.enqueue_dma source(%dma_start3A_70 : memref<624x128xf32, #tpu.memory_space<vmem_shared>>) target(%dma_start3A_68 : memref<624x128xf32, #tpu.memory_space<hbm>>) target_semaphore(%run_scoped3A : memref<!tpu.dma_semaphore, #tpu.memory_space<semaphore_mem>>)
        %dma_wait3A_71 = arith.constant 0 : i32
        %dma_wait3A_72 = tpu.memref_slice %arg5[%arg0, %multiple_of3A, %dma_wait3A_71] : memref<2x10000x128xf32, #tpu.memory_space<hbm>> -> memref<1x624x128xf32, #tpu.memory_space<hbm>>
        %dma_wait3A_73 = tpu.memref_squeeze %dma_wait3A_72 : memref<1x624x128xf32, #tpu.memory_space<hbm>> -> memref<624x128xf32, #tpu.memory_space<hbm>>
        %dma_wait3A_74 = arith.constant 0 : i32
        %dma_wait3A_75 = tpu.memref_slice %arg14[%multiple_of3A, %dma_wait3A_74] : memref<10000x128xf32, #tpu.memory_space<vmem_shared>> -> memref<624x128xf32, #tpu.memory_space<vmem_shared>>
        tpu.wait_dma2 semaphore(%run_scoped3A : memref<!tpu.dma_semaphore, #tpu.memory_space<semaphore_mem>>) src(%dma_wait3A_75 : memref<624x128xf32, #tpu.memory_space<vmem_shared>>) dst(%dma_wait3A_73 : memref<624x128xf32, #tpu.memory_space<hbm>>)
        tpu.yield
      }) : () -> ()
    } else {
    }
    return
  }
}

#map = affine_map<(d0, d1) -> (0, 0)>
#map1 = affine_map<(d0, d1) -> (0)>
#map2 = affine_map<(d0, d1) -> (0, 0, 0)>
module attributes {stable_mosaic.version = 14 : i64} {
  func.func @_shr_body(%arg0: i32, %arg1: i32, %arg2: memref<320000x128xf32, #tpu.memory_space<hbm>>, %arg3: memref<320000x128xf32, #tpu.memory_space<hbm>>, %arg4: memref<320000xi32, #tpu.memory_space<hbm>>, %arg5: memref<320000xi32, #tpu.memory_space<hbm>>, %arg6: memref<10000x128xf32, #tpu.memory_space<hbm>>, %arg7: memref<10000xf32, #tpu.memory_space<hbm>>, %arg8: memref<2x10000x128xf32, #tpu.memory_space<hbm>>, %arg9: memref<2x10000xf32, #tpu.memory_space<hbm>>, %arg10: memref<80xi32, #tpu.memory_space<vmem>>, %arg11: memref<80xi32, #tpu.memory_space<vmem>>, %arg12: memref<80x128xf32, #tpu.memory_space<vmem>>, %arg13: memref<80x128xf32, #tpu.memory_space<vmem>>, %arg14: memref<80xi32, #tpu.memory_space<vmem>>, %arg15: memref<80xi32, #tpu.memory_space<vmem>>, %arg16: memref<80x128xf32, #tpu.memory_space<vmem>>, %arg17: memref<80x128xf32, #tpu.memory_space<vmem>>, %arg18: memref<80xf32, #tpu.memory_space<vmem>>, %arg19: memref<10000x128xf32, #tpu.memory_space<vmem_shared>>, %arg20: memref<10000xf32, #tpu.memory_space<vmem_shared>>, %arg21: memref<!tpu.dma_semaphore, #tpu.memory_space<semaphore_mem>>, %arg22: memref<!tpu.dma_semaphore, #tpu.memory_space<semaphore_mem>>) attributes {dimension_semantics = [#tpu.dimension_semantics<core_parallel>, #tpu.dimension_semantics<subcore_parallel>], iteration_bounds = array<i64: 2, 16>, scalar_prefetch = 0 : i64, scratch_operands = 13 : i64, tpu.core_type = #tpu.core_type<sc_vector_subcore>, window_params = [{transform_indices = #map}, {transform_indices = #map}, {transform_indices = #map1}, {transform_indices = #map1}, {transform_indices = #map}, {transform_indices = #map1}, {transform_indices = #map2}, {transform_indices = #map}]} {
    %mul3A = arith.constant 2 : i32
    %mul3A_0 = arith.muli %arg1, %mul3A : i32
    %add3A = arith.addi %mul3A_0, %arg0 : i32
    %lt3A = arith.constant 2 : i32
    %lt3A_1 = arith.cmpi slt, %arg1, %lt3A : i32
    %convert_element_type3A = arith.extui %lt3A_1 : i1 to i32
    %cond3A = arith.constant 0 : i32
    %cond3A_2 = arith.cmpi ne, %convert_element_type3A, %cond3A : i32
    scf.if %cond3A_2 {
      %mul3A_108 = arith.constant 632 : i32
      %mul3A_109 = arith.muli %arg1, %mul3A_108 : i32
      %multiple_of3A = tpu.assume_multiple %mul3A_109, 8 : i32
      "tpu.region"() ({
        %run_scoped3A = tpu.sem_alloc : memref<!tpu.dma_semaphore, #tpu.memory_space<semaphore_mem>>
        %dma_start3A_110 = arith.constant 0 : i32
        %dma_start3A_111 = tpu.memref_slice %arg19[%multiple_of3A, %dma_start3A_110] : memref<10000x128xf32, #tpu.memory_space<vmem_shared>> -> memref<632x128xf32, #tpu.memory_space<vmem_shared>>
        %dma_start3A_112 = arith.constant 0 : i32
        %dma_start3A_113 = tpu.memref_slice %arg6[%multiple_of3A, %dma_start3A_112] : memref<10000x128xf32, #tpu.memory_space<hbm>> -> memref<632x128xf32, #tpu.memory_space<hbm>>
        tpu.enqueue_dma source(%dma_start3A_113 : memref<632x128xf32, #tpu.memory_space<hbm>>) target(%dma_start3A_111 : memref<632x128xf32, #tpu.memory_space<vmem_shared>>) target_semaphore(%run_scoped3A : memref<!tpu.dma_semaphore, #tpu.memory_space<semaphore_mem>>)
        %dma_wait3A_114 = arith.constant 0 : i32
        %dma_wait3A_115 = tpu.memref_slice %arg19[%multiple_of3A, %dma_wait3A_114] : memref<10000x128xf32, #tpu.memory_space<vmem_shared>> -> memref<632x128xf32, #tpu.memory_space<vmem_shared>>
        %dma_wait3A_116 = arith.constant 0 : i32
        %dma_wait3A_117 = tpu.memref_slice %arg6[%multiple_of3A, %dma_wait3A_116] : memref<10000x128xf32, #tpu.memory_space<hbm>> -> memref<632x128xf32, #tpu.memory_space<hbm>>
        tpu.wait_dma2 semaphore(%run_scoped3A : memref<!tpu.dma_semaphore, #tpu.memory_space<semaphore_mem>>) src(%dma_wait3A_117 : memref<632x128xf32, #tpu.memory_space<hbm>>) dst(%dma_wait3A_115 : memref<632x128xf32, #tpu.memory_space<vmem_shared>>)
        tpu.yield
      }) : () -> ()
    } else {
    }
    %ge3A = arith.constant 2 : i32
    %ge3A_3 = arith.cmpi sge, %arg1, %ge3A : i32
    %convert_element_type3A_4 = arith.extui %ge3A_3 : i1 to i32
    %cond3A_5 = arith.constant 0 : i32
    %cond3A_6 = arith.cmpi ne, %convert_element_type3A_4, %cond3A_5 : i32
    scf.if %cond3A_6 {
      %sub3A = arith.constant 2 : i32
      %sub3A_108 = arith.subi %arg1, %sub3A : i32
      %mul3A_109 = arith.constant 624 : i32
      %mul3A_110 = arith.muli %sub3A_108, %mul3A_109 : i32
      %add3A_111 = arith.constant 1264 : i32
      %add3A_112 = arith.addi %add3A_111, %mul3A_110 : i32
      %multiple_of3A = tpu.assume_multiple %add3A_112, 8 : i32
      "tpu.region"() ({
        %run_scoped3A = tpu.sem_alloc : memref<!tpu.dma_semaphore, #tpu.memory_space<semaphore_mem>>
        %dma_start3A_113 = arith.constant 0 : i32
        %dma_start3A_114 = tpu.memref_slice %arg19[%multiple_of3A, %dma_start3A_113] : memref<10000x128xf32, #tpu.memory_space<vmem_shared>> -> memref<624x128xf32, #tpu.memory_space<vmem_shared>>
        %dma_start3A_115 = arith.constant 0 : i32
        %dma_start3A_116 = tpu.memref_slice %arg6[%multiple_of3A, %dma_start3A_115] : memref<10000x128xf32, #tpu.memory_space<hbm>> -> memref<624x128xf32, #tpu.memory_space<hbm>>
        tpu.enqueue_dma source(%dma_start3A_116 : memref<624x128xf32, #tpu.memory_space<hbm>>) target(%dma_start3A_114 : memref<624x128xf32, #tpu.memory_space<vmem_shared>>) target_semaphore(%run_scoped3A : memref<!tpu.dma_semaphore, #tpu.memory_space<semaphore_mem>>)
        %dma_wait3A_117 = arith.constant 0 : i32
        %dma_wait3A_118 = tpu.memref_slice %arg19[%multiple_of3A, %dma_wait3A_117] : memref<10000x128xf32, #tpu.memory_space<vmem_shared>> -> memref<624x128xf32, #tpu.memory_space<vmem_shared>>
        %dma_wait3A_119 = arith.constant 0 : i32
        %dma_wait3A_120 = tpu.memref_slice %arg6[%multiple_of3A, %dma_wait3A_119] : memref<10000x128xf32, #tpu.memory_space<hbm>> -> memref<624x128xf32, #tpu.memory_space<hbm>>
        tpu.wait_dma2 semaphore(%run_scoped3A : memref<!tpu.dma_semaphore, #tpu.memory_space<semaphore_mem>>) src(%dma_wait3A_120 : memref<624x128xf32, #tpu.memory_space<hbm>>) dst(%dma_wait3A_118 : memref<624x128xf32, #tpu.memory_space<vmem_shared>>)
        tpu.yield
      }) : () -> ()
    } else {
    }
    %eq3A = arith.constant 0 : i32
    %eq3A_7 = arith.cmpi eq, %arg1, %eq3A : i32
    %convert_element_type3A_8 = arith.extui %eq3A_7 : i1 to i32
    %cond3A_9 = arith.constant 0 : i32
    %cond3A_10 = arith.cmpi ne, %convert_element_type3A_8, %cond3A_9 : i32
    scf.if %cond3A_10 {
      "tpu.region"() ({
        %run_scoped3A = tpu.sem_alloc : memref<!tpu.dma_semaphore, #tpu.memory_space<semaphore_mem>>
        tpu.enqueue_dma source(%arg7 : memref<10000xf32, #tpu.memory_space<hbm>>) target(%arg20 : memref<10000xf32, #tpu.memory_space<vmem_shared>>) target_semaphore(%run_scoped3A : memref<!tpu.dma_semaphore, #tpu.memory_space<semaphore_mem>>)
        tpu.wait_dma2 semaphore(%run_scoped3A : memref<!tpu.dma_semaphore, #tpu.memory_space<semaphore_mem>>) src(%arg7 : memref<10000xf32, #tpu.memory_space<hbm>>) dst(%arg20 : memref<10000xf32, #tpu.memory_space<vmem_shared>>)
        tpu.yield
      }) : () -> ()
    } else {
    }
    %broadcast_in_dim3A = arith.constant 1.000000e+00 : f32
    %broadcast_in_dim3A_11 = vector.broadcast %broadcast_in_dim3A : f32 to vector<16xf32>
    %swap3A = arith.constant 0 : index
    %swap3A_12 = tpu.vector_load %arg18[%swap3A] {strides = array<i32>} : memref<80xf32, #tpu.memory_space<vmem>>, vector<16xf32>,
    %swap3A_13 = vector.shape_cast %swap3A_12 : vector<16xf32> to vector<16xf32>
    %swap3A_14 = vector.shape_cast %broadcast_in_dim3A_11 : vector<16xf32> to vector<16xf32>
    tpu.vector_store %arg18[%swap3A], %swap3A_14 {strides = array<i32>} : memref<80xf32, #tpu.memory_space<vmem>>, vector<16xf32>,
    %broadcast_in_dim3A_15 = arith.constant 1.000000e+00 : f32
    %broadcast_in_dim3A_16 = vector.broadcast %broadcast_in_dim3A_15 : f32 to vector<16xf32>
    %swap3A_17 = arith.constant 16 : index
    %swap3A_18 = tpu.vector_load %arg18[%swap3A_17] {strides = array<i32>} : memref<80xf32, #tpu.memory_space<vmem>>, vector<16xf32>,
    %swap3A_19 = vector.shape_cast %swap3A_18 : vector<16xf32> to vector<16xf32>
    %swap3A_20 = vector.shape_cast %broadcast_in_dim3A_16 : vector<16xf32> to vector<16xf32>
    tpu.vector_store %arg18[%swap3A_17], %swap3A_20 {strides = array<i32>} : memref<80xf32, #tpu.memory_space<vmem>>, vector<16xf32>,
    %broadcast_in_dim3A_21 = arith.constant 1.000000e+00 : f32
    %broadcast_in_dim3A_22 = vector.broadcast %broadcast_in_dim3A_21 : f32 to vector<16xf32>
    %swap3A_23 = arith.constant 32 : index
    %swap3A_24 = tpu.vector_load %arg18[%swap3A_23] {strides = array<i32>} : memref<80xf32, #tpu.memory_space<vmem>>, vector<16xf32>,
    %swap3A_25 = vector.shape_cast %swap3A_24 : vector<16xf32> to vector<16xf32>
    %swap3A_26 = vector.shape_cast %broadcast_in_dim3A_22 : vector<16xf32> to vector<16xf32>
    tpu.vector_store %arg18[%swap3A_23], %swap3A_26 {strides = array<i32>} : memref<80xf32, #tpu.memory_space<vmem>>, vector<16xf32>,
    %broadcast_in_dim3A_27 = arith.constant 1.000000e+00 : f32
    %broadcast_in_dim3A_28 = vector.broadcast %broadcast_in_dim3A_27 : f32 to vector<16xf32>
    %swap3A_29 = arith.constant 48 : index
    %swap3A_30 = tpu.vector_load %arg18[%swap3A_29] {strides = array<i32>} : memref<80xf32, #tpu.memory_space<vmem>>, vector<16xf32>,
    %swap3A_31 = vector.shape_cast %swap3A_30 : vector<16xf32> to vector<16xf32>
    %swap3A_32 = vector.shape_cast %broadcast_in_dim3A_28 : vector<16xf32> to vector<16xf32>
    tpu.vector_store %arg18[%swap3A_29], %swap3A_32 {strides = array<i32>} : memref<80xf32, #tpu.memory_space<vmem>>, vector<16xf32>,
    %broadcast_in_dim3A_33 = arith.constant 1.000000e+00 : f32
    %broadcast_in_dim3A_34 = vector.broadcast %broadcast_in_dim3A_33 : f32 to vector<16xf32>
    %swap3A_35 = arith.constant 64 : index
    %swap3A_36 = tpu.vector_load %arg18[%swap3A_35] {strides = array<i32>} : memref<80xf32, #tpu.memory_space<vmem>>, vector<16xf32>,
    %swap3A_37 = vector.shape_cast %swap3A_36 : vector<16xf32> to vector<16xf32>
    %swap3A_38 = vector.shape_cast %broadcast_in_dim3A_34 : vector<16xf32> to vector<16xf32>
    tpu.vector_store %arg18[%swap3A_35], %swap3A_38 {strides = array<i32>} : memref<80xf32, #tpu.memory_space<vmem>>, vector<16xf32>,
    %barrier3A = arith.constant 0 : index
    tpu.barrier barrier_id(%barrier3A)
    %mul3A_39 = arith.constant 10000 : i32
    %mul3A_40 = arith.muli %add3A, %mul3A_39 : i32
    %add3A_41 = arith.constant 0 : i32
    %add3A_42 = arith.addi %mul3A_40, %add3A_41 : i32
    %dma_start3A = tpu.memref_slice %arg4[%add3A_42] : memref<320000xi32, #tpu.memory_space<hbm>> -> memref<80xi32, #tpu.memory_space<hbm>>
    %dma_start3A_43 = tpu.memref_slice %arg4[%add3A_42] : memref<320000xi32, #tpu.memory_space<hbm>> -> memref<80xi32, #tpu.memory_space<hbm>>
    tpu.enqueue_dma source(%dma_start3A_43 : memref<80xi32, #tpu.memory_space<hbm>>) target(%arg10 : memref<80xi32, #tpu.memory_space<vmem>>) target_semaphore(%arg21 : memref<!tpu.dma_semaphore, #tpu.memory_space<semaphore_mem>>)
    %dma_start3A_44 = tpu.memref_slice %arg5[%add3A_42] : memref<320000xi32, #tpu.memory_space<hbm>> -> memref<80xi32, #tpu.memory_space<hbm>>
    %dma_start3A_45 = tpu.memref_slice %arg5[%add3A_42] : memref<320000xi32, #tpu.memory_space<hbm>> -> memref<80xi32, #tpu.memory_space<hbm>>
    tpu.enqueue_dma source(%dma_start3A_45 : memref<80xi32, #tpu.memory_space<hbm>>) target(%arg11 : memref<80xi32, #tpu.memory_space<vmem>>) target_semaphore(%arg21 : memref<!tpu.dma_semaphore, #tpu.memory_space<semaphore_mem>>)
    %dma_start3A_46 = arith.constant 0 : i32
    %dma_start3A_47 = tpu.memref_slice %arg2[%add3A_42, %dma_start3A_46] : memref<320000x128xf32, #tpu.memory_space<hbm>> -> memref<80x128xf32, #tpu.memory_space<hbm>>
    %dma_start3A_48 = arith.constant 0 : i32
    %dma_start3A_49 = tpu.memref_slice %arg2[%add3A_42, %dma_start3A_48] : memref<320000x128xf32, #tpu.memory_space<hbm>> -> memref<80x128xf32, #tpu.memory_space<hbm>>
    tpu.enqueue_dma source(%dma_start3A_49 : memref<80x128xf32, #tpu.memory_space<hbm>>) target(%arg12 : memref<80x128xf32, #tpu.memory_space<vmem>>) target_semaphore(%arg21 : memref<!tpu.dma_semaphore, #tpu.memory_space<semaphore_mem>>)
    %dma_start3A_50 = arith.constant 0 : i32
    %dma_start3A_51 = tpu.memref_slice %arg3[%add3A_42, %dma_start3A_50] : memref<320000x128xf32, #tpu.memory_space<hbm>> -> memref<80x128xf32, #tpu.memory_space<hbm>>
    %dma_start3A_52 = arith.constant 0 : i32
    %dma_start3A_53 = tpu.memref_slice %arg3[%add3A_42, %dma_start3A_52] : memref<320000x128xf32, #tpu.memory_space<hbm>> -> memref<80x128xf32, #tpu.memory_space<hbm>>
    tpu.enqueue_dma source(%dma_start3A_53 : memref<80x128xf32, #tpu.memory_space<hbm>>) target(%arg13 : memref<80x128xf32, #tpu.memory_space<vmem>>) target_semaphore(%arg21 : memref<!tpu.dma_semaphore, #tpu.memory_space<semaphore_mem>>)
    %add3A_54 = arith.constant 80 : i32
    %add3A_55 = arith.addi %mul3A_40, %add3A_54 : i32
    %dma_start3A_56 = tpu.memref_slice %arg4[%add3A_55] : memref<320000xi32, #tpu.memory_space<hbm>> -> memref<80xi32, #tpu.memory_space<hbm>>
    %dma_start3A_57 = tpu.memref_slice %arg4[%add3A_55] : memref<320000xi32, #tpu.memory_space<hbm>> -> memref<80xi32, #tpu.memory_space<hbm>>
    tpu.enqueue_dma source(%dma_start3A_57 : memref<80xi32, #tpu.memory_space<hbm>>) target(%arg14 : memref<80xi32, #tpu.memory_space<vmem>>) target_semaphore(%arg22 : memref<!tpu.dma_semaphore, #tpu.memory_space<semaphore_mem>>)
    %dma_start3A_58 = tpu.memref_slice %arg5[%add3A_55] : memref<320000xi32, #tpu.memory_space<hbm>> -> memref<80xi32, #tpu.memory_space<hbm>>
    %dma_start3A_59 = tpu.memref_slice %arg5[%add3A_55] : memref<320000xi32, #tpu.memory_space<hbm>> -> memref<80xi32, #tpu.memory_space<hbm>>
    tpu.enqueue_dma source(%dma_start3A_59 : memref<80xi32, #tpu.memory_space<hbm>>) target(%arg15 : memref<80xi32, #tpu.memory_space<vmem>>) target_semaphore(%arg22 : memref<!tpu.dma_semaphore, #tpu.memory_space<semaphore_mem>>)
    %dma_start3A_60 = arith.constant 0 : i32
    %dma_start3A_61 = tpu.memref_slice %arg2[%add3A_55, %dma_start3A_60] : memref<320000x128xf32, #tpu.memory_space<hbm>> -> memref<80x128xf32, #tpu.memory_space<hbm>>
    %dma_start3A_62 = arith.constant 0 : i32
    %dma_start3A_63 = tpu.memref_slice %arg2[%add3A_55, %dma_start3A_62] : memref<320000x128xf32, #tpu.memory_space<hbm>> -> memref<80x128xf32, #tpu.memory_space<hbm>>
    tpu.enqueue_dma source(%dma_start3A_63 : memref<80x128xf32, #tpu.memory_space<hbm>>) target(%arg16 : memref<80x128xf32, #tpu.memory_space<vmem>>) target_semaphore(%arg22 : memref<!tpu.dma_semaphore, #tpu.memory_space<semaphore_mem>>)
    %dma_start3A_64 = arith.constant 0 : i32
    %dma_start3A_65 = tpu.memref_slice %arg3[%add3A_55, %dma_start3A_64] : memref<320000x128xf32, #tpu.memory_space<hbm>> -> memref<80x128xf32, #tpu.memory_space<hbm>>
    %dma_start3A_66 = arith.constant 0 : i32
    %dma_start3A_67 = tpu.memref_slice %arg3[%add3A_55, %dma_start3A_66] : memref<320000x128xf32, #tpu.memory_space<hbm>> -> memref<80x128xf32, #tpu.memory_space<hbm>>
    tpu.enqueue_dma source(%dma_start3A_67 : memref<80x128xf32, #tpu.memory_space<hbm>>) target(%arg17 : memref<80x128xf32, #tpu.memory_space<vmem>>) target_semaphore(%arg22 : memref<!tpu.dma_semaphore, #tpu.memory_space<semaphore_mem>>)
    %scan3A = arith.constant 0 : i32
    %scan3A_68 = arith.constant 0 : i32
    %scan3A_69 = arith.constant 62 : i32
    %scan3A_70 = arith.addi %scan3A_68, %scan3A_69 : i32
    %scan3A_71 = arith.constant 1 : i32
    scf.for %scan3A_108 = %scan3A_68 to %scan3A_70 step %scan3A_71  : i32 {
      %mul3A_109 = arith.constant 2 : i32
      %mul3A_110 = arith.muli %mul3A_109, %scan3A_108 : i32
      %dma_wait3A_111 = arith.constant 0 : i32
      %dma_wait3A_112 = tpu.memref_slice %arg4[%dma_wait3A_111] : memref<320000xi32, #tpu.memory_space<hbm>> -> memref<80xi32, #tpu.memory_space<hbm>>
      %dma_wait3A_113 = arith.constant 0 : i32
      %dma_wait3A_114 = tpu.memref_slice %arg4[%dma_wait3A_113] : memref<320000xi32, #tpu.memory_space<hbm>> -> memref<80xi32, #tpu.memory_space<hbm>>
      tpu.wait_dma2 semaphore(%arg21 : memref<!tpu.dma_semaphore, #tpu.memory_space<semaphore_mem>>) src(%dma_wait3A_114 : memref<80xi32, #tpu.memory_space<hbm>>) dst(%arg10 : memref<80xi32, #tpu.memory_space<vmem>>)
      %dma_wait3A_115 = arith.constant 0 : i32
      %dma_wait3A_116 = tpu.memref_slice %arg5[%dma_wait3A_115] : memref<320000xi32, #tpu.memory_space<hbm>> -> memref<80xi32, #tpu.memory_space<hbm>>
      %dma_wait3A_117 = arith.constant 0 : i32
      %dma_wait3A_118 = tpu.memref_slice %arg5[%dma_wait3A_117] : memref<320000xi32, #tpu.memory_space<hbm>> -> memref<80xi32, #tpu.memory_space<hbm>>
      tpu.wait_dma2 semaphore(%arg21 : memref<!tpu.dma_semaphore, #tpu.memory_space<semaphore_mem>>) src(%dma_wait3A_118 : memref<80xi32, #tpu.memory_space<hbm>>) dst(%arg11 : memref<80xi32, #tpu.memory_space<vmem>>)
      %dma_wait3A_119 = arith.constant 0 : i32
      %dma_wait3A_120 = arith.constant 0 : i32
      %dma_wait3A_121 = tpu.memref_slice %arg2[%dma_wait3A_119, %dma_wait3A_120] : memref<320000x128xf32, #tpu.memory_space<hbm>> -> memref<80x128xf32, #tpu.memory_space<hbm>>
      %dma_wait3A_122 = arith.constant 0 : i32
      %dma_wait3A_123 = arith.constant 0 : i32
      %dma_wait3A_124 = tpu.memref_slice %arg2[%dma_wait3A_122, %dma_wait3A_123] : memref<320000x128xf32, #tpu.memory_space<hbm>> -> memref<80x128xf32, #tpu.memory_space<hbm>>
      tpu.wait_dma2 semaphore(%arg21 : memref<!tpu.dma_semaphore, #tpu.memory_space<semaphore_mem>>) src(%dma_wait3A_124 : memref<80x128xf32, #tpu.memory_space<hbm>>) dst(%arg12 : memref<80x128xf32, #tpu.memory_space<vmem>>)
      %dma_wait3A_125 = arith.constant 0 : i32
      %dma_wait3A_126 = arith.constant 0 : i32
      %dma_wait3A_127 = tpu.memref_slice %arg3[%dma_wait3A_125, %dma_wait3A_126] : memref<320000x128xf32, #tpu.memory_space<hbm>> -> memref<80x128xf32, #tpu.memory_space<hbm>>
      %dma_wait3A_128 = arith.constant 0 : i32
      %dma_wait3A_129 = arith.constant 0 : i32
      %dma_wait3A_130 = tpu.memref_slice %arg3[%dma_wait3A_128, %dma_wait3A_129] : memref<320000x128xf32, #tpu.memory_space<hbm>> -> memref<80x128xf32, #tpu.memory_space<hbm>>
      tpu.wait_dma2 semaphore(%arg21 : memref<!tpu.dma_semaphore, #tpu.memory_space<semaphore_mem>>) src(%dma_wait3A_130 : memref<80x128xf32, #tpu.memory_space<hbm>>) dst(%arg13 : memref<80x128xf32, #tpu.memory_space<vmem>>)
      "tpu.region"() ({
        %run_scoped3A = tpu.sem_alloc : memref<!tpu.dma_semaphore, #tpu.memory_space<semaphore_mem>>
        %dma_start3A_175 = arith.constant 0 : i32
        %dma_start3A_176 = arith.constant 0 : i32
        %dma_start3A_177 = tpu.memref_slice %arg19[%dma_start3A_175, %dma_start3A_176] : memref<10000x128xf32, #tpu.memory_space<vmem_shared>> -> memref<10000x128xf32, #tpu.memory_space<vmem_shared>>
        tpu.enqueue_indirect_dma source(%arg12 : memref<80x128xf32, #tpu.memory_space<vmem>>) target(%dma_start3A_177 : memref<10000x128xf32, #tpu.memory_space<vmem_shared>>) offsets(%arg11 : memref<80xi32, #tpu.memory_space<vmem>>) semaphore(%run_scoped3A : memref<!tpu.dma_semaphore, #tpu.memory_space<semaphore_mem>>) {add = true}
        %dma_wait3A_178 = arith.constant 0 : i32
        %dma_wait3A_179 = arith.constant 0 : i32
        %dma_wait3A_180 = tpu.memref_slice %arg19[%dma_wait3A_178, %dma_wait3A_179] : memref<10000x128xf32, #tpu.memory_space<vmem_shared>> -> memref<10000x128xf32, #tpu.memory_space<vmem_shared>>
        tpu.wait_indirect_dma semaphore(%run_scoped3A : memref<!tpu.dma_semaphore, #tpu.memory_space<semaphore_mem>>) src(%arg12 : memref<80x128xf32, #tpu.memory_space<vmem>>) dst(%dma_wait3A_180 : memref<10000x128xf32, #tpu.memory_space<vmem_shared>>)
        tpu.yield
      }) : () -> ()
      "tpu.region"() ({
        %run_scoped3A = tpu.sem_alloc : memref<!tpu.dma_semaphore, #tpu.memory_space<semaphore_mem>>
        %dma_start3A_175 = arith.constant 0 : i32
        %dma_start3A_176 = tpu.memref_slice %arg20[%dma_start3A_175] : memref<10000xf32, #tpu.memory_space<vmem_shared>> -> memref<10000xf32, #tpu.memory_space<vmem_shared>>
        tpu.enqueue_indirect_dma source(%arg18 : memref<80xf32, #tpu.memory_space<vmem>>) target(%dma_start3A_176 : memref<10000xf32, #tpu.memory_space<vmem_shared>>) offsets(%arg11 : memref<80xi32, #tpu.memory_space<vmem>>) semaphore(%run_scoped3A : memref<!tpu.dma_semaphore, #tpu.memory_space<semaphore_mem>>) {add = true}
        %dma_wait3A_177 = arith.constant 0 : i32
        %dma_wait3A_178 = tpu.memref_slice %arg20[%dma_wait3A_177] : memref<10000xf32, #tpu.memory_space<vmem_shared>> -> memref<10000xf32, #tpu.memory_space<vmem_shared>>
        tpu.wait_indirect_dma semaphore(%run_scoped3A : memref<!tpu.dma_semaphore, #tpu.memory_space<semaphore_mem>>) src(%arg18 : memref<80xf32, #tpu.memory_space<vmem>>) dst(%dma_wait3A_178 : memref<10000xf32, #tpu.memory_space<vmem_shared>>)
        tpu.yield
      }) : () -> ()
      "tpu.region"() ({
        %run_scoped3A = tpu.sem_alloc : memref<!tpu.dma_semaphore, #tpu.memory_space<semaphore_mem>>
        %dma_start3A_175 = arith.constant 0 : i32
        %dma_start3A_176 = arith.constant 0 : i32
        %dma_start3A_177 = tpu.memref_slice %arg19[%dma_start3A_175, %dma_start3A_176] : memref<10000x128xf32, #tpu.memory_space<vmem_shared>> -> memref<10000x128xf32, #tpu.memory_space<vmem_shared>>
        tpu.enqueue_indirect_dma source(%arg13 : memref<80x128xf32, #tpu.memory_space<vmem>>) target(%dma_start3A_177 : memref<10000x128xf32, #tpu.memory_space<vmem_shared>>) offsets(%arg10 : memref<80xi32, #tpu.memory_space<vmem>>) semaphore(%run_scoped3A : memref<!tpu.dma_semaphore, #tpu.memory_space<semaphore_mem>>) {add = true}
        %dma_wait3A_178 = arith.constant 0 : i32
        %dma_wait3A_179 = arith.constant 0 : i32
        %dma_wait3A_180 = tpu.memref_slice %arg19[%dma_wait3A_178, %dma_wait3A_179] : memref<10000x128xf32, #tpu.memory_space<vmem_shared>> -> memref<10000x128xf32, #tpu.memory_space<vmem_shared>>
        tpu.wait_indirect_dma semaphore(%run_scoped3A : memref<!tpu.dma_semaphore, #tpu.memory_space<semaphore_mem>>) src(%arg13 : memref<80x128xf32, #tpu.memory_space<vmem>>) dst(%dma_wait3A_180 : memref<10000x128xf32, #tpu.memory_space<vmem_shared>>)
        tpu.yield
      }) : () -> ()
      "tpu.region"() ({
        %run_scoped3A = tpu.sem_alloc : memref<!tpu.dma_semaphore, #tpu.memory_space<semaphore_mem>>
        %dma_start3A_175 = arith.constant 0 : i32
        %dma_start3A_176 = tpu.memref_slice %arg20[%dma_start3A_175] : memref<10000xf32, #tpu.memory_space<vmem_shared>> -> memref<10000xf32, #tpu.memory_space<vmem_shared>>
        tpu.enqueue_indirect_dma source(%arg18 : memref<80xf32, #tpu.memory_space<vmem>>) target(%dma_start3A_176 : memref<10000xf32, #tpu.memory_space<vmem_shared>>) offsets(%arg10 : memref<80xi32, #tpu.memory_space<vmem>>) semaphore(%run_scoped3A : memref<!tpu.dma_semaphore, #tpu.memory_space<semaphore_mem>>) {add = true}
        %dma_wait3A_177 = arith.constant 0 : i32
        %dma_wait3A_178 = tpu.memref_slice %arg20[%dma_wait3A_177] : memref<10000xf32, #tpu.memory_space<vmem_shared>> -> memref<10000xf32, #tpu.memory_space<vmem_shared>>
        tpu.wait_indirect_dma semaphore(%run_scoped3A : memref<!tpu.dma_semaphore, #tpu.memory_space<semaphore_mem>>) src(%arg18 : memref<80xf32, #tpu.memory_space<vmem>>) dst(%dma_wait3A_178 : memref<10000xf32, #tpu.memory_space<vmem_shared>>)
        tpu.yield
      }) : () -> ()
      %add3A_131 = arith.constant 2 : i32
      %add3A_132 = arith.addi %mul3A_110, %add3A_131 : i32
      %mul3A_133 = arith.constant 80 : i32
      %mul3A_134 = arith.muli %add3A_132, %mul3A_133 : i32
      %add3A_135 = arith.addi %mul3A_40, %mul3A_134 : i32
      %dma_start3A_136 = tpu.memref_slice %arg4[%add3A_135] : memref<320000xi32, #tpu.memory_space<hbm>> -> memref<80xi32, #tpu.memory_space<hbm>>
      %dma_start3A_137 = tpu.memref_slice %arg4[%add3A_135] : memref<320000xi32, #tpu.memory_space<hbm>> -> memref<80xi32, #tpu.memory_space<hbm>>
      tpu.enqueue_dma source(%dma_start3A_137 : memref<80xi32, #tpu.memory_space<hbm>>) target(%arg10 : memref<80xi32, #tpu.memory_space<vmem>>) target_semaphore(%arg21 : memref<!tpu.dma_semaphore, #tpu.memory_space<semaphore_mem>>)
      %dma_start3A_138 = tpu.memref_slice %arg5[%add3A_135] : memref<320000xi32, #tpu.memory_space<hbm>> -> memref<80xi32, #tpu.memory_space<hbm>>
      %dma_start3A_139 = tpu.memref_slice %arg5[%add3A_135] : memref<320000xi32, #tpu.memory_space<hbm>> -> memref<80xi32, #tpu.memory_space<hbm>>
      tpu.enqueue_dma source(%dma_start3A_139 : memref<80xi32, #tpu.memory_space<hbm>>) target(%arg11 : memref<80xi32, #tpu.memory_space<vmem>>) target_semaphore(%arg21 : memref<!tpu.dma_semaphore, #tpu.memory_space<semaphore_mem>>)
      %dma_start3A_140 = arith.constant 0 : i32
      %dma_start3A_141 = tpu.memref_slice %arg2[%add3A_135, %dma_start3A_140] : memref<320000x128xf32, #tpu.memory_space<hbm>> -> memref<80x128xf32, #tpu.memory_space<hbm>>
      %dma_start3A_142 = arith.constant 0 : i32
      %dma_start3A_143 = tpu.memref_slice %arg2[%add3A_135, %dma_start3A_142] : memref<320000x128xf32, #tpu.memory_space<hbm>> -> memref<80x128xf32, #tpu.memory_space<hbm>>
      tpu.enqueue_dma source(%dma_start3A_143 : memref<80x128xf32, #tpu.memory_space<hbm>>) target(%arg12 : memref<80x128xf32, #tpu.memory_space<vmem>>) target_semaphore(%arg21 : memref<!tpu.dma_semaphore, #tpu.memory_space<semaphore_mem>>)
      %dma_start3A_144 = arith.constant 0 : i32
      %dma_start3A_145 = tpu.memref_slice %arg3[%add3A_135, %dma_start3A_144] : memref<320000x128xf32, #tpu.memory_space<hbm>> -> memref<80x128xf32, #tpu.memory_space<hbm>>
      %dma_start3A_146 = arith.constant 0 : i32
      %dma_start3A_147 = tpu.memref_slice %arg3[%add3A_135, %dma_start3A_146] : memref<320000x128xf32, #tpu.memory_space<hbm>> -> memref<80x128xf32, #tpu.memory_space<hbm>>
      tpu.enqueue_dma source(%dma_start3A_147 : memref<80x128xf32, #tpu.memory_space<hbm>>) target(%arg13 : memref<80x128xf32, #tpu.memory_space<vmem>>) target_semaphore(%arg21 : memref<!tpu.dma_semaphore, #tpu.memory_space<semaphore_mem>>)
      %dma_wait3A_148 = arith.constant 0 : i32
      %dma_wait3A_149 = tpu.memref_slice %arg4[%dma_wait3A_148] : memref<320000xi32, #tpu.memory_space<hbm>> -> memref<80xi32, #tpu.memory_space<hbm>>
      %dma_wait3A_150 = arith.constant 0 : i32
      %dma_wait3A_151 = tpu.memref_slice %arg4[%dma_wait3A_150] : memref<320000xi32, #tpu.memory_space<hbm>> -> memref<80xi32, #tpu.memory_space<hbm>>
      tpu.wait_dma2 semaphore(%arg22 : memref<!tpu.dma_semaphore, #tpu.memory_space<semaphore_mem>>) src(%dma_wait3A_151 : memref<80xi32, #tpu.memory_space<hbm>>) dst(%arg14 : memref<80xi32, #tpu.memory_space<vmem>>)
      %dma_wait3A_152 = arith.constant 0 : i32
      %dma_wait3A_153 = tpu.memref_slice %arg5[%dma_wait3A_152] : memref<320000xi32, #tpu.memory_space<hbm>> -> memref<80xi32, #tpu.memory_space<hbm>>
      %dma_wait3A_154 = arith.constant 0 : i32
      %dma_wait3A_155 = tpu.memref_slice %arg5[%dma_wait3A_154] : memref<320000xi32, #tpu.memory_space<hbm>> -> memref<80xi32, #tpu.memory_space<hbm>>
      tpu.wait_dma2 semaphore(%arg22 : memref<!tpu.dma_semaphore, #tpu.memory_space<semaphore_mem>>) src(%dma_wait3A_155 : memref<80xi32, #tpu.memory_space<hbm>>) dst(%arg15 : memref<80xi32, #tpu.memory_space<vmem>>)
      %dma_wait3A_156 = arith.constant 0 : i32
      %dma_wait3A_157 = arith.constant 0 : i32
      %dma_wait3A_158 = tpu.memref_slice %arg2[%dma_wait3A_156, %dma_wait3A_157] : memref<320000x128xf32, #tpu.memory_space<hbm>> -> memref<80x128xf32, #tpu.memory_space<hbm>>
      %dma_wait3A_159 = arith.constant 0 : i32
      %dma_wait3A_160 = arith.constant 0 : i32
      %dma_wait3A_161 = tpu.memref_slice %arg2[%dma_wait3A_159, %dma_wait3A_160] : memref<320000x128xf32, #tpu.memory_space<hbm>> -> memref<80x128xf32, #tpu.memory_space<hbm>>
      tpu.wait_dma2 semaphore(%arg22 : memref<!tpu.dma_semaphore, #tpu.memory_space<semaphore_mem>>) src(%dma_wait3A_161 : memref<80x128xf32, #tpu.memory_space<hbm>>) dst(%arg16 : memref<80x128xf32, #tpu.memory_space<vmem>>)
      %dma_wait3A_162 = arith.constant 0 : i32
      %dma_wait3A_163 = arith.constant 0 : i32
      %dma_wait3A_164 = tpu.memref_slice %arg3[%dma_wait3A_162, %dma_wait3A_163] : memref<320000x128xf32, #tpu.memory_space<hbm>> -> memref<80x128xf32, #tpu.memory_space<hbm>>
      %dma_wait3A_165 = arith.constant 0 : i32
      %dma_wait3A_166 = arith.constant 0 : i32
      %dma_wait3A_167 = tpu.memref_slice %arg3[%dma_wait3A_165, %dma_wait3A_166] : memref<320000x128xf32, #tpu.memory_space<hbm>> -> memref<80x128xf32, #tpu.memory_space<hbm>>
      tpu.wait_dma2 semaphore(%arg22 : memref<!tpu.dma_semaphore, #tpu.memory_space<semaphore_mem>>) src(%dma_wait3A_167 : memref<80x128xf32, #tpu.memory_space<hbm>>) dst(%arg17 : memref<80x128xf32, #tpu.memory_space<vmem>>)
      "tpu.region"() ({
        %run_scoped3A = tpu.sem_alloc : memref<!tpu.dma_semaphore, #tpu.memory_space<semaphore_mem>>
        %dma_start3A_175 = arith.constant 0 : i32
        %dma_start3A_176 = arith.constant 0 : i32
        %dma_start3A_177 = tpu.memref_slice %arg19[%dma_start3A_175, %dma_start3A_176] : memref<10000x128xf32, #tpu.memory_space<vmem_shared>> -> memref<10000x128xf32, #tpu.memory_space<vmem_shared>>
        tpu.enqueue_indirect_dma source(%arg16 : memref<80x128xf32, #tpu.memory_space<vmem>>) target(%dma_start3A_177 : memref<10000x128xf32, #tpu.memory_space<vmem_shared>>) offsets(%arg15 : memref<80xi32, #tpu.memory_space<vmem>>) semaphore(%run_scoped3A : memref<!tpu.dma_semaphore, #tpu.memory_space<semaphore_mem>>) {add = true}
        %dma_wait3A_178 = arith.constant 0 : i32
        %dma_wait3A_179 = arith.constant 0 : i32
        %dma_wait3A_180 = tpu.memref_slice %arg19[%dma_wait3A_178, %dma_wait3A_179] : memref<10000x128xf32, #tpu.memory_space<vmem_shared>> -> memref<10000x128xf32, #tpu.memory_space<vmem_shared>>
        tpu.wait_indirect_dma semaphore(%run_scoped3A : memref<!tpu.dma_semaphore, #tpu.memory_space<semaphore_mem>>) src(%arg16 : memref<80x128xf32, #tpu.memory_space<vmem>>) dst(%dma_wait3A_180 : memref<10000x128xf32, #tpu.memory_space<vmem_shared>>)
        tpu.yield
      }) : () -> ()
      "tpu.region"() ({
        %run_scoped3A = tpu.sem_alloc : memref<!tpu.dma_semaphore, #tpu.memory_space<semaphore_mem>>
        %dma_start3A_175 = arith.constant 0 : i32
        %dma_start3A_176 = tpu.memref_slice %arg20[%dma_start3A_175] : memref<10000xf32, #tpu.memory_space<vmem_shared>> -> memref<10000xf32, #tpu.memory_space<vmem_shared>>
        tpu.enqueue_indirect_dma source(%arg18 : memref<80xf32, #tpu.memory_space<vmem>>) target(%dma_start3A_176 : memref<10000xf32, #tpu.memory_space<vmem_shared>>) offsets(%arg15 : memref<80xi32, #tpu.memory_space<vmem>>) semaphore(%run_scoped3A : memref<!tpu.dma_semaphore, #tpu.memory_space<semaphore_mem>>) {add = true}
        %dma_wait3A_177 = arith.constant 0 : i32
        %dma_wait3A_178 = tpu.memref_slice %arg20[%dma_wait3A_177] : memref<10000xf32, #tpu.memory_space<vmem_shared>> -> memref<10000xf32, #tpu.memory_space<vmem_shared>>
        tpu.wait_indirect_dma semaphore(%run_scoped3A : memref<!tpu.dma_semaphore, #tpu.memory_space<semaphore_mem>>) src(%arg18 : memref<80xf32, #tpu.memory_space<vmem>>) dst(%dma_wait3A_178 : memref<10000xf32, #tpu.memory_space<vmem_shared>>)
        tpu.yield
      }) : () -> ()
      "tpu.region"() ({
        %run_scoped3A = tpu.sem_alloc : memref<!tpu.dma_semaphore, #tpu.memory_space<semaphore_mem>>
        %dma_start3A_175 = arith.constant 0 : i32
        %dma_start3A_176 = arith.constant 0 : i32
        %dma_start3A_177 = tpu.memref_slice %arg19[%dma_start3A_175, %dma_start3A_176] : memref<10000x128xf32, #tpu.memory_space<vmem_shared>> -> memref<10000x128xf32, #tpu.memory_space<vmem_shared>>
        tpu.enqueue_indirect_dma source(%arg17 : memref<80x128xf32, #tpu.memory_space<vmem>>) target(%dma_start3A_177 : memref<10000x128xf32, #tpu.memory_space<vmem_shared>>) offsets(%arg14 : memref<80xi32, #tpu.memory_space<vmem>>) semaphore(%run_scoped3A : memref<!tpu.dma_semaphore, #tpu.memory_space<semaphore_mem>>) {add = true}
        %dma_wait3A_178 = arith.constant 0 : i32
        %dma_wait3A_179 = arith.constant 0 : i32
        %dma_wait3A_180 = tpu.memref_slice %arg19[%dma_wait3A_178, %dma_wait3A_179] : memref<10000x128xf32, #tpu.memory_space<vmem_shared>> -> memref<10000x128xf32, #tpu.memory_space<vmem_shared>>
        tpu.wait_indirect_dma semaphore(%run_scoped3A : memref<!tpu.dma_semaphore, #tpu.memory_space<semaphore_mem>>) src(%arg17 : memref<80x128xf32, #tpu.memory_space<vmem>>) dst(%dma_wait3A_180 : memref<10000x128xf32, #tpu.memory_space<vmem_shared>>)
        tpu.yield
      }) : () -> ()
      "tpu.region"() ({
        %run_scoped3A = tpu.sem_alloc : memref<!tpu.dma_semaphore, #tpu.memory_space<semaphore_mem>>
        %dma_start3A_175 = arith.constant 0 : i32
        %dma_start3A_176 = tpu.memref_slice %arg20[%dma_start3A_175] : memref<10000xf32, #tpu.memory_space<vmem_shared>> -> memref<10000xf32, #tpu.memory_space<vmem_shared>>
        tpu.enqueue_indirect_dma source(%arg18 : memref<80xf32, #tpu.memory_space<vmem>>) target(%dma_start3A_176 : memref<10000xf32, #tpu.memory_space<vmem_shared>>) offsets(%arg14 : memref<80xi32, #tpu.memory_space<vmem>>) semaphore(%run_scoped3A : memref<!tpu.dma_semaphore, #tpu.memory_space<semaphore_mem>>) {add = true}
        %dma_wait3A_177 = arith.constant 0 : i32
        %dma_wait3A_178 = tpu.memref_slice %arg20[%dma_wait3A_177] : memref<10000xf32, #tpu.memory_space<vmem_shared>> -> memref<10000xf32, #tpu.memory_space<vmem_shared>>
        tpu.wait_indirect_dma semaphore(%run_scoped3A : memref<!tpu.dma_semaphore, #tpu.memory_space<semaphore_mem>>) src(%arg18 : memref<80xf32, #tpu.memory_space<vmem>>) dst(%dma_wait3A_178 : memref<10000xf32, #tpu.memory_space<vmem_shared>>)
        tpu.yield
      }) : () -> ()
      %add3A_168 = arith.constant 3 : i32
      %add3A_169 = arith.addi %mul3A_110, %add3A_168 : i32
      %lt3A_170 = arith.constant 125 : i32
      %lt3A_171 = arith.cmpi slt, %add3A_169, %lt3A_170 : i32
      %convert_element_type3A_172 = arith.extui %lt3A_171 : i1 to i32
      %cond3A_173 = arith.constant 0 : i32
      %cond3A_174 = arith.cmpi ne, %convert_element_type3A_172, %cond3A_173 : i32
      scf.if %cond3A_174 {
        %add3A_175 = arith.constant 3 : i32
        %add3A_176 = arith.addi %mul3A_110, %add3A_175 : i32
        %mul3A_177 = arith.constant 80 : i32
        %mul3A_178 = arith.muli %add3A_176, %mul3A_177 : i32
        %add3A_179 = arith.addi %mul3A_40, %mul3A_178 : i32
        %dma_start3A_180 = tpu.memref_slice %arg4[%add3A_179] : memref<320000xi32, #tpu.memory_space<hbm>> -> memref<80xi32, #tpu.memory_space<hbm>>
        %dma_start3A_181 = tpu.memref_slice %arg4[%add3A_179] : memref<320000xi32, #tpu.memory_space<hbm>> -> memref<80xi32, #tpu.memory_space<hbm>>
        tpu.enqueue_dma source(%dma_start3A_181 : memref<80xi32, #tpu.memory_space<hbm>>) target(%arg14 : memref<80xi32, #tpu.memory_space<vmem>>) target_semaphore(%arg22 : memref<!tpu.dma_semaphore, #tpu.memory_space<semaphore_mem>>)
        %dma_start3A_182 = tpu.memref_slice %arg5[%add3A_179] : memref<320000xi32, #tpu.memory_space<hbm>> -> memref<80xi32, #tpu.memory_space<hbm>>
        %dma_start3A_183 = tpu.memref_slice %arg5[%add3A_179] : memref<320000xi32, #tpu.memory_space<hbm>> -> memref<80xi32, #tpu.memory_space<hbm>>
        tpu.enqueue_dma source(%dma_start3A_183 : memref<80xi32, #tpu.memory_space<hbm>>) target(%arg15 : memref<80xi32, #tpu.memory_space<vmem>>) target_semaphore(%arg22 : memref<!tpu.dma_semaphore, #tpu.memory_space<semaphore_mem>>)
        %dma_start3A_184 = arith.constant 0 : i32
        %dma_start3A_185 = tpu.memref_slice %arg2[%add3A_179, %dma_start3A_184] : memref<320000x128xf32, #tpu.memory_space<hbm>> -> memref<80x128xf32, #tpu.memory_space<hbm>>
        %dma_start3A_186 = arith.constant 0 : i32
        %dma_start3A_187 = tpu.memref_slice %arg2[%add3A_179, %dma_start3A_186] : memref<320000x128xf32, #tpu.memory_space<hbm>> -> memref<80x128xf32, #tpu.memory_space<hbm>>
        tpu.enqueue_dma source(%dma_start3A_187 : memref<80x128xf32, #tpu.memory_space<hbm>>) target(%arg16 : memref<80x128xf32, #tpu.memory_space<vmem>>) target_semaphore(%arg22 : memref<!tpu.dma_semaphore, #tpu.memory_space<semaphore_mem>>)
        %dma_start3A_188 = arith.constant 0 : i32
        %dma_start3A_189 = tpu.memref_slice %arg3[%add3A_179, %dma_start3A_188] : memref<320000x128xf32, #tpu.memory_space<hbm>> -> memref<80x128xf32, #tpu.memory_space<hbm>>
        %dma_start3A_190 = arith.constant 0 : i32
        %dma_start3A_191 = tpu.memref_slice %arg3[%add3A_179, %dma_start3A_190] : memref<320000x128xf32, #tpu.memory_space<hbm>> -> memref<80x128xf32, #tpu.memory_space<hbm>>
        tpu.enqueue_dma source(%dma_start3A_191 : memref<80x128xf32, #tpu.memory_space<hbm>>) target(%arg17 : memref<80x128xf32, #tpu.memory_space<vmem>>) target_semaphore(%arg22 : memref<!tpu.dma_semaphore, #tpu.memory_space<semaphore_mem>>)
      } else {
      }
    }
    %scan3A_72 = arith.constant 62 : i32
    %dma_wait3A = arith.constant 0 : i32
    %dma_wait3A_73 = tpu.memref_slice %arg4[%dma_wait3A] : memref<320000xi32, #tpu.memory_space<hbm>> -> memref<80xi32, #tpu.memory_space<hbm>>
    %dma_wait3A_74 = arith.constant 0 : i32
    %dma_wait3A_75 = tpu.memref_slice %arg4[%dma_wait3A_74] : memref<320000xi32, #tpu.memory_space<hbm>> -> memref<80xi32, #tpu.memory_space<hbm>>
    tpu.wait_dma2 semaphore(%arg21 : memref<!tpu.dma_semaphore, #tpu.memory_space<semaphore_mem>>) src(%dma_wait3A_75 : memref<80xi32, #tpu.memory_space<hbm>>) dst(%arg10 : memref<80xi32, #tpu.memory_space<vmem>>)
    %dma_wait3A_76 = arith.constant 0 : i32
    %dma_wait3A_77 = tpu.memref_slice %arg5[%dma_wait3A_76] : memref<320000xi32, #tpu.memory_space<hbm>> -> memref<80xi32, #tpu.memory_space<hbm>>
    %dma_wait3A_78 = arith.constant 0 : i32
    %dma_wait3A_79 = tpu.memref_slice %arg5[%dma_wait3A_78] : memref<320000xi32, #tpu.memory_space<hbm>> -> memref<80xi32, #tpu.memory_space<hbm>>
    tpu.wait_dma2 semaphore(%arg21 : memref<!tpu.dma_semaphore, #tpu.memory_space<semaphore_mem>>) src(%dma_wait3A_79 : memref<80xi32, #tpu.memory_space<hbm>>) dst(%arg11 : memref<80xi32, #tpu.memory_space<vmem>>)
    %dma_wait3A_80 = arith.constant 0 : i32
    %dma_wait3A_81 = arith.constant 0 : i32
    %dma_wait3A_82 = tpu.memref_slice %arg2[%dma_wait3A_80, %dma_wait3A_81] : memref<320000x128xf32, #tpu.memory_space<hbm>> -> memref<80x128xf32, #tpu.memory_space<hbm>>
    %dma_wait3A_83 = arith.constant 0 : i32
    %dma_wait3A_84 = arith.constant 0 : i32
    %dma_wait3A_85 = tpu.memref_slice %arg2[%dma_wait3A_83, %dma_wait3A_84] : memref<320000x128xf32, #tpu.memory_space<hbm>> -> memref<80x128xf32, #tpu.memory_space<hbm>>
    tpu.wait_dma2 semaphore(%arg21 : memref<!tpu.dma_semaphore, #tpu.memory_space<semaphore_mem>>) src(%dma_wait3A_85 : memref<80x128xf32, #tpu.memory_space<hbm>>) dst(%arg12 : memref<80x128xf32, #tpu.memory_space<vmem>>)
    %dma_wait3A_86 = arith.constant 0 : i32
    %dma_wait3A_87 = arith.constant 0 : i32
    %dma_wait3A_88 = tpu.memref_slice %arg3[%dma_wait3A_86, %dma_wait3A_87] : memref<320000x128xf32, #tpu.memory_space<hbm>> -> memref<80x128xf32, #tpu.memory_space<hbm>>
    %dma_wait3A_89 = arith.constant 0 : i32
    %dma_wait3A_90 = arith.constant 0 : i32
    %dma_wait3A_91 = tpu.memref_slice %arg3[%dma_wait3A_89, %dma_wait3A_90] : memref<320000x128xf32, #tpu.memory_space<hbm>> -> memref<80x128xf32, #tpu.memory_space<hbm>>
    tpu.wait_dma2 semaphore(%arg21 : memref<!tpu.dma_semaphore, #tpu.memory_space<semaphore_mem>>) src(%dma_wait3A_91 : memref<80x128xf32, #tpu.memory_space<hbm>>) dst(%arg13 : memref<80x128xf32, #tpu.memory_space<vmem>>)
    "tpu.region"() ({
      %run_scoped3A = tpu.sem_alloc : memref<!tpu.dma_semaphore, #tpu.memory_space<semaphore_mem>>
      %dma_start3A_108 = arith.constant 0 : i32
      %dma_start3A_109 = arith.constant 0 : i32
      %dma_start3A_110 = tpu.memref_slice %arg19[%dma_start3A_108, %dma_start3A_109] : memref<10000x128xf32, #tpu.memory_space<vmem_shared>> -> memref<10000x128xf32, #tpu.memory_space<vmem_shared>>
      tpu.enqueue_indirect_dma source(%arg12 : memref<80x128xf32, #tpu.memory_space<vmem>>) target(%dma_start3A_110 : memref<10000x128xf32, #tpu.memory_space<vmem_shared>>) offsets(%arg11 : memref<80xi32, #tpu.memory_space<vmem>>) semaphore(%run_scoped3A : memref<!tpu.dma_semaphore, #tpu.memory_space<semaphore_mem>>) {add = true}
      %dma_wait3A_111 = arith.constant 0 : i32
      %dma_wait3A_112 = arith.constant 0 : i32
      %dma_wait3A_113 = tpu.memref_slice %arg19[%dma_wait3A_111, %dma_wait3A_112] : memref<10000x128xf32, #tpu.memory_space<vmem_shared>> -> memref<10000x128xf32, #tpu.memory_space<vmem_shared>>
      tpu.wait_indirect_dma semaphore(%run_scoped3A : memref<!tpu.dma_semaphore, #tpu.memory_space<semaphore_mem>>) src(%arg12 : memref<80x128xf32, #tpu.memory_space<vmem>>) dst(%dma_wait3A_113 : memref<10000x128xf32, #tpu.memory_space<vmem_shared>>)
      tpu.yield
    }) : () -> ()
    "tpu.region"() ({
      %run_scoped3A = tpu.sem_alloc : memref<!tpu.dma_semaphore, #tpu.memory_space<semaphore_mem>>
      %dma_start3A_108 = arith.constant 0 : i32
      %dma_start3A_109 = tpu.memref_slice %arg20[%dma_start3A_108] : memref<10000xf32, #tpu.memory_space<vmem_shared>> -> memref<10000xf32, #tpu.memory_space<vmem_shared>>
      tpu.enqueue_indirect_dma source(%arg18 : memref<80xf32, #tpu.memory_space<vmem>>) target(%dma_start3A_109 : memref<10000xf32, #tpu.memory_space<vmem_shared>>) offsets(%arg11 : memref<80xi32, #tpu.memory_space<vmem>>) semaphore(%run_scoped3A : memref<!tpu.dma_semaphore, #tpu.memory_space<semaphore_mem>>) {add = true}
      %dma_wait3A_110 = arith.constant 0 : i32
      %dma_wait3A_111 = tpu.memref_slice %arg20[%dma_wait3A_110] : memref<10000xf32, #tpu.memory_space<vmem_shared>> -> memref<10000xf32, #tpu.memory_space<vmem_shared>>
      tpu.wait_indirect_dma semaphore(%run_scoped3A : memref<!tpu.dma_semaphore, #tpu.memory_space<semaphore_mem>>) src(%arg18 : memref<80xf32, #tpu.memory_space<vmem>>) dst(%dma_wait3A_111 : memref<10000xf32, #tpu.memory_space<vmem_shared>>)
      tpu.yield
    }) : () -> ()
    "tpu.region"() ({
      %run_scoped3A = tpu.sem_alloc : memref<!tpu.dma_semaphore, #tpu.memory_space<semaphore_mem>>
      %dma_start3A_108 = arith.constant 0 : i32
      %dma_start3A_109 = arith.constant 0 : i32
      %dma_start3A_110 = tpu.memref_slice %arg19[%dma_start3A_108, %dma_start3A_109] : memref<10000x128xf32, #tpu.memory_space<vmem_shared>> -> memref<10000x128xf32, #tpu.memory_space<vmem_shared>>
      tpu.enqueue_indirect_dma source(%arg13 : memref<80x128xf32, #tpu.memory_space<vmem>>) target(%dma_start3A_110 : memref<10000x128xf32, #tpu.memory_space<vmem_shared>>) offsets(%arg10 : memref<80xi32, #tpu.memory_space<vmem>>) semaphore(%run_scoped3A : memref<!tpu.dma_semaphore, #tpu.memory_space<semaphore_mem>>) {add = true}
      %dma_wait3A_111 = arith.constant 0 : i32
      %dma_wait3A_112 = arith.constant 0 : i32
      %dma_wait3A_113 = tpu.memref_slice %arg19[%dma_wait3A_111, %dma_wait3A_112] : memref<10000x128xf32, #tpu.memory_space<vmem_shared>> -> memref<10000x128xf32, #tpu.memory_space<vmem_shared>>
      tpu.wait_indirect_dma semaphore(%run_scoped3A : memref<!tpu.dma_semaphore, #tpu.memory_space<semaphore_mem>>) src(%arg13 : memref<80x128xf32, #tpu.memory_space<vmem>>) dst(%dma_wait3A_113 : memref<10000x128xf32, #tpu.memory_space<vmem_shared>>)
      tpu.yield
    }) : () -> ()
    "tpu.region"() ({
      %run_scoped3A = tpu.sem_alloc : memref<!tpu.dma_semaphore, #tpu.memory_space<semaphore_mem>>
      %dma_start3A_108 = arith.constant 0 : i32
      %dma_start3A_109 = tpu.memref_slice %arg20[%dma_start3A_108] : memref<10000xf32, #tpu.memory_space<vmem_shared>> -> memref<10000xf32, #tpu.memory_space<vmem_shared>>
      tpu.enqueue_indirect_dma source(%arg18 : memref<80xf32, #tpu.memory_space<vmem>>) target(%dma_start3A_109 : memref<10000xf32, #tpu.memory_space<vmem_shared>>) offsets(%arg10 : memref<80xi32, #tpu.memory_space<vmem>>) semaphore(%run_scoped3A : memref<!tpu.dma_semaphore, #tpu.memory_space<semaphore_mem>>) {add = true}
      %dma_wait3A_110 = arith.constant 0 : i32
      %dma_wait3A_111 = tpu.memref_slice %arg20[%dma_wait3A_110] : memref<10000xf32, #tpu.memory_space<vmem_shared>> -> memref<10000xf32, #tpu.memory_space<vmem_shared>>
      tpu.wait_indirect_dma semaphore(%run_scoped3A : memref<!tpu.dma_semaphore, #tpu.memory_space<semaphore_mem>>) src(%arg18 : memref<80xf32, #tpu.memory_space<vmem>>) dst(%dma_wait3A_111 : memref<10000xf32, #tpu.memory_space<vmem_shared>>)
      tpu.yield
    }) : () -> ()
    %barrier3A_92 = arith.constant 0 : index
    tpu.barrier barrier_id(%barrier3A_92)
    %lt3A_93 = arith.constant 2 : i32
    %lt3A_94 = arith.cmpi slt, %arg1, %lt3A_93 : i32
    %convert_element_type3A_95 = arith.extui %lt3A_94 : i1 to i32
    %cond3A_96 = arith.constant 0 : i32
    %cond3A_97 = arith.cmpi ne, %convert_element_type3A_95, %cond3A_96 : i32
    scf.if %cond3A_97 {
      %mul3A_108 = arith.constant 632 : i32
      %mul3A_109 = arith.muli %arg1, %mul3A_108 : i32
      %multiple_of3A = tpu.assume_multiple %mul3A_109, 8 : i32
      "tpu.region"() ({
        %run_scoped3A = tpu.sem_alloc : memref<!tpu.dma_semaphore, #tpu.memory_space<semaphore_mem>>
        %dma_start3A_110 = arith.constant 0 : i32
        %dma_start3A_111 = tpu.memref_slice %arg8[%arg0, %multiple_of3A, %dma_start3A_110] : memref<2x10000x128xf32, #tpu.memory_space<hbm>> -> memref<1x632x128xf32, #tpu.memory_space<hbm>>
        %dma_start3A_112 = tpu.memref_squeeze %dma_start3A_111 : memref<1x632x128xf32, #tpu.memory_space<hbm>> -> memref<632x128xf32, #tpu.memory_space<hbm>>
        %dma_start3A_113 = arith.constant 0 : i32
        %dma_start3A_114 = tpu.memref_slice %arg19[%multiple_of3A, %dma_start3A_113] : memref<10000x128xf32, #tpu.memory_space<vmem_shared>> -> memref<632x128xf32, #tpu.memory_space<vmem_shared>>
        tpu.enqueue_dma source(%dma_start3A_114 : memref<632x128xf32, #tpu.memory_space<vmem_shared>>) target(%dma_start3A_112 : memref<632x128xf32, #tpu.memory_space<hbm>>) target_semaphore(%run_scoped3A : memref<!tpu.dma_semaphore, #tpu.memory_space<semaphore_mem>>)
        %dma_wait3A_115 = arith.constant 0 : i32
        %dma_wait3A_116 = tpu.memref_slice %arg8[%arg0, %multiple_of3A, %dma_wait3A_115] : memref<2x10000x128xf32, #tpu.memory_space<hbm>> -> memref<1x632x128xf32, #tpu.memory_space<hbm>>
        %dma_wait3A_117 = tpu.memref_squeeze %dma_wait3A_116 : memref<1x632x128xf32, #tpu.memory_space<hbm>> -> memref<632x128xf32, #tpu.memory_space<hbm>>
        %dma_wait3A_118 = arith.constant 0 : i32
        %dma_wait3A_119 = tpu.memref_slice %arg19[%multiple_of3A, %dma_wait3A_118] : memref<10000x128xf32, #tpu.memory_space<vmem_shared>> -> memref<632x128xf32, #tpu.memory_space<vmem_shared>>
        tpu.wait_dma2 semaphore(%run_scoped3A : memref<!tpu.dma_semaphore, #tpu.memory_space<semaphore_mem>>) src(%dma_wait3A_119 : memref<632x128xf32, #tpu.memory_space<vmem_shared>>) dst(%dma_wait3A_117 : memref<632x128xf32, #tpu.memory_space<hbm>>)
        tpu.yield
      }) : () -> ()
    } else {
    }
    %ge3A_98 = arith.constant 2 : i32
    %ge3A_99 = arith.cmpi sge, %arg1, %ge3A_98 : i32
    %convert_element_type3A_100 = arith.extui %ge3A_99 : i1 to i32
    %cond3A_101 = arith.constant 0 : i32
    %cond3A_102 = arith.cmpi ne, %convert_element_type3A_100, %cond3A_101 : i32
    scf.if %cond3A_102 {
      %sub3A = arith.constant 2 : i32
      %sub3A_108 = arith.subi %arg1, %sub3A : i32
      %mul3A_109 = arith.constant 624 : i32
      %mul3A_110 = arith.muli %sub3A_108, %mul3A_109 : i32
      %add3A_111 = arith.constant 1264 : i32
      %add3A_112 = arith.addi %add3A_111, %mul3A_110 : i32
      %multiple_of3A = tpu.assume_multiple %add3A_112, 8 : i32
      "tpu.region"() ({
        %run_scoped3A = tpu.sem_alloc : memref<!tpu.dma_semaphore, #tpu.memory_space<semaphore_mem>>
        %dma_start3A_113 = arith.constant 0 : i32
        %dma_start3A_114 = tpu.memref_slice %arg8[%arg0, %multiple_of3A, %dma_start3A_113] : memref<2x10000x128xf32, #tpu.memory_space<hbm>> -> memref<1x624x128xf32, #tpu.memory_space<hbm>>
        %dma_start3A_115 = tpu.memref_squeeze %dma_start3A_114 : memref<1x624x128xf32, #tpu.memory_space<hbm>> -> memref<624x128xf32, #tpu.memory_space<hbm>>
        %dma_start3A_116 = arith.constant 0 : i32
        %dma_start3A_117 = tpu.memref_slice %arg19[%multiple_of3A, %dma_start3A_116] : memref<10000x128xf32, #tpu.memory_space<vmem_shared>> -> memref<624x128xf32, #tpu.memory_space<vmem_shared>>
        tpu.enqueue_dma source(%dma_start3A_117 : memref<624x128xf32, #tpu.memory_space<vmem_shared>>) target(%dma_start3A_115 : memref<624x128xf32, #tpu.memory_space<hbm>>) target_semaphore(%run_scoped3A : memref<!tpu.dma_semaphore, #tpu.memory_space<semaphore_mem>>)
        %dma_wait3A_118 = arith.constant 0 : i32
        %dma_wait3A_119 = tpu.memref_slice %arg8[%arg0, %multiple_of3A, %dma_wait3A_118] : memref<2x10000x128xf32, #tpu.memory_space<hbm>> -> memref<1x624x128xf32, #tpu.memory_space<hbm>>
        %dma_wait3A_120 = tpu.memref_squeeze %dma_wait3A_119 : memref<1x624x128xf32, #tpu.memory_space<hbm>> -> memref<624x128xf32, #tpu.memory_space<hbm>>
        %dma_wait3A_121 = arith.constant 0 : i32
        %dma_wait3A_122 = tpu.memref_slice %arg19[%multiple_of3A, %dma_wait3A_121] : memref<10000x128xf32, #tpu.memory_space<vmem_shared>> -> memref<624x128xf32, #tpu.memory_space<vmem_shared>>
        tpu.wait_dma2 semaphore(%run_scoped3A : memref<!tpu.dma_semaphore, #tpu.memory_space<semaphore_mem>>) src(%dma_wait3A_122 : memref<624x128xf32, #tpu.memory_space<vmem_shared>>) dst(%dma_wait3A_120 : memref<624x128xf32, #tpu.memory_space<hbm>>)
        tpu.yield
      }) : () -> ()
    } else {
    }
    %eq3A_103 = arith.constant 0 : i32
    %eq3A_104 = arith.cmpi eq, %arg1, %eq3A_103 : i32
    %convert_element_type3A_105 = arith.extui %eq3A_104 : i1 to i32
    %cond3A_106 = arith.constant 0 : i32
    %cond3A_107 = arith.cmpi ne, %convert_element_type3A_105, %cond3A_106 : i32
    scf.if %cond3A_107 {
      "tpu.region"() ({
        %run_scoped3A = tpu.sem_alloc : memref<!tpu.dma_semaphore, #tpu.memory_space<semaphore_mem>>
        %dma_start3A_108 = arith.constant 0 : i32
        %dma_start3A_109 = tpu.memref_slice %arg9[%arg0, %dma_start3A_108] : memref<2x10000xf32, #tpu.memory_space<hbm>> -> memref<1x10000xf32, #tpu.memory_space<hbm>>
        %dma_start3A_110 = tpu.memref_squeeze %dma_start3A_109 : memref<1x10000xf32, #tpu.memory_space<hbm>> -> memref<10000xf32, #tpu.memory_space<hbm>>
        tpu.enqueue_dma source(%arg20 : memref<10000xf32, #tpu.memory_space<vmem_shared>>) target(%dma_start3A_110 : memref<10000xf32, #tpu.memory_space<hbm>>) target_semaphore(%run_scoped3A : memref<!tpu.dma_semaphore, #tpu.memory_space<semaphore_mem>>)
        %dma_wait3A_111 = arith.constant 0 : i32
        %dma_wait3A_112 = tpu.memref_slice %arg9[%arg0, %dma_wait3A_111] : memref<2x10000xf32, #tpu.memory_space<hbm>> -> memref<1x10000xf32, #tpu.memory_space<hbm>>
        %dma_wait3A_113 = tpu.memref_squeeze %dma_wait3A_112 : memref<1x10000xf32, #tpu.memory_space<hbm>> -> memref<10000xf32, #tpu.memory_space<hbm>>
        tpu.wait_dma2 semaphore(%run_scoped3A : memref<!tpu.dma_semaphore, #tpu.memory_space<semaphore_mem>>) src(%arg20 : memref<10000xf32, #tpu.memory_space<vmem_shared>>) dst(%dma_wait3A_113 : memref<10000xf32, #tpu.memory_space<hbm>>)
        tpu.yield
      }) : () -> ()
    } else {
    }
    return
  }
}

module attributes {stable_mosaic.version = 14 : i64} {
  func.func @_edge_mlp_body(%arg0: i32, %arg1: memref<4000x128xf32, #tpu.memory_space<vmem>>, %arg2: memref<128x128xf32, #tpu.memory_space<vmem>>, %arg3: memref<1x128xf32, #tpu.memory_space<vmem>>, %arg4: memref<128x128xf32, #tpu.memory_space<vmem>>, %arg5: memref<1x128xf32, #tpu.memory_space<vmem>>, %arg6: memref<4000x128xf32, #tpu.memory_space<vmem>>) attributes {dimension_semantics = [#tpu.dimension_semantics<arbitrary>], iteration_bounds = array<i64: 80>, scalar_prefetch = 0 : i64, scratch_operands = 0 : i64, tpu.core_type = #tpu.core_type<tc>, window_params = [{transform_indices = @transform_0, window_bounds = array<i64: 4000, 128>}, {pipeline_mode = #tpu.pipeline_mode<synchronous>, transform_indices = @transform_1, window_bounds = array<i64: 128, 128>}, {pipeline_mode = #tpu.pipeline_mode<synchronous>, transform_indices = @transform_2, window_bounds = array<i64: 1, 128>}, {pipeline_mode = #tpu.pipeline_mode<synchronous>, transform_indices = @transform_3, window_bounds = array<i64: 128, 128>}, {pipeline_mode = #tpu.pipeline_mode<synchronous>, transform_indices = @transform_4, window_bounds = array<i64: 1, 128>}, {transform_indices = @transform_5, window_bounds = array<i64: 4000, 128>}]} {
    %get3A = arith.constant 0 : index
    %get3A_0 = arith.constant 0 : index
    %get3A_1 = vector.load %arg1[%get3A, %get3A_0] : memref<4000x128xf32, #tpu.memory_space<vmem>>, vector<4000x128xf32>
    %get3A_2 = arith.constant 0 : index
    %get3A_3 = arith.constant 0 : index
    %get3A_4 = vector.load %arg2[%get3A_2, %get3A_3] : memref<128x128xf32, #tpu.memory_space<vmem>>, vector<128x128xf32>
    %dot_general3A = arith.constant dense<0.000000e+00> : vector<4000x128xf32>
    %dot_general3A_5 = tpu.matmul %get3A_1, %get3A_4, %dot_general3A {dimension_numbers = #tpu.dot_dimension_numbers<[1], [0], [0], [1], [0, 0, 1, 1], [], []>, transpose_lhs_hint = false} : vector<4000x128xf32>, vector<128x128xf32>, vector<4000x128xf32> -> vector<4000x128xf32>
    %get3A_6 = arith.constant 0 : index
    %get3A_7 = arith.constant 0 : index
    %get3A_8 = vector.load %arg3[%get3A_6, %get3A_7] : memref<1x128xf32, #tpu.memory_space<vmem>>, vector<1x128xf32>
    %add3A = vector.broadcast %get3A_8 : vector<1x128xf32> to vector<4000x128xf32>
    %add3A_9 = arith.addf %dot_general3A_5, %add3A : vector<4000x128xf32>
    %max3A = arith.constant 0.000000e+00 : f32
    %max3A_10 = vector.broadcast %max3A : f32 to vector<4000x128xf32>
    %max3A_11 = arith.maximumf %add3A_9, %max3A_10 : vector<4000x128xf32>
    %get3A_12 = arith.constant 0 : index
    %get3A_13 = arith.constant 0 : index
    %get3A_14 = vector.load %arg4[%get3A_12, %get3A_13] : memref<128x128xf32, #tpu.memory_space<vmem>>, vector<128x128xf32>
    %dot_general3A_15 = arith.constant dense<0.000000e+00> : vector<4000x128xf32>
    %dot_general3A_16 = tpu.matmul %max3A_11, %get3A_14, %dot_general3A_15 {dimension_numbers = #tpu.dot_dimension_numbers<[1], [0], [0], [1], [0, 0, 1, 1], [], []>, transpose_lhs_hint = false} : vector<4000x128xf32>, vector<128x128xf32>, vector<4000x128xf32> -> vector<4000x128xf32>
    %get3A_17 = arith.constant 0 : index
    %get3A_18 = arith.constant 0 : index
    %get3A_19 = vector.load %arg5[%get3A_17, %get3A_18] : memref<1x128xf32, #tpu.memory_space<vmem>>, vector<1x128xf32>
    %add3A_20 = vector.broadcast %get3A_19 : vector<1x128xf32> to vector<4000x128xf32>
    %add3A_21 = arith.addf %dot_general3A_16, %add3A_20 : vector<4000x128xf32>
    %swap3A = arith.constant 0 : index
    %swap3A_22 = arith.constant 0 : index
    %swap3A_23 = vector.load %arg6[%swap3A, %swap3A_22] : memref<4000x128xf32, #tpu.memory_space<vmem>>, vector<4000x128xf32>
    tpu.vector_store %arg6[%swap3A, %swap3A_22], %add3A_21 {strides = array<i32>} : memref<4000x128xf32, #tpu.memory_space<vmem>>, vector<4000x128xf32>,
    return
  }
  func.func @transform_0(%arg0: i32) -> (i32, i32) {
    %c0_i32 = arith.constant 0 : i32
    %c0_i32_0 = arith.constant 0 : i32
    return %arg0, %c0_i32 : i32, i32
  }
  func.func @transform_1(%arg0: i32) -> (i32, i32) {
    %c0_i32 = arith.constant 0 : i32
    %c0_i32_0 = arith.constant 0 : i32
    %c0_i32_1 = arith.constant 0 : i32
    return %c0_i32, %c0_i32_0 : i32, i32
  }
  func.func @transform_2(%arg0: i32) -> (i32, i32) {
    %c0_i32 = arith.constant 0 : i32
    %c0_i32_0 = arith.constant 0 : i32
    %c0_i32_1 = arith.constant 0 : i32
    return %c0_i32, %c0_i32_0 : i32, i32
  }
  func.func @transform_3(%arg0: i32) -> (i32, i32) {
    %c0_i32 = arith.constant 0 : i32
    %c0_i32_0 = arith.constant 0 : i32
    %c0_i32_1 = arith.constant 0 : i32
    return %c0_i32, %c0_i32_0 : i32, i32
  }
  func.func @transform_4(%arg0: i32) -> (i32, i32) {
    %c0_i32 = arith.constant 0 : i32
    %c0_i32_0 = arith.constant 0 : i32
    %c0_i32_1 = arith.constant 0 : i32
    return %c0_i32, %c0_i32_0 : i32, i32
  }
  func.func @transform_5(%arg0: i32) -> (i32, i32) {
    %c0_i32 = arith.constant 0 : i32
    %c0_i32_0 = arith.constant 0 : i32
    return %arg0, %c0_i32 : i32, i32
  }
}

module attributes {stable_mosaic.version = 14 : i64} {
  func.func @_layer_body(%arg0: i32, %arg1: memref<2000x128xf32, #tpu.memory_space<vmem>>, %arg2: memref<2000x128xf32, #tpu.memory_space<vmem>>, %arg3: memref<2000x128xf32, #tpu.memory_space<vmem>>, %arg4: memref<2000x128xf32, #tpu.memory_space<vmem>>, %arg5: memref<2000x128xf32, #tpu.memory_space<vmem>>, %arg6: memref<2000x1xf32, #tpu.memory_space<vmem>>, %arg7: memref<2000x1xf32, #tpu.memory_space<vmem>>, %arg8: memref<128x128xf32, #tpu.memory_space<vmem>>, %arg9: memref<1x128xf32, #tpu.memory_space<vmem>>, %arg10: memref<128x128xf32, #tpu.memory_space<vmem>>, %arg11: memref<1x128xf32, #tpu.memory_space<vmem>>, %arg12: memref<2000x128xf32, #tpu.memory_space<vmem>>) attributes {dimension_semantics = [#tpu.dimension_semantics<arbitrary>], iteration_bounds = array<i64: 5>, scalar_prefetch = 0 : i64, scratch_operands = 0 : i64, tpu.core_type = #tpu.core_type<tc>, window_params = [{transform_indices = @transform_0, window_bounds = array<i64: 2000, 128>}, {transform_indices = @transform_1, window_bounds = array<i64: 2000, 128>}, {transform_indices = @transform_2, window_bounds = array<i64: 2000, 128>}, {transform_indices = @transform_3, window_bounds = array<i64: 2000, 128>}, {transform_indices = @transform_4, window_bounds = array<i64: 2000, 128>}, {transform_indices = @transform_5, window_bounds = array<i64: 2000, 1>}, {transform_indices = @transform_6, window_bounds = array<i64: 2000, 1>}, {pipeline_mode = #tpu.pipeline_mode<synchronous>, transform_indices = @transform_7, window_bounds = array<i64: 128, 128>}, {pipeline_mode = #tpu.pipeline_mode<synchronous>, transform_indices = @transform_8, window_bounds = array<i64: 1, 128>}, {pipeline_mode = #tpu.pipeline_mode<synchronous>, transform_indices = @transform_9, window_bounds = array<i64: 128, 128>}, {pipeline_mode = #tpu.pipeline_mode<synchronous>, transform_indices = @transform_10, window_bounds = array<i64: 1, 128>}, {transform_indices = @transform_11, window_bounds = array<i64: 2000, 128>}]} {
    %get3A = arith.constant 0 : index
    %get3A_0 = arith.constant 0 : index
    %get3A_1 = vector.load %arg6[%get3A, %get3A_0] : memref<2000x1xf32, #tpu.memory_space<vmem>>, vector<2000x1xf32>
    %get3A_2 = arith.constant 0 : index
    %get3A_3 = arith.constant 0 : index
    %get3A_4 = vector.load %arg7[%get3A_2, %get3A_3] : memref<2000x1xf32, #tpu.memory_space<vmem>>, vector<2000x1xf32>
    %add3A = arith.addf %get3A_1, %get3A_4 : vector<2000x1xf32>
    %max3A = arith.constant 1.000000e+00 : f32
    %max3A_5 = vector.broadcast %max3A : f32 to vector<2000x1xf32>
    %max3A_6 = arith.maximumf %add3A, %max3A_5 : vector<2000x1xf32>
    %get3A_7 = arith.constant 0 : index
    %get3A_8 = arith.constant 0 : index
    %get3A_9 = vector.load %arg4[%get3A_7, %get3A_8] : memref<2000x128xf32, #tpu.memory_space<vmem>>, vector<2000x128xf32>
    %get3A_10 = arith.constant 0 : index
    %get3A_11 = arith.constant 0 : index
    %get3A_12 = vector.load %arg5[%get3A_10, %get3A_11] : memref<2000x128xf32, #tpu.memory_space<vmem>>, vector<2000x128xf32>
    %add3A_13 = arith.addf %get3A_9, %get3A_12 : vector<2000x128xf32>
    %get3A_14 = arith.constant 0 : index
    %get3A_15 = arith.constant 0 : index
    %get3A_16 = vector.load %arg2[%get3A_14, %get3A_15] : memref<2000x128xf32, #tpu.memory_space<vmem>>, vector<2000x128xf32>
    %add3A_17 = arith.addf %add3A_13, %get3A_16 : vector<2000x128xf32>
    %get3A_18 = arith.constant 0 : index
    %get3A_19 = arith.constant 0 : index
    %get3A_20 = vector.load %arg3[%get3A_18, %get3A_19] : memref<2000x128xf32, #tpu.memory_space<vmem>>, vector<2000x128xf32>
    %add3A_21 = arith.addf %add3A_17, %get3A_20 : vector<2000x128xf32>
    %div3A = vector.broadcast %max3A_6 : vector<2000x1xf32> to vector<2000x128xf32>
    %div3A_22 = arith.divf %add3A_21, %div3A : vector<2000x128xf32>
    %get3A_23 = arith.constant 0 : index
    %get3A_24 = arith.constant 0 : index
    %get3A_25 = vector.load %arg1[%get3A_23, %get3A_24] : memref<2000x128xf32, #tpu.memory_space<vmem>>, vector<2000x128xf32>
    %get3A_26 = arith.constant 0 : index
    %get3A_27 = arith.constant 0 : index
    %get3A_28 = vector.load %arg8[%get3A_26, %get3A_27] : memref<128x128xf32, #tpu.memory_space<vmem>>, vector<128x128xf32>
    %dot_general3A = arith.constant dense<0.000000e+00> : vector<2000x128xf32>
    %dot_general3A_29 = tpu.matmul %get3A_25, %get3A_28, %dot_general3A {dimension_numbers = #tpu.dot_dimension_numbers<[1], [0], [0], [1], [0, 0, 1, 1], [], []>, transpose_lhs_hint = false} : vector<2000x128xf32>, vector<128x128xf32>, vector<2000x128xf32> -> vector<2000x128xf32>
    %get3A_30 = arith.constant 0 : index
    %get3A_31 = arith.constant 0 : index
    %get3A_32 = vector.load %arg9[%get3A_30, %get3A_31] : memref<1x128xf32, #tpu.memory_space<vmem>>, vector<1x128xf32>
    %add3A_33 = vector.broadcast %get3A_32 : vector<1x128xf32> to vector<2000x128xf32>
    %add3A_34 = arith.addf %dot_general3A_29, %add3A_33 : vector<2000x128xf32>
    %get3A_35 = arith.constant 0 : index
    %get3A_36 = arith.constant 0 : index
    %get3A_37 = vector.load %arg10[%get3A_35, %get3A_36] : memref<128x128xf32, #tpu.memory_space<vmem>>, vector<128x128xf32>
    %dot_general3A_38 = arith.constant dense<0.000000e+00> : vector<2000x128xf32>
    %dot_general3A_39 = tpu.matmul %div3A_22, %get3A_37, %dot_general3A_38 {dimension_numbers = #tpu.dot_dimension_numbers<[1], [0], [0], [1], [0, 0, 1, 1], [], []>, transpose_lhs_hint = false} : vector<2000x128xf32>, vector<128x128xf32>, vector<2000x128xf32> -> vector<2000x128xf32>
    %add3A_40 = arith.addf %add3A_34, %dot_general3A_39 : vector<2000x128xf32>
    %get3A_41 = arith.constant 0 : index
    %get3A_42 = arith.constant 0 : index
    %get3A_43 = vector.load %arg11[%get3A_41, %get3A_42] : memref<1x128xf32, #tpu.memory_space<vmem>>, vector<1x128xf32>
    %add3A_44 = vector.broadcast %get3A_43 : vector<1x128xf32> to vector<2000x128xf32>
    %add3A_45 = arith.addf %add3A_40, %add3A_44 : vector<2000x128xf32>
    %max3A_46 = arith.constant 0.000000e+00 : f32
    %max3A_47 = vector.broadcast %max3A_46 : f32 to vector<2000x128xf32>
    %max3A_48 = arith.maximumf %add3A_45, %max3A_47 : vector<2000x128xf32>
    %swap3A = arith.constant 0 : index
    %swap3A_49 = arith.constant 0 : index
    %swap3A_50 = vector.load %arg12[%swap3A, %swap3A_49] : memref<2000x128xf32, #tpu.memory_space<vmem>>, vector<2000x128xf32>
    tpu.vector_store %arg12[%swap3A, %swap3A_49], %max3A_48 {strides = array<i32>} : memref<2000x128xf32, #tpu.memory_space<vmem>>, vector<2000x128xf32>,
    return
  }
  func.func @transform_0(%arg0: i32) -> (i32, i32) {
    %c0_i32 = arith.constant 0 : i32
    %c0_i32_0 = arith.constant 0 : i32
    return %arg0, %c0_i32 : i32, i32
  }
  func.func @transform_1(%arg0: i32) -> (i32, i32) {
    %c0_i32 = arith.constant 0 : i32
    %c0_i32_0 = arith.constant 0 : i32
    return %arg0, %c0_i32 : i32, i32
  }
  func.func @transform_2(%arg0: i32) -> (i32, i32) {
    %c0_i32 = arith.constant 0 : i32
    %c0_i32_0 = arith.constant 0 : i32
    return %arg0, %c0_i32 : i32, i32
  }
  func.func @transform_3(%arg0: i32) -> (i32, i32) {
    %c0_i32 = arith.constant 0 : i32
    %c0_i32_0 = arith.constant 0 : i32
    return %arg0, %c0_i32 : i32, i32
  }
  func.func @transform_4(%arg0: i32) -> (i32, i32) {
    %c0_i32 = arith.constant 0 : i32
    %c0_i32_0 = arith.constant 0 : i32
    return %arg0, %c0_i32 : i32, i32
  }
  func.func @transform_5(%arg0: i32) -> (i32, i32) {
    %c0_i32 = arith.constant 0 : i32
    %c0_i32_0 = arith.constant 0 : i32
    return %arg0, %c0_i32 : i32, i32
  }
  func.func @transform_6(%arg0: i32) -> (i32, i32) {
    %c0_i32 = arith.constant 0 : i32
    %c0_i32_0 = arith.constant 0 : i32
    return %arg0, %c0_i32 : i32, i32
  }
  func.func @transform_7(%arg0: i32) -> (i32, i32) {
    %c0_i32 = arith.constant 0 : i32
    %c0_i32_0 = arith.constant 0 : i32
    %c0_i32_1 = arith.constant 0 : i32
    return %c0_i32, %c0_i32_0 : i32, i32
  }
  func.func @transform_8(%arg0: i32) -> (i32, i32) {
    %c0_i32 = arith.constant 0 : i32
    %c0_i32_0 = arith.constant 0 : i32
    %c0_i32_1 = arith.constant 0 : i32
    return %c0_i32, %c0_i32_0 : i32, i32
  }
  func.func @transform_9(%arg0: i32) -> (i32, i32) {
    %c0_i32 = arith.constant 0 : i32
    %c0_i32_0 = arith.constant 0 : i32
    %c0_i32_1 = arith.constant 0 : i32
    return %c0_i32, %c0_i32_0 : i32, i32
  }
  func.func @transform_10(%arg0: i32) -> (i32, i32) {
    %c0_i32 = arith.constant 0 : i32
    %c0_i32_0 = arith.constant 0 : i32
    %c0_i32_1 = arith.constant 0 : i32
    return %c0_i32, %c0_i32_0 : i32, i32
  }
  func.func @transform_11(%arg0: i32) -> (i32, i32) {
    %c0_i32 = arith.constant 0 : i32
    %c0_i32_0 = arith.constant 0 : i32
    return %arg0, %c0_i32 : i32, i32
  }
}

module attributes {stable_mosaic.version = 14 : i64} {
  func.func @_layer2_body(%arg0: i32, %arg1: memref<2000x128xf32, #tpu.memory_space<vmem>>, %arg2: memref<2000x128xf32, #tpu.memory_space<vmem>>, %arg3: memref<2000x128xf32, #tpu.memory_space<vmem>>, %arg4: memref<2000x128xf32, #tpu.memory_space<vmem>>, %arg5: memref<2000x128xf32, #tpu.memory_space<vmem>>, %arg6: memref<2000x1xf32, #tpu.memory_space<vmem>>, %arg7: memref<2000x1xf32, #tpu.memory_space<vmem>>, %arg8: memref<128x128xf32, #tpu.memory_space<vmem>>, %arg9: memref<1x128xf32, #tpu.memory_space<vmem>>, %arg10: memref<128x128xf32, #tpu.memory_space<vmem>>, %arg11: memref<1x128xf32, #tpu.memory_space<vmem>>, %arg12: memref<128x128xf32, #tpu.memory_space<vmem>>, %arg13: memref<128x128xf32, #tpu.memory_space<vmem>>, %arg14: memref<128x128xf32, #tpu.memory_space<vmem>>, %arg15: memref<128x128xf32, #tpu.memory_space<vmem>>, %arg16: memref<2000x128xf32, #tpu.memory_space<vmem>>, %arg17: memref<2000x128xf32, #tpu.memory_space<vmem>>) attributes {dimension_semantics = [#tpu.dimension_semantics<arbitrary>], iteration_bounds = array<i64: 5>, scalar_prefetch = 0 : i64, scratch_operands = 0 : i64, tpu.core_type = #tpu.core_type<tc>, window_params = [{transform_indices = @transform_0, window_bounds = array<i64: 2000, 128>}, {transform_indices = @transform_1, window_bounds = array<i64: 2000, 128>}, {transform_indices = @transform_2, window_bounds = array<i64: 2000, 128>}, {transform_indices = @transform_3, window_bounds = array<i64: 2000, 128>}, {transform_indices = @transform_4, window_bounds = array<i64: 2000, 128>}, {transform_indices = @transform_5, window_bounds = array<i64: 2000, 1>}, {transform_indices = @transform_6, window_bounds = array<i64: 2000, 1>}, {pipeline_mode = #tpu.pipeline_mode<synchronous>, transform_indices = @transform_7, window_bounds = array<i64: 128, 128>}, {pipeline_mode = #tpu.pipeline_mode<synchronous>, transform_indices = @transform_8, window_bounds = array<i64: 1, 128>}, {pipeline_mode = #tpu.pipeline_mode<synchronous>, transform_indices = @transform_9, window_bounds = array<i64: 128, 128>}, {pipeline_mode = #tpu.pipeline_mode<synchronous>, transform_indices = @transform_10, window_bounds = array<i64: 1, 128>}, {pipeline_mode = #tpu.pipeline_mode<synchronous>, transform_indices = @transform_11, window_bounds = array<i64: 128, 128>}, {pipeline_mode = #tpu.pipeline_mode<synchronous>, transform_indices = @transform_12, window_bounds = array<i64: 128, 128>}, {pipeline_mode = #tpu.pipeline_mode<synchronous>, transform_indices = @transform_13, window_bounds = array<i64: 128, 128>}, {pipeline_mode = #tpu.pipeline_mode<synchronous>, transform_indices = @transform_14, window_bounds = array<i64: 128, 128>}, {transform_indices = @transform_15, window_bounds = array<i64: 2000, 128>}, {transform_indices = @transform_16, window_bounds = array<i64: 2000, 128>}]} {
    %get3A = arith.constant 0 : index
    %get3A_0 = arith.constant 0 : index
    %get3A_1 = vector.load %arg6[%get3A, %get3A_0] : memref<2000x1xf32, #tpu.memory_space<vmem>>, vector<2000x1xf32>
    %get3A_2 = arith.constant 0 : index
    %get3A_3 = arith.constant 0 : index
    %get3A_4 = vector.load %arg7[%get3A_2, %get3A_3] : memref<2000x1xf32, #tpu.memory_space<vmem>>, vector<2000x1xf32>
    %add3A = arith.addf %get3A_1, %get3A_4 : vector<2000x1xf32>
    %max3A = arith.constant 1.000000e+00 : f32
    %max3A_5 = vector.broadcast %max3A : f32 to vector<2000x1xf32>
    %max3A_6 = arith.maximumf %add3A, %max3A_5 : vector<2000x1xf32>
    %get3A_7 = arith.constant 0 : index
    %get3A_8 = arith.constant 0 : index
    %get3A_9 = vector.load %arg4[%get3A_7, %get3A_8] : memref<2000x128xf32, #tpu.memory_space<vmem>>, vector<2000x128xf32>
    %get3A_10 = arith.constant 0 : index
    %get3A_11 = arith.constant 0 : index
    %get3A_12 = vector.load %arg5[%get3A_10, %get3A_11] : memref<2000x128xf32, #tpu.memory_space<vmem>>, vector<2000x128xf32>
    %add3A_13 = arith.addf %get3A_9, %get3A_12 : vector<2000x128xf32>
    %get3A_14 = arith.constant 0 : index
    %get3A_15 = arith.constant 0 : index
    %get3A_16 = vector.load %arg2[%get3A_14, %get3A_15] : memref<2000x128xf32, #tpu.memory_space<vmem>>, vector<2000x128xf32>
    %add3A_17 = arith.addf %add3A_13, %get3A_16 : vector<2000x128xf32>
    %get3A_18 = arith.constant 0 : index
    %get3A_19 = arith.constant 0 : index
    %get3A_20 = vector.load %arg3[%get3A_18, %get3A_19] : memref<2000x128xf32, #tpu.memory_space<vmem>>, vector<2000x128xf32>
    %add3A_21 = arith.addf %add3A_17, %get3A_20 : vector<2000x128xf32>
    %div3A = vector.broadcast %max3A_6 : vector<2000x1xf32> to vector<2000x128xf32>
    %div3A_22 = arith.divf %add3A_21, %div3A : vector<2000x128xf32>
    %get3A_23 = arith.constant 0 : index
    %get3A_24 = arith.constant 0 : index
    %get3A_25 = vector.load %arg1[%get3A_23, %get3A_24] : memref<2000x128xf32, #tpu.memory_space<vmem>>, vector<2000x128xf32>
    %get3A_26 = arith.constant 0 : index
    %get3A_27 = arith.constant 0 : index
    %get3A_28 = vector.load %arg8[%get3A_26, %get3A_27] : memref<128x128xf32, #tpu.memory_space<vmem>>, vector<128x128xf32>
    %dot_general3A = arith.constant dense<0.000000e+00> : vector<2000x128xf32>
    %dot_general3A_29 = tpu.matmul %get3A_25, %get3A_28, %dot_general3A {dimension_numbers = #tpu.dot_dimension_numbers<[1], [0], [0], [1], [0, 0, 1, 1], [], []>, transpose_lhs_hint = false} : vector<2000x128xf32>, vector<128x128xf32>, vector<2000x128xf32> -> vector<2000x128xf32>
    %get3A_30 = arith.constant 0 : index
    %get3A_31 = arith.constant 0 : index
    %get3A_32 = vector.load %arg9[%get3A_30, %get3A_31] : memref<1x128xf32, #tpu.memory_space<vmem>>, vector<1x128xf32>
    %add3A_33 = vector.broadcast %get3A_32 : vector<1x128xf32> to vector<2000x128xf32>
    %add3A_34 = arith.addf %dot_general3A_29, %add3A_33 : vector<2000x128xf32>
    %get3A_35 = arith.constant 0 : index
    %get3A_36 = arith.constant 0 : index
    %get3A_37 = vector.load %arg10[%get3A_35, %get3A_36] : memref<128x128xf32, #tpu.memory_space<vmem>>, vector<128x128xf32>
    %dot_general3A_38 = arith.constant dense<0.000000e+00> : vector<2000x128xf32>
    %dot_general3A_39 = tpu.matmul %div3A_22, %get3A_37, %dot_general3A_38 {dimension_numbers = #tpu.dot_dimension_numbers<[1], [0], [0], [1], [0, 0, 1, 1], [], []>, transpose_lhs_hint = false} : vector<2000x128xf32>, vector<128x128xf32>, vector<2000x128xf32> -> vector<2000x128xf32>
    %add3A_40 = arith.addf %add3A_34, %dot_general3A_39 : vector<2000x128xf32>
    %get3A_41 = arith.constant 0 : index
    %get3A_42 = arith.constant 0 : index
    %get3A_43 = vector.load %arg11[%get3A_41, %get3A_42] : memref<1x128xf32, #tpu.memory_space<vmem>>, vector<1x128xf32>
    %add3A_44 = vector.broadcast %get3A_43 : vector<1x128xf32> to vector<2000x128xf32>
    %add3A_45 = arith.addf %add3A_40, %add3A_44 : vector<2000x128xf32>
    %max3A_46 = arith.constant 0.000000e+00 : f32
    %max3A_47 = vector.broadcast %max3A_46 : f32 to vector<2000x128xf32>
    %max3A_48 = arith.maximumf %add3A_45, %max3A_47 : vector<2000x128xf32>
    %get3A_49 = arith.constant 0 : index
    %get3A_50 = arith.constant 0 : index
    %get3A_51 = vector.load %arg1[%get3A_49, %get3A_50] : memref<2000x128xf32, #tpu.memory_space<vmem>>, vector<2000x128xf32>
    %get3A_52 = arith.constant 0 : index
    %get3A_53 = arith.constant 0 : index
    %get3A_54 = vector.load %arg12[%get3A_52, %get3A_53] : memref<128x128xf32, #tpu.memory_space<vmem>>, vector<128x128xf32>
    %dot_general3A_55 = arith.constant dense<0.000000e+00> : vector<2000x128xf32>
    %dot_general3A_56 = tpu.matmul %get3A_51, %get3A_54, %dot_general3A_55 {dimension_numbers = #tpu.dot_dimension_numbers<[1], [0], [0], [1], [0, 0, 1, 1], [], []>, transpose_lhs_hint = false} : vector<2000x128xf32>, vector<128x128xf32>, vector<2000x128xf32> -> vector<2000x128xf32>
    %get3A_57 = arith.constant 0 : index
    %get3A_58 = arith.constant 0 : index
    %get3A_59 = vector.load %arg13[%get3A_57, %get3A_58] : memref<128x128xf32, #tpu.memory_space<vmem>>, vector<128x128xf32>
    %dot_general3A_60 = arith.constant dense<0.000000e+00> : vector<2000x128xf32>
    %dot_general3A_61 = tpu.matmul %max3A_48, %get3A_59, %dot_general3A_60 {dimension_numbers = #tpu.dot_dimension_numbers<[1], [0], [0], [1], [0, 0, 1, 1], [], []>, transpose_lhs_hint = false} : vector<2000x128xf32>, vector<128x128xf32>, vector<2000x128xf32> -> vector<2000x128xf32>
    %add3A_62 = arith.addf %dot_general3A_56, %dot_general3A_61 : vector<2000x128xf32>
    %swap3A = arith.constant 0 : index
    %swap3A_63 = arith.constant 0 : index
    %swap3A_64 = vector.load %arg16[%swap3A, %swap3A_63] : memref<2000x128xf32, #tpu.memory_space<vmem>>, vector<2000x128xf32>
    tpu.vector_store %arg16[%swap3A, %swap3A_63], %add3A_62 {strides = array<i32>} : memref<2000x128xf32, #tpu.memory_space<vmem>>, vector<2000x128xf32>,
    %get3A_65 = arith.constant 0 : index
    %get3A_66 = arith.constant 0 : index
    %get3A_67 = vector.load %arg1[%get3A_65, %get3A_66] : memref<2000x128xf32, #tpu.memory_space<vmem>>, vector<2000x128xf32>
    %get3A_68 = arith.constant 0 : index
    %get3A_69 = arith.constant 0 : index
    %get3A_70 = vector.load %arg14[%get3A_68, %get3A_69] : memref<128x128xf32, #tpu.memory_space<vmem>>, vector<128x128xf32>
    %dot_general3A_71 = arith.constant dense<0.000000e+00> : vector<2000x128xf32>
    %dot_general3A_72 = tpu.matmul %get3A_67, %get3A_70, %dot_general3A_71 {dimension_numbers = #tpu.dot_dimension_numbers<[1], [0], [0], [1], [0, 0, 1, 1], [], []>, transpose_lhs_hint = false} : vector<2000x128xf32>, vector<128x128xf32>, vector<2000x128xf32> -> vector<2000x128xf32>
    %get3A_73 = arith.constant 0 : index
    %get3A_74 = arith.constant 0 : index
    %get3A_75 = vector.load %arg15[%get3A_73, %get3A_74] : memref<128x128xf32, #tpu.memory_space<vmem>>, vector<128x128xf32>
    %dot_general3A_76 = arith.constant dense<0.000000e+00> : vector<2000x128xf32>
    %dot_general3A_77 = tpu.matmul %max3A_48, %get3A_75, %dot_general3A_76 {dimension_numbers = #tpu.dot_dimension_numbers<[1], [0], [0], [1], [0, 0, 1, 1], [], []>, transpose_lhs_hint = false} : vector<2000x128xf32>, vector<128x128xf32>, vector<2000x128xf32> -> vector<2000x128xf32>
    %add3A_78 = arith.addf %dot_general3A_72, %dot_general3A_77 : vector<2000x128xf32>
    %swap3A_79 = arith.constant 0 : index
    %swap3A_80 = arith.constant 0 : index
    %swap3A_81 = vector.load %arg17[%swap3A_79, %swap3A_80] : memref<2000x128xf32, #tpu.memory_space<vmem>>, vector<2000x128xf32>
    tpu.vector_store %arg17[%swap3A_79, %swap3A_80], %add3A_78 {strides = array<i32>} : memref<2000x128xf32, #tpu.memory_space<vmem>>, vector<2000x128xf32>,
    return
  }
  func.func @transform_0(%arg0: i32) -> (i32, i32) {
    %c0_i32 = arith.constant 0 : i32
    %c0_i32_0 = arith.constant 0 : i32
    return %arg0, %c0_i32 : i32, i32
  }
  func.func @transform_1(%arg0: i32) -> (i32, i32) {
    %c0_i32 = arith.constant 0 : i32
    %c0_i32_0 = arith.constant 0 : i32
    return %arg0, %c0_i32 : i32, i32
  }
  func.func @transform_2(%arg0: i32) -> (i32, i32) {
    %c0_i32 = arith.constant 0 : i32
    %c0_i32_0 = arith.constant 0 : i32
    return %arg0, %c0_i32 : i32, i32
  }
  func.func @transform_3(%arg0: i32) -> (i32, i32) {
    %c0_i32 = arith.constant 0 : i32
    %c0_i32_0 = arith.constant 0 : i32
    return %arg0, %c0_i32 : i32, i32
  }
  func.func @transform_4(%arg0: i32) -> (i32, i32) {
    %c0_i32 = arith.constant 0 : i32
    %c0_i32_0 = arith.constant 0 : i32
    return %arg0, %c0_i32 : i32, i32
  }
  func.func @transform_5(%arg0: i32) -> (i32, i32) {
    %c0_i32 = arith.constant 0 : i32
    %c0_i32_0 = arith.constant 0 : i32
    return %arg0, %c0_i32 : i32, i32
  }
  func.func @transform_6(%arg0: i32) -> (i32, i32) {
    %c0_i32 = arith.constant 0 : i32
    %c0_i32_0 = arith.constant 0 : i32
    return %arg0, %c0_i32 : i32, i32
  }
  func.func @transform_7(%arg0: i32) -> (i32, i32) {
    %c0_i32 = arith.constant 0 : i32
    %c0_i32_0 = arith.constant 0 : i32
    %c0_i32_1 = arith.constant 0 : i32
    return %c0_i32, %c0_i32_0 : i32, i32
  }
  func.func @transform_8(%arg0: i32) -> (i32, i32) {
    %c0_i32 = arith.constant 0 : i32
    %c0_i32_0 = arith.constant 0 : i32
    %c0_i32_1 = arith.constant 0 : i32
    return %c0_i32, %c0_i32_0 : i32, i32
  }
  func.func @transform_9(%arg0: i32) -> (i32, i32) {
    %c0_i32 = arith.constant 0 : i32
    %c0_i32_0 = arith.constant 0 : i32
    %c0_i32_1 = arith.constant 0 : i32
    return %c0_i32, %c0_i32_0 : i32, i32
  }
  func.func @transform_10(%arg0: i32) -> (i32, i32) {
    %c0_i32 = arith.constant 0 : i32
    %c0_i32_0 = arith.constant 0 : i32
    %c0_i32_1 = arith.constant 0 : i32
    return %c0_i32, %c0_i32_0 : i32, i32
  }
  func.func @transform_11(%arg0: i32) -> (i32, i32) {
    %c0_i32 = arith.constant 0 : i32
    %c0_i32_0 = arith.constant 0 : i32
    %c0_i32_1 = arith.constant 0 : i32
    return %c0_i32, %c0_i32_0 : i32, i32
  }
  func.func @transform_12(%arg0: i32) -> (i32, i32) {
    %c0_i32 = arith.constant 0 : i32
    %c0_i32_0 = arith.constant 0 : i32
    %c0_i32_1 = arith.constant 0 : i32
    return %c0_i32, %c0_i32_0 : i32, i32
  }
  func.func @transform_13(%arg0: i32) -> (i32, i32) {
    %c0_i32 = arith.constant 0 : i32
    %c0_i32_0 = arith.constant 0 : i32
    %c0_i32_1 = arith.constant 0 : i32
    return %c0_i32, %c0_i32_0 : i32, i32
  }
  func.func @transform_14(%arg0: i32) -> (i32, i32) {
    %c0_i32 = arith.constant 0 : i32
    %c0_i32_0 = arith.constant 0 : i32
    %c0_i32_1 = arith.constant 0 : i32
    return %c0_i32, %c0_i32_0 : i32, i32
  }
  func.func @transform_15(%arg0: i32) -> (i32, i32) {
    %c0_i32 = arith.constant 0 : i32
    %c0_i32_0 = arith.constant 0 : i32
    return %arg0, %c0_i32 : i32, i32
  }
  func.func @transform_16(%arg0: i32) -> (i32, i32) {
    %c0_i32 = arith.constant 0 : i32
    %c0_i32_0 = arith.constant 0 : i32
    return %arg0, %c0_i32 : i32, i32
  }
}

module attributes {stable_mosaic.version = 14 : i64} {
  func.func @_score_body(%arg0: i32, %arg1: memref<4000x128xf32, #tpu.memory_space<vmem>>, %arg2: memref<4000x128xf32, #tpu.memory_space<vmem>>, %arg3: memref<4000x128xf32, #tpu.memory_space<vmem>>, %arg4: memref<1x128xf32, #tpu.memory_space<vmem>>, %arg5: memref<128x128xf32, #tpu.memory_space<vmem>>, %arg6: memref<1x128xf32, #tpu.memory_space<vmem>>, %arg7: memref<128x128xf32, #tpu.memory_space<vmem>>, %arg8: memref<1x128xf32, #tpu.memory_space<vmem>>, %arg9: memref<1x1xf32, #tpu.memory_space<vmem>>, %arg10: memref<1x1x4000xf32, #tpu.memory_space<vmem>>) attributes {dimension_semantics = [#tpu.dimension_semantics<arbitrary>], iteration_bounds = array<i64: 80>, scalar_prefetch = 0 : i64, scratch_operands = 0 : i64, tpu.core_type = #tpu.core_type<tc>, window_params = [{transform_indices = @transform_0, window_bounds = array<i64: 4000, 128>}, {transform_indices = @transform_1, window_bounds = array<i64: 4000, 128>}, {transform_indices = @transform_2, window_bounds = array<i64: 4000, 128>}, {pipeline_mode = #tpu.pipeline_mode<synchronous>, transform_indices = @transform_3, window_bounds = array<i64: 1, 128>}, {pipeline_mode = #tpu.pipeline_mode<synchronous>, transform_indices = @transform_4, window_bounds = array<i64: 128, 128>}, {pipeline_mode = #tpu.pipeline_mode<synchronous>, transform_indices = @transform_5, window_bounds = array<i64: 1, 128>}, {pipeline_mode = #tpu.pipeline_mode<synchronous>, transform_indices = @transform_6, window_bounds = array<i64: 128, 128>}, {pipeline_mode = #tpu.pipeline_mode<synchronous>, transform_indices = @transform_7, window_bounds = array<i64: 1, 128>}, {pipeline_mode = #tpu.pipeline_mode<synchronous>, transform_indices = @transform_8, window_bounds = array<i64: 1, 1>}, {transform_indices = @transform_9, window_bounds = array<i64: 1, 1, 4000>}]} {
    %get3A = arith.constant 0 : index
    %get3A_0 = arith.constant 0 : index
    %get3A_1 = vector.load %arg4[%get3A, %get3A_0] : memref<1x128xf32, #tpu.memory_space<vmem>>, vector<1x128xf32>
    %get3A_2 = arith.constant 0 : index
    %get3A_3 = arith.constant 0 : index
    %get3A_4 = vector.load %arg5[%get3A_2, %get3A_3] : memref<128x128xf32, #tpu.memory_space<vmem>>, vector<128x128xf32>
    %dot_general3A = arith.constant dense<0.000000e+00> : vector<1x128xf32>
    %dot_general3A_5 = tpu.matmul %get3A_1, %get3A_4, %dot_general3A {dimension_numbers = #tpu.dot_dimension_numbers<[1], [0], [0], [1], [0, 0, 1, 1], [], []>, transpose_lhs_hint = false} : vector<1x128xf32>, vector<128x128xf32>, vector<1x128xf32> -> vector<1x128xf32>
    %get3A_6 = arith.constant 0 : index
    %get3A_7 = arith.constant 0 : index
    %get3A_8 = vector.load %arg6[%get3A_6, %get3A_7] : memref<1x128xf32, #tpu.memory_space<vmem>>, vector<1x128xf32>
    %add3A = arith.addf %dot_general3A_5, %get3A_8 : vector<1x128xf32>
    %get3A_9 = arith.constant 0 : index
    %get3A_10 = arith.constant 0 : index
    %get3A_11 = vector.load %arg2[%get3A_9, %get3A_10] : memref<4000x128xf32, #tpu.memory_space<vmem>>, vector<4000x128xf32>
    %add3A_12 = vector.broadcast %add3A : vector<1x128xf32> to vector<4000x128xf32>
    %add3A_13 = arith.addf %add3A_12, %get3A_11 : vector<4000x128xf32>
    %get3A_14 = arith.constant 0 : index
    %get3A_15 = arith.constant 0 : index
    %get3A_16 = vector.load %arg3[%get3A_14, %get3A_15] : memref<4000x128xf32, #tpu.memory_space<vmem>>, vector<4000x128xf32>
    %add3A_17 = arith.addf %add3A_13, %get3A_16 : vector<4000x128xf32>
    %get3A_18 = arith.constant 0 : index
    %get3A_19 = arith.constant 0 : index
    %get3A_20 = vector.load %arg1[%get3A_18, %get3A_19] : memref<4000x128xf32, #tpu.memory_space<vmem>>, vector<4000x128xf32>
    %get3A_21 = arith.constant 0 : index
    %get3A_22 = arith.constant 0 : index
    %get3A_23 = vector.load %arg7[%get3A_21, %get3A_22] : memref<128x128xf32, #tpu.memory_space<vmem>>, vector<128x128xf32>
    %dot_general3A_24 = arith.constant dense<0.000000e+00> : vector<4000x128xf32>
    %dot_general3A_25 = tpu.matmul %get3A_20, %get3A_23, %dot_general3A_24 {dimension_numbers = #tpu.dot_dimension_numbers<[1], [0], [0], [1], [0, 0, 1, 1], [], []>, transpose_lhs_hint = false} : vector<4000x128xf32>, vector<128x128xf32>, vector<4000x128xf32> -> vector<4000x128xf32>
    %add3A_26 = arith.addf %add3A_17, %dot_general3A_25 : vector<4000x128xf32>
    %max3A = arith.constant 0.000000e+00 : f32
    %max3A_27 = vector.broadcast %max3A : f32 to vector<4000x128xf32>
    %max3A_28 = arith.maximumf %add3A_26, %max3A_27 : vector<4000x128xf32>
    %get3A_29 = arith.constant 0 : index
    %get3A_30 = arith.constant 0 : index
    %get3A_31 = vector.load %arg8[%get3A_29, %get3A_30] : memref<1x128xf32, #tpu.memory_space<vmem>>, vector<1x128xf32>
    %dot_general3A_32 = arith.constant dense<0.000000e+00> : vector<1x4000xf32>
    %dot_general3A_33 = tpu.matmul %get3A_31, %max3A_28, %dot_general3A_32 {dimension_numbers = #tpu.dot_dimension_numbers<[1], [1], [0], [0], [0, 0, 1, 0], [], []>, transpose_lhs_hint = false} : vector<1x128xf32>, vector<4000x128xf32>, vector<1x4000xf32> -> vector<1x4000xf32>
    %get3A_34 = arith.constant 0 : index
    %get3A_35 = arith.constant 0 : index
    %get3A_36 = vector.load %arg9[%get3A_34, %get3A_35] : memref<1x1xf32, #tpu.memory_space<vmem>>, vector<1x1xf32>
    %add3A_37 = vector.broadcast %get3A_36 : vector<1x1xf32> to vector<1x4000xf32>
    %add3A_38 = arith.addf %dot_general3A_33, %add3A_37 : vector<1x4000xf32>
    %broadcast_in_dim3A = vector.shape_cast %add3A_38 : vector<1x4000xf32> to vector<1x1x4000xf32>
    %swap3A = arith.constant 0 : index
    %swap3A_39 = arith.constant 0 : index
    %swap3A_40 = arith.constant 0 : index
    %swap3A_41 = vector.load %arg10[%swap3A, %swap3A_39, %swap3A_40] : memref<1x1x4000xf32, #tpu.memory_space<vmem>>, vector<1x1x4000xf32>
    tpu.vector_store %arg10[%swap3A, %swap3A_39, %swap3A_40], %broadcast_in_dim3A {strides = array<i32>} : memref<1x1x4000xf32, #tpu.memory_space<vmem>>, vector<1x1x4000xf32>,
    return
  }
  func.func @transform_0(%arg0: i32) -> (i32, i32) {
    %c0_i32 = arith.constant 0 : i32
    %c0_i32_0 = arith.constant 0 : i32
    return %arg0, %c0_i32 : i32, i32
  }
  func.func @transform_1(%arg0: i32) -> (i32, i32) {
    %c0_i32 = arith.constant 0 : i32
    %c0_i32_0 = arith.constant 0 : i32
    return %arg0, %c0_i32 : i32, i32
  }
  func.func @transform_2(%arg0: i32) -> (i32, i32) {
    %c0_i32 = arith.constant 0 : i32
    %c0_i32_0 = arith.constant 0 : i32
    return %arg0, %c0_i32 : i32, i32
  }
  func.func @transform_3(%arg0: i32) -> (i32, i32) {
    %c0_i32 = arith.constant 0 : i32
    %c0_i32_0 = arith.constant 0 : i32
    %c0_i32_1 = arith.constant 0 : i32
    return %c0_i32, %c0_i32_0 : i32, i32
  }
  func.func @transform_4(%arg0: i32) -> (i32, i32) {
    %c0_i32 = arith.constant 0 : i32
    %c0_i32_0 = arith.constant 0 : i32
    %c0_i32_1 = arith.constant 0 : i32
    return %c0_i32, %c0_i32_0 : i32, i32
  }
  func.func @transform_5(%arg0: i32) -> (i32, i32) {
    %c0_i32 = arith.constant 0 : i32
    %c0_i32_0 = arith.constant 0 : i32
    %c0_i32_1 = arith.constant 0 : i32
    return %c0_i32, %c0_i32_0 : i32, i32
  }
  func.func @transform_6(%arg0: i32) -> (i32, i32) {
    %c0_i32 = arith.constant 0 : i32
    %c0_i32_0 = arith.constant 0 : i32
    %c0_i32_1 = arith.constant 0 : i32
    return %c0_i32, %c0_i32_0 : i32, i32
  }
  func.func @transform_7(%arg0: i32) -> (i32, i32) {
    %c0_i32 = arith.constant 0 : i32
    %c0_i32_0 = arith.constant 0 : i32
    %c0_i32_1 = arith.constant 0 : i32
    return %c0_i32, %c0_i32_0 : i32, i32
  }
  func.func @transform_8(%arg0: i32) -> (i32, i32) {
    %c0_i32 = arith.constant 0 : i32
    %c0_i32_0 = arith.constant 0 : i32
    %c0_i32_1 = arith.constant 0 : i32
    return %c0_i32, %c0_i32_0 : i32, i32
  }
  func.func @transform_9(%arg0: i32) -> (i32, i32, i32) {
    %c0_i32 = arith.constant 0 : i32
    %c0_i32_0 = arith.constant 0 : i32
    %c0_i32_1 = arith.constant 0 : i32
    return %arg0, %c0_i32, %c0_i32_0 : i32, i32, i32
  }
}

module attributes {stable_mosaic.version = 14 : i64} {
  func.func @_topk_body(%arg0: memref<80x4000xf32, #tpu.memory_space<vmem>>, %arg1: memref<80x4000xf32, #tpu.memory_space<vmem>>, %arg2: memref<80x4000xf32, #tpu.memory_space<vmem>>) attributes {dimension_semantics = [], scalar_prefetch = 0 : i64, scratch_operands = 0 : i64, tpu.core_type = #tpu.core_type<tc>} {
    %get3A = arith.constant 0 : index
    %get3A_0 = arith.constant 0 : index
    %get3A_1 = vector.load %arg0[%get3A, %get3A_0] : memref<80x4000xf32, #tpu.memory_space<vmem>>, vector<80x4000xf32>
    %get3A_2 = arith.constant 0 : index
    %get3A_3 = arith.constant 0 : index
    %get3A_4 = vector.load %arg1[%get3A_2, %get3A_3] : memref<80x4000xf32, #tpu.memory_space<vmem>>, vector<80x4000xf32>
    %add3A = arith.addf %get3A_1, %get3A_4 : vector<80x4000xf32>
    %bitcast_convert_type3A = tpu.bitcast %add3A : vector<80x4000xf32> -> vector<80x4000xi32>
    %ge3A = arith.constant 0 : i32
    %ge3A_5 = vector.broadcast %ge3A : i32 to vector<80x4000xi32>
    %ge3A_6 = arith.cmpi sge, %bitcast_convert_type3A, %ge3A_5 : vector<80x4000xi32>
    %sub3A = arith.constant -2147483648 : i32
    %sub3A_7 = vector.broadcast %sub3A : i32 to vector<80x4000xi32>
    %sub3A_8 = arith.subi %sub3A_7, %bitcast_convert_type3A : vector<80x4000xi32>
    %select_n3A = arith.select %ge3A_6, %bitcast_convert_type3A, %sub3A_8 : vector<80x4000xi1>, vector<80x4000xi32>
    %reduce_min3A = vector.shape_cast %select_n3A : vector<80x4000xi32> to vector<1x80x4000xi32>
    %reduce_min3A_9 = arith.constant dense<2147483647> : vector<1xi32>
    %reduce_min3A_10 = vector.multi_reduction <minsi>, %reduce_min3A, %reduce_min3A_9 [1, 2] : vector<1x80x4000xi32> to vector<1xi32>
    %reduce_min3A_11 = vector.shape_cast %reduce_min3A_10 : vector<1xi32> to vector<1x1x1xi32>
    %reduce_min3A_12 = vector.extract %reduce_min3A_11[0, 0, 0] : i32 from vector<1x1x1xi32>
    %reduce_max3A = vector.shape_cast %select_n3A : vector<80x4000xi32> to vector<1x80x4000xi32>
    %reduce_max3A_13 = arith.constant dense<-2147483648> : vector<1xi32>
    %reduce_max3A_14 = vector.multi_reduction <maxsi>, %reduce_max3A, %reduce_max3A_13 [1, 2] : vector<1x80x4000xi32> to vector<1xi32>
    %reduce_max3A_15 = vector.shape_cast %reduce_max3A_14 : vector<1xi32> to vector<1x1x1xi32>
    %reduce_max3A_16 = vector.extract %reduce_max3A_15[0, 0, 0] : i32 from vector<1x1x1xi32>
    %scan3A = arith.constant 2048 : i32
    %scan3A_17 = arith.constant 0 : i32
    %scan3A_18 = arith.constant 33 : i32
    %scan3A_19 = arith.addi %scan3A_17, %scan3A_18 : i32
    %scan3A_20 = arith.constant 1 : i32
    %scan3A_21:2 = scf.for %scan3A_48 = %scan3A_17 to %scan3A_19 step %scan3A_20 iter_args(%scan3A_49 = %reduce_min3A_12, %scan3A_50 = %reduce_max3A_16) -> (i32, i32)  : i32 {
      %shift_right_arithmetic3A = arith.constant 1 : i32
      %shift_right_arithmetic3A_51 = arith.shrsi %scan3A_49, %shift_right_arithmetic3A : i32
      %shift_right_arithmetic3A_52 = arith.constant 1 : i32
      %shift_right_arithmetic3A_53 = arith.shrsi %scan3A_50, %shift_right_arithmetic3A_52 : i32
      %add3A_54 = arith.addi %shift_right_arithmetic3A_51, %shift_right_arithmetic3A_53 : i32
      %and3A_55 = arith.andi %scan3A_49, %scan3A_50 : i32
      %and3A_56 = arith.constant 1 : i32
      %and3A_57 = arith.andi %and3A_55, %and3A_56 : i32
      %add3A_58 = arith.addi %add3A_54, %and3A_57 : i32
      %xor3A = arith.xori %scan3A_49, %scan3A_50 : i32
      %and3A_59 = arith.constant 1 : i32
      %and3A_60 = arith.andi %xor3A, %and3A_59 : i32
      %add3A_61 = arith.addi %add3A_58, %and3A_60 : i32
      %ge3A_62 = vector.broadcast %add3A_61 : i32 to vector<80x4000xi32>
      %ge3A_63 = arith.cmpi sge, %select_n3A, %ge3A_62 : vector<80x4000xi32>
      %convert_element_type3A_64 = arith.extui %ge3A_63 : vector<80x4000xi1> to vector<80x4000xi32>
      %reduce_sum3A_65 = vector.shape_cast %convert_element_type3A_64 : vector<80x4000xi32> to vector<1x80x4000xi32>
      %reduce_sum3A_66 = arith.constant dense<0> : vector<1xi32>
      %reduce_sum3A_67 = vector.multi_reduction <add>, %reduce_sum3A_65, %reduce_sum3A_66 [1, 2] : vector<1x80x4000xi32> to vector<1xi32>
      %reduce_sum3A_68 = vector.shape_cast %reduce_sum3A_67 : vector<1xi32> to vector<1x1x1xi32>
      %reduce_sum3A_69 = vector.extract %reduce_sum3A_68[0, 0, 0] : i32 from vector<1x1x1xi32>
      %ge3A_70 = arith.cmpi sge, %reduce_sum3A_69, %scan3A : i32
      %select_n3A_71 = arith.select %ge3A_70, %add3A_61, %scan3A_49 : i32
      %sub3A_72 = arith.constant 1 : i32
      %sub3A_73 = arith.subi %add3A_61, %sub3A_72 : i32
      %select_n3A_74 = arith.select %ge3A_70, %scan3A_50, %sub3A_73 : i32
      scf.yield %select_n3A_71, %select_n3A_74 : i32, i32
    }
    %gt3A = vector.broadcast %scan3A_21#0 : i32 to vector<80x4000xi32>
    %gt3A_22 = arith.cmpi sgt, %select_n3A, %gt3A : vector<80x4000xi32>
    %convert_element_type3A = arith.extui %gt3A_22 : vector<80x4000xi1> to vector<80x4000xi32>
    %reduce_sum3A = vector.shape_cast %convert_element_type3A : vector<80x4000xi32> to vector<1x80x4000xi32>
    %reduce_sum3A_23 = arith.constant dense<0> : vector<1xi32>
    %reduce_sum3A_24 = vector.multi_reduction <add>, %reduce_sum3A, %reduce_sum3A_23 [1, 2] : vector<1x80x4000xi32> to vector<1xi32>
    %reduce_sum3A_25 = vector.shape_cast %reduce_sum3A_24 : vector<1xi32> to vector<1x1x1xi32>
    %reduce_sum3A_26 = vector.extract %reduce_sum3A_25[0, 0, 0] : i32 from vector<1x1x1xi32>
    %sub3A_27 = arith.constant 2048 : i32
    %sub3A_28 = arith.subi %sub3A_27, %reduce_sum3A_26 : i32
    %eq3A = vector.broadcast %scan3A_21#0 : i32 to vector<80x4000xi32>
    %eq3A_29 = arith.cmpi eq, %select_n3A, %eq3A : vector<80x4000xi32>
    %iota3A = tpu.iota {dimensions = array<i32: 0>} : vector<80x4000xi32>
    %iota3A_30 = tpu.iota {dimensions = array<i32: 1>} : vector<80x4000xi32>
    %mul3A = arith.constant 4000 : i32
    %mul3A_31 = vector.broadcast %mul3A : i32 to vector<80x4000xi32>
    %mul3A_32 = arith.muli %iota3A, %mul3A_31 : vector<80x4000xi32>
    %add3A_33 = arith.addi %mul3A_32, %iota3A_30 : vector<80x4000xi32>
    %scan3A_34 = arith.constant 0 : i32
    %scan3A_35 = arith.constant 320000 : i32
    %scan3A_36 = arith.constant 0 : i32
    %scan3A_37 = arith.constant 20 : i32
    %scan3A_38 = arith.addi %scan3A_36, %scan3A_37 : i32
    %scan3A_39 = arith.constant 1 : i32
    %scan3A_40:2 = scf.for %scan3A_48 = %scan3A_36 to %scan3A_38 step %scan3A_39 iter_args(%scan3A_49 = %scan3A_34, %scan3A_50 = %scan3A_35) -> (i32, i32)  : i32 {
      %add3A_51 = arith.addi %scan3A_49, %scan3A_50 : i32
      %shift_right_arithmetic3A = arith.constant 1 : i32
      %shift_right_arithmetic3A_52 = arith.shrsi %add3A_51, %shift_right_arithmetic3A : i32
      %lt3A_53 = vector.broadcast %shift_right_arithmetic3A_52 : i32 to vector<80x4000xi32>
      %lt3A_54 = arith.cmpi slt, %add3A_33, %lt3A_53 : vector<80x4000xi32>
      %and3A_55 = arith.andi %eq3A_29, %lt3A_54 : vector<80x4000xi1>
      %convert_element_type3A_56 = arith.extui %and3A_55 : vector<80x4000xi1> to vector<80x4000xi32>
      %reduce_sum3A_57 = vector.shape_cast %convert_element_type3A_56 : vector<80x4000xi32> to vector<1x80x4000xi32>
      %reduce_sum3A_58 = arith.constant dense<0> : vector<1xi32>
      %reduce_sum3A_59 = vector.multi_reduction <add>, %reduce_sum3A_57, %reduce_sum3A_58 [1, 2] : vector<1x80x4000xi32> to vector<1xi32>
      %reduce_sum3A_60 = vector.shape_cast %reduce_sum3A_59 : vector<1xi32> to vector<1x1x1xi32>
      %reduce_sum3A_61 = vector.extract %reduce_sum3A_60[0, 0, 0] : i32 from vector<1x1x1xi32>
      %ge3A_62 = arith.cmpi sge, %reduce_sum3A_61, %sub3A_28 : i32
      %add3A_63 = arith.constant 1 : i32
      %add3A_64 = arith.addi %shift_right_arithmetic3A_52, %add3A_63 : i32
      %select_n3A_65 = arith.select %ge3A_62, %scan3A_49, %add3A_64 : i32
      %select_n3A_66 = arith.select %ge3A_62, %shift_right_arithmetic3A_52, %scan3A_50 : i32
      scf.yield %select_n3A_65, %select_n3A_66 : i32, i32
    }
    %gt3A_41 = vector.broadcast %scan3A_21#0 : i32 to vector<80x4000xi32>
    %gt3A_42 = arith.cmpi sgt, %select_n3A, %gt3A_41 : vector<80x4000xi32>
    %lt3A = vector.broadcast %scan3A_40#1 : i32 to vector<80x4000xi32>
    %lt3A_43 = arith.cmpi slt, %add3A_33, %lt3A : vector<80x4000xi32>
    %and3A = arith.andi %eq3A_29, %lt3A_43 : vector<80x4000xi1>
    %or3A = arith.ori %gt3A_42, %and3A : vector<80x4000xi1>
    %convert_element_type3A_44 = arith.extui %or3A : vector<80x4000xi1> to vector<80x4000xi32>
    %convert_element_type3A_45 = arith.sitofp %convert_element_type3A_44 : vector<80x4000xi32> to vector<80x4000xf32>
    %swap3A = arith.constant 0 : index
    %swap3A_46 = arith.constant 0 : index
    %swap3A_47 = vector.load %arg2[%swap3A, %swap3A_46] : memref<80x4000xf32, #tpu.memory_space<vmem>>, vector<80x4000xf32>
    tpu.vector_store %arg2[%swap3A, %swap3A_46], %convert_element_type3A_45 {strides = array<i32>} : memref<80x4000xf32, #tpu.memory_space<vmem>>, vector<80x4000xf32>,
    return
  }
}

</mosaic_0001>

<sc_bundles>
// kernel: kernel.11.cloned.1.call-start
scs
__scs_entry_jumppad:
0x0: {  	(pc) =	sbr.rel $0x88, $3  }
0x1: {  	(tag) =	ssettag $0x0;
	lr =	simm.s32 $0x1  }
0x2: {  	[smem:$0x3F8D] =	sst lr;
	_ =	strace $0xD0000000  }
0x3: {  	_ = 	snop  }
0x4: {  	_ = 	snop  }
0x5: {  	_ = 	snop  }
0x6: {  	_ = 	snop  }
0x7: {  	_ = 	snop  }
__scs_overlays_trampoline_lowered:
0x8: {  	[smem:$0x3F9C] =	sst s0  }
0x9: {  	[smem:$0x3F9D] =	sst s1  }
0xa: {  	[smem:$0x3F9E] =	sst s2  }
0xb: {  	[smem:$0x3F9F] =	sst s3  }
0xc: {  	[smem:$0x3FA0] =	sst s4  }
0xd: {  	[smem:$0x3FA1] =	sst s5  }
0xe: {  	[smem:$0x3FA2] =	sst s6  }
0xf: {  	[smem:$0x3FA3] =	sst s7  }
0x10: {  	[smem:$0x3FA4] =	sst s8  }
0x11: {  	[smem:$0x3FA5] =	sst s9;
	s0 =	simm.s32 @!p0 $0x0  }
0x12: {  	s1 =	sld [smem:$0x3F8B];
	s0 =	simm.s32 @p0 $0x1  }
0x13: {  	[smem:$0x3FA6] =	sst s0;
	s0 =	simm.s32 @!p1 $0x0  }
0x14: {  	s2 =	sld [smem:$0x3F8A];
	s0 =	simm.s32 @p1 $0x1  }
0x15: {  	[smem:$0x3FA7] =	sst s0;
	s0 =	simm.s32 @!p2 $0x0  }
0x16: {  	s3 =	sld [smem:$0x3FDB];
	s0 =	simm.s32 @p2 $0x1  }
0x17: {  	s4 =	simm.s32 $0x1BF5;
	[smem:$0x3FA9] =	sst s0  }
0x18: {  	s0 =	sld [smem:$0x3F8C];
	_ =	swait.ge [sflag:s4], $0x0  }
0x19: {  	s7 =	sld [smem:$0x3F8D]  }
0x1a: {  	s8 =	sadd.s32 $0xFFFFE003, lr  }
0x1b: {  	s9 =	sadd.s32 $0xFFFFFEF7, lr;
	s5 =	simm.s32 $0xFFFFFFFF;
	p2 =	slt.u32 s8, $0xFFFFF086  }
0x1c: {  	p1 =	slt.u32 s9, $0xF7A;
	s5 =	simm.s32 @!p2 $0x0  }
0x1d: {  	s5 =	simm.s32 @p1 $0x1;
	p0 =	seq.s32 s7, s2  }
0x1e: {  	s7 =	smul.u32 @!p0 $0xF7A, s2;
	p2 =	seq.s32 @!p0 s5, $0x0  }
0x1f: {  	s9 =	smul.u32 $0xF7A, s1;
	s8 =	simm.s32 @!p0 $0x1BF5;
	p2 =	por !p2, p0  }
0x20: {  	[sflag:s8] =	ssyncset.s32 @!p0 $0xFFFFF086;
	s6 =	sadd.s32 @!p0 s3, s7;
	s7 =	simm.s32 @!p0 $0x108  }
0x21: {  	s3 =	sadd.s32 s3, s9;
	s6 =	sadd.s32 @!p0 $0x88, s6;
	s7 =	simm.s32 @p2 $0x1082  }
0x22: {  	[simem:s7], [sflag:s8] =	dma.local @!p0 [hbm:s6], $0xF7A  }
0x23: {  	s9 =	sor.u32 $0xD0000000, s2;
	s6 =	simm.s32 $0x108;
	_ =	swait.ge @!p0 [sflag:s8], $0x0  }
0x24: {  	s3 =	sadd.s32 $0x88, s3;
	s6 =	simm.s32 @!p1 $0x1082;
	[sflag:s4] =	ssyncset.s32 $0xFFFFF086  }
0x25: {  	[simem:s6], [sflag:s4] =	dma.local [hbm:s3], $0xF7A  }
0x26: {  	[smem:$0x3F8D] =	sst s1;
	(tag) =	ssettag s2;
	_ =	strace s9  }
0x27: {  	s1 =	sld [smem:$0x3F9D]  }
0x28: {  	s2 =	sld [smem:$0x3F9E]  }
0x29: {  	s4 =	sld [smem:$0x3FA0]  }
0x2a: {  	p0 =	seq.s32 s5, $0x0;
	s5 =	sld [smem:$0x3FA1]  }
0x2b: {  	s6 =	sld [smem:$0x3FA2]  }
0x2c: {  	s7 =	sld [smem:$0x3FA3]  }
0x2d: {  	s3 =	simm.s32 $0x108;
	s8 =	sld [smem:$0x3FA4]  }
0x2e: {  	s3 =	simm.s32 @!p0 $0x1082;
	s9 =	sld [smem:$0x3FA5]  }
0x2f: {  	lr =	sadd.s32 s0, s3;
	s0 =	sld [smem:$0x3F9C]  }
0x30: {  	s3 =	sld [smem:$0x3F9F]  }
0x31: {  	[smem:$0x3FA8] =	sst s10  }
0x32: {  	s10 =	sld [smem:$0x3FA6];
	_ =	sdelay $0x3  }
0x33: {  	p0 =	seq.s32 s10, $0x1;
	s10 =	sld [smem:$0x3FA8];
	_ =	sdelay $0x3  }
0x34: {  	[smem:$0x3FA8] =	sst s10  }
0x35: {  	s10 =	sld [smem:$0x3FA7];
	_ =	sdelay $0x3  }
0x36: {  	p1 =	seq.s32 s10, $0x1;
	s10 =	sld [smem:$0x3FA8];
	_ =	sdelay $0x3  }
0x37: {  	[smem:$0x3FA8] =	sst s10  }
0x38: {  	s10 =	sld [smem:$0x3FA9]  }
0x39: {  	_ = 	snop;
	(pc) =	sbr.ind lr, $3  }
0x3a: {  	_ = 	snop  }
0x3b: {  	_ = 	snop  }
0x3c: {  	p2 =	seq.s32 s10, $0x1;
	s10 =	sld [smem:$0x3FA8]  }
0x3d: {  	_ =	shalt  }
0x3e: {  	_ =	shalt  }
0x3f: {  	_ =	shalt  }
0x40: {  	_ =	shalt  }
0x41: {  	_ =	shalt  }
0x42: {  	_ =	shalt  }
0x43: {  	_ =	shalt  }
0x44: {  	_ =	shalt  }
0x45: {  	_ =	shalt  }
0x46: {  	_ =	shalt  }
0x47: {  	_ =	shalt  }
0x48: {  	_ =	shalt  }
0x49: {  	_ =	shalt  }
0x4a: {  	_ =	shalt  }
0x4b: {  	_ =	shalt  }
0x4c: {  	_ =	shalt  }
0x4d: {  	_ =	shalt  }
0x4e: {  	_ =	shalt  }
0x4f: {  	_ =	shalt  }
0x50: {  	_ =	shalt  }
0x51: {  	_ =	shalt  }
0x52: {  	_ =	shalt  }
0x53: {  	_ =	shalt  }
0x54: {  	_ =	shalt  }
0x55: {  	_ =	shalt  }
0x56: {  	_ =	shalt  }
0x57: {  	_ =	shalt  }
0x58: {  	_ =	shalt  }
0x59: {  	_ =	shalt  }
0x5a: {  	_ =	shalt  }
0x5b: {  	_ =	shalt  }
0x5c: {  	_ =	shalt  }
0x5d: {  	_ =	shalt  }
0x5e: {  	_ =	shalt  }
0x5f: {  	_ =	shalt  }
0x60: {  	_ =	shalt  }
0x61: {  	_ =	shalt  }
0x62: {  	_ =	shalt  }
0x63: {  	_ =	shalt  }
0x64: {  	_ =	shalt  }
0x65: {  	_ =	shalt  }
0x66: {  	_ =	shalt  }
0x67: {  	_ =	shalt  }
0x68: {  	_ =	shalt  }
0x69: {  	_ =	shalt  }
0x6a: {  	_ =	shalt  }
0x6b: {  	_ =	shalt  }
0x6c: {  	_ =	shalt  }
0x6d: {  	_ =	shalt  }
0x6e: {  	_ =	shalt  }
0x6f: {  	_ =	shalt  }
0x70: {  	_ =	shalt  }
0x71: {  	_ =	shalt  }
0x72: {  	_ =	shalt  }
0x73: {  	_ =	shalt  }
0x74: {  	_ =	shalt  }
0x75: {  	_ =	shalt  }
0x76: {  	_ =	shalt  }
0x77: {  	_ =	shalt  }
0x78: {  	_ =	shalt  }
0x79: {  	_ =	shalt  }
0x7a: {  	_ =	shalt  }
0x7b: {  	_ =	shalt  }
0x7c: {  	_ =	shalt  }
0x7d: {  	_ =	shalt  }
0x7e: {  	_ =	shalt  }
0x7f: {  	_ =	shalt  }
0x80: {  	_ =	shalt  }
0x81: {  	_ =	shalt  }
0x82: {  	_ =	shalt  }
0x83: {  	_ =	shalt  }
0x84: {  	_ =	shalt  }
0x85: {  	_ =	shalt  }
0x86: {  	_ =	shalt  }
0x87: {  	_ =	shalt  }
.Lfunc_end0:
.L_simem_size_0:
called_computation_lowered:
.L_overlay_start_0:
0x88: {  	s2 =	sld [smem:$0x3FD9]  }
0x89: {  	s3 =	sld [smem:$0x3FFE];
	_ =	sdelay $0x1  }
0x8a: {  	s1 =	srdreg.scid  }
0x8b: {  	s0 =	sand.u32 $0x1, s1  }
0x8c: {  	s14 =	sshll.u32 s0, $0xA;
	s2 =	sadd.s32 s3, s2  }
0x8d: {  	s2 =	sadd.s32 s2, s14  }
0x8e: {  	[smem:$0x3FB4] =	sst s2  }
0x8f: {  	_ = 	snop  }
0x90: {  	s2 =	sld [smem:$0x3FD0];
	_ =	sdelay $0x2  }
0x91: {  	s4 =	simm.s32 $0xB;
	s5 =	simm.s32 $0x10;
	s15 =	sld [smem:$0x3FC7]  }
0x92: {  	[smem:s5], [sflag:s4] =	dma.local [hbm:s2], $0x1  }
0x93: {  	_ =	swait.eq [sflag:s4], $0x1  }
0x94: {  	[sflag:s4] =	ssyncset.done $0x0  }
0x95: {  	s16 =	sld [smem:$0x10];
	[sflag:s4] =	ssyncadd.s32 $0xFFFFFFFF  }
0x96: {  	s17 =	sld [smem:$0x11];
	(tm) =	ssettm $0x1  }
0x97: {  	s18 =	sld [smem:$0x3FFB];
	_ =	sdelay $0x3  }
0x98: {  	_ =	strace s18  }
0x99: {  	s5 =	sld [smem:$0x3FFC];
	_ =	sdelay $0x3  }
0x9a: {  	_ =	strace s5  }
0x9b: {  	s5 =	sld [smem:$0x3FFD];
	_ =	sdelay $0x3  }
0x9c: {  	_ =	strace s5  }
0x9d: {  	_ =	strace $0x8FFFFFFF  }
0x9e: {  	s19 =	sld [smem:$0x3FDB];
	_ =	sdelay $0x1  }
0x9f: {  	s6 =	simm.s32 $_scs_section_size  }
0xa0: {  	s7 =	simm.s32 $_size__tile_overlayer_lowered;
	s8 =	simm.s32 $_tile_overlayer_lowered  }
0xa1: {  	s22 =	simm.s32 $0x1BFF;
	s21 =	sshll.u32 s8, $0x1;
	s5 =	sadd.s32 s6, s19  }
0xa2: {  	s9 =	simm.s32 $0x0;
	s20 =	sshll.u32 s7, $0x1;
	s7 =	sadd.s32 s21, s5  }
0xa3: {  	[timem:s9], [sflag:s22] =	dma.local [hbm:s7], s20  }
0xa4: {  	_ =	swait.ge [sflag:s22], s20  }
0xa5: {  	s6 =	ssub.s32 $0x0, s20;
	[sflag:s22] =	ssyncset.done $0x0  }
0xa6: {  	[sflag:s22] =	ssyncadd.s32 s6;
	_ =	sdelay $0x1  }
0xa7: {  	s23 =	simm.s32 $0x1B8B  }
0xa8: {  	_ =	swait.ge [sflag:s23], $0x1  }
0xa9: {  	[sflag:s23] =	ssyncset.done $0x0  }
0xaa: {  	s25 =	simm.s32 $0x1B8E;
	s24 =	sld [smem:$0x3FFE];
	[sflag:s23] =	ssyncadd.s32 $0xFFFFFFFF  }
0xab: {  	s26 =	simm.s32 $execute0_lowered;
	[smem:$0x3FD2] =	sst s25  }
0xac: {  	s7 =	sshll.u32 s26, $0x1;
	_ =	strace $0x80000046;
	[dreg:$0x1] =	wrdreg $0xFFFFFFFF  }
0xad: {  	s28 =	simm.s32 $_size_execute0_lowered;
	s5 =	sadd.s32 s5, s7;
	[dreg:$0x0] =	wrdreg $0x0  }
0xae: {  	s7 =	sshll.u32 s28, $0x1;
	[dreg:$0x2] =	wrdreg s5  }
0xaf: {  	[dreg:$0x3] =	wrdreg s7  }
0xb0: {  	[dreg:$0x4] =	wrdreg $0xC0  }
0xb1: {  	_ =	task [dreg:s9], $0x5FFFF  }
0xb2: {  	[dreg:$0x1] =	wrdreg $0xFFFFFFFF  }
0xb3: {  	[dreg:$0x0] =	wrdreg $0x60  }
0xb4: {  	[dreg:$0x2] =	wrdreg s15  }
0xb5: {  	[dreg:$0x3] =	wrdreg s24  }
0xb6: {  	[dreg:$0x4] =	wrdreg s16  }
0xb7: {  	[dreg:$0x5] =	wrdreg s17  }
0xb8: {  	[dreg:$0x6] =	wrdreg $0xA2800  }
0xb9: {  	[dreg:$0x7] =	wrdreg $0x1DB000  }
0xba: {  	[dreg:$0x8] =	wrdreg $0x9  }
0xbb: {  	_ =	task.clear_ibuf [dreg:s9], $0x9FFFF;
	_ =	strace $0x90000046  }
0xbc: {  	s29 =	simm.s32 $0x9;
	_ =	strace $0x80000048  }
0xbd: {  	_ =	swait.ge [sflag:s29], $0x1  }
0xbe: {  	[sflag:s29] =	ssyncadd.s32 $0xFFFFFFFF  }
0xbf: {  	_ =	strace $0x90000048  }
0xc0: {  	_ =	sfence  }
0xc1: {  	s30 =	sld [smem:$0x0];
	_ =	sdelay $0x2  }
0xc2: {  	s31 =	sshll.u32 s1, $0xD;
	s1 =	sshrl.u32 s1, $0x2  }
0xc3: {  	s3 =	sand.u32 $0x4000, s31;
	s1 =	sadd.s32 s1, s30  }
0xc4: {  	s0 =	sor.u32 s3, s0;
	s1 =	sshll.u32 s1, $0x11  }
0xc5: {  	s0 =	sor.u32 s1, s0  }
0xc6: {  	s0 =	sadd.s32 $0x8F2B, s0  }
0xc7: {  	[sflag:s0] =	ssyncadd.remote.s32 $0x1  }
0xc8: {  	_ =	sfence.sel $0xFFFF  }
0xc9: {  	[dreg:$0x0] =	wrdreg $0xFFFFFFFF;
	(pc) =	sbr.abs _section_cstart, $3  }
0xca: {  	[dreg:$0x1] =	wrdreg $0xFFFFFFFF  }
0xcb: {  	_ =	task.clear_ibuf [dreg:s9], $0x2FFFF;
	_ =	strace $0x9FFFFFFF  }
0xcc: {  	(tm) =	ssettm $0x7FFFFFFF  }
0xcd: {  	_ =	shalt  }
tec
execute0_lowered:
.L_overlay_start_1:
0x0: {  	(tag) =	ssettag $0x1  }
0x1: {  	s0 =	rddreg [dreg:$0x0]  }
0x2: {  	s1 =	rddreg [dreg:$0x1]  }
0x3: {  	s7 =	rddreg [dreg:$0x3]  }
0x4: {  	s2 =	rddreg [dreg:$0x4]  }
0x5: {  	s3 =	rddreg [dreg:$0x5];
	s4 =	simm.s32 $0x0;
	s6 =	srdreg.scid  }
0x6: {  	s5 =	stileid.u32;
	s30 =	simm.s32 $0x80;
	s31 =	simm.s32 $0x100  }
0x7: {  	[smem:$0x7FF] =	sst s4;
	s8 =	sadd.s32 $0x18C00, s1;
	s11 =	smul.u32 $0x2780, s5  }
0x8: {  	s9 =	sand.u32 $0x1, s6;
	s10 =	sshll.u32 s5, $0x1;
	s12 =	smul.u32 $0x270, s5  }
0x9: {  	s6 =	sadd.s32 $0xEE00, s1;
	s13 =	sadd.s32 $0x4FAC00, s1;
	s18 =	smul.u32 $0x13C00, s5  }
0xa: {  	s16 =	sadd.s32 $0x521E00, s1;
	s26 =	smul.u32 $0x4E200, s5;
	p0 =	slt.u32 s5, $0x2  }
0xb: {  	p3 =	sgt.u32 s5, $0x1;
	_ =	strace $0x80000047;
	s29 =	smul.u32 $0x138800, s9  }
0xc: {  	s10 =	sor.u32 s9, s10;
	s14 =	ssub.s32 $0x2, s9;
	s28 =	smul.u32 $0x27100, s9  }
0xd: {  	s25 =	sshll.u32 s9, $0x4;
	p2 =	sne.s32 @p0 s5, $0x0;
	s15 =	smul.u32 $0x2710, s10  }
0xe: {  	s17 =	sshrl.u32 s14, $0x1;
	s10 =	smul.u32 $0x27100, s10;
	s12 =	sadd.s32 $0x10, s12  }
0xf: {  	s11 =	sadd.s32 s13, s11;
	s7 =	sadd.s32 s7, s25;
	p1 =	por p2, !p0  }
0x10: {  	p2 =	por !p2, !p0;
	s14 =	ssub.s32 s14, s17;
	[dreg:$0x7] =	wrdreg s11  }
0x11: {  	s19 =	sshll.u32 s12, $0x4;
	s12 =	sshll.u32 s12, $0x7;
	s21 =	sadd.s32 s18, s29  }
0x12: {  	[dreg:$0xf] =	wrdreg s7;
	s18 =	sadd.s32 $0x5000, s1;
	s11 =	sadd.s32 s13, s19  }
0x13: {  	s20 =	sadd.s32 s0, s10;
	s10 =	sadd.s32 s8, s10;
	[dreg:$0x8] =	wrdreg s11  }
0x14: {  	s17 =	sadd.s32 s29, s12;
	s29 =	smul.u32 $0x4F000, s5;
	[dreg:$0x9] =	wrdreg s20  }
0x15: {  	[dreg:$0xa] =	wrdreg s10;
	s10 =	sadd.s32 $0x50, s15;
	s11 =	sshrl.u32 s21, $0x3  }
0x16: {  	s24 =	sshrl.u32 s17, $0x3;
	s21 =	smul.u32 $0x2710, s9;
	s9 =	simm.s32 $0x7A00  }
0x17: {  	s22 =	sshll.u32 s10, $0x4;
	s11 =	sadd.s32 s16, s11;
	s20 =	sshrl.u32 s29, $0x2  }
0x18: {  	s23 =	sadd.s32 s0, s22;
	[dreg:$0xc] =	wrdreg s11;
	s11 =	sadd.s32 s16, s24  }
0x19: {  	s13 =	sadd.s32 s8, s22;
	s0 =	sadd.s32 s26, s0;
	s8 =	sadd.s32 s26, s8  }
0x1a: {  	s19 =	sadd.s32 s20, s2;
	s20 =	sadd.s32 s12, s2;
	s22 =	sshrl.u32 s15, $0x3  }
0x1b: {  	s24 =	sshrl.u32 s10, $0x3;
	s10 =	simm.s32 $0x1;
	[dreg:$0xb] =	wrdreg s23  }
0x1c: {  	s12 =	simm.s32 $0x3;
	s15 =	simm.s32 $0x0;
	[dreg:$0xd] =	wrdreg s11  }
0x1d: {  	[dreg:$0xe] =	wrdreg s13;
	s16 =	sadd.s32 s28, s0;
	s17 =	sadd.s32 s28, s8  }
0x1e: {  	s13 =	smul.u32 $0x4E20, s5;
	s23 =	sadd.s32 s6, s22;
	s1 =	sadd.s32 s18, s22  }
0x1f: {  	s25 =	sadd.s32 s6, s24;
	s7 =	sadd.s32 s18, s24;
	[dreg:$0x10] =	wrdreg s23  }
0x20: {  	s28 =	smax.u32 s14, $0x1;
	s8 =	simm.s32 $0x5200;
	[dreg:$0x11] =	wrdreg s1  }
0x21: {  	s11 =	simm.s32 $0x50;
	[dreg:$0x12] =	wrdreg s25;
	s0 =	sadd.s32 s21, s13  }
.Ltmp0:
0x22: {  	[dreg:$0x13] =	wrdreg s7;
	s26 =	sadd.s32 $0xF0, s0;
	(pc) =	sbr.rel .LBB2_1-.Ltmp0, $4  }
0x23: {  	s14 =	simm.s32 $0x2;
	[dreg:$0x14] =	wrdreg s28;
	s1 =	sshrl.u32 s26, $0x3  }
0x24: {  	s7 =	simm.s32 $0x5180;
	s13 =	simm.s32 $0xA200;
	s29 =	sadd.s32 s1, s18  }
0x25: {  	s21 =	sadd.s32 $0xA0, s0;
	s1 =	sadd.s32 s1, s6;
	[dreg:$0x15] =	wrdreg s29  }
0x26: {  	v0 =	vimm.f32 $1.000000000e+00;
	s0 =	simm.s32 $0x2900;
	[dreg:$0x16] =	wrdreg s1;
	s1 =	simm.s32 $0x5100  }
.LBB2_4:
0x27: {  	_ =	swait.ge [sflag:s10], $0x50  }
0x28: {  	[sflag:s10] =	ssyncset.done $0x0  }
0x29: {  	[sflag:s10] =	ssyncadd.s32 $0xFFFFFFB0  }
0x2a: {  	_ =	swait.ge [sflag:s10], $0x50  }
0x2b: {  	[sflag:s10] =	ssyncset.done $0x0  }
0x2c: {  	[sflag:s10] =	ssyncadd.s32 $0xFFFFFFB0  }
0x2d: {  	_ =	swait.ge [sflag:s10], $0x2800  }
0x2e: {  	[sflag:s10] =	ssyncset.done $0x0  }
0x2f: {  	[sflag:s10] =	ssyncadd.s32 $0xFFFFD800  }
0x30: {  	_ =	swait.ge [sflag:s10], $0x2800  }
0x31: {  	[sflag:s10] =	ssyncset.done $0x0  }
0x32: {  	[sflag:s10] =	ssyncadd.s32 $0xFFFFD800  }
0x33: {  	[spmem:s2] =	stream.indirect.scatter.add.f32 [tilespmem:s31], [sflag:$0x3], $0x80, s30, s11, $0xb8;
	[tilespmem:$0x1DD78] =	vst v63  }
0x34: {  	_ =	swait.ge [sflag:s12], $0x2800  }
0x35: {  	[sflag:s12] =	ssyncset.done $0x0  }
0x36: {  	[sflag:s12] =	ssyncadd.s32 $0xFFFFD800  }
0x37: {  	[spmem:s3] =	stream.indirect.scatter.add.f32 [tilespmem:s13], [sflag:$0x3], $0x1, s30, s11, $0xb8;
	[tilespmem:$0x1DD78] =	vst v63  }
0x38: {  	_ =	swait.ge [sflag:s12], $0x50  }
0x39: {  	[sflag:s12] =	ssyncset.done $0x0  }
0x3a: {  	[sflag:s12] =	ssyncadd.s32 $0xFFFFFFB0  }
0x3b: {  	[spmem:s2] =	stream.indirect.scatter.add.f32 [tilespmem:s0], [sflag:$0x3], $0x80, s4, s11, $0xb8;
	[tilespmem:$0x1DD78] =	vst v63  }
0x3c: {  	_ =	swait.ge [sflag:s12], $0x2800  }
0x3d: {  	[sflag:s12] =	ssyncset.done $0x0  }
0x3e: {  	[sflag:s12] =	ssyncadd.s32 $0xFFFFD800  }
0x3f: {  	[spmem:s3] =	stream.indirect.scatter.add.f32 [tilespmem:s13], [sflag:$0x3], $0x1, s4, s11, $0xb8;
	[tilespmem:$0x1DD78] =	vst v63  }
0x40: {  	_ =	swait.ge [sflag:s12], $0x50  }
0x41: {  	[sflag:s12] =	ssyncset.done $0x0  }
0x42: {  	[sflag:s12] =	ssyncadd.s32 $0xFFFFFFB0  }
0x43: {  	s22 =	sshll.u32 @p3 s5, $0x6;
	[bflag:$0x0] =	sbarrier.arrive $0xFFFF  }
0x44: {  	s23 =	sshrl.u32 @p3 s20, $0x3;
	s22 =	sor.u32 @p3 $0x1C03, s22;
	s24 =	rddreg [dreg:$0xd]  }
0x45: {  	[hbm:s24], [sflag:s22] =	dma.local @p3 [spmem:s23], $0x2700  }
0x46: {  	s22 =	simm.s32 @p3 $0x3  }
0x47: {  	_ =	swait.ge @p3 [sflag:s22], $0x2700  }
0x48: {  	s23 =	sshll.u32 @!p3 s5, $0x6;
	[sflag:s22] =	ssyncset.done @p3 $0x0;
	s24 =	rddreg [dreg:$0xc]  }
0x49: {  	[sflag:s22] =	ssyncadd.s32 @p3 $0xFFFFD900;
	s22 =	sor.u32 @!p3 $0x1C03, s23;
	s23 =	sshrl.u32 @!p3 s19, $0x3  }
0x4a: {  	[hbm:s24], [sflag:s22] =	dma.local @!p3 [spmem:s23], $0x2780  }
0x4b: {  	s25 =	simm.s32 @p4 $0x20;
	s22 =	simm.s32 @!p3 $0x3  }
0x4c: {  	s26 =	simm.s32 @p4 $0x10;
	s23 =	sshll.u32 @p4 s5, $0x6;
	_ =	swait.ge @!p3 [sflag:s22], $0x2780  }
0x4d: {  	s24 =	simm.s32 @p4 $0x1;
	[sflag:s22] =	ssyncset.done @!p3 $0x0;
	s28 =	rddreg [dreg:$0xf]  }
0x4e: {  	[sflag:s22] =	ssyncadd.s32 @!p3 $0xFFFFD880;
	s22 =	sor.u32 @p4 $0x1C03, s23;
	s23 =	sshrl.u32 @p4 s3, $0x3  }
0x4f: {  	[hbm:s28@s25], [sflag:s22] =	dma.strided @p4 [spmem:s23@s26], $0x4F0, s24, $0x10   }
0x50: {  	s22 =	simm.s32 @p4 $0x3  }
0x51: {  	_ =	swait.ge @p4 [sflag:s22], $0x4F0  }
0x52: {  	s15 =	sadd.s32 $0x1, s15;
	s29 =	rddreg [dreg:$0x14]  }
0x53: {  	p5 =	sne.s32 s15, s29  }
.Ltmp1:
0x54: {  	_ = 	snop;
	(pc) =	sbr.rel @!p5 .LBB2_5-.Ltmp1, $3  }
0x55: {  	_ =	sdelay $0x1  }
0x56: {  	[sflag:s22] =	ssyncset.done @p4 $0x0  }
0x57: {  	[sflag:s22] =	ssyncadd.s32 @p4 $0xFFFFFB10  }
.LBB2_1:
0x58: {  	s23 =	sshll.u32 @p0 s5, $0x6  }
0x59: {  	s24 =	sshrl.u32 @p0 s19, $0x3;
	s22 =	rddreg [dreg:$0x7];
	s23 =	sor.u32 @p0 $0x1C03, s23  }
0x5a: {  	[spmem:s24], [sflag:s23] =	dma.local @p0 [hbm:s22], $0x2780  }
0x5b: {  	s23 =	simm.s32 @p0 $0x3  }
0x5c: {  	_ =	swait.ge @p0 [sflag:s23], $0x2780  }
0x5d: {  	[sflag:s23] =	ssyncset.done @p0 $0x0  }
0x5e: {  	[sflag:s23] =	ssyncadd.s32 @p0 $0xFFFFD880  }
0x5f: {  	s24 =	simm.s32 @!p1 $0x1C03;
	s23 =	sshrl.u32 @!p1 s3, $0x3;
	s22 =	rddreg [dreg:$0x2]  }
0x60: {  	[spmem:s23], [sflag:s24] =	dma.local @!p1 [hbm:s22], $0x4F0  }
0x61: {  	s23 =	simm.s32 @!p1 $0x3  }
0x62: {  	_ =	swait.ge @!p1 [sflag:s23], $0x4F0  }
0x63: {  	s24 =	sshll.u32 @!p0 s5, $0x6;
	[sflag:s23] =	ssyncset.done @!p1 $0x0;
	s22 =	rddreg [dreg:$0x8]  }
0x64: {  	[sflag:s23] =	ssyncadd.s32 @!p1 $0xFFFFFB10;
	s23 =	sor.u32 @!p0 $0x1C03, s24;
	s24 =	sshrl.u32 @!p0 s20, $0x3  }
0x65: {  	[spmem:s24], [sflag:s23] =	dma.local @!p0 [hbm:s22], $0x2700  }
0x66: {  	s23 =	simm.s32 @!p0 $0x3  }
0x67: {  	_ =	swait.ge @!p0 [sflag:s23], $0x2700  }
0x68: {  	[sflag:s23] =	ssyncset.done @!p0 $0x0  }
0x69: {  	[sflag:s23] =	ssyncadd.s32 @!p0 $0xFFFFD900  }
0x6a: {  	[tilespmem:$0xA200] =	vst v0  }
0x6b: {  	[tilespmem:$0xA210] =	vst v0  }
0x6c: {  	[tilespmem:$0xA220] =	vst v0  }
0x6d: {  	[tilespmem:$0xA230] =	vst v0  }
0x6e: {  	[tilespmem:$0xA240] =	vst v0  }
0x6f: {  	[bflag:$0x0] =	sbarrier.arrive $0xFFFF  }
0x70: {  	s23 =	rddreg [dreg:$0x10]  }
0x71: {  	s24 =	rddreg [dreg:$0x11]  }
0x72: {  	[tilespmem:s4], [sflag:$0x1] =	stream.linear.gather [hbm4b:s23+s4], $0x50, $0x38;
	[tilespmem:$0x1DD78] =	vst v63  }
0x73: {  	s25 =	rddreg [dreg:$0x9]  }
0x74: {  	[tilespmem:s30], [sflag:$0x1] =	stream.linear.gather [hbm4b:s24+s4], $0x50, $0x38;
	[tilespmem:$0x1DD78] =	vst v63  }
0x75: {  	s26 =	rddreg [dreg:$0xa]  }
0x76: {  	[tilespmem:s31], [sflag:$0x1] =	stream.linear.gather [hbm4b:s25+s4], $0x2800, $0x38;
	[tilespmem:$0x1DD78] =	vst v63  }
0x77: {  	s28 =	rddreg [dreg:$0x16]  }
0x78: {  	[tilespmem:s0], [sflag:$0x1] =	stream.linear.gather [hbm4b:s26+s4], $0x2800, $0x38;
	[tilespmem:$0x1DD78] =	vst v63  }
0x79: {  	s23 =	rddreg [dreg:$0x12]  }
0x7a: {  	[tilespmem:s1], [sflag:$0x2] =	stream.linear.gather [hbm4b:s23+s4], $0x50, $0x38;
	[tilespmem:$0x1DD78] =	vst v63  }
0x7b: {  	p5 =	por @p0 $0x0, $0x0;
	s24 =	rddreg [dreg:$0x13]  }
0x7c: {  	[tilespmem:s7], [sflag:$0x2] =	stream.linear.gather [hbm4b:s24+s4], $0x50, $0x38;
	[tilespmem:$0x1DD78] =	vst v63  }
0x7d: {  	p4 =	por @!p1 $0x1, $0x1;
	s29 =	smov.u32 s21;
	s25 =	rddreg [dreg:$0xb]  }
0x7e: {  	[tilespmem:s8], [sflag:$0x2] =	stream.linear.gather [hbm4b:s25+s4], $0x2800, $0x38;
	[tilespmem:$0x1DD78] =	vst v63  }
0x7f: {  	p4 =	por @!p2 p5, p5;
	p5 =	por @!p0 $0x0, $0x0;
	s26 =	rddreg [dreg:$0xe]  }
0x80: {  	[tilespmem:s9], [sflag:$0x2] =	stream.linear.gather [hbm4b:s26+s4], $0x2800, $0x38;
	[tilespmem:$0x1DD78] =	vst v63  }
0x81: {  	p4 =	por @!p0 p5, p5;
	s24 =	simm.s32 $0x0;
	s26 =	rddreg [dreg:$0x15]  }
.LBB2_2:
0x82: {  	_ =	swait.ge [sflag:s10], $0x50  }
0x83: {  	[sflag:s10] =	ssyncset.done $0x0  }
0x84: {  	[sflag:s10] =	ssyncadd.s32 $0xFFFFFFB0  }
0x85: {  	_ =	swait.ge [sflag:s10], $0x50  }
0x86: {  	[sflag:s10] =	ssyncset.done $0x0  }
0x87: {  	[sflag:s10] =	ssyncadd.s32 $0xFFFFFFB0  }
0x88: {  	_ =	swait.ge [sflag:s10], $0x2800  }
0x89: {  	[sflag:s10] =	ssyncset.done $0x0  }
0x8a: {  	[sflag:s10] =	ssyncadd.s32 $0xFFFFD800  }
0x8b: {  	_ =	swait.ge [sflag:s10], $0x2800  }
0x8c: {  	[sflag:s10] =	ssyncset.done $0x0  }
0x8d: {  	[sflag:s10] =	ssyncadd.s32 $0xFFFFD800  }
0x8e: {  	[spmem:s2] =	stream.indirect.scatter.add.f32 [tilespmem:s31], [sflag:$0x3], $0x80, s30, s11, $0xb8;
	[tilespmem:$0x1DD78] =	vst v63  }
0x8f: {  	_ =	swait.ge [sflag:s12], $0x2800  }
0x90: {  	[sflag:s12] =	ssyncset.done $0x0  }
0x91: {  	[sflag:s12] =	ssyncadd.s32 $0xFFFFD800  }
0x92: {  	[spmem:s3] =	stream.indirect.scatter.add.f32 [tilespmem:s13], [sflag:$0x3], $0x1, s30, s11, $0xb8;
	[tilespmem:$0x1DD78] =	vst v63  }
0x93: {  	_ =	swait.ge [sflag:s12], $0x50  }
0x94: {  	[sflag:s12] =	ssyncset.done $0x0  }
0x95: {  	[sflag:s12] =	ssyncadd.s32 $0xFFFFFFB0  }
0x96: {  	[spmem:s2] =	stream.indirect.scatter.add.f32 [tilespmem:s0], [sflag:$0x3], $0x80, s4, s11, $0xb8;
	[tilespmem:$0x1DD78] =	vst v63  }
0x97: {  	_ =	swait.ge [sflag:s12], $0x2800  }
0x98: {  	[sflag:s12] =	ssyncset.done $0x0  }
0x99: {  	[sflag:s12] =	ssyncadd.s32 $0xFFFFD800  }
0x9a: {  	[spmem:s3] =	stream.indirect.scatter.add.f32 [tilespmem:s13], [sflag:$0x3], $0x1, s4, s11, $0xb8;
	[tilespmem:$0x1DD78] =	vst v63  }
0x9b: {  	_ =	swait.ge [sflag:s12], $0x50  }
0x9c: {  	s23 =	sshrl.u32 s29, $0x3;
	[sflag:s12] =	ssyncset.done $0x0  }
0x9d: {  	s25 =	sadd.s32 s6, s23;
	[sflag:s12] =	ssyncadd.s32 $0xFFFFFFB0  }
0x9e: {  	[tilespmem:s4], [sflag:$0x1] =	stream.linear.gather [hbm4b:s25+s4], $0x50, $0x38;
	[tilespmem:$0x1DD78] =	vst v63  }
0x9f: {  	s23 =	sadd.s32 s18, s23;
	s25 =	sadd.s32 s24, s16  }
0xa0: {  	[tilespmem:s30], [sflag:$0x1] =	stream.linear.gather [hbm4b:s23+s4], $0x50, $0x38;
	[tilespmem:$0x1DD78] =	vst v63  }
0xa1: {  	s22 =	sadd.s32 $0xA00, s25;
	s23 =	sadd.s32 s24, s17  }
0xa2: {  	[tilespmem:s31], [sflag:$0x1] =	stream.linear.gather [hbm4b:s22+s4], $0x2800, $0x38;
	[tilespmem:$0x1DD78] =	vst v63  }
0xa3: {  	s22 =	sadd.s32 $0xA00, s23  }
0xa4: {  	[tilespmem:s0], [sflag:$0x1] =	stream.linear.gather [hbm4b:s22+s4], $0x2800, $0x38;
	[tilespmem:$0x1DD78] =	vst v63  }
0xa5: {  	_ =	swait.ge [sflag:s14], $0x50  }
0xa6: {  	[sflag:s14] =	ssyncset.done $0x0  }
0xa7: {  	[sflag:s14] =	ssyncadd.s32 $0xFFFFFFB0  }
0xa8: {  	_ =	swait.ge [sflag:s14], $0x50  }
0xa9: {  	[sflag:s14] =	ssyncset.done $0x0  }
0xaa: {  	[sflag:s14] =	ssyncadd.s32 $0xFFFFFFB0  }
0xab: {  	_ =	swait.ge [sflag:s14], $0x2800  }
0xac: {  	[sflag:s14] =	ssyncset.done $0x0  }
0xad: {  	[sflag:s14] =	ssyncadd.s32 $0xFFFFD800  }
0xae: {  	_ =	swait.ge [sflag:s14], $0x2800  }
0xaf: {  	[sflag:s14] =	ssyncset.done $0x0  }
0xb0: {  	[sflag:s14] =	ssyncadd.s32 $0xFFFFD800  }
0xb1: {  	[spmem:s2] =	stream.indirect.scatter.add.f32 [tilespmem:s8], [sflag:$0x3], $0x80, s7, s11, $0xb8;
	[tilespmem:$0x1DD78] =	vst v63  }
0xb2: {  	_ =	swait.ge [sflag:s12], $0x2800  }
0xb3: {  	[sflag:s12] =	ssyncset.done $0x0  }
0xb4: {  	[sflag:s12] =	ssyncadd.s32 $0xFFFFD800  }
0xb5: {  	[spmem:s3] =	stream.indirect.scatter.add.f32 [tilespmem:s13], [sflag:$0x3], $0x1, s7, s11, $0xb8;
	[tilespmem:$0x1DD78] =	vst v63  }
0xb6: {  	_ =	swait.ge [sflag:s12], $0x50  }
0xb7: {  	[sflag:s12] =	ssyncset.done $0x0  }
0xb8: {  	[sflag:s12] =	ssyncadd.s32 $0xFFFFFFB0  }
0xb9: {  	[spmem:s2] =	stream.indirect.scatter.add.f32 [tilespmem:s9], [sflag:$0x3], $0x80, s1, s11, $0xb8;
	[tilespmem:$0x1DD78] =	vst v63  }
0xba: {  	_ =	swait.ge [sflag:s12], $0x2800  }
0xbb: {  	p5 =	seq.s32 s24, $0x26200;
	[sflag:s12] =	ssyncset.done $0x0  }
.Ltmp2:
0xbc: {  	[sflag:s12] =	ssyncadd.s32 $0xFFFFD800;
	(pc) =	sbr.rel @p5 .LBB2_4-.Ltmp2, $4  }
0xbd: {  	[spmem:s3] =	stream.indirect.scatter.add.f32 [tilespmem:s13], [sflag:$0x3], $0x1, s1, s11, $0xb8;
	[tilespmem:$0x1DD78] =	vst v63  }
0xbe: {  	_ =	swait.ge [sflag:s12], $0x50  }
0xbf: {  	[sflag:s12] =	ssyncset.done $0x0  }
0xc0: {  	[sflag:s12] =	ssyncadd.s32 $0xFFFFFFB0  }
0xc1: {  	[tilespmem:s1], [sflag:$0x2] =	stream.linear.gather [hbm4b:s28+s4], $0x50, $0x38;
	[tilespmem:$0x1DD78] =	vst v63  }
0xc2: {  	_ = 	snop  }
0xc3: {  	[tilespmem:s7], [sflag:$0x2] =	stream.linear.gather [hbm4b:s26+s4], $0x50, $0x38;
	[tilespmem:$0x1DD78] =	vst v63  }
.Ltmp3:
0xc4: {  	_ = 	snop;
	(pc) =	sbr.rel .LBB2_2-.Ltmp3, $4  }
0xc5: {  	s22 =	sadd.s32 $0xF00, s25;
	s25 =	sadd.s32 $0xF00, s23;
	s24 =	sadd.s32 $0xA00, s24  }
0xc6: {  	[tilespmem:s8], [sflag:$0x2] =	stream.linear.gather [hbm4b:s22+s4], $0x2800, $0x38;
	[tilespmem:$0x1DD78] =	vst v63  }
0xc7: {  	s28 =	sadd.s32 $0x14, s28;
	s29 =	sadd.s32 $0xA0, s29;
	s26 =	sadd.s32 $0x14, s26  }
0xc8: {  	[tilespmem:s9], [sflag:$0x2] =	stream.linear.gather [hbm4b:s25+s4], $0x2800, $0x38;
	[tilespmem:$0x1DD78] =	vst v63  }
.LBB2_5:
0xc9: {  	_ =	sfence.sel $0x180000  }
0xca: {  	[bflag:$0x0] =	sbarrier.arrive $0xFFFF  }
0xcb: {  	_ =	strace $0x90000047  }
0xcc: {  	[bflag:$0x2] =	sbarrier.arrive $0xFFFF  }
0xcd: {  	p0 =	sne.s32 s5, $0x0;
	s0 =	rddreg [dreg:$0x6]  }
0xce: {  	s0 =	sadd.s32 @!p0 $0x100000, s0  }
0xcf: {  	[sflag:s0] =	ssyncadd.tile.s32 @!p0 $0x1;
	_ =	shalt  }
.Lfunc_end2:
_tile_overlayer_lowered:
.L_overlay_start_2:
0xd0: {  	(tag) =	ssettag $0x2  }
0xd1: {  	s0 =	rddreg [dreg:$0x0];
	s2 =	stileid.u32  }
0xd2: {  	s1 =	rddreg [dreg:$0x1];
	p0 =	sne.s32 s2, $0x0  }
0xd3: {  	s3 =	rddreg [dreg:$0x2];
	[bflag:$0x3] =	sbarrier.arrive $0xFFFF;
	s2 =	simm.s32 @!p0 $0x1C03  }
0xd4: {  	[timem:s3], [sflag:s2] =	dma.local @!p0 [hbm:s0], s1  }
0xd5: {  	s0 =	simm.s32 @!p0 $0x3  }
0xd6: {  	_ =	swait.ge @!p0 [sflag:s0], s1  }
0xd7: {  	s1 =	ssub.s32 @!p0 $0x0, s1;
	[sflag:s0] =	ssyncset.done @!p0 $0x0  }
0xd8: {  	[sflag:s0] =	ssyncadd.s32 @!p0 s1  }
0xd9: {  	[bflag:$0x3] =	sbarrier.arrive $0xFFFF  }
0xda: {  	_ =	shalt  }

// kernel: kernel.14.cloned.1.call-start
scs
__scs_entry_jumppad:
0x0: {  	(pc) =	sbr.rel $0x88, $3  }
0x1: {  	(tag) =	ssettag $0x0;
	lr =	simm.s32 $0x1  }
0x2: {  	[smem:$0x3F8D] =	sst lr;
	_ =	strace $0xD0000000  }
0x3: {  	_ = 	snop  }
0x4: {  	_ = 	snop  }
0x5: {  	_ = 	snop  }
0x6: {  	_ = 	snop  }
0x7: {  	_ = 	snop  }
__scs_overlays_trampoline_lowered:
0x8: {  	[smem:$0x3F9C] =	sst s0  }
0x9: {  	[smem:$0x3F9D] =	sst s1  }
0xa: {  	[smem:$0x3F9E] =	sst s2  }
0xb: {  	[smem:$0x3F9F] =	sst s3  }
0xc: {  	[smem:$0x3FA0] =	sst s4  }
0xd: {  	[smem:$0x3FA1] =	sst s5  }
0xe: {  	[smem:$0x3FA2] =	sst s6  }
0xf: {  	[smem:$0x3FA3] =	sst s7  }
0x10: {  	[smem:$0x3FA4] =	sst s8  }
0x11: {  	[smem:$0x3FA5] =	sst s9;
	s0 =	simm.s32 @!p0 $0x0  }
0x12: {  	s1 =	sld [smem:$0x3F8B];
	s0 =	simm.s32 @p0 $0x1  }
0x13: {  	[smem:$0x3FA6] =	sst s0;
	s0 =	simm.s32 @!p1 $0x0  }
0x14: {  	s2 =	sld [smem:$0x3F8A];
	s0 =	simm.s32 @p1 $0x1  }
0x15: {  	[smem:$0x3FA7] =	sst s0;
	s0 =	simm.s32 @!p2 $0x0  }
0x16: {  	s3 =	sld [smem:$0x3FDB];
	s0 =	simm.s32 @p2 $0x1  }
0x17: {  	s4 =	simm.s32 $0x1BF5;
	[smem:$0x3FA9] =	sst s0  }
0x18: {  	s0 =	sld [smem:$0x3F8C];
	_ =	swait.ge [sflag:s4], $0x0  }
0x19: {  	s7 =	sld [smem:$0x3F8D]  }
0x1a: {  	s8 =	sadd.s32 $0xFFFFE003, lr  }
0x1b: {  	s9 =	sadd.s32 $0xFFFFFEF7, lr;
	s5 =	simm.s32 $0xFFFFFFFF;
	p2 =	slt.u32 s8, $0xFFFFF086  }
0x1c: {  	p1 =	slt.u32 s9, $0xF7A;
	s5 =	simm.s32 @!p2 $0x0  }
0x1d: {  	s5 =	simm.s32 @p1 $0x1;
	p0 =	seq.s32 s7, s2  }
0x1e: {  	s7 =	smul.u32 @!p0 $0xF7A, s2;
	p2 =	seq.s32 @!p0 s5, $0x0  }
0x1f: {  	s9 =	smul.u32 $0xF7A, s1;
	s8 =	simm.s32 @!p0 $0x1BF5;
	p2 =	por !p2, p0  }
0x20: {  	[sflag:s8] =	ssyncset.s32 @!p0 $0xFFFFF086;
	s6 =	sadd.s32 @!p0 s3, s7;
	s7 =	simm.s32 @!p0 $0x108  }
0x21: {  	s3 =	sadd.s32 s3, s9;
	s6 =	sadd.s32 @!p0 $0x88, s6;
	s7 =	simm.s32 @p2 $0x1082  }
0x22: {  	[simem:s7], [sflag:s8] =	dma.local @!p0 [hbm:s6], $0xF7A  }
0x23: {  	s9 =	sor.u32 $0xD0000000, s2;
	s6 =	simm.s32 $0x108;
	_ =	swait.ge @!p0 [sflag:s8], $0x0  }
0x24: {  	s3 =	sadd.s32 $0x88, s3;
	s6 =	simm.s32 @!p1 $0x1082;
	[sflag:s4] =	ssyncset.s32 $0xFFFFF086  }
0x25: {  	[simem:s6], [sflag:s4] =	dma.local [hbm:s3], $0xF7A  }
0x26: {  	[smem:$0x3F8D] =	sst s1;
	(tag) =	ssettag s2;
	_ =	strace s9  }
0x27: {  	s1 =	sld [smem:$0x3F9D]  }
0x28: {  	s2 =	sld [smem:$0x3F9E]  }
0x29: {  	s4 =	sld [smem:$0x3FA0]  }
0x2a: {  	p0 =	seq.s32 s5, $0x0;
	s5 =	sld [smem:$0x3FA1]  }
0x2b: {  	s6 =	sld [smem:$0x3FA2]  }
0x2c: {  	s7 =	sld [smem:$0x3FA3]  }
0x2d: {  	s3 =	simm.s32 $0x108;
	s8 =	sld [smem:$0x3FA4]  }
0x2e: {  	s3 =	simm.s32 @!p0 $0x1082;
	s9 =	sld [smem:$0x3FA5]  }
0x2f: {  	lr =	sadd.s32 s0, s3;
	s0 =	sld [smem:$0x3F9C]  }
0x30: {  	s3 =	sld [smem:$0x3F9F]  }
0x31: {  	[smem:$0x3FA8] =	sst s10  }
0x32: {  	s10 =	sld [smem:$0x3FA6];
	_ =	sdelay $0x3  }
0x33: {  	p0 =	seq.s32 s10, $0x1;
	s10 =	sld [smem:$0x3FA8];
	_ =	sdelay $0x3  }
0x34: {  	[smem:$0x3FA8] =	sst s10  }
0x35: {  	s10 =	sld [smem:$0x3FA7];
	_ =	sdelay $0x3  }
0x36: {  	p1 =	seq.s32 s10, $0x1;
	s10 =	sld [smem:$0x3FA8];
	_ =	sdelay $0x3  }
0x37: {  	[smem:$0x3FA8] =	sst s10  }
0x38: {  	s10 =	sld [smem:$0x3FA9]  }
0x39: {  	_ = 	snop;
	(pc) =	sbr.ind lr, $3  }
0x3a: {  	_ = 	snop  }
0x3b: {  	_ = 	snop  }
0x3c: {  	p2 =	seq.s32 s10, $0x1;
	s10 =	sld [smem:$0x3FA8]  }
0x3d: {  	_ =	shalt  }
0x3e: {  	_ =	shalt  }
0x3f: {  	_ =	shalt  }
0x40: {  	_ =	shalt  }
0x41: {  	_ =	shalt  }
0x42: {  	_ =	shalt  }
0x43: {  	_ =	shalt  }
0x44: {  	_ =	shalt  }
0x45: {  	_ =	shalt  }
0x46: {  	_ =	shalt  }
0x47: {  	_ =	shalt  }
0x48: {  	_ =	shalt  }
0x49: {  	_ =	shalt  }
0x4a: {  	_ =	shalt  }
0x4b: {  	_ =	shalt  }
0x4c: {  	_ =	shalt  }
0x4d: {  	_ =	shalt  }
0x4e: {  	_ =	shalt  }
0x4f: {  	_ =	shalt  }
0x50: {  	_ =	shalt  }
0x51: {  	_ =	shalt  }
0x52: {  	_ =	shalt  }
0x53: {  	_ =	shalt  }
0x54: {  	_ =	shalt  }
0x55: {  	_ =	shalt  }
0x56: {  	_ =	shalt  }
0x57: {  	_ =	shalt  }
0x58: {  	_ =	shalt  }
0x59: {  	_ =	shalt  }
0x5a: {  	_ =	shalt  }
0x5b: {  	_ =	shalt  }
0x5c: {  	_ =	shalt  }
0x5d: {  	_ =	shalt  }
0x5e: {  	_ =	shalt  }
0x5f: {  	_ =	shalt  }
0x60: {  	_ =	shalt  }
0x61: {  	_ =	shalt  }
0x62: {  	_ =	shalt  }
0x63: {  	_ =	shalt  }
0x64: {  	_ =	shalt  }
0x65: {  	_ =	shalt  }
0x66: {  	_ =	shalt  }
0x67: {  	_ =	shalt  }
0x68: {  	_ =	shalt  }
0x69: {  	_ =	shalt  }
0x6a: {  	_ =	shalt  }
0x6b: {  	_ =	shalt  }
0x6c: {  	_ =	shalt  }
0x6d: {  	_ =	shalt  }
0x6e: {  	_ =	shalt  }
0x6f: {  	_ =	shalt  }
0x70: {  	_ =	shalt  }
0x71: {  	_ =	shalt  }
0x72: {  	_ =	shalt  }
0x73: {  	_ =	shalt  }
0x74: {  	_ =	shalt  }
0x75: {  	_ =	shalt  }
0x76: {  	_ =	shalt  }
0x77: {  	_ =	shalt  }
0x78: {  	_ =	shalt  }
0x79: {  	_ =	shalt  }
0x7a: {  	_ =	shalt  }
0x7b: {  	_ =	shalt  }
0x7c: {  	_ =	shalt  }
0x7d: {  	_ =	shalt  }
0x7e: {  	_ =	shalt  }
0x7f: {  	_ =	shalt  }
0x80: {  	_ =	shalt  }
0x81: {  	_ =	shalt  }
0x82: {  	_ =	shalt  }
0x83: {  	_ =	shalt  }
0x84: {  	_ =	shalt  }
0x85: {  	_ =	shalt  }
0x86: {  	_ =	shalt  }
0x87: {  	_ =	shalt  }
.Lfunc_end0:
.L_simem_size_0:
called_computation.1_lowered:
.L_overlay_start_0:
0x88: {  	s2 =	sld [smem:$0x3FD9]  }
0x89: {  	s3 =	sld [smem:$0x3FFE];
	_ =	sdelay $0x1  }
0x8a: {  	s1 =	srdreg.scid  }
0x8b: {  	s0 =	sand.u32 $0x1, s1  }
0x8c: {  	s17 =	sshll.u32 s0, $0xA;
	s2 =	sadd.s32 s3, s2  }
0x8d: {  	s2 =	sadd.s32 s2, s17  }
0x8e: {  	[smem:$0x3FB4] =	sst s2  }
0x8f: {  	_ = 	snop  }
0x90: {  	s18 =	sld [smem:$0x3FC9];
	(tm) =	ssettm $0x1  }
0x91: {  	s19 =	sld [smem:$0x3FFB];
	_ =	sdelay $0x3  }
0x92: {  	_ =	strace s19  }
0x93: {  	s2 =	sld [smem:$0x3FFC];
	_ =	sdelay $0x3  }
0x94: {  	_ =	strace s2  }
0x95: {  	s2 =	sld [smem:$0x3FFD];
	_ =	sdelay $0x3  }
0x96: {  	_ =	strace s2  }
0x97: {  	_ =	strace $0x8FFFFFFF  }
0x98: {  	s20 =	sld [smem:$0x3FDB];
	_ =	sdelay $0x1  }
0x99: {  	s4 =	simm.s32 $_scs_section_size  }
0x9a: {  	s5 =	simm.s32 $_size__tile_overlayer_lowered;
	s6 =	simm.s32 $_tile_overlayer_lowered  }
0x9b: {  	s7 =	simm.s32 $0x1BFF;
	s21 =	sshll.u32 s6, $0x1;
	s4 =	sadd.s32 s4, s20  }
0x9c: {  	s22 =	simm.s32 $0x0;
	s5 =	sshll.u32 s5, $0x1;
	s6 =	sadd.s32 s21, s4  }
0x9d: {  	[timem:s22], [sflag:s7] =	dma.local [hbm:s6], s5  }
0x9e: {  	_ =	swait.ge [sflag:s7], s5  }
0x9f: {  	s5 =	ssub.s32 $0x0, s5;
	[sflag:s7] =	ssyncset.done $0x0  }
0xa0: {  	[sflag:s7] =	ssyncadd.s32 s5;
	_ =	sdelay $0x1  }
0xa1: {  	s23 =	simm.s32 $0x1B8B  }
0xa2: {  	_ =	swait.ge [sflag:s23], $0x1  }
0xa3: {  	[sflag:s23] =	ssyncset.done $0x0  }
0xa4: {  	[sflag:s23] =	ssyncadd.s32 $0xFFFFFFFF  }
0xa5: {  	s5 =	sld [smem:$0x0]  }
0xa6: {  	s6 =	sand.u32 $0xFFFFFFFE, s1  }
0xa7: {  	p0 =	sne.s32 s1, s6  }
0xa8: {  	s6 =	sshll.u32 @p0 s6, $0xE  }
0xa9: {  	s6 =	sadd.s32 @p0 $0x11B8D, s6;
	s7 =	sshll.u32 @p0 s5, $0x11  }
0xaa: {  	s6 =	sor.u32 @p0 s7, s6  }
0xab: {  	[sflag:s6] =	ssyncadd.remote.s32 @p0 $0x1;
	_ =	sdelay $0x1  }
0xac: {  	s6 =	simm.s32 @p0 $0x1B8D  }
0xad: {  	_ =	swait.eq @p0 [sflag:s6], $0x1  }
0xae: {  	[sflag:s6] =	ssyncadd.s32 @p0 $0xFFFFFFFF  }
0xaf: {  	s7 =	sshll.u32 @!p0 s1, $0xE  }
0xb0: {  	s7 =	sor.u32 @!p0 $0x4000, s7;
	s6 =	simm.s32 @!p0 $0x1B8D  }
0xb1: {  	s5 =	sshll.u32 @!p0 s5, $0x11;
	s7 =	sadd.s32 @!p0 $0x11B8D, s7;
	_ =	swait.eq @!p0 [sflag:s6], $0x1  }
0xb2: {  	s5 =	sor.u32 @!p0 s5, s7;
	[sflag:s6] =	ssyncadd.s32 @!p0 $0xFFFFFFFF  }
0xb3: {  	s25 =	simm.s32 $0x1B8E;
	s24 =	sld [smem:$0x3FFE];
	[sflag:s5] =	ssyncadd.remote.s32 @!p0 $0x1  }
0xb4: {  	s26 =	simm.s32 $execute0_lowered;
	[smem:$0x3FD2] =	sst s25  }
0xb5: {  	s6 =	sshll.u32 s26, $0x1;
	_ =	strace $0x80000049;
	[dreg:$0x1] =	wrdreg $0xFFFFFFFF  }
0xb6: {  	s28 =	simm.s32 $_size_execute0_lowered;
	s4 =	sadd.s32 s4, s6;
	[dreg:$0x0] =	wrdreg $0x0  }
0xb7: {  	s6 =	sshll.u32 s28, $0x1;
	[dreg:$0x2] =	wrdreg s4  }
0xb8: {  	[dreg:$0x3] =	wrdreg s6  }
0xb9: {  	[dreg:$0x4] =	wrdreg $0xC0  }
0xba: {  	_ =	task [dreg:s22], $0x5FFFF  }
0xbb: {  	[dreg:$0x1] =	wrdreg $0xFFFFFFFF  }
0xbc: {  	[dreg:$0x0] =	wrdreg $0x60  }
0xbd: {  	[dreg:$0x2] =	wrdreg s18  }
0xbe: {  	[dreg:$0x3] =	wrdreg s24  }
0xbf: {  	[dreg:$0x4] =	wrdreg $0xA2000  }
0xc0: {  	[dreg:$0x5] =	wrdreg $0xA  }
0xc1: {  	_ =	task.clear_ibuf [dreg:s22], $0x6FFFF;
	_ =	strace $0x90000049  }
0xc2: {  	s29 =	simm.s32 $0xA;
	_ =	strace $0x8000004B  }
0xc3: {  	_ =	swait.ge [sflag:s29], $0x1  }
0xc4: {  	[sflag:s29] =	ssyncadd.s32 $0xFFFFFFFF  }
0xc5: {  	_ =	strace $0x9000004B  }
0xc6: {  	_ =	sfence  }
0xc7: {  	s30 =	sld [smem:$0x0];
	_ =	sdelay $0x2  }
0xc8: {  	s31 =	sshll.u32 s1, $0xD;
	s1 =	sshrl.u32 s1, $0x2  }
0xc9: {  	s4 =	sand.u32 $0x4000, s31;
	s1 =	sadd.s32 s1, s30  }
0xca: {  	s0 =	sor.u32 s4, s0;
	s1 =	sshll.u32 s1, $0x11  }
0xcb: {  	s0 =	sor.u32 s1, s0  }
0xcc: {  	s0 =	sadd.s32 $0x8F2B, s0  }
0xcd: {  	[sflag:s0] =	ssyncadd.remote.s32 $0x1  }
0xce: {  	_ =	sfence.sel $0xFFFF  }
0xcf: {  	[dreg:$0x0] =	wrdreg $0xFFFFFFFF;
	(pc) =	sbr.abs _section_cstart, $3  }
0xd0: {  	[dreg:$0x1] =	wrdreg $0xFFFFFFFF  }
0xd1: {  	_ =	task.clear_ibuf [dreg:s22], $0x2FFFF;
	_ =	strace $0x9FFFFFFF  }
0xd2: {  	(tm) =	ssettm $0x7FFFFFFF  }
0xd3: {  	_ =	shalt  }
tec
execute0_lowered:
.L_overlay_start_1:
0x0: {  	(tag) =	ssettag $0x1  }
0x1: {  	s1 =	rddreg [dreg:$0x0]  }
0x2: {  	s0 =	rddreg [dreg:$0x1];
	s15 =	stileid.u32  }
0x3: {  	s2 =	rddreg [dreg:$0x2];
	s8 =	smul.u32 $0x4F000, s15  }
0x4: {  	s4 =	simm.s32 $0x0;
	s3 =	srdreg.scid;
	s10 =	smul.u32 $0x4E000, s15  }
0x5: {  	[smem:$0x7FF] =	sst s4;
	s3 =	sand.u32 $0x1, s3;
	s16 =	smul.u32 $0x13C00, s15  }
0x6: {  	s5 =	sadd.s32 $0xEE00, s0;
	s6 =	sadd.s32 $0x5000, s0;
	s18 =	smul.u32 $0x13800, s15  }
0x7: {  	s0 =	sadd.s32 $0x570000, s0;
	s22 =	sshll.u32 s15, $0x1;
	s19 =	smul.u32 $0x4E20, s15  }
0x8: {  	p0 =	sgt.u32 s15, $0x1;
	s15 =	simm.s32 $0x5180;
	_ =	strace $0x8000004A  }
0x9: {  	s7 =	ssub.s32 $0x2, s3;
	s11 =	sor.u32 s3, s22;
	s29 =	smul.u32 $0x138800, s3  }
0xa: {  	s3 =	smul.u32 $0x2710, s3;
	s9 =	sshrl.u32 s7, $0x1;
	s23 =	sshrl.u32 s8, $0x2  }
0xb: {  	s24 =	sshrl.u32 s10, $0x2;
	s25 =	smul.u32 $0x2710, s11;
	s9 =	ssub.s32 s7, s9  }
0xc: {  	s7 =	sadd.s32 s23, s2;
	s8 =	sadd.s32 s24, s2;
	s23 =	sadd.s32 $0x800, s18  }
0xd: {  	s3 =	sadd.s32 s3, s19;
	s18 =	simm.s32 $0x7A00;
	s26 =	sadd.s32 $0x800, s8  }
0xe: {  	s19 =	simm.s32 $0x3;
	s28 =	sadd.s32 $0x3000, s8;
	[dreg:$0x4] =	wrdreg s26  }
0xf: {  	s12 =	sadd.s32 $0x5800, s8;
	s14 =	sadd.s32 $0x8000, s8;
	[dreg:$0x5] =	wrdreg s28  }
0x10: {  	s13 =	sadd.s32 $0xA800, s8;
	s17 =	sadd.s32 $0xD000, s8;
	[dreg:$0x6] =	wrdreg s12  }
0x11: {  	s10 =	sshrl.u32 s25, $0x3;
	s11 =	sadd.s32 s29, s23;
	[dreg:$0x7] =	wrdreg s14  }
0x12: {  	s25 =	sadd.s32 $0xF0, s3;
	s9 =	smax.u32 s9, $0x1;
	[dreg:$0x8] =	wrdreg s13  }
0x13: {  	s30 =	sadd.s32 $0x7800, s7;
	s31 =	sadd.s32 $0xA000, s7;
	[dreg:$0x9] =	wrdreg s17  }
0x14: {  	s14 =	sadd.s32 $0xF800, s8;
	s8 =	sadd.s32 $0x12000, s8;
	s20 =	sadd.s32 s5, s10  }
0x15: {  	s21 =	sadd.s32 s6, s10;
	s22 =	sadd.s32 $0xA, s10;
	[dreg:$0x12] =	wrdreg s9  }
0x16: {  	s12 =	sadd.s32 s16, s29;
	s11 =	sshrl.u32 s11, $0x3;
	[dreg:$0xa] =	wrdreg s14  }
0x17: {  	s26 =	sadd.s32 $0xA0, s3;
	s28 =	sadd.s32 $0x2800, s7;
	[dreg:$0xb] =	wrdreg s8  }
0x18: {  	s29 =	sadd.s32 $0x5000, s7;
	s9 =	sadd.s32 $0x11800, s7;
	[dreg:$0xc] =	wrdreg s20  }
0x19: {  	s10 =	simm.s32 $0x80;
	s13 =	simm.s32 $0x100;
	[dreg:$0xd] =	wrdreg s21  }
0x1a: {  	s3 =	simm.s32 $0x5100;
	s16 =	simm.s32 $0x2;
	[dreg:$0x13] =	wrdreg s26  }
0x1b: {  	s17 =	simm.s32 $0x5200;
	s24 =	sadd.s32 s5, s22;
	[dreg:$0x15] =	wrdreg s28  }
0x1c: {  	s12 =	sshrl.u32 s12, $0x3;
	s8 =	sadd.s32 s6, s22;
	[dreg:$0x16] =	wrdreg s29  }
0x1d: {  	s14 =	simm.s32 $0x2900;
	s20 =	simm.s32 $0x5;
	s21 =	simm.s32 $0x4  }
0x1e: {  	s22 =	simm.s32 $0x0;
	[dreg:$0xe] =	wrdreg s24;
	s12 =	sadd.s32 s0, s12  }
.Ltmp0:
0x1f: {  	s0 =	sadd.s32 s0, s11;
	[dreg:$0x11] =	wrdreg s8;
	(pc) =	sbr.rel .LBB2_1-.Ltmp0, $4  }
0x20: {  	s8 =	sadd.s32 s23, s2;
	s11 =	simm.s32 $0x1;
	[dreg:$0xf] =	wrdreg s12  }
0x21: {  	[dreg:$0x10] =	wrdreg s0;
	s0 =	sshrl.u32 s25, $0x3;
	s12 =	simm.s32 $0x50  }
0x22: {  	s23 =	sadd.s32 s0, s6;
	s24 =	sadd.s32 s0, s5;
	s0 =	sshrl.u32 @p0 s8, $0x3  }
0x23: {  	v0 =	vimm.f32 $0.0e+00;
	s8 =	sadd.s32 $0xF000, s7;
	[dreg:$0x14] =	wrdreg s0;
	s0 =	sadd.s32 $0xC800, s7  }
.LBB2_6:
0x24: {  	_ =	swait.ge [sflag:s19], $0x2800  }
0x25: {  	[sflag:s19] =	ssyncset.done $0x0  }
0x26: {  	[sflag:s19] =	ssyncadd.s32 $0xFFFFD800  }
0x27: {  	_ =	swait.ge [sflag:s19], $0x2800  }
0x28: {  	[sflag:s19] =	ssyncset.done $0x0  }
0x29: {  	[sflag:s19] =	ssyncadd.s32 $0xFFFFD800  }
0x2a: {  	[spmem:s2] =	stream.indirect.scatter.add.f32 [tilespmem:s13], [sflag:$0x5], $0x80, s10, s12, $0xb8;
	[tilespmem:$0x1DA80] =	vst v63  }
0x2b: {  	_ =	swait.ge [sflag:s20], $0x2800  }
0x2c: {  	[sflag:s20] =	ssyncset.done $0x0  }
0x2d: {  	[sflag:s20] =	ssyncadd.s32 $0xFFFFD800  }
0x2e: {  	[spmem:s2] =	stream.indirect.scatter.add.f32 [tilespmem:s14], [sflag:$0x5], $0x80, s4, s12, $0xb8;
	[tilespmem:$0x1DA80] =	vst v63  }
0x2f: {  	_ =	swait.ge [sflag:s20], $0x2800  }
0x30: {  	[sflag:s20] =	ssyncset.done $0x0  }
0x31: {  	[sflag:s20] =	ssyncadd.s32 $0xFFFFD800  }
0x32: {  	s26 =	stileid.u32;
	[bflag:$0x0] =	sbarrier.arrive $0xFFFF  }
0x33: {  	s25 =	sshll.u32 @p0 s26, $0x6;
	s28 =	rddreg [dreg:$0x10]  }
0x34: {  	s25 =	sor.u32 @p0 $0x1C05, s25;
	s29 =	rddreg [dreg:$0x14]  }
0x35: {  	[hbm:s28], [sflag:s25] =	dma.local @p0 [spmem:s29], $0x2700  }
0x36: {  	s25 =	simm.s32 @p0 $0x5  }
0x37: {  	_ =	swait.ge @p0 [sflag:s25], $0x2700  }
0x38: {  	s26 =	sshll.u32 @!p0 s26, $0x6;
	[sflag:s25] =	ssyncset.done @p0 $0x0;
	s29 =	rddreg [dreg:$0xf]  }
0x39: {  	[sflag:s25] =	ssyncadd.s32 @p0 $0xFFFFD900;
	s25 =	sor.u32 @!p0 $0x1C05, s26;
	s26 =	sshrl.u32 @!p0 s7, $0x3  }
0x3a: {  	[hbm:s29], [sflag:s25] =	dma.local @!p0 [spmem:s26], $0x2780  }
0x3b: {  	s25 =	simm.s32 @!p0 $0x5  }
0x3c: {  	_ =	swait.ge @!p0 [sflag:s25], $0x2780  }
0x3d: {  	s22 =	sadd.s32 $0x1, s22;
	s29 =	rddreg [dreg:$0x12]  }
0x3e: {  	p1 =	sne.s32 s22, s29  }
.Ltmp1:
0x3f: {  	_ = 	snop;
	(pc) =	sbr.rel @!p1 .LBB2_7-.Ltmp1, $3  }
0x40: {  	_ =	sdelay $0x1  }
0x41: {  	[sflag:s25] =	ssyncset.done @!p0 $0x0  }
0x42: {  	s28 =	stileid.u32;
	[sflag:s25] =	ssyncadd.s32 @!p0 $0xFFFFD880  }
.LBB2_1:
0x43: {  	s25 =	simm.s32 $0x0;
	s26 =	simm.s32 $0x200  }
.LBB2_2:
0x44: {  	p1 =	sne.s32 s26, $0x9E00;
	[tilespmem:s25+$0x170] =	vst v0  }
0x45: {  	[tilespmem:s25+$0x100] =	vst v0  }
0x46: {  	[tilespmem:s25+$0x110] =	vst v0  }
.Ltmp2:
0x47: {  	[tilespmem:s25+$0x120] =	vst v0;
	(pc) =	sbr.rel @p1 .LBB2_2-.Ltmp2, $4  }
0x48: {  	[tilespmem:s25+$0x130] =	vst v0  }
0x49: {  	[tilespmem:s25+$0x140] =	vst v0  }
0x4a: {  	[tilespmem:s25+$0x150] =	vst v0  }
0x4b: {  	[tilespmem:s25+$0x160] =	vst v0;
	s25 =	sshra.s32 s26, $0x2;
	s26 =	sadd.s32 $0x200, s26  }
0x4c: {  	[tilespmem:s25+$0x170] =	vst v0  }
0x4d: {  	[tilespmem:s25+$0x100] =	vst v0  }
0x4e: {  	[tilespmem:s25+$0x110] =	vst v0  }
0x4f: {  	[tilespmem:s25+$0x120] =	vst v0  }
0x50: {  	[tilespmem:s25+$0x130] =	vst v0  }
0x51: {  	[tilespmem:s25+$0x140] =	vst v0  }
0x52: {  	[tilespmem:s25+$0x150] =	vst v0  }
0x53: {  	[tilespmem:s25+$0x160] =	vst v0;
	s25 =	simm.s32 @p0 $0x100;
	s26 =	rddreg [dreg:$0x4]  }
0x54: {  	[spmem:s26] =	stream.linear.scatter @p0 [tilespmem:s25], [sflag:$0x5], $0x2800, $0x38;
	[tilespmem:$0x1DA80] =	vst v63  }
0x55: {  	s26 =	simm.s32 @p0 $0x5  }
0x56: {  	_ =	swait.ge @p0 [sflag:s26], $0x2800  }
0x57: {  	[sflag:s26] =	ssyncset.done @p0 $0x0  }
0x58: {  	s28 =	rddreg [dreg:$0x5];
	[sflag:s26] =	ssyncadd.s32 @p0 $0xFFFFD800  }
0x59: {  	[spmem:s28] =	stream.linear.scatter @p0 [tilespmem:s25], [sflag:$0x5], $0x2800, $0x38;
	[tilespmem:$0x1DA80] =	vst v63  }
0x5a: {  	_ =	swait.ge @p0 [sflag:s26], $0x2800  }
0x5b: {  	[sflag:s26] =	ssyncset.done @p0 $0x0  }
0x5c: {  	s28 =	rddreg [dreg:$0x6];
	[sflag:s26] =	ssyncadd.s32 @p0 $0xFFFFD800  }
0x5d: {  	[spmem:s28] =	stream.linear.scatter @p0 [tilespmem:s25], [sflag:$0x5], $0x2800, $0x38;
	[tilespmem:$0x1DA80] =	vst v63  }
0x5e: {  	_ =	swait.ge @p0 [sflag:s26], $0x2800  }
0x5f: {  	[sflag:s26] =	ssyncset.done @p0 $0x0  }
0x60: {  	s28 =	rddreg [dreg:$0x7];
	[sflag:s26] =	ssyncadd.s32 @p0 $0xFFFFD800  }
0x61: {  	[spmem:s28] =	stream.linear.scatter @p0 [tilespmem:s25], [sflag:$0x5], $0x2800, $0x38;
	[tilespmem:$0x1DA80] =	vst v63  }
0x62: {  	_ =	swait.ge @p0 [sflag:s26], $0x2800  }
0x63: {  	[sflag:s26] =	ssyncset.done @p0 $0x0  }
0x64: {  	s28 =	rddreg [dreg:$0x8];
	[sflag:s26] =	ssyncadd.s32 @p0 $0xFFFFD800  }
0x65: {  	[spmem:s28] =	stream.linear.scatter @p0 [tilespmem:s25], [sflag:$0x5], $0x2800, $0x38;
	[tilespmem:$0x1DA80] =	vst v63  }
0x66: {  	_ =	swait.ge @p0 [sflag:s26], $0x2800  }
0x67: {  	[sflag:s26] =	ssyncset.done @p0 $0x0  }
0x68: {  	s28 =	rddreg [dreg:$0x9];
	[sflag:s26] =	ssyncadd.s32 @p0 $0xFFFFD800  }
0x69: {  	[spmem:s28] =	stream.linear.scatter @p0 [tilespmem:s25], [sflag:$0x5], $0x2800, $0x38;
	[tilespmem:$0x1DA80] =	vst v63  }
0x6a: {  	_ =	swait.ge @p0 [sflag:s26], $0x2800  }
0x6b: {  	[sflag:s26] =	ssyncset.done @p0 $0x0  }
0x6c: {  	s28 =	rddreg [dreg:$0xa];
	[sflag:s26] =	ssyncadd.s32 @p0 $0xFFFFD800  }
0x6d: {  	[spmem:s28] =	stream.linear.scatter @p0 [tilespmem:s25], [sflag:$0x5], $0x2800, $0x38;
	[tilespmem:$0x1DA80] =	vst v63  }
0x6e: {  	_ =	swait.ge @p0 [sflag:s26], $0x2800  }
0x6f: {  	[sflag:s26] =	ssyncset.done @p0 $0x0  }
0x70: {  	s28 =	rddreg [dreg:$0xb];
	[sflag:s26] =	ssyncadd.s32 @p0 $0xFFFFD800  }
0x71: {  	[spmem:s28] =	stream.linear.scatter @p0 [tilespmem:s25], [sflag:$0x5], $0x2000, $0x38;
	[tilespmem:$0x1DA80] =	vst v63  }
0x72: {  	_ =	swait.ge @p0 [sflag:s26], $0x2000  }
0x73: {  	[sflag:s26] =	ssyncset.done @p0 $0x0  }
0x74: {  	s25 =	simm.s32 @!p0 $0x100;
	[sflag:s26] =	ssyncadd.s32 @p0 $0xFFFFE000;
	s26 =	simm.s32 @!p0 $0x5  }
0x75: {  	[spmem:s7] =	stream.linear.scatter @!p0 [tilespmem:s25], [sflag:$0x5], $0x2800, $0x38;
	[tilespmem:$0x1DA80] =	vst v63  }
0x76: {  	_ =	swait.ge @!p0 [sflag:s26], $0x2800  }
0x77: {  	[sflag:s26] =	ssyncset.done @!p0 $0x0  }
0x78: {  	s28 =	rddreg [dreg:$0x15];
	[sflag:s26] =	ssyncadd.s32 @!p0 $0xFFFFD800  }
0x79: {  	[spmem:s28] =	stream.linear.scatter @!p0 [tilespmem:s25], [sflag:$0x5], $0x2800, $0x38;
	[tilespmem:$0x1DA80] =	vst v63  }
0x7a: {  	_ =	swait.ge @!p0 [sflag:s26], $0x2800  }
0x7b: {  	[sflag:s26] =	ssyncset.done @!p0 $0x0  }
0x7c: {  	s28 =	rddreg [dreg:$0x16];
	[sflag:s26] =	ssyncadd.s32 @!p0 $0xFFFFD800  }
0x7d: {  	[spmem:s28] =	stream.linear.scatter @!p0 [tilespmem:s25], [sflag:$0x5], $0x2800, $0x38;
	[tilespmem:$0x1DA80] =	vst v63  }
0x7e: {  	_ =	swait.ge @!p0 [sflag:s26], $0x2800  }
0x7f: {  	[sflag:s26] =	ssyncset.done @!p0 $0x0  }
0x80: {  	[sflag:s26] =	ssyncadd.s32 @!p0 $0xFFFFD800  }
0x81: {  	[spmem:s30] =	stream.linear.scatter @!p0 [tilespmem:s25], [sflag:$0x5], $0x2800, $0x38;
	[tilespmem:$0x1DA80] =	vst v63  }
0x82: {  	_ =	swait.ge @!p0 [sflag:s26], $0x2800  }
0x83: {  	[sflag:s26] =	ssyncset.done @!p0 $0x0  }
0x84: {  	[sflag:s26] =	ssyncadd.s32 @!p0 $0xFFFFD800  }
0x85: {  	[spmem:s31] =	stream.linear.scatter @!p0 [tilespmem:s25], [sflag:$0x5], $0x2800, $0x38;
	[tilespmem:$0x1DA80] =	vst v63  }
0x86: {  	_ =	swait.ge @!p0 [sflag:s26], $0x2800  }
0x87: {  	[sflag:s26] =	ssyncset.done @!p0 $0x0  }
0x88: {  	[sflag:s26] =	ssyncadd.s32 @!p0 $0xFFFFD800  }
0x89: {  	[spmem:s0] =	stream.linear.scatter @!p0 [tilespmem:s25], [sflag:$0x5], $0x2800, $0x38;
	[tilespmem:$0x1DA80] =	vst v63  }
0x8a: {  	_ =	swait.ge @!p0 [sflag:s26], $0x2800  }
0x8b: {  	[sflag:s26] =	ssyncset.done @!p0 $0x0  }
0x8c: {  	[sflag:s26] =	ssyncadd.s32 @!p0 $0xFFFFD800  }
0x8d: {  	[spmem:s8] =	stream.linear.scatter @!p0 [tilespmem:s25], [sflag:$0x5], $0x2800, $0x38;
	[tilespmem:$0x1DA80] =	vst v63  }
0x8e: {  	_ =	swait.ge @!p0 [sflag:s26], $0x2800  }
0x8f: {  	[sflag:s26] =	ssyncset.done @!p0 $0x0  }
0x90: {  	[sflag:s26] =	ssyncadd.s32 @!p0 $0xFFFFD800  }
0x91: {  	[spmem:s9] =	stream.linear.scatter @!p0 [tilespmem:s25], [sflag:$0x5], $0x2400, $0x38;
	[tilespmem:$0x1DA80] =	vst v63  }
0x92: {  	_ =	swait.ge @!p0 [sflag:s26], $0x2400  }
0x93: {  	[sflag:s26] =	ssyncset.done @!p0 $0x0  }
0x94: {  	[sflag:s26] =	ssyncadd.s32 @!p0 $0xFFFFDC00  }
0x95: {  	[bflag:$0x0] =	sbarrier.arrive $0xFFFF  }
0x96: {  	s26 =	simm.s32 $0x0;
	s28 =	rddreg [dreg:$0xc]  }
0x97: {  	[tilespmem:s26], [sflag:$0x1] =	stream.linear.gather [hbm4b:s28+s26], $0x50, $0x38;
	[tilespmem:$0x1DA80] =	vst v63  }
0x98: {  	s29 =	rddreg [dreg:$0xd]  }
0x99: {  	[tilespmem:s10], [sflag:$0x1] =	stream.linear.gather [hbm4b:s29+s26], $0x50, $0x38;
	[tilespmem:$0x1DA80] =	vst v63  }
0x9a: {  	_ =	swait.ge [sflag:s11], $0x50  }
0x9b: {  	[sflag:s11] =	ssyncset.done $0x0  }
0x9c: {  	[sflag:s11] =	ssyncadd.s32 $0xFFFFFFB0  }
0x9d: {  	_ =	swait.ge [sflag:s11], $0x50  }
0x9e: {  	[sflag:s11] =	ssyncset.done $0x0  }
0x9f: {  	[sflag:s11] =	ssyncadd.s32 $0xFFFFFFB0  }
0xa0: {  	[tilespmem:s13], [sflag:$0x3] =	stream.indirect.gather [hbm4b:s1+s12], $0x80, s26, s12, $0xb8;
	[tilespmem:$0x1DA80] =	vst v63  }
0xa1: {  	s28 =	rddreg [dreg:$0xe]  }
0xa2: {  	[tilespmem:s14], [sflag:$0x3] =	stream.indirect.gather [hbm4b:s1+s12], $0x80, s10, s12, $0xb8;
	[tilespmem:$0x1DA80] =	vst v63  }
0xa3: {  	s29 =	rddreg [dreg:$0x11]  }
0xa4: {  	[tilespmem:s3], [sflag:$0x2] =	stream.linear.gather [hbm4b:s28+s26], $0x50, $0x38;
	[tilespmem:$0x1DA80] =	vst v63  }
0xa5: {  	s25 =	rddreg [dreg:$0x13]  }
0xa6: {  	[tilespmem:s15], [sflag:$0x2] =	stream.linear.gather [hbm4b:s29+s26], $0x50, $0x38;
	[tilespmem:$0x1DA80] =	vst v63  }
.LBB2_4:
0xa7: {  	_ =	swait.ge [sflag:s16], $0x50  }
0xa8: {  	[sflag:s16] =	ssyncset.done $0x0  }
0xa9: {  	[sflag:s16] =	ssyncadd.s32 $0xFFFFFFB0  }
0xaa: {  	_ =	swait.ge [sflag:s16], $0x50  }
0xab: {  	[sflag:s16] =	ssyncset.done $0x0  }
0xac: {  	[sflag:s16] =	ssyncadd.s32 $0xFFFFFFB0  }
0xad: {  	[tilespmem:s17], [sflag:$0x4] =	stream.indirect.gather [hbm4b:s1+s12], $0x80, s3, s12, $0xb8;
	[tilespmem:$0x1DA80] =	vst v63  }
0xae: {  	_ = 	snop  }
0xaf: {  	[tilespmem:s18], [sflag:$0x4] =	stream.indirect.gather [hbm4b:s1+s12], $0x80, s15, s12, $0xb8;
	[tilespmem:$0x1DA80] =	vst v63  }
0xb0: {  	_ =	swait.ge [sflag:s19], $0x2800  }
0xb1: {  	[sflag:s19] =	ssyncset.done $0x0  }
0xb2: {  	[sflag:s19] =	ssyncadd.s32 $0xFFFFD800  }
0xb3: {  	_ =	swait.ge [sflag:s19], $0x2800  }
0xb4: {  	[sflag:s19] =	ssyncset.done $0x0  }
0xb5: {  	[sflag:s19] =	ssyncadd.s32 $0xFFFFD800  }
0xb6: {  	[spmem:s2] =	stream.indirect.scatter.add.f32 [tilespmem:s13], [sflag:$0x5], $0x80, s10, s12, $0xb8;
	[tilespmem:$0x1DA80] =	vst v63  }
0xb7: {  	_ =	swait.ge [sflag:s20], $0x2800  }
0xb8: {  	[sflag:s20] =	ssyncset.done $0x0  }
0xb9: {  	[sflag:s20] =	ssyncadd.s32 $0xFFFFD800  }
0xba: {  	[spmem:s2] =	stream.indirect.scatter.add.f32 [tilespmem:s14], [sflag:$0x5], $0x80, s4, s12, $0xb8;
	[tilespmem:$0x1DA80] =	vst v63  }
0xbb: {  	_ =	swait.ge [sflag:s20], $0x2800  }
0xbc: {  	s28 =	sshrl.u32 s25, $0x3;
	[sflag:s20] =	ssyncset.done $0x0  }
0xbd: {  	s29 =	sadd.s32 s5, s28;
	[sflag:s20] =	ssyncadd.s32 $0xFFFFD800  }
0xbe: {  	[tilespmem:s4], [sflag:$0x1] =	stream.linear.gather [hbm4b:s29+s4], $0x50, $0x38;
	[tilespmem:$0x1DA80] =	vst v63  }
0xbf: {  	s28 =	sadd.s32 s6, s28  }
0xc0: {  	[tilespmem:s10], [sflag:$0x1] =	stream.linear.gather [hbm4b:s28+s4], $0x50, $0x38;
	[tilespmem:$0x1DA80] =	vst v63  }
0xc1: {  	_ =	swait.ge [sflag:s11], $0x50  }
0xc2: {  	[sflag:s11] =	ssyncset.done $0x0  }
0xc3: {  	[sflag:s11] =	ssyncadd.s32 $0xFFFFFFB0  }
0xc4: {  	_ =	swait.ge [sflag:s11], $0x50  }
0xc5: {  	[sflag:s11] =	ssyncset.done $0x0  }
0xc6: {  	[sflag:s11] =	ssyncadd.s32 $0xFFFFFFB0  }
0xc7: {  	[tilespmem:s13], [sflag:$0x3] =	stream.indirect.gather [hbm4b:s1+s12], $0x80, s4, s12, $0xb8;
	[tilespmem:$0x1DA80] =	vst v63  }
0xc8: {  	_ = 	snop  }
0xc9: {  	[tilespmem:s14], [sflag:$0x3] =	stream.indirect.gather [hbm4b:s1+s12], $0x80, s10, s12, $0xb8;
	[tilespmem:$0x1DA80] =	vst v63  }
0xca: {  	_ =	swait.ge [sflag:s21], $0x2800  }
0xcb: {  	[sflag:s21] =	ssyncset.done $0x0  }
0xcc: {  	[sflag:s21] =	ssyncadd.s32 $0xFFFFD800  }
0xcd: {  	_ =	swait.ge [sflag:s21], $0x2800  }
0xce: {  	[sflag:s21] =	ssyncset.done $0x0  }
0xcf: {  	[sflag:s21] =	ssyncadd.s32 $0xFFFFD800  }
0xd0: {  	[spmem:s2] =	stream.indirect.scatter.add.f32 [tilespmem:s17], [sflag:$0x5], $0x80, s15, s12, $0xb8;
	[tilespmem:$0x1DA80] =	vst v63  }
0xd1: {  	_ =	swait.ge [sflag:s20], $0x2800  }
0xd2: {  	p1 =	seq.s32 s26, $0x4C4;
	[sflag:s20] =	ssyncset.done $0x0  }
.Ltmp3:
0xd3: {  	[sflag:s20] =	ssyncadd.s32 $0xFFFFD800;
	(pc) =	sbr.rel @p1 .LBB2_6-.Ltmp3, $4  }
0xd4: {  	[spmem:s2] =	stream.indirect.scatter.add.f32 [tilespmem:s18], [sflag:$0x5], $0x80, s3, s12, $0xb8;
	[tilespmem:$0x1DA80] =	vst v63  }
0xd5: {  	_ =	swait.ge [sflag:s20], $0x2800  }
0xd6: {  	[sflag:s20] =	ssyncset.done $0x0  }
0xd7: {  	[sflag:s20] =	ssyncadd.s32 $0xFFFFD800  }
.Ltmp4:
0xd8: {  	(pc) =	sbr.rel .LBB2_4-.Ltmp4, $4  }
0xd9: {  	s28 =	sadd.s32 s26, s24  }
0xda: {  	[tilespmem:s3], [sflag:$0x2] =	stream.linear.gather [hbm4b:s28+s4], $0x50, $0x38;
	[tilespmem:$0x1DA80] =	vst v63  }
0xdb: {  	s29 =	sadd.s32 s26, s23;
	s26 =	sadd.s32 $0x14, s26;
	s25 =	sadd.s32 $0xA0, s25  }
0xdc: {  	[tilespmem:s15], [sflag:$0x2] =	stream.linear.gather [hbm4b:s29+s4], $0x50, $0x38;
	[tilespmem:$0x1DA80] =	vst v63  }
.LBB2_7:
0xdd: {  	_ =	sfence.sel $0x180000  }
0xde: {  	[bflag:$0x0] =	sbarrier.arrive $0xFFFF  }
0xdf: {  	_ =	strace $0x9000004A  }
0xe0: {  	[bflag:$0x2] =	sbarrier.arrive $0xFFFF  }
0xe1: {  	p0 =	sne.s32 s28, $0x0;
	s0 =	rddreg [dreg:$0x3]  }
0xe2: {  	s0 =	sadd.s32 @!p0 $0x100000, s0  }
0xe3: {  	[sflag:s0] =	ssyncadd.tile.s32 @!p0 $0x1;
	_ =	shalt  }
.Lfunc_end2:
_tile_overlayer_lowered:
.L_overlay_start_2:
0xe4: {  	(tag) =	ssettag $0x2  }
0xe5: {  	s0 =	rddreg [dreg:$0x0];
	s2 =	stileid.u32  }
0xe6: {  	s1 =	rddreg [dreg:$0x1];
	p0 =	sne.s32 s2, $0x0  }
0xe7: {  	s3 =	rddreg [dreg:$0x2];
	[bflag:$0x3] =	sbarrier.arrive $0xFFFF;
	s2 =	simm.s32 @!p0 $0x1C05  }
0xe8: {  	[timem:s3], [sflag:s2] =	dma.local @!p0 [hbm:s0], s1  }
0xe9: {  	s0 =	simm.s32 @!p0 $0x5  }
0xea: {  	_ =	swait.ge @!p0 [sflag:s0], s1  }
0xeb: {  	s1 =	ssub.s32 @!p0 $0x0, s1;
	[sflag:s0] =	ssyncset.done @!p0 $0x0  }
0xec: {  	[sflag:s0] =	ssyncadd.s32 @!p0 s1  }
0xed: {  	[bflag:$0x3] =	sbarrier.arrive $0xFFFF  }
0xee: {  	_ =	shalt  }

// kernel: kernel.17.cloned.1.call-start
scs
__scs_entry_jumppad:
0x0: {  	(pc) =	sbr.rel $0x88, $3  }
0x1: {  	(tag) =	ssettag $0x0;
	lr =	simm.s32 $0x1  }
0x2: {  	[smem:$0x3F8D] =	sst lr;
	_ =	strace $0xD0000000  }
0x3: {  	_ = 	snop  }
0x4: {  	_ = 	snop  }
0x5: {  	_ = 	snop  }
0x6: {  	_ = 	snop  }
0x7: {  	_ = 	snop  }
__scs_overlays_trampoline_lowered:
0x8: {  	[smem:$0x3F9C] =	sst s0  }
0x9: {  	[smem:$0x3F9D] =	sst s1  }
0xa: {  	[smem:$0x3F9E] =	sst s2  }
0xb: {  	[smem:$0x3F9F] =	sst s3  }
0xc: {  	[smem:$0x3FA0] =	sst s4  }
0xd: {  	[smem:$0x3FA1] =	sst s5  }
0xe: {  	[smem:$0x3FA2] =	sst s6  }
0xf: {  	[smem:$0x3FA3] =	sst s7  }
0x10: {  	[smem:$0x3FA4] =	sst s8  }
0x11: {  	[smem:$0x3FA5] =	sst s9;
	s0 =	simm.s32 @!p0 $0x0  }
0x12: {  	s1 =	sld [smem:$0x3F8B];
	s0 =	simm.s32 @p0 $0x1  }
0x13: {  	[smem:$0x3FA6] =	sst s0;
	s0 =	simm.s32 @!p1 $0x0  }
0x14: {  	s2 =	sld [smem:$0x3F8A];
	s0 =	simm.s32 @p1 $0x1  }
0x15: {  	[smem:$0x3FA7] =	sst s0;
	s0 =	simm.s32 @!p2 $0x0  }
0x16: {  	s3 =	sld [smem:$0x3FDB];
	s0 =	simm.s32 @p2 $0x1  }
0x17: {  	s4 =	simm.s32 $0x1BF5;
	[smem:$0x3FA9] =	sst s0  }
0x18: {  	s0 =	sld [smem:$0x3F8C];
	_ =	swait.ge [sflag:s4], $0x0  }
0x19: {  	s7 =	sld [smem:$0x3F8D]  }
0x1a: {  	s8 =	sadd.s32 $0xFFFFE003, lr  }
0x1b: {  	s9 =	sadd.s32 $0xFFFFFEF7, lr;
	s5 =	simm.s32 $0xFFFFFFFF;
	p2 =	slt.u32 s8, $0xFFFFF086  }
0x1c: {  	p1 =	slt.u32 s9, $0xF7A;
	s5 =	simm.s32 @!p2 $0x0  }
0x1d: {  	s5 =	simm.s32 @p1 $0x1;
	p0 =	seq.s32 s7, s2  }
0x1e: {  	s7 =	smul.u32 @!p0 $0xF7A, s2;
	p2 =	seq.s32 @!p0 s5, $0x0  }
0x1f: {  	s9 =	smul.u32 $0xF7A, s1;
	s8 =	simm.s32 @!p0 $0x1BF5;
	p2 =	por !p2, p0  }
0x20: {  	[sflag:s8] =	ssyncset.s32 @!p0 $0xFFFFF086;
	s6 =	sadd.s32 @!p0 s3, s7;
	s7 =	simm.s32 @!p0 $0x108  }
0x21: {  	s3 =	sadd.s32 s3, s9;
	s6 =	sadd.s32 @!p0 $0x88, s6;
	s7 =	simm.s32 @p2 $0x1082  }
0x22: {  	[simem:s7], [sflag:s8] =	dma.local @!p0 [hbm:s6], $0xF7A  }
0x23: {  	s9 =	sor.u32 $0xD0000000, s2;
	s6 =	simm.s32 $0x108;
	_ =	swait.ge @!p0 [sflag:s8], $0x0  }
0x24: {  	s3 =	sadd.s32 $0x88, s3;
	s6 =	simm.s32 @!p1 $0x1082;
	[sflag:s4] =	ssyncset.s32 $0xFFFFF086  }
0x25: {  	[simem:s6], [sflag:s4] =	dma.local [hbm:s3], $0xF7A  }
0x26: {  	[smem:$0x3F8D] =	sst s1;
	(tag) =	ssettag s2;
	_ =	strace s9  }
0x27: {  	s1 =	sld [smem:$0x3F9D]  }
0x28: {  	s2 =	sld [smem:$0x3F9E]  }
0x29: {  	s4 =	sld [smem:$0x3FA0]  }
0x2a: {  	p0 =	seq.s32 s5, $0x0;
	s5 =	sld [smem:$0x3FA1]  }
0x2b: {  	s6 =	sld [smem:$0x3FA2]  }
0x2c: {  	s7 =	sld [smem:$0x3FA3]  }
0x2d: {  	s3 =	simm.s32 $0x108;
	s8 =	sld [smem:$0x3FA4]  }
0x2e: {  	s3 =	simm.s32 @!p0 $0x1082;
	s9 =	sld [smem:$0x3FA5]  }
0x2f: {  	lr =	sadd.s32 s0, s3;
	s0 =	sld [smem:$0x3F9C]  }
0x30: {  	s3 =	sld [smem:$0x3F9F]  }
0x31: {  	[smem:$0x3FA8] =	sst s10  }
0x32: {  	s10 =	sld [smem:$0x3FA6];
	_ =	sdelay $0x3  }
0x33: {  	p0 =	seq.s32 s10, $0x1;
	s10 =	sld [smem:$0x3FA8];
	_ =	sdelay $0x3  }
0x34: {  	[smem:$0x3FA8] =	sst s10  }
0x35: {  	s10 =	sld [smem:$0x3FA7];
	_ =	sdelay $0x3  }
0x36: {  	p1 =	seq.s32 s10, $0x1;
	s10 =	sld [smem:$0x3FA8];
	_ =	sdelay $0x3  }
0x37: {  	[smem:$0x3FA8] =	sst s10  }
0x38: {  	s10 =	sld [smem:$0x3FA9]  }
0x39: {  	_ = 	snop;
	(pc) =	sbr.ind lr, $3  }
0x3a: {  	_ = 	snop  }
0x3b: {  	_ = 	snop  }
0x3c: {  	p2 =	seq.s32 s10, $0x1;
	s10 =	sld [smem:$0x3FA8]  }
0x3d: {  	_ =	shalt  }
0x3e: {  	_ =	shalt  }
0x3f: {  	_ =	shalt  }
0x40: {  	_ =	shalt  }
0x41: {  	_ =	shalt  }
0x42: {  	_ =	shalt  }
0x43: {  	_ =	shalt  }
0x44: {  	_ =	shalt  }
0x45: {  	_ =	shalt  }
0x46: {  	_ =	shalt  }
0x47: {  	_ =	shalt  }
0x48: {  	_ =	shalt  }
0x49: {  	_ =	shalt  }
0x4a: {  	_ =	shalt  }
0x4b: {  	_ =	shalt  }
0x4c: {  	_ =	shalt  }
0x4d: {  	_ =	shalt  }
0x4e: {  	_ =	shalt  }
0x4f: {  	_ =	shalt  }
0x50: {  	_ =	shalt  }
0x51: {  	_ =	shalt  }
0x52: {  	_ =	shalt  }
0x53: {  	_ =	shalt  }
0x54: {  	_ =	shalt  }
0x55: {  	_ =	shalt  }
0x56: {  	_ =	shalt  }
0x57: {  	_ =	shalt  }
0x58: {  	_ =	shalt  }
0x59: {  	_ =	shalt  }
0x5a: {  	_ =	shalt  }
0x5b: {  	_ =	shalt  }
0x5c: {  	_ =	shalt  }
0x5d: {  	_ =	shalt  }
0x5e: {  	_ =	shalt  }
0x5f: {  	_ =	shalt  }
0x60: {  	_ =	shalt  }
0x61: {  	_ =	shalt  }
0x62: {  	_ =	shalt  }
0x63: {  	_ =	shalt  }
0x64: {  	_ =	shalt  }
0x65: {  	_ =	shalt  }
0x66: {  	_ =	shalt  }
0x67: {  	_ =	shalt  }
0x68: {  	_ =	shalt  }
0x69: {  	_ =	shalt  }
0x6a: {  	_ =	shalt  }
0x6b: {  	_ =	shalt  }
0x6c: {  	_ =	shalt  }
0x6d: {  	_ =	shalt  }
0x6e: {  	_ =	shalt  }
0x6f: {  	_ =	shalt  }
0x70: {  	_ =	shalt  }
0x71: {  	_ =	shalt  }
0x72: {  	_ =	shalt  }
0x73: {  	_ =	shalt  }
0x74: {  	_ =	shalt  }
0x75: {  	_ =	shalt  }
0x76: {  	_ =	shalt  }
0x77: {  	_ =	shalt  }
0x78: {  	_ =	shalt  }
0x79: {  	_ =	shalt  }
0x7a: {  	_ =	shalt  }
0x7b: {  	_ =	shalt  }
0x7c: {  	_ =	shalt  }
0x7d: {  	_ =	shalt  }
0x7e: {  	_ =	shalt  }
0x7f: {  	_ =	shalt  }
0x80: {  	_ =	shalt  }
0x81: {  	_ =	shalt  }
0x82: {  	_ =	shalt  }
0x83: {  	_ =	shalt  }
0x84: {  	_ =	shalt  }
0x85: {  	_ =	shalt  }
0x86: {  	_ =	shalt  }
0x87: {  	_ =	shalt  }
.Lfunc_end0:
.L_simem_size_0:
called_computation.2_lowered:
.L_overlay_start_0:
0x88: {  	s2 =	sld [smem:$0x3FD9]  }
0x89: {  	s3 =	sld [smem:$0x3FFE];
	_ =	sdelay $0x1  }
0x8a: {  	s1 =	srdreg.scid  }
0x8b: {  	s0 =	sand.u32 $0x1, s1  }
0x8c: {  	s16 =	sshll.u32 s0, $0xA;
	s2 =	sadd.s32 s3, s2  }
0x8d: {  	s2 =	sadd.s32 s2, s16  }
0x8e: {  	[smem:$0x3FB4] =	sst s2  }
0x8f: {  	_ = 	snop  }
0x90: {  	(tm) =	ssettm $0x1  }
0x91: {  	s17 =	sld [smem:$0x3FFB];
	_ =	sdelay $0x3  }
0x92: {  	_ =	strace s17  }
0x93: {  	s2 =	sld [smem:$0x3FFC];
	_ =	sdelay $0x3  }
0x94: {  	_ =	strace s2  }
0x95: {  	s2 =	sld [smem:$0x3FFD];
	_ =	sdelay $0x3  }
0x96: {  	_ =	strace s2  }
0x97: {  	_ =	strace $0x8FFFFFFF  }
0x98: {  	s18 =	sld [smem:$0x3FDB];
	_ =	sdelay $0x1  }
0x99: {  	s19 =	simm.s32 $_scs_section_size  }
0x9a: {  	s4 =	simm.s32 $_size__tile_overlayer_lowered;
	s5 =	simm.s32 $_tile_overlayer_lowered  }
0x9b: {  	s22 =	simm.s32 $0x1BFF;
	s21 =	sshll.u32 s5, $0x1;
	s2 =	sadd.s32 s19, s18  }
0x9c: {  	s6 =	simm.s32 $0x0;
	s20 =	sshll.u32 s4, $0x1;
	s4 =	sadd.s32 s21, s2  }
0x9d: {  	[timem:s6], [sflag:s22] =	dma.local [hbm:s4], s20  }
0x9e: {  	_ =	swait.ge [sflag:s22], s20  }
0x9f: {  	s3 =	ssub.s32 $0x0, s20;
	[sflag:s22] =	ssyncset.done $0x0  }
0xa0: {  	[sflag:s22] =	ssyncadd.s32 s3;
	_ =	sdelay $0x1  }
0xa1: {  	s23 =	simm.s32 $0x1B8B  }
0xa2: {  	_ =	swait.ge [sflag:s23], $0x1  }
0xa3: {  	[sflag:s23] =	ssyncset.done $0x0  }
0xa4: {  	s25 =	simm.s32 $0x1B8E;
	s24 =	sld [smem:$0x3FFE];
	[sflag:s23] =	ssyncadd.s32 $0xFFFFFFFF  }
0xa5: {  	s26 =	simm.s32 $execute0_lowered;
	[smem:$0x3FD2] =	sst s25  }
0xa6: {  	s4 =	sshll.u32 s26, $0x1;
	_ =	strace $0x8000004C;
	[dreg:$0x1] =	wrdreg $0xFFFFFFFF  }
0xa7: {  	s28 =	simm.s32 $_size_execute0_lowered;
	s2 =	sadd.s32 s2, s4;
	[dreg:$0x0] =	wrdreg $0x0  }
0xa8: {  	s4 =	sshll.u32 s28, $0x1;
	[dreg:$0x2] =	wrdreg s2  }
0xa9: {  	[dreg:$0x3] =	wrdreg s4  }
0xaa: {  	[dreg:$0x4] =	wrdreg $0xC0  }
0xab: {  	_ =	task [dreg:s6], $0x5FFFF  }
0xac: {  	[dreg:$0x1] =	wrdreg $0xFFFFFFFF  }
0xad: {  	[dreg:$0x0] =	wrdreg $0x60  }
0xae: {  	[dreg:$0x2] =	wrdreg s24  }
0xaf: {  	[dreg:$0x3] =	wrdreg $0xA2000  }
0xb0: {  	[dreg:$0x4] =	wrdreg $0x9  }
0xb1: {  	_ =	task.clear_ibuf [dreg:s6], $0x5FFFF;
	_ =	strace $0x9000004C  }
0xb2: {  	s29 =	simm.s32 $0x9;
	_ =	strace $0x8000004E  }
0xb3: {  	_ =	swait.ge [sflag:s29], $0x1  }
0xb4: {  	[sflag:s29] =	ssyncadd.s32 $0xFFFFFFFF  }
0xb5: {  	_ =	strace $0x9000004E  }
0xb6: {  	_ =	sfence  }
0xb7: {  	s30 =	sld [smem:$0x0];
	_ =	sdelay $0x2  }
0xb8: {  	s31 =	sshll.u32 s1, $0xD;
	s1 =	sshrl.u32 s1, $0x2  }
0xb9: {  	s3 =	sand.u32 $0x4000, s31;
	s1 =	sadd.s32 s1, s30  }
0xba: {  	s0 =	sor.u32 s3, s0;
	s1 =	sshll.u32 s1, $0x11  }
0xbb: {  	s0 =	sor.u32 s1, s0  }
0xbc: {  	s0 =	sadd.s32 $0x8F2B, s0  }
0xbd: {  	[sflag:s0] =	ssyncadd.remote.s32 $0x1  }
0xbe: {  	_ =	sfence.sel $0xFFFF  }
0xbf: {  	[dreg:$0x0] =	wrdreg $0xFFFFFFFF;
	(pc) =	sbr.abs _section_cstart, $3  }
0xc0: {  	[dreg:$0x1] =	wrdreg $0xFFFFFFFF  }
0xc1: {  	_ =	task.clear_ibuf [dreg:s6], $0x2FFFF;
	_ =	strace $0x9FFFFFFF  }
0xc2: {  	(tm) =	ssettm $0x7FFFFFFF  }
0xc3: {  	_ =	shalt  }
tec
execute0_lowered:
.L_overlay_start_1:
0x0: {  	(tag) =	ssettag $0x1  }
0x1: {  	s0 =	rddreg [dreg:$0x0]  }
0x2: {  	s1 =	rddreg [dreg:$0x1];
	s15 =	stileid.u32  }
0x3: {  	s2 =	simm.s32 $0x0;
	s3 =	srdreg.scid;
	s8 =	smul.u32 $0x4F000, s15  }
0x4: {  	[smem:$0x7FF] =	sst s2;
	s10 =	smul.u32 $0x4E000, s15  }
0x5: {  	s4 =	sadd.s32 $0x67000, s0;
	s3 =	sand.u32 $0x1, s3;
	s16 =	smul.u32 $0x13C00, s15  }
0x6: {  	s5 =	sadd.s32 $0xEE00, s0;
	s6 =	sadd.s32 $0x5000, s0;
	s18 =	smul.u32 $0x13800, s15  }
0x7: {  	s0 =	sadd.s32 $0xDC600, s0;
	s22 =	sshll.u32 s15, $0x1;
	s19 =	smul.u32 $0x4E20, s15  }
0x8: {  	p0 =	sgt.u32 s15, $0x1;
	s15 =	simm.s32 $0x5180;
	_ =	strace $0x8000004D  }
0x9: {  	s7 =	ssub.s32 $0x2, s3;
	s11 =	sor.u32 s3, s22;
	s29 =	smul.u32 $0x138800, s3  }
0xa: {  	s3 =	smul.u32 $0x2710, s3;
	s9 =	sshrl.u32 s7, $0x1;
	s23 =	sshrl.u32 s8, $0x2  }
0xb: {  	s24 =	sshrl.u32 s10, $0x2;
	s25 =	smul.u32 $0x2710, s11;
	s9 =	ssub.s32 s7, s9  }
0xc: {  	s7 =	sadd.s32 s23, s1;
	s8 =	sadd.s32 s24, s1;
	s23 =	sadd.s32 $0x800, s18  }
0xd: {  	s3 =	sadd.s32 s3, s19;
	s18 =	simm.s32 $0x7A00;
	s26 =	sadd.s32 $0x800, s8  }
0xe: {  	s19 =	simm.s32 $0x3;
	s28 =	sadd.s32 $0x3000, s8;
	[dreg:$0x3] =	wrdreg s26  }
0xf: {  	s12 =	sadd.s32 $0x5800, s8;
	s14 =	sadd.s32 $0x8000, s8;
	[dreg:$0x4] =	wrdreg s28  }
0x10: {  	s13 =	sadd.s32 $0xA800, s8;
	s17 =	sadd.s32 $0xD000, s8;
	[dreg:$0x5] =	wrdreg s12  }
0x11: {  	s10 =	sshrl.u32 s25, $0x3;
	s11 =	sadd.s32 s29, s23;
	[dreg:$0x6] =	wrdreg s14  }
0x12: {  	s25 =	sadd.s32 $0xF0, s3;
	s9 =	smax.u32 s9, $0x1;
	[dreg:$0x7] =	wrdreg s13  }
0x13: {  	s30 =	sadd.s32 $0x7800, s7;
	s31 =	sadd.s32 $0xA000, s7;
	[dreg:$0x8] =	wrdreg s17  }
0x14: {  	s14 =	sadd.s32 $0xF800, s8;
	s8 =	sadd.s32 $0x12000, s8;
	s20 =	sadd.s32 s5, s10  }
0x15: {  	s21 =	sadd.s32 s6, s10;
	s22 =	sadd.s32 $0xA, s10;
	[dreg:$0x11] =	wrdreg s9  }
0x16: {  	s12 =	sadd.s32 s16, s29;
	s11 =	sshrl.u32 s11, $0x3;
	[dreg:$0x9] =	wrdreg s14  }
0x17: {  	s26 =	sadd.s32 $0xA0, s3;
	s28 =	sadd.s32 $0x2800, s7;
	[dreg:$0xa] =	wrdreg s8  }
0x18: {  	s29 =	sadd.s32 $0x5000, s7;
	s9 =	sadd.s32 $0x11800, s7;
	[dreg:$0xb] =	wrdreg s20  }
0x19: {  	s10 =	simm.s32 $0x80;
	s13 =	simm.s32 $0x100;
	[dreg:$0xc] =	wrdreg s21  }
0x1a: {  	s3 =	simm.s32 $0x5100;
	s16 =	simm.s32 $0x2;
	[dreg:$0x12] =	wrdreg s26  }
0x1b: {  	s17 =	simm.s32 $0x5200;
	s24 =	sadd.s32 s5, s22;
	[dreg:$0x14] =	wrdreg s28  }
0x1c: {  	s12 =	sshrl.u32 s12, $0x3;
	s8 =	sadd.s32 s6, s22;
	[dreg:$0x15] =	wrdreg s29  }
0x1d: {  	s14 =	simm.s32 $0x2900;
	s20 =	simm.s32 $0x5;
	s21 =	simm.s32 $0x4  }
0x1e: {  	s22 =	simm.s32 $0x0;
	[dreg:$0xd] =	wrdreg s24;
	s12 =	sadd.s32 s0, s12  }
.Ltmp0:
0x1f: {  	s0 =	sadd.s32 s0, s11;
	[dreg:$0x10] =	wrdreg s8;
	(pc) =	sbr.rel .LBB2_1-.Ltmp0, $4  }
0x20: {  	s8 =	sadd.s32 s23, s1;
	s11 =	simm.s32 $0x1;
	[dreg:$0xe] =	wrdreg s12  }
0x21: {  	[dreg:$0xf] =	wrdreg s0;
	s0 =	sshrl.u32 s25, $0x3;
	s12 =	simm.s32 $0x50  }
0x22: {  	s23 =	sadd.s32 s0, s6;
	s24 =	sadd.s32 s0, s5;
	s0 =	sshrl.u32 @p0 s8, $0x3  }
0x23: {  	v0 =	vimm.f32 $0.0e+00;
	s8 =	sadd.s32 $0xF000, s7;
	[dreg:$0x13] =	wrdreg s0;
	s0 =	sadd.s32 $0xC800, s7  }
.LBB2_6:
0x24: {  	_ =	swait.ge [sflag:s19], $0x2800  }
0x25: {  	[sflag:s19] =	ssyncset.done $0x0  }
0x26: {  	[sflag:s19] =	ssyncadd.s32 $0xFFFFD800  }
0x27: {  	_ =	swait.ge [sflag:s19], $0x2800  }
0x28: {  	[sflag:s19] =	ssyncset.done $0x0  }
0x29: {  	[sflag:s19] =	ssyncadd.s32 $0xFFFFD800  }
0x2a: {  	[spmem:s1] =	stream.indirect.scatter.add.f32 [tilespmem:s13], [sflag:$0x5], $0x80, s10, s12, $0xb8;
	[tilespmem:$0x1DA80] =	vst v63  }
0x2b: {  	_ =	swait.ge [sflag:s20], $0x2800  }
0x2c: {  	[sflag:s20] =	ssyncset.done $0x0  }
0x2d: {  	[sflag:s20] =	ssyncadd.s32 $0xFFFFD800  }
0x2e: {  	[spmem:s1] =	stream.indirect.scatter.add.f32 [tilespmem:s14], [sflag:$0x5], $0x80, s2, s12, $0xb8;
	[tilespmem:$0x1DA80] =	vst v63  }
0x2f: {  	_ =	swait.ge [sflag:s20], $0x2800  }
0x30: {  	[sflag:s20] =	ssyncset.done $0x0  }
0x31: {  	[sflag:s20] =	ssyncadd.s32 $0xFFFFD800  }
0x32: {  	s26 =	stileid.u32;
	[bflag:$0x0] =	sbarrier.arrive $0xFFFF  }
0x33: {  	s25 =	sshll.u32 @p0 s26, $0x6;
	s28 =	rddreg [dreg:$0xf]  }
0x34: {  	s25 =	sor.u32 @p0 $0x1C05, s25;
	s29 =	rddreg [dreg:$0x13]  }
0x35: {  	[hbm:s28], [sflag:s25] =	dma.local @p0 [spmem:s29], $0x2700  }
0x36: {  	s25 =	simm.s32 @p0 $0x5  }
0x37: {  	_ =	swait.ge @p0 [sflag:s25], $0x2700  }
0x38: {  	s26 =	sshll.u32 @!p0 s26, $0x6;
	[sflag:s25] =	ssyncset.done @p0 $0x0;
	s29 =	rddreg [dreg:$0xe]  }
0x39: {  	[sflag:s25] =	ssyncadd.s32 @p0 $0xFFFFD900;
	s25 =	sor.u32 @!p0 $0x1C05, s26;
	s26 =	sshrl.u32 @!p0 s7, $0x3  }
0x3a: {  	[hbm:s29], [sflag:s25] =	dma.local @!p0 [spmem:s26], $0x2780  }
0x3b: {  	s25 =	simm.s32 @!p0 $0x5  }
0x3c: {  	_ =	swait.ge @!p0 [sflag:s25], $0x2780  }
0x3d: {  	s22 =	sadd.s32 $0x1, s22;
	s29 =	rddreg [dreg:$0x11]  }
0x3e: {  	p1 =	sne.s32 s22, s29  }
.Ltmp1:
0x3f: {  	_ = 	snop;
	(pc) =	sbr.rel @!p1 .LBB2_7-.Ltmp1, $3  }
0x40: {  	_ =	sdelay $0x1  }
0x41: {  	[sflag:s25] =	ssyncset.done @!p0 $0x0  }
0x42: {  	s28 =	stileid.u32;
	[sflag:s25] =	ssyncadd.s32 @!p0 $0xFFFFD880  }
.LBB2_1:
0x43: {  	s25 =	simm.s32 $0x0;
	s26 =	simm.s32 $0x200  }
.LBB2_2:
0x44: {  	p1 =	sne.s32 s26, $0x9E00;
	[tilespmem:s25+$0x170] =	vst v0  }
0x45: {  	[tilespmem:s25+$0x100] =	vst v0  }
0x46: {  	[tilespmem:s25+$0x110] =	vst v0  }
.Ltmp2:
0x47: {  	[tilespmem:s25+$0x120] =	vst v0;
	(pc) =	sbr.rel @p1 .LBB2_2-.Ltmp2, $4  }
0x48: {  	[tilespmem:s25+$0x130] =	vst v0  }
0x49: {  	[tilespmem:s25+$0x140] =	vst v0  }
0x4a: {  	[tilespmem:s25+$0x150] =	vst v0  }
0x4b: {  	[tilespmem:s25+$0x160] =	vst v0;
	s25 =	sshra.s32 s26, $0x2;
	s26 =	sadd.s32 $0x200, s26  }
0x4c: {  	[tilespmem:s25+$0x170] =	vst v0  }
0x4d: {  	[tilespmem:s25+$0x100] =	vst v0  }
0x4e: {  	[tilespmem:s25+$0x110] =	vst v0  }
0x4f: {  	[tilespmem:s25+$0x120] =	vst v0  }
0x50: {  	[tilespmem:s25+$0x130] =	vst v0  }
0x51: {  	[tilespmem:s25+$0x140] =	vst v0  }
0x52: {  	[tilespmem:s25+$0x150] =	vst v0  }
0x53: {  	[tilespmem:s25+$0x160] =	vst v0;
	s25 =	simm.s32 @p0 $0x100;
	s26 =	rddreg [dreg:$0x3]  }
0x54: {  	[spmem:s26] =	stream.linear.scatter @p0 [tilespmem:s25], [sflag:$0x5], $0x2800, $0x38;
	[tilespmem:$0x1DA80] =	vst v63  }
0x55: {  	s26 =	simm.s32 @p0 $0x5  }
0x56: {  	_ =	swait.ge @p0 [sflag:s26], $0x2800  }
0x57: {  	[sflag:s26] =	ssyncset.done @p0 $0x0  }
0x58: {  	s28 =	rddreg [dreg:$0x4];
	[sflag:s26] =	ssyncadd.s32 @p0 $0xFFFFD800  }
0x59: {  	[spmem:s28] =	stream.linear.scatter @p0 [tilespmem:s25], [sflag:$0x5], $0x2800, $0x38;
	[tilespmem:$0x1DA80] =	vst v63  }
0x5a: {  	_ =	swait.ge @p0 [sflag:s26], $0x2800  }
0x5b: {  	[sflag:s26] =	ssyncset.done @p0 $0x0  }
0x5c: {  	s28 =	rddreg [dreg:$0x5];
	[sflag:s26] =	ssyncadd.s32 @p0 $0xFFFFD800  }
0x5d: {  	[spmem:s28] =	stream.linear.scatter @p0 [tilespmem:s25], [sflag:$0x5], $0x2800, $0x38;
	[tilespmem:$0x1DA80] =	vst v63  }
0x5e: {  	_ =	swait.ge @p0 [sflag:s26], $0x2800  }
0x5f: {  	[sflag:s26] =	ssyncset.done @p0 $0x0  }
0x60: {  	s28 =	rddreg [dreg:$0x6];
	[sflag:s26] =	ssyncadd.s32 @p0 $0xFFFFD800  }
0x61: {  	[spmem:s28] =	stream.linear.scatter @p0 [tilespmem:s25], [sflag:$0x5], $0x2800, $0x38;
	[tilespmem:$0x1DA80] =	vst v63  }
0x62: {  	_ =	swait.ge @p0 [sflag:s26], $0x2800  }
0x63: {  	[sflag:s26] =	ssyncset.done @p0 $0x0  }
0x64: {  	s28 =	rddreg [dreg:$0x7];
	[sflag:s26] =	ssyncadd.s32 @p0 $0xFFFFD800  }
0x65: {  	[spmem:s28] =	stream.linear.scatter @p0 [tilespmem:s25], [sflag:$0x5], $0x2800, $0x38;
	[tilespmem:$0x1DA80] =	vst v63  }
0x66: {  	_ =	swait.ge @p0 [sflag:s26], $0x2800  }
0x67: {  	[sflag:s26] =	ssyncset.done @p0 $0x0  }
0x68: {  	s28 =	rddreg [dreg:$0x8];
	[sflag:s26] =	ssyncadd.s32 @p0 $0xFFFFD800  }
0x69: {  	[spmem:s28] =	stream.linear.scatter @p0 [tilespmem:s25], [sflag:$0x5], $0x2800, $0x38;
	[tilespmem:$0x1DA80] =	vst v63  }
0x6a: {  	_ =	swait.ge @p0 [sflag:s26], $0x2800  }
0x6b: {  	[sflag:s26] =	ssyncset.done @p0 $0x0  }
0x6c: {  	s28 =	rddreg [dreg:$0x9];
	[sflag:s26] =	ssyncadd.s32 @p0 $0xFFFFD800  }
0x6d: {  	[spmem:s28] =	stream.linear.scatter @p0 [tilespmem:s25], [sflag:$0x5], $0x2800, $0x38;
	[tilespmem:$0x1DA80] =	vst v63  }
0x6e: {  	_ =	swait.ge @p0 [sflag:s26], $0x2800  }
0x6f: {  	[sflag:s26] =	ssyncset.done @p0 $0x0  }
0x70: {  	s28 =	rddreg [dreg:$0xa];
	[sflag:s26] =	ssyncadd.s32 @p0 $0xFFFFD800  }
0x71: {  	[spmem:s28] =	stream.linear.scatter @p0 [tilespmem:s25], [sflag:$0x5], $0x2000, $0x38;
	[tilespmem:$0x1DA80] =	vst v63  }
0x72: {  	_ =	swait.ge @p0 [sflag:s26], $0x2000  }
0x73: {  	[sflag:s26] =	ssyncset.done @p0 $0x0  }
0x74: {  	s25 =	simm.s32 @!p0 $0x100;
	[sflag:s26] =	ssyncadd.s32 @p0 $0xFFFFE000;
	s26 =	simm.s32 @!p0 $0x5  }
0x75: {  	[spmem:s7] =	stream.linear.scatter @!p0 [tilespmem:s25], [sflag:$0x5], $0x2800, $0x38;
	[tilespmem:$0x1DA80] =	vst v63  }
0x76: {  	_ =	swait.ge @!p0 [sflag:s26], $0x2800  }
0x77: {  	[sflag:s26] =	ssyncset.done @!p0 $0x0  }
0x78: {  	s28 =	rddreg [dreg:$0x14];
	[sflag:s26] =	ssyncadd.s32 @!p0 $0xFFFFD800  }
0x79: {  	[spmem:s28] =	stream.linear.scatter @!p0 [tilespmem:s25], [sflag:$0x5], $0x2800, $0x38;
	[tilespmem:$0x1DA80] =	vst v63  }
0x7a: {  	_ =	swait.ge @!p0 [sflag:s26], $0x2800  }
0x7b: {  	[sflag:s26] =	ssyncset.done @!p0 $0x0  }
0x7c: {  	s28 =	rddreg [dreg:$0x15];
	[sflag:s26] =	ssyncadd.s32 @!p0 $0xFFFFD800  }
0x7d: {  	[spmem:s28] =	stream.linear.scatter @!p0 [tilespmem:s25], [sflag:$0x5], $0x2800, $0x38;
	[tilespmem:$0x1DA80] =	vst v63  }
0x7e: {  	_ =	swait.ge @!p0 [sflag:s26], $0x2800  }
0x7f: {  	[sflag:s26] =	ssyncset.done @!p0 $0x0  }
0x80: {  	[sflag:s26] =	ssyncadd.s32 @!p0 $0xFFFFD800  }
0x81: {  	[spmem:s30] =	stream.linear.scatter @!p0 [tilespmem:s25], [sflag:$0x5], $0x2800, $0x38;
	[tilespmem:$0x1DA80] =	vst v63  }
0x82: {  	_ =	swait.ge @!p0 [sflag:s26], $0x2800  }
0x83: {  	[sflag:s26] =	ssyncset.done @!p0 $0x0  }
0x84: {  	[sflag:s26] =	ssyncadd.s32 @!p0 $0xFFFFD800  }
0x85: {  	[spmem:s31] =	stream.linear.scatter @!p0 [tilespmem:s25], [sflag:$0x5], $0x2800, $0x38;
	[tilespmem:$0x1DA80] =	vst v63  }
0x86: {  	_ =	swait.ge @!p0 [sflag:s26], $0x2800  }
0x87: {  	[sflag:s26] =	ssyncset.done @!p0 $0x0  }
0x88: {  	[sflag:s26] =	ssyncadd.s32 @!p0 $0xFFFFD800  }
0x89: {  	[spmem:s0] =	stream.linear.scatter @!p0 [tilespmem:s25], [sflag:$0x5], $0x2800, $0x38;
	[tilespmem:$0x1DA80] =	vst v63  }
0x8a: {  	_ =	swait.ge @!p0 [sflag:s26], $0x2800  }
0x8b: {  	[sflag:s26] =	ssyncset.done @!p0 $0x0  }
0x8c: {  	[sflag:s26] =	ssyncadd.s32 @!p0 $0xFFFFD800  }
0x8d: {  	[spmem:s8] =	stream.linear.scatter @!p0 [tilespmem:s25], [sflag:$0x5], $0x2800, $0x38;
	[tilespmem:$0x1DA80] =	vst v63  }
0x8e: {  	_ =	swait.ge @!p0 [sflag:s26], $0x2800  }
0x8f: {  	[sflag:s26] =	ssyncset.done @!p0 $0x0  }
0x90: {  	[sflag:s26] =	ssyncadd.s32 @!p0 $0xFFFFD800  }
0x91: {  	[spmem:s9] =	stream.linear.scatter @!p0 [tilespmem:s25], [sflag:$0x5], $0x2400, $0x38;
	[tilespmem:$0x1DA80] =	vst v63  }
0x92: {  	_ =	swait.ge @!p0 [sflag:s26], $0x2400  }
0x93: {  	[sflag:s26] =	ssyncset.done @!p0 $0x0  }
0x94: {  	[sflag:s26] =	ssyncadd.s32 @!p0 $0xFFFFDC00  }
0x95: {  	[bflag:$0x0] =	sbarrier.arrive $0xFFFF  }
0x96: {  	s26 =	simm.s32 $0x0;
	s28 =	rddreg [dreg:$0xb]  }
0x97: {  	[tilespmem:s26], [sflag:$0x1] =	stream.linear.gather [hbm4b:s28+s26], $0x50, $0x38;
	[tilespmem:$0x1DA80] =	vst v63  }
0x98: {  	s29 =	rddreg [dreg:$0xc]  }
0x99: {  	[tilespmem:s10], [sflag:$0x1] =	stream.linear.gather [hbm4b:s29+s26], $0x50, $0x38;
	[tilespmem:$0x1DA80] =	vst v63  }
0x9a: {  	_ =	swait.ge [sflag:s11], $0x50  }
0x9b: {  	[sflag:s11] =	ssyncset.done $0x0  }
0x9c: {  	[sflag:s11] =	ssyncadd.s32 $0xFFFFFFB0  }
0x9d: {  	_ =	swait.ge [sflag:s11], $0x50  }
0x9e: {  	[sflag:s11] =	ssyncset.done $0x0  }
0x9f: {  	[sflag:s11] =	ssyncadd.s32 $0xFFFFFFB0  }
0xa0: {  	[tilespmem:s13], [sflag:$0x3] =	stream.indirect.gather [hbm4b:s4+s12], $0x80, s26, s12, $0xb8;
	[tilespmem:$0x1DA80] =	vst v63  }
0xa1: {  	s28 =	rddreg [dreg:$0xd]  }
0xa2: {  	[tilespmem:s14], [sflag:$0x3] =	stream.indirect.gather [hbm4b:s4+s12], $0x80, s10, s12, $0xb8;
	[tilespmem:$0x1DA80] =	vst v63  }
0xa3: {  	s29 =	rddreg [dreg:$0x10]  }
0xa4: {  	[tilespmem:s3], [sflag:$0x2] =	stream.linear.gather [hbm4b:s28+s26], $0x50, $0x38;
	[tilespmem:$0x1DA80] =	vst v63  }
0xa5: {  	s25 =	rddreg [dreg:$0x12]  }
0xa6: {  	[tilespmem:s15], [sflag:$0x2] =	stream.linear.gather [hbm4b:s29+s26], $0x50, $0x38;
	[tilespmem:$0x1DA80] =	vst v63  }
.LBB2_4:
0xa7: {  	_ =	swait.ge [sflag:s16], $0x50  }
0xa8: {  	[sflag:s16] =	ssyncset.done $0x0  }
0xa9: {  	[sflag:s16] =	ssyncadd.s32 $0xFFFFFFB0  }
0xaa: {  	_ =	swait.ge [sflag:s16], $0x50  }
0xab: {  	[sflag:s16] =	ssyncset.done $0x0  }
0xac: {  	[sflag:s16] =	ssyncadd.s32 $0xFFFFFFB0  }
0xad: {  	[tilespmem:s17], [sflag:$0x4] =	stream.indirect.gather [hbm4b:s4+s12], $0x80, s3, s12, $0xb8;
	[tilespmem:$0x1DA80] =	vst v63  }
0xae: {  	_ = 	snop  }
0xaf: {  	[tilespmem:s18], [sflag:$0x4] =	stream.indirect.gather [hbm4b:s4+s12], $0x80, s15, s12, $0xb8;
	[tilespmem:$0x1DA80] =	vst v63  }
0xb0: {  	_ =	swait.ge [sflag:s19], $0x2800  }
0xb1: {  	[sflag:s19] =	ssyncset.done $0x0  }
0xb2: {  	[sflag:s19] =	ssyncadd.s32 $0xFFFFD800  }
0xb3: {  	_ =	swait.ge [sflag:s19], $0x2800  }
0xb4: {  	[sflag:s19] =	ssyncset.done $0x0  }
0xb5: {  	[sflag:s19] =	ssyncadd.s32 $0xFFFFD800  }
0xb6: {  	[spmem:s1] =	stream.indirect.scatter.add.f32 [tilespmem:s13], [sflag:$0x5], $0x80, s10, s12, $0xb8;
	[tilespmem:$0x1DA80] =	vst v63  }
0xb7: {  	_ =	swait.ge [sflag:s20], $0x2800  }
0xb8: {  	[sflag:s20] =	ssyncset.done $0x0  }
0xb9: {  	[sflag:s20] =	ssyncadd.s32 $0xFFFFD800  }
0xba: {  	[spmem:s1] =	stream.indirect.scatter.add.f32 [tilespmem:s14], [sflag:$0x5], $0x80, s2, s12, $0xb8;
	[tilespmem:$0x1DA80] =	vst v63  }
0xbb: {  	_ =	swait.ge [sflag:s20], $0x2800  }
0xbc: {  	s28 =	sshrl.u32 s25, $0x3;
	[sflag:s20] =	ssyncset.done $0x0  }
0xbd: {  	s29 =	sadd.s32 s5, s28;
	[sflag:s20] =	ssyncadd.s32 $0xFFFFD800  }
0xbe: {  	[tilespmem:s2], [sflag:$0x1] =	stream.linear.gather [hbm4b:s29+s2], $0x50, $0x38;
	[tilespmem:$0x1DA80] =	vst v63  }
0xbf: {  	s28 =	sadd.s32 s6, s28  }
0xc0: {  	[tilespmem:s10], [sflag:$0x1] =	stream.linear.gather [hbm4b:s28+s2], $0x50, $0x38;
	[tilespmem:$0x1DA80] =	vst v63  }
0xc1: {  	_ =	swait.ge [sflag:s11], $0x50  }
0xc2: {  	[sflag:s11] =	ssyncset.done $0x0  }
0xc3: {  	[sflag:s11] =	ssyncadd.s32 $0xFFFFFFB0  }
0xc4: {  	_ =	swait.ge [sflag:s11], $0x50  }
0xc5: {  	[sflag:s11] =	ssyncset.done $0x0  }
0xc6: {  	[sflag:s11] =	ssyncadd.s32 $0xFFFFFFB0  }
0xc7: {  	[tilespmem:s13], [sflag:$0x3] =	stream.indirect.gather [hbm4b:s4+s12], $0x80, s2, s12, $0xb8;
	[tilespmem:$0x1DA80] =	vst v63  }
0xc8: {  	_ = 	snop  }
0xc9: {  	[tilespmem:s14], [sflag:$0x3] =	stream.indirect.gather [hbm4b:s4+s12], $0x80, s10, s12, $0xb8;
	[tilespmem:$0x1DA80] =	vst v63  }
0xca: {  	_ =	swait.ge [sflag:s21], $0x2800  }
0xcb: {  	[sflag:s21] =	ssyncset.done $0x0  }
0xcc: {  	[sflag:s21] =	ssyncadd.s32 $0xFFFFD800  }
0xcd: {  	_ =	swait.ge [sflag:s21], $0x2800  }
0xce: {  	[sflag:s21] =	ssyncset.done $0x0  }
0xcf: {  	[sflag:s21] =	ssyncadd.s32 $0xFFFFD800  }
0xd0: {  	[spmem:s1] =	stream.indirect.scatter.add.f32 [tilespmem:s17], [sflag:$0x5], $0x80, s15, s12, $0xb8;
	[tilespmem:$0x1DA80] =	vst v63  }
0xd1: {  	_ =	swait.ge [sflag:s20], $0x2800  }
0xd2: {  	p1 =	seq.s32 s26, $0x4C4;
	[sflag:s20] =	ssyncset.done $0x0  }
.Ltmp3:
0xd3: {  	[sflag:s20] =	ssyncadd.s32 $0xFFFFD800;
	(pc) =	sbr.rel @p1 .LBB2_6-.Ltmp3, $4  }
0xd4: {  	[spmem:s1] =	stream.indirect.scatter.add.f32 [tilespmem:s18], [sflag:$0x5], $0x80, s3, s12, $0xb8;
	[tilespmem:$0x1DA80] =	vst v63  }
0xd5: {  	_ =	swait.ge [sflag:s20], $0x2800  }
0xd6: {  	[sflag:s20] =	ssyncset.done $0x0  }
0xd7: {  	[sflag:s20] =	ssyncadd.s32 $0xFFFFD800  }
.Ltmp4:
0xd8: {  	(pc) =	sbr.rel .LBB2_4-.Ltmp4, $4  }
0xd9: {  	s28 =	sadd.s32 s26, s24  }
0xda: {  	[tilespmem:s3], [sflag:$0x2] =	stream.linear.gather [hbm4b:s28+s2], $0x50, $0x38;
	[tilespmem:$0x1DA80] =	vst v63  }
0xdb: {  	s29 =	sadd.s32 s26, s23;
	s26 =	sadd.s32 $0x14, s26;
	s25 =	sadd.s32 $0xA0, s25  }
0xdc: {  	[tilespmem:s15], [sflag:$0x2] =	stream.linear.gather [hbm4b:s29+s2], $0x50, $0x38;
	[tilespmem:$0x1DA80] =	vst v63  }
.LBB2_7:
0xdd: {  	_ =	sfence.sel $0x180000  }
0xde: {  	[bflag:$0x0] =	sbarrier.arrive $0xFFFF  }
0xdf: {  	_ =	strace $0x9000004D  }
0xe0: {  	[bflag:$0x2] =	sbarrier.arrive $0xFFFF  }
0xe1: {  	p0 =	sne.s32 s28, $0x0;
	s0 =	rddreg [dreg:$0x2]  }
0xe2: {  	s0 =	sadd.s32 @!p0 $0x100000, s0  }
0xe3: {  	[sflag:s0] =	ssyncadd.tile.s32 @!p0 $0x1;
	_ =	shalt  }
.Lfunc_end2:
_tile_overlayer_lowered:
.L_overlay_start_2:
0xe4: {  	(tag) =	ssettag $0x2  }
0xe5: {  	s0 =	rddreg [dreg:$0x0];
	s2 =	stileid.u32  }
0xe6: {  	s1 =	rddreg [dreg:$0x1];
	p0 =	sne.s32 s2, $0x0  }
0xe7: {  	s3 =	rddreg [dreg:$0x2];
	[bflag:$0x3] =	sbarrier.arrive $0xFFFF;
	s2 =	simm.s32 @!p0 $0x1C05  }
0xe8: {  	[timem:s3], [sflag:s2] =	dma.local @!p0 [hbm:s0], s1  }
0xe9: {  	s0 =	simm.s32 @!p0 $0x5  }
0xea: {  	_ =	swait.ge @!p0 [sflag:s0], s1  }
0xeb: {  	s1 =	ssub.s32 @!p0 $0x0, s1;
	[sflag:s0] =	ssyncset.done @!p0 $0x0  }
0xec: {  	[sflag:s0] =	ssyncadd.s32 @!p0 s1  }
0xed: {  	[bflag:$0x3] =	sbarrier.arrive $0xFFFF  }
0xee: {  	_ =	shalt  }

// kernel: kernel.20.cloned.1.call-start
scs
__scs_entry_jumppad:
0x0: {  	(pc) =	sbr.rel $0x88, $3  }
0x1: {  	(tag) =	ssettag $0x0;
	lr =	simm.s32 $0x1  }
0x2: {  	[smem:$0x3F8D] =	sst lr;
	_ =	strace $0xD0000000  }
0x3: {  	_ = 	snop  }
0x4: {  	_ = 	snop  }
0x5: {  	_ = 	snop  }
0x6: {  	_ = 	snop  }
0x7: {  	_ = 	snop  }
__scs_overlays_trampoline_lowered:
0x8: {  	[smem:$0x3F9C] =	sst s0  }
0x9: {  	[smem:$0x3F9D] =	sst s1  }
0xa: {  	[smem:$0x3F9E] =	sst s2  }
0xb: {  	[smem:$0x3F9F] =	sst s3  }
0xc: {  	[smem:$0x3FA0] =	sst s4  }
0xd: {  	[smem:$0x3FA1] =	sst s5  }
0xe: {  	[smem:$0x3FA2] =	sst s6  }
0xf: {  	[smem:$0x3FA3] =	sst s7  }
0x10: {  	[smem:$0x3FA4] =	sst s8  }
0x11: {  	[smem:$0x3FA5] =	sst s9;
	s0 =	simm.s32 @!p0 $0x0  }
0x12: {  	s1 =	sld [smem:$0x3F8B];
	s0 =	simm.s32 @p0 $0x1  }
0x13: {  	[smem:$0x3FA6] =	sst s0;
	s0 =	simm.s32 @!p1 $0x0  }
0x14: {  	s2 =	sld [smem:$0x3F8A];
	s0 =	simm.s32 @p1 $0x1  }
0x15: {  	[smem:$0x3FA7] =	sst s0;
	s0 =	simm.s32 @!p2 $0x0  }
0x16: {  	s3 =	sld [smem:$0x3FDB];
	s0 =	simm.s32 @p2 $0x1  }
0x17: {  	s4 =	simm.s32 $0x1BF5;
	[smem:$0x3FA9] =	sst s0  }
0x18: {  	s0 =	sld [smem:$0x3F8C];
	_ =	swait.ge [sflag:s4], $0x0  }
0x19: {  	s7 =	sld [smem:$0x3F8D]  }
0x1a: {  	s8 =	sadd.s32 $0xFFFFE003, lr  }
0x1b: {  	s9 =	sadd.s32 $0xFFFFFEF7, lr;
	s5 =	simm.s32 $0xFFFFFFFF;
	p2 =	slt.u32 s8, $0xFFFFF086  }
0x1c: {  	p1 =	slt.u32 s9, $0xF7A;
	s5 =	simm.s32 @!p2 $0x0  }
0x1d: {  	s5 =	simm.s32 @p1 $0x1;
	p0 =	seq.s32 s7, s2  }
0x1e: {  	s7 =	smul.u32 @!p0 $0xF7A, s2;
	p2 =	seq.s32 @!p0 s5, $0x0  }
0x1f: {  	s9 =	smul.u32 $0xF7A, s1;
	s8 =	simm.s32 @!p0 $0x1BF5;
	p2 =	por !p2, p0  }
0x20: {  	[sflag:s8] =	ssyncset.s32 @!p0 $0xFFFFF086;
	s6 =	sadd.s32 @!p0 s3, s7;
	s7 =	simm.s32 @!p0 $0x108  }
0x21: {  	s3 =	sadd.s32 s3, s9;
	s6 =	sadd.s32 @!p0 $0x88, s6;
	s7 =	simm.s32 @p2 $0x1082  }
0x22: {  	[simem:s7], [sflag:s8] =	dma.local @!p0 [hbm:s6], $0xF7A  }
0x23: {  	s9 =	sor.u32 $0xD0000000, s2;
	s6 =	simm.s32 $0x108;
	_ =	swait.ge @!p0 [sflag:s8], $0x0  }
0x24: {  	s3 =	sadd.s32 $0x88, s3;
	s6 =	simm.s32 @!p1 $0x1082;
	[sflag:s4] =	ssyncset.s32 $0xFFFFF086  }
0x25: {  	[simem:s6], [sflag:s4] =	dma.local [hbm:s3], $0xF7A  }
0x26: {  	[smem:$0x3F8D] =	sst s1;
	(tag) =	ssettag s2;
	_ =	strace s9  }
0x27: {  	s1 =	sld [smem:$0x3F9D]  }
0x28: {  	s2 =	sld [smem:$0x3F9E]  }
0x29: {  	s4 =	sld [smem:$0x3FA0]  }
0x2a: {  	p0 =	seq.s32 s5, $0x0;
	s5 =	sld [smem:$0x3FA1]  }
0x2b: {  	s6 =	sld [smem:$0x3FA2]  }
0x2c: {  	s7 =	sld [smem:$0x3FA3]  }
0x2d: {  	s3 =	simm.s32 $0x108;
	s8 =	sld [smem:$0x3FA4]  }
0x2e: {  	s3 =	simm.s32 @!p0 $0x1082;
	s9 =	sld [smem:$0x3FA5]  }
0x2f: {  	lr =	sadd.s32 s0, s3;
	s0 =	sld [smem:$0x3F9C]  }
0x30: {  	s3 =	sld [smem:$0x3F9F]  }
0x31: {  	[smem:$0x3FA8] =	sst s10  }
0x32: {  	s10 =	sld [smem:$0x3FA6];
	_ =	sdelay $0x3  }
0x33: {  	p0 =	seq.s32 s10, $0x1;
	s10 =	sld [smem:$0x3FA8];
	_ =	sdelay $0x3  }
0x34: {  	[smem:$0x3FA8] =	sst s10  }
0x35: {  	s10 =	sld [smem:$0x3FA7];
	_ =	sdelay $0x3  }
0x36: {  	p1 =	seq.s32 s10, $0x1;
	s10 =	sld [smem:$0x3FA8];
	_ =	sdelay $0x3  }
0x37: {  	[smem:$0x3FA8] =	sst s10  }
0x38: {  	s10 =	sld [smem:$0x3FA9]  }
0x39: {  	_ = 	snop;
	(pc) =	sbr.ind lr, $3  }
0x3a: {  	_ = 	snop  }
0x3b: {  	_ = 	snop  }
0x3c: {  	p2 =	seq.s32 s10, $0x1;
	s10 =	sld [smem:$0x3FA8]  }
0x3d: {  	_ =	shalt  }
0x3e: {  	_ =	shalt  }
0x3f: {  	_ =	shalt  }
0x40: {  	_ =	shalt  }
0x41: {  	_ =	shalt  }
0x42: {  	_ =	shalt  }
0x43: {  	_ =	shalt  }
0x44: {  	_ =	shalt  }
0x45: {  	_ =	shalt  }
0x46: {  	_ =	shalt  }
0x47: {  	_ =	shalt  }
0x48: {  	_ =	shalt  }
0x49: {  	_ =	shalt  }
0x4a: {  	_ =	shalt  }
0x4b: {  	_ =	shalt  }
0x4c: {  	_ =	shalt  }
0x4d: {  	_ =	shalt  }
0x4e: {  	_ =	shalt  }
0x4f: {  	_ =	shalt  }
0x50: {  	_ =	shalt  }
0x51: {  	_ =	shalt  }
0x52: {  	_ =	shalt  }
0x53: {  	_ =	shalt  }
0x54: {  	_ =	shalt  }
0x55: {  	_ =	shalt  }
0x56: {  	_ =	shalt  }
0x57: {  	_ =	shalt  }
0x58: {  	_ =	shalt  }
0x59: {  	_ =	shalt  }
0x5a: {  	_ =	shalt  }
0x5b: {  	_ =	shalt  }
0x5c: {  	_ =	shalt  }
0x5d: {  	_ =	shalt  }
0x5e: {  	_ =	shalt  }
0x5f: {  	_ =	shalt  }
0x60: {  	_ =	shalt  }
0x61: {  	_ =	shalt  }
0x62: {  	_ =	shalt  }
0x63: {  	_ =	shalt  }
0x64: {  	_ =	shalt  }
0x65: {  	_ =	shalt  }
0x66: {  	_ =	shalt  }
0x67: {  	_ =	shalt  }
0x68: {  	_ =	shalt  }
0x69: {  	_ =	shalt  }
0x6a: {  	_ =	shalt  }
0x6b: {  	_ =	shalt  }
0x6c: {  	_ =	shalt  }
0x6d: {  	_ =	shalt  }
0x6e: {  	_ =	shalt  }
0x6f: {  	_ =	shalt  }
0x70: {  	_ =	shalt  }
0x71: {  	_ =	shalt  }
0x72: {  	_ =	shalt  }
0x73: {  	_ =	shalt  }
0x74: {  	_ =	shalt  }
0x75: {  	_ =	shalt  }
0x76: {  	_ =	shalt  }
0x77: {  	_ =	shalt  }
0x78: {  	_ =	shalt  }
0x79: {  	_ =	shalt  }
0x7a: {  	_ =	shalt  }
0x7b: {  	_ =	shalt  }
0x7c: {  	_ =	shalt  }
0x7d: {  	_ =	shalt  }
0x7e: {  	_ =	shalt  }
0x7f: {  	_ =	shalt  }
0x80: {  	_ =	shalt  }
0x81: {  	_ =	shalt  }
0x82: {  	_ =	shalt  }
0x83: {  	_ =	shalt  }
0x84: {  	_ =	shalt  }
0x85: {  	_ =	shalt  }
0x86: {  	_ =	shalt  }
0x87: {  	_ =	shalt  }
.Lfunc_end0:
.L_simem_size_0:
called_computation.3_lowered:
.L_overlay_start_0:
0x88: {  	s2 =	sld [smem:$0x3FD9]  }
0x89: {  	s3 =	sld [smem:$0x3FFE];
	_ =	sdelay $0x1  }
0x8a: {  	s1 =	srdreg.scid  }
0x8b: {  	s0 =	sand.u32 $0x1, s1  }
0x8c: {  	s16 =	sshll.u32 s0, $0xA;
	s2 =	sadd.s32 s3, s2  }
0x8d: {  	s2 =	sadd.s32 s2, s16  }
0x8e: {  	[smem:$0x3FB4] =	sst s2  }
0x8f: {  	_ = 	snop  }
0x90: {  	(tm) =	ssettm $0x1  }
0x91: {  	s17 =	sld [smem:$0x3FFB];
	_ =	sdelay $0x3  }
0x92: {  	_ =	strace s17  }
0x93: {  	s2 =	sld [smem:$0x3FFC];
	_ =	sdelay $0x3  }
0x94: {  	_ =	strace s2  }
0x95: {  	s2 =	sld [smem:$0x3FFD];
	_ =	sdelay $0x3  }
0x96: {  	_ =	strace s2  }
0x97: {  	_ =	strace $0x8FFFFFFF  }
0x98: {  	s18 =	sld [smem:$0x3FDB];
	_ =	sdelay $0x1  }
0x99: {  	s19 =	simm.s32 $_scs_section_size  }
0x9a: {  	s4 =	simm.s32 $_size__tile_overlayer_lowered;
	s5 =	simm.s32 $_tile_overlayer_lowered  }
0x9b: {  	s22 =	simm.s32 $0x1BFF;
	s21 =	sshll.u32 s5, $0x1;
	s2 =	sadd.s32 s19, s18  }
0x9c: {  	s6 =	simm.s32 $0x0;
	s20 =	sshll.u32 s4, $0x1;
	s4 =	sadd.s32 s21, s2  }
0x9d: {  	[timem:s6], [sflag:s22] =	dma.local [hbm:s4], s20  }
0x9e: {  	_ =	swait.ge [sflag:s22], s20  }
0x9f: {  	s3 =	ssub.s32 $0x0, s20;
	[sflag:s22] =	ssyncset.done $0x0  }
0xa0: {  	[sflag:s22] =	ssyncadd.s32 s3;
	_ =	sdelay $0x1  }
0xa1: {  	s23 =	simm.s32 $0x1B8B  }
0xa2: {  	_ =	swait.ge [sflag:s23], $0x1  }
0xa3: {  	[sflag:s23] =	ssyncset.done $0x0  }
0xa4: {  	s25 =	simm.s32 $0x1B8E;
	s24 =	sld [smem:$0x3FFE];
	[sflag:s23] =	ssyncadd.s32 $0xFFFFFFFF  }
0xa5: {  	s26 =	simm.s32 $execute0_lowered;
	[smem:$0x3FD2] =	sst s25  }
0xa6: {  	s4 =	sshll.u32 s26, $0x1;
	_ =	strace $0x8000004F;
	[dreg:$0x1] =	wrdreg $0xFFFFFFFF  }
0xa7: {  	s28 =	simm.s32 $_size_execute0_lowered;
	s2 =	sadd.s32 s2, s4;
	[dreg:$0x0] =	wrdreg $0x0  }
0xa8: {  	s4 =	sshll.u32 s28, $0x1;
	[dreg:$0x2] =	wrdreg s2  }
0xa9: {  	[dreg:$0x3] =	wrdreg s4  }
0xaa: {  	[dreg:$0x4] =	wrdreg $0xC0  }
0xab: {  	_ =	task [dreg:s6], $0x5FFFF  }
0xac: {  	[dreg:$0x1] =	wrdreg $0xFFFFFFFF  }
0xad: {  	[dreg:$0x0] =	wrdreg $0x60  }
0xae: {  	[dreg:$0x2] =	wrdreg s24  }
0xaf: {  	[dreg:$0x3] =	wrdreg $0x9  }
0xb0: {  	_ =	task.clear_ibuf [dreg:s6], $0x4FFFF;
	_ =	strace $0x9000004F  }
0xb1: {  	s29 =	simm.s32 $0x9;
	_ =	strace $0x80000051  }
0xb2: {  	_ =	swait.ge [sflag:s29], $0x1  }
0xb3: {  	[sflag:s29] =	ssyncadd.s32 $0xFFFFFFFF  }
0xb4: {  	_ =	strace $0x90000051  }
0xb5: {  	_ =	sfence  }
0xb6: {  	s30 =	sld [smem:$0x0];
	_ =	sdelay $0x2  }
0xb7: {  	s31 =	sshll.u32 s1, $0xD;
	s1 =	sshrl.u32 s1, $0x2  }
0xb8: {  	s3 =	sand.u32 $0x4000, s31;
	s1 =	sadd.s32 s1, s30  }
0xb9: {  	s0 =	sor.u32 s3, s0;
	s1 =	sshll.u32 s1, $0x11  }
0xba: {  	s0 =	sor.u32 s1, s0  }
0xbb: {  	s0 =	sadd.s32 $0x8F2B, s0  }
0xbc: {  	[sflag:s0] =	ssyncadd.remote.s32 $0x1  }
0xbd: {  	_ =	sfence.sel $0xFFFF  }
0xbe: {  	[dreg:$0x0] =	wrdreg $0xFFFFFFFF;
	(pc) =	sbr.abs _section_cstart, $3  }
0xbf: {  	[dreg:$0x1] =	wrdreg $0xFFFFFFFF  }
0xc0: {  	_ =	task.clear_ibuf [dreg:s6], $0x2FFFF;
	_ =	strace $0x9FFFFFFF  }
0xc1: {  	(tm) =	ssettm $0x7FFFFFFF  }
tec
execute0_lowered:
.L_overlay_start_1:
0x0: {  	(tag) =	ssettag $0x1  }
0x1: {  	s0 =	rddreg [dreg:$0x0];
	s2 =	simm.s32 $0x0  }
0x2: {  	s9 =	stileid.u32;
	s1 =	srdreg.scid;
	s18 =	simm.s32 $0x1  }
0x3: {  	s28 =	simm.s32 $0x3;
	s29 =	simm.s32 $0x4;
	s30 =	simm.s32 $0x5  }
0x4: {  	s31 =	simm.s32 $0x6;
	[smem:$0x7FF] =	sst s2;
	s3 =	sadd.s32 $0x18C00, s0  }
0x5: {  	s1 =	sand.u32 $0x1, s1;
	s5 =	sshll.u32 s9, $0x1;
	s7 =	smul.u32 $0x4E200, s9  }
0x6: {  	s4 =	sadd.s32 $0x3FE00, s0;
	s6 =	sadd.s32 $0x5000, s0;
	s9 =	smul.u32 $0x4E20, s9  }
0x7: {  	_ =	strace $0x80000050;
	s8 =	sor.u32 s1, s5;
	s12 =	smul.u32 $0x2710, s1  }
0x8: {  	s5 =	sadd.s32 $0xEE00, s0;
	s19 =	ssub.s32 $0x2, s1;
	s1 =	smul.u32 $0x27100, s1  }
0x9: {  	s8 =	smul.u32 $0x2710, s8;
	s0 =	sadd.s32 s7, s0;
	s10 =	sshrl.u32 s19, $0x1  }
0xa: {  	s7 =	ssub.s32 s19, s10;
	s12 =	sadd.s32 s12, s9;
	s0 =	sadd.s32 s1, s0  }
0xb: {  	s19 =	simm.s32 $0xC8;
	s11 =	sshrl.u32 s8, $0x3;
	s8 =	sadd.s32 $0xC8, s8  }
0xc: {  	s23 =	sadd.s32 $0x258, s12;
	s7 =	smax.u32 s7, $0x1;
	s14 =	sadd.s32 $0x67000, s0  }
0xd: {  	s15 =	sadd.s32 $0x549000, s0;
	s26 =	sadd.s32 $0x190, s12;
	s0 =	simm.s32 $0x0  }
0xe: {  	s20 =	sadd.s32 s5, s11;
	s21 =	sadd.s32 s6, s11;
	[dreg:$0x6] =	wrdreg s7  }
0xf: {  	s8 =	sshrl.u32 s8, $0x3;
	s24 =	sshrl.u32 s23, $0x3;
	[dreg:$0x9] =	wrdreg s26  }
0x10: {  	s23 =	simm.s32 $0xCB00;
	s26 =	simm.s32 $0x13000;
	[dreg:$0x2] =	wrdreg s20  }
.Ltmp0:
0x11: {  	[dreg:$0x3] =	wrdreg s21;
	s22 =	sadd.s32 s5, s8;
	(pc) =	sbr.rel .LBB2_1-.Ltmp0, $4  }
0x12: {  	s8 =	sadd.s32 s6, s8;
	s25 =	sadd.s32 s24, s6;
	[dreg:$0x4] =	wrdreg s22  }
0x13: {  	s7 =	sadd.s32 s24, s5;
	s20 =	simm.s32 $0x200;
	[dreg:$0x5] =	wrdreg s8  }
0x14: {  	s21 =	simm.s32 $0x6600;
	s24 =	simm.s32 $0x2;
	[dreg:$0x7] =	wrdreg s25  }
0x15: {  	[dreg:$0x8] =	wrdreg s7;
	s22 =	simm.s32 $0xCA00;
	s25 =	simm.s32 $0xCC00  }
.LBB2_4:
0x16: {  	_ =	swait.ge [sflag:s30], $0x6400  }
0x17: {  	[sflag:s30] =	ssyncset.done $0x0  }
0x18: {  	[sflag:s30] =	ssyncadd.s32 $0xFFFF9C00  }
0x19: {  	_ =	swait.ge [sflag:s30], $0x6400  }
0x1a: {  	[sflag:s30] =	ssyncset.done $0x0  }
0x1b: {  	[sflag:s30] =	ssyncadd.s32 $0xFFFF9C00  }
0x1c: {  	_ =	swait.ge [sflag:s31], $0x6400  }
0x1d: {  	[sflag:s31] =	ssyncset.done $0x0  }
0x1e: {  	[sflag:s31] =	ssyncadd.s32 $0xFFFF9C00  }
0x1f: {  	_ =	swait.ge [sflag:s31], $0x6400  }
0x20: {  	s0 =	sadd.s32 $0x1, s0;
	s1 =	rddreg [dreg:$0x6]  }
0x21: {  	p0 =	sne.s32 s0, s1  }
.Ltmp1:
0x22: {  	_ = 	snop;
	(pc) =	sbr.rel @!p0 .LBB2_5-.Ltmp1, $3  }
0x23: {  	_ =	sdelay $0x1  }
0x24: {  	[sflag:s31] =	ssyncset.done $0x0  }
0x25: {  	[sflag:s31] =	ssyncadd.s32 $0xFFFF9C00  }
.LBB2_1:
0x26: {  	s1 =	rddreg [dreg:$0x2]  }
0x27: {  	[tilespmem:s2], [sflag:$0x1] =	stream.linear.gather [hbm4b:s1+s2], $0xC8, $0x38;
	[tilespmem:$0x19400] =	vst v63  }
0x28: {  	s13 =	rddreg [dreg:$0x3];
	s7 =	simm.s32 $0x100  }
0x29: {  	[tilespmem:s7], [sflag:$0x1] =	stream.linear.gather [hbm4b:s13+s2], $0xC8, $0x38;
	[tilespmem:$0x19400] =	vst v63  }
0x2a: {  	_ =	swait.ge [sflag:s18], $0xC8  }
0x2b: {  	[sflag:s18] =	ssyncset.done $0x0  }
0x2c: {  	[sflag:s18] =	ssyncadd.s32 $0xFFFFFF38  }
0x2d: {  	_ =	swait.ge [sflag:s18], $0xC8  }
0x2e: {  	[sflag:s18] =	ssyncset.done $0x0;
	s16 =	rddreg [dreg:$0x4]  }
0x2f: {  	s17 =	rddreg [dreg:$0x5];
	[sflag:s18] =	ssyncadd.s32 $0xFFFFFF38  }
0x30: {  	[tilespmem:s20], [sflag:$0x3] =	stream.indirect.gather [hbm4b:s3+s19], $0x80, s2, s19, $0xb8;
	[tilespmem:$0x19400] =	vst v63  }
0x31: {  	s13 =	rddreg [dreg:$0x8]  }
0x32: {  	[tilespmem:s21], [sflag:$0x3] =	stream.indirect.gather [hbm4b:s4+s19], $0x80, s7, s19, $0xb8;
	[tilespmem:$0x19400] =	vst v63  }
0x33: {  	s12 =	rddreg [dreg:$0x7]  }
0x34: {  	[tilespmem:s22], [sflag:$0x2] =	stream.linear.gather [hbm4b:s16+s2], $0xC8, $0x38;
	[tilespmem:$0x19400] =	vst v63  }
0x35: {  	s7 =	simm.s32 $0x0;
	s16 =	rddreg [dreg:$0x9]  }
0x36: {  	[tilespmem:s23], [sflag:$0x2] =	stream.linear.gather [hbm4b:s17+s2], $0xC8, $0x38;
	[tilespmem:$0x19400] =	vst v63  }
.LBB2_2:
0x37: {  	_ =	swait.ge [sflag:s24], $0xC8  }
0x38: {  	[sflag:s24] =	ssyncset.done $0x0  }
0x39: {  	[sflag:s24] =	ssyncadd.s32 $0xFFFFFF38  }
0x3a: {  	_ =	swait.ge [sflag:s24], $0xC8  }
0x3b: {  	p0 =	seq.s32 s7, $0x0;
	[sflag:s24] =	ssyncset.done $0x0  }
0x3c: {  	s10 =	simm.s32 @!p0 $0x6;
	[sflag:s24] =	ssyncadd.s32 $0xFFFFFF38  }
0x3d: {  	_ =	swait.ge @!p0 [sflag:s10], $0x6400  }
0x3e: {  	[sflag:s10] =	ssyncset.done @!p0 $0x0  }
0x3f: {  	[sflag:s10] =	ssyncadd.s32 @!p0 $0xFFFF9C00  }
0x40: {  	_ =	swait.ge @!p0 [sflag:s10], $0x6400  }
0x41: {  	[sflag:s10] =	ssyncset.done @!p0 $0x0  }
0x42: {  	[sflag:s10] =	ssyncadd.s32 @!p0 $0xFFFF9C00  }
0x43: {  	[tilespmem:s25], [sflag:$0x4] =	stream.indirect.gather [hbm4b:s3+s19], $0x80, s22, s19, $0xb8;
	[tilespmem:$0x19400] =	vst v63  }
0x44: {  	_ = 	snop  }
0x45: {  	[tilespmem:s26], [sflag:$0x4] =	stream.indirect.gather [hbm4b:s4+s19], $0x80, s23, s19, $0xb8;
	[tilespmem:$0x19400] =	vst v63  }
0x46: {  	_ =	swait.ge [sflag:s28], $0x6400  }
0x47: {  	[sflag:s28] =	ssyncset.done $0x0  }
0x48: {  	[sflag:s28] =	ssyncadd.s32 $0xFFFF9C00  }
0x49: {  	_ =	swait.ge [sflag:s28], $0x6400  }
0x4a: {  	[sflag:s28] =	ssyncset.done $0x0  }
0x4b: {  	s10 =	sadd.s32 s7, s14;
	p0 =	seq.s32 s7, $0x25800;
	[sflag:s28] =	ssyncadd.s32 $0xFFFF9C00  }
0x4c: {  	[hbm4b:s10+s2] =	stream.linear.scatter [tilespmem:s20], [sflag:$0x5], $0x6400, $0x38;
	[tilespmem:$0x19400] =	vst v63  }
0x4d: {  	s11 =	sadd.s32 s7, s15;
	s9 =	sshrl.u32 @!p0 s16, $0x3  }
0x4e: {  	[hbm4b:s11+s2] =	stream.linear.scatter [tilespmem:s21], [sflag:$0x5], $0x6400, $0x38;
	[tilespmem:$0x19400] =	vst v63  }
0x4f: {  	s17 =	simm.s32 @!p0 $0x0;
	s8 =	sadd.s32 @!p0 s5, s9  }
0x50: {  	[tilespmem:s17], [sflag:$0x1] =	stream.linear.gather @!p0 [hbm4b:s8+s17], $0xC8, $0x38;
	[tilespmem:$0x19400] =	vst v63  }
0x51: {  	s8 =	sadd.s32 @!p0 s6, s9;
	s9 =	simm.s32 @!p0 $0x100  }
0x52: {  	[tilespmem:s9], [sflag:$0x1] =	stream.linear.gather @!p0 [hbm4b:s8+s17], $0xC8, $0x38;
	[tilespmem:$0x19400] =	vst v63  }
0x53: {  	s8 =	simm.s32 @!p0 $0x1  }
0x54: {  	_ =	swait.ge @!p0 [sflag:s8], $0xC8  }
0x55: {  	[sflag:s8] =	ssyncset.done @!p0 $0x0  }
0x56: {  	[sflag:s8] =	ssyncadd.s32 @!p0 $0xFFFFFF38  }
0x57: {  	_ =	swait.ge @!p0 [sflag:s8], $0xC8  }
0x58: {  	[sflag:s8] =	ssyncset.done @!p0 $0x0  }
0x59: {  	[sflag:s8] =	ssyncadd.s32 @!p0 $0xFFFFFF38;
	s8 =	simm.s32 @!p0 $0x5  }
0x5a: {  	_ =	swait.ge @!p0 [sflag:s8], $0x6400  }
0x5b: {  	[sflag:s8] =	ssyncset.done @!p0 $0x0  }
0x5c: {  	[sflag:s8] =	ssyncadd.s32 @!p0 $0xFFFF9C00  }
0x5d: {  	_ =	swait.ge @!p0 [sflag:s8], $0x6400  }
0x5e: {  	[sflag:s8] =	ssyncset.done @!p0 $0x0  }
0x5f: {  	s1 =	simm.s32 @!p0 $0x200;
	[sflag:s8] =	ssyncadd.s32 @!p0 $0xFFFF9C00;
	s8 =	simm.s32 @!p0 $0xC8  }
0x60: {  	[tilespmem:s1], [sflag:$0x3] =	stream.indirect.gather @!p0 [hbm4b:s3+s8], $0x80, s17, s8, $0xb8;
	[tilespmem:$0x19400] =	vst v63  }
0x61: {  	s1 =	simm.s32 @!p0 $0x6600  }
0x62: {  	[tilespmem:s1], [sflag:$0x3] =	stream.indirect.gather @!p0 [hbm4b:s4+s8], $0x80, s9, s8, $0xb8;
	[tilespmem:$0x19400] =	vst v63  }
0x63: {  	_ =	swait.ge [sflag:s29], $0x6400  }
0x64: {  	[sflag:s29] =	ssyncset.done $0x0  }
0x65: {  	[sflag:s29] =	ssyncadd.s32 $0xFFFF9C00  }
0x66: {  	_ =	swait.ge [sflag:s29], $0x6400  }
.Ltmp2:
0x67: {  	[sflag:s29] =	ssyncset.done $0x0;
	(pc) =	sbr.rel @p0 .LBB2_4-.Ltmp2, $4  }
0x68: {  	s10 =	sadd.s32 $0xC80, s10;
	[sflag:s29] =	ssyncadd.s32 $0xFFFF9C00  }
0x69: {  	[hbm4b:s10+s2] =	stream.linear.scatter [tilespmem:s25], [sflag:$0x6], $0x6400, $0x38;
	[tilespmem:$0x19400] =	vst v63  }
0x6a: {  	s17 =	sadd.s32 $0xC80, s11  }
0x6b: {  	[hbm4b:s17+s2] =	stream.linear.scatter [tilespmem:s26], [sflag:$0x6], $0x6400, $0x38;
	[tilespmem:$0x19400] =	vst v63  }
.Ltmp3:
0x6c: {  	(pc) =	sbr.rel .LBB2_2-.Ltmp3, $4  }
0x6d: {  	[tilespmem:s22], [sflag:$0x2] =	stream.linear.gather [hbm4b:s13+s2], $0xC8, $0x38;
	[tilespmem:$0x19400] =	vst v63  }
0x6e: {  	s13 =	sadd.s32 $0x32, s13  }
0x6f: {  	[tilespmem:s23], [sflag:$0x2] =	stream.linear.gather [hbm4b:s12+s2], $0xC8, $0x38;
	[tilespmem:$0x19400] =	vst v63  }
0x70: {  	s7 =	sadd.s32 $0x1900, s7;
	s16 =	sadd.s32 $0x190, s16;
	s12 =	sadd.s32 $0x32, s12  }
.LBB2_5:
0x71: {  	_ =	sfence.sel $0x180000  }
0x72: {  	[bflag:$0x0] =	sbarrier.arrive $0xFFFF  }
0x73: {  	_ =	strace $0x90000050  }
0x74: {  	s0 =	stileid.u32;
	[bflag:$0x2] =	sbarrier.arrive $0xFFFF  }
0x75: {  	p0 =	sne.s32 s0, $0x0;
	s0 =	rddreg [dreg:$0x1]  }
0x76: {  	s0 =	sadd.s32 @!p0 $0x100000, s0  }
0x77: {  	[sflag:s0] =	ssyncadd.tile.s32 @!p0 $0x1;
	_ =	shalt  }
.Lfunc_end2:
_tile_overlayer_lowered:
.L_overlay_start_2:
0x78: {  	(tag) =	ssettag $0x2  }
0x79: {  	s0 =	rddreg [dreg:$0x0];
	s2 =	stileid.u32  }
0x7a: {  	s1 =	rddreg [dreg:$0x1];
	p0 =	sne.s32 s2, $0x0  }
0x7b: {  	s3 =	rddreg [dreg:$0x2];
	[bflag:$0x3] =	sbarrier.arrive $0xFFFF;
	s2 =	simm.s32 @!p0 $0x1C07  }
0x7c: {  	[timem:s3], [sflag:s2] =	dma.local @!p0 [hbm:s0], s1  }
0x7d: {  	s0 =	simm.s32 @!p0 $0x7  }
0x7e: {  	_ =	swait.ge @!p0 [sflag:s0], s1  }
0x7f: {  	s1 =	ssub.s32 @!p0 $0x0, s1;
	[sflag:s0] =	ssyncset.done @!p0 $0x0  }
0x80: {  	[sflag:s0] =	ssyncadd.s32 @!p0 s1  }
0x81: {  	[bflag:$0x3] =	sbarrier.arrive $0xFFFF  }
0x82: {  	_ =	shalt  }

</sc_bundles>
